<compile_context>
chip_gen: v7x
topology: tpu7x:2x2x1
jax: 0.10.2.dev20260603
libtpu: 0.0.44.dev20260713+nightly
codegen_flags: <defaults>
</compile_context>

<pallas_src>
import functools

import jax
import jax.numpy as jnp
from jax import lax
from jax.experimental import pallas as pl
from jax.experimental.pallas import tpu as pltpu
from jax.experimental.pallas import tpu_sc as plsc

_SEQ = 200
_D = 64
_L = 16
_V = 16
_NC = 2
_NS = 16
_NW = _NC * _NS
_RPT = 128


def _cmp_exchange(ka, va, kb, vb, asc):
    m = (ka <= kb) if asc else (ka >= kb)
    kl = jnp.where(m, ka, kb)
    vl = jnp.where(m, va, vb)
    kh = jnp.where(m, kb, ka)
    vh = jnp.where(m, vb, va)
    return kl, vl, kh, vh


def _bitonic_sort(keys, vals):
    for v in range(_V):
        keys[v], vals[v] = plsc.sort_key_val(keys[v], vals[v],
                                             descending=bool(v & 1))
    for vk in (2, 4, 8, 16):
        vj = vk // 2
        while vj >= 1:
            for v in range(_V):
                if (v & vj) == 0:
                    p = v | vj
                    asc = (v & vk) == 0
                    keys[v], vals[v], keys[p], vals[p] = _cmp_exchange(
                        keys[v], vals[v], keys[p], vals[p], asc)
            vj //= 2
        for v in range(_V):
            asc = (v & vk) == 0
            keys[v], vals[v] = plsc.sort_key_val(keys[v], vals[v],
                                                 descending=not asc)
    return keys, vals


def _row_order(ts_buf, row_base, iota, idxm1):
    inf = jnp.float32(jnp.inf)
    keys = []
    vals = []
    for g in range(_V):
        if g < 12:
            k = ts_buf[pl.ds(row_base + g * _L, _L)]
        elif g == 12:
            k = ts_buf[pl.ds(row_base + 12 * _L, _L)]
            k = jnp.where(iota < 8, k, inf)
        else:
            k = jnp.full((_L,), inf, jnp.float32)
        keys.append(k)
        vals.append(iota + g * _L)

    keys, vals = _bitonic_sort(keys, vals)

    comp = []
    carry_seg = jnp.int32(0)
    prev_last = jnp.float32(-jnp.inf)
    for g in range(_V):
        shifted = keys[g].at[idxm1].get(mode="promise_in_bounds")
        prev = jnp.where(iota == 0, prev_last, shifted)
        nr = keys[g] != prev
        if g == 0:
            nr = nr | (iota == 0)
        cand = jnp.where(nr, iota + g * _L, 0)
        seg = plsc.cummax(jnp.maximum(cand, carry_seg))
        carry_seg = jnp.max(seg)
        prev_last = jnp.max(keys[g])
        comp.append(seg * 256 + vals[g])

    comp, vals = _bitonic_sort(comp, vals)
    return vals


def _sc_body(ts_ref, table_ref, flag_ref, out_ref,
             ts_buf, table_buf, idx_lo, idx_hi, flag_buf, sem_s):
    wid = lax.axis_index("s") * _NC + lax.axis_index("c")
    base = wid * _RPT

    pltpu.sync_copy(ts_ref.at[pl.ds(base * _SEQ, _RPT * _SEQ)],
                    ts_buf.at[pl.ds(0, _RPT * _SEQ)])
    pltpu.sync_copy(table_ref, table_buf)
    pltpu.sync_copy(flag_ref, flag_buf)

    iota = lax.iota(jnp.int32, _L)
    idxm1 = jnp.maximum(iota - 1, 0)
    src_off = jnp.max(flag_buf[...]) * 256

    def body(r, _):
        b = r & 1
        vals = _row_order(ts_buf, r * _SEQ, iota, idxm1)

        @pl.when(r >= 2)
        def _wait():
            pltpu.make_async_copy(table_buf.at[pl.ds(0, 128)],
                                  out_ref.at[idx_lo.at[0]], sem_s).wait()
            pltpu.make_async_copy(table_buf.at[pl.ds(0, 72)],
                                  out_ref.at[idx_hi.at[0]], sem_s).wait()

        b_vec = jnp.full((_L,), 0, jnp.int32) + b
        rowbase = (base + r) * _SEQ
        for g in range(_V):
            value = iota + (g * _L) + rowbase
            j = vals[g]
            m_lo = j < 128
            m_hi = (j >= 128) & (j < _SEQ)
            plsc.store_scatter(idx_lo, [b_vec, j], value, mask=m_lo)
            plsc.store_scatter(idx_hi, [b_vec, j - 128], value, mask=m_hi)

        pltpu.async_copy(table_buf.at[pl.ds(src_off, 128)],
                         out_ref.at[idx_lo.at[b]], sem_s)
        pltpu.async_copy(table_buf.at[pl.ds(src_off + 128, 72)],
                         out_ref.at[idx_hi.at[b]], sem_s)
        return _

    lax.fori_loop(0, _RPT, body, None)
    for _ in range(2):
        pltpu.make_async_copy(table_buf.at[pl.ds(0, 128)],
                              out_ref.at[idx_lo.at[0]], sem_s).wait()
        pltpu.make_async_copy(table_buf.at[pl.ds(0, 72)],
                              out_ref.at[idx_hi.at[0]], sem_s).wait()


@jax.jit
def kernel(ts, pos_emb):
    batch, seq = ts.shape
    assert seq == _SEQ and batch == _NW * _RPT
    table = jnp.pad(pos_emb, ((0, 256 - pos_emb.shape[0]), (0, _D)))
    zero_blk = jnp.broadcast_to(jnp.pad(pos_emb[_SEQ], (0, _D)), (256, 2 * _D))
    table_aug = jnp.concatenate([table, zero_blk], axis=0)
    flag = jnp.full((_L,), jnp.all(ts == 0.0).astype(jnp.int32))
    ts_flat = ts.reshape(-1)

    mesh = plsc.VectorSubcoreMesh(core_axis_name="c", subcore_axis_name="s")
    run = pl.kernel(
        _sc_body,
        out_type=jax.ShapeDtypeStruct((batch * _SEQ, 2 * _D), jnp.float32),
        mesh=mesh,
        compiler_params=pltpu.CompilerParams(
            needs_layout_passes=False, use_tc_tiling_on_sc=False),
        scratch_types=[
            pltpu.VMEM((_RPT * _SEQ + 8,), jnp.float32),
            pltpu.VMEM((512, 2 * _D), jnp.float32),
            pltpu.VMEM((2, 128), jnp.int32),
            pltpu.VMEM((2, 72), jnp.int32),
            pltpu.VMEM((_L,), jnp.int32),
            pltpu.SemaphoreType.DMA,
        ],
    )
    out_wide = run(ts_flat, table_aug, flag)
    return out_wide.reshape(batch, _SEQ, 2 * _D)[..., :_D]

# --- scband reference (transcript-rebuilt; emitter-appended) ---
"""Pipeline reference for scband-pos-encode-28183575396696 (READ-ONLY COPY).

The authoritative reference and input builder live on the scoring server;
editing this copy changes nothing except your own understanding.
"""

import jax, jax.numpy as jnp
import numpy as np

SEQ_LEN = 200
EXPAND_DIM = 64
BATCH = 4096


def setup_inputs(seed: int = 0) -> dict:
    key = jax.random.key(seed)
    k1, k2 = jax.random.split(key)
    ts = jax.random.normal(k1, (BATCH, SEQ_LEN), dtype=jnp.float32)
    # xavier_uniform for embedding table [seq_len+1, expand_dim]
    fan_in, fan_out = SEQ_LEN + 1, EXPAND_DIM
    limit = float(np.sqrt(6.0 / (fan_in + fan_out)))
    pos_emb = jax.random.uniform(k2, (SEQ_LEN + 1, EXPAND_DIM), minval=-limit, maxval=limit, dtype=jnp.float32)
    return {"ts": ts, "pos_emb": pos_emb}


def reference(ts, pos_emb):
    # torch: if torch.sum(zeros_like(ts) == ts) == ts.numel(): order = ts.long() + seq_len
    #        else: order = ts.argsort()  (last dim)
    all_zero = jnp.sum(jnp.zeros_like(ts) == ts) == ts.size
    order_zero = ts.astype(jnp.int32) + SEQ_LEN
    order_sort = jnp.argsort(ts, axis=-1).astype(jnp.int32)
    order = jnp.where(all_zero, order_zero, order_sort)
    ts_emb = jnp.take(pos_emb, order, axis=0)
    return ts_emb

if __name__ == "__main__":
    import jax
    _d = setup_inputs()
    print(jax.jit(kernel)(*tuple(_d.values())))

</pallas_src>

<mosaic_0001>
#map = affine_map<(d0, d1) -> (0)>
#map1 = affine_map<(d0, d1) -> (0, 0)>
module attributes {stable_mosaic.version = 14 : i64} {
  func.func @_sc_body(%arg0: i32, %arg1: i32, %arg2: memref<819200xf32, #tpu.memory_space<hbm>>, %arg3: memref<512x128xf32, #tpu.memory_space<hbm>>, %arg4: memref<16xi32, #tpu.memory_space<hbm>>, %arg5: memref<819200x128xf32, #tpu.memory_space<hbm>>, %arg6: memref<25608xf32, #tpu.memory_space<vmem>>, %arg7: memref<512x128xf32, #tpu.memory_space<vmem>>, %arg8: memref<2x128xi32, #tpu.memory_space<vmem>>, %arg9: memref<2x72xi32, #tpu.memory_space<vmem>>, %arg10: memref<16xi32, #tpu.memory_space<vmem>>, %arg11: memref<!tpu.dma_semaphore, #tpu.memory_space<semaphore_mem>>) attributes {dimension_semantics = [#tpu.dimension_semantics<core_parallel>, #tpu.dimension_semantics<subcore_parallel>], iteration_bounds = array<i64: 2, 16>, scalar_prefetch = 0 : i64, scratch_operands = 6 : i64, tpu.core_type = #tpu.core_type<sc_vector_subcore>, window_params = [{transform_indices = #map}, {transform_indices = #map1}, {transform_indices = #map}, {transform_indices = #map1}]} {
    %mul3A = arith.constant 2 : i32
    %mul3A_0 = arith.muli %arg1, %mul3A : i32
    %add3A = arith.addi %mul3A_0, %arg0 : i32
    %mul3A_1 = arith.constant 128 : i32
    %mul3A_2 = arith.muli %add3A, %mul3A_1 : i32
    %mul3A_3 = arith.constant 200 : i32
    %mul3A_4 = arith.muli %mul3A_2, %mul3A_3 : i32
    "tpu.region"() ({
      %run_scoped3A = tpu.sem_alloc : memref<!tpu.dma_semaphore, #tpu.memory_space<semaphore_mem>>
      %dma_start3A = arith.constant 0 : i32
      %dma_start3A_62 = tpu.memref_slice %arg6[%dma_start3A] : memref<25608xf32, #tpu.memory_space<vmem>> -> memref<25600xf32, #tpu.memory_space<vmem>>
      %dma_start3A_63 = tpu.memref_slice %arg2[%mul3A_4] : memref<819200xf32, #tpu.memory_space<hbm>> -> memref<25600xf32, #tpu.memory_space<hbm>>
      %dma_start3A_64 = arith.constant 0 : i32
      %dma_start3A_65 = tpu.memref_slice %arg6[%dma_start3A_64] : memref<25608xf32, #tpu.memory_space<vmem>> -> memref<25600xf32, #tpu.memory_space<vmem>>
      %dma_start3A_66 = tpu.memref_slice %arg2[%mul3A_4] : memref<819200xf32, #tpu.memory_space<hbm>> -> memref<25600xf32, #tpu.memory_space<hbm>>
      tpu.enqueue_dma source(%dma_start3A_66 : memref<25600xf32, #tpu.memory_space<hbm>>) target(%dma_start3A_65 : memref<25600xf32, #tpu.memory_space<vmem>>) target_semaphore(%run_scoped3A : memref<!tpu.dma_semaphore, #tpu.memory_space<semaphore_mem>>)
      %dma_wait3A_67 = arith.constant 0 : i32
      %dma_wait3A_68 = tpu.memref_slice %arg6[%dma_wait3A_67] : memref<25608xf32, #tpu.memory_space<vmem>> -> memref<25600xf32, #tpu.memory_space<vmem>>
      %dma_wait3A_69 = tpu.memref_slice %arg2[%mul3A_4] : memref<819200xf32, #tpu.memory_space<hbm>> -> memref<25600xf32, #tpu.memory_space<hbm>>
      %dma_wait3A_70 = arith.constant 0 : i32
      %dma_wait3A_71 = tpu.memref_slice %arg6[%dma_wait3A_70] : memref<25608xf32, #tpu.memory_space<vmem>> -> memref<25600xf32, #tpu.memory_space<vmem>>
      %dma_wait3A_72 = tpu.memref_slice %arg2[%mul3A_4] : memref<819200xf32, #tpu.memory_space<hbm>> -> memref<25600xf32, #tpu.memory_space<hbm>>
      tpu.wait_dma2 semaphore(%run_scoped3A : memref<!tpu.dma_semaphore, #tpu.memory_space<semaphore_mem>>) src(%dma_wait3A_72 : memref<25600xf32, #tpu.memory_space<hbm>>) dst(%dma_wait3A_71 : memref<25600xf32, #tpu.memory_space<vmem>>)
      tpu.yield
    }) : () -> ()
    "tpu.region"() ({
      %run_scoped3A = tpu.sem_alloc : memref<!tpu.dma_semaphore, #tpu.memory_space<semaphore_mem>>
      tpu.enqueue_dma source(%arg3 : memref<512x128xf32, #tpu.memory_space<hbm>>) target(%arg7 : memref<512x128xf32, #tpu.memory_space<vmem>>) target_semaphore(%run_scoped3A : memref<!tpu.dma_semaphore, #tpu.memory_space<semaphore_mem>>)
      tpu.wait_dma2 semaphore(%run_scoped3A : memref<!tpu.dma_semaphore, #tpu.memory_space<semaphore_mem>>) src(%arg3 : memref<512x128xf32, #tpu.memory_space<hbm>>) dst(%arg7 : memref<512x128xf32, #tpu.memory_space<vmem>>)
      tpu.yield
    }) : () -> ()
    "tpu.region"() ({
      %run_scoped3A = tpu.sem_alloc : memref<!tpu.dma_semaphore, #tpu.memory_space<semaphore_mem>>
      tpu.enqueue_dma source(%arg4 : memref<16xi32, #tpu.memory_space<hbm>>) target(%arg10 : memref<16xi32, #tpu.memory_space<vmem>>) target_semaphore(%run_scoped3A : memref<!tpu.dma_semaphore, #tpu.memory_space<semaphore_mem>>)
      tpu.wait_dma2 semaphore(%run_scoped3A : memref<!tpu.dma_semaphore, #tpu.memory_space<semaphore_mem>>) src(%arg4 : memref<16xi32, #tpu.memory_space<hbm>>) dst(%arg10 : memref<16xi32, #tpu.memory_space<vmem>>)
      tpu.yield
    }) : () -> ()
    %iota3A = tpu.iota {dimensions = array<i32: 0>} : vector<16xi32>
    %sub3A = arith.constant 1 : i32
    %sub3A_5 = vector.broadcast %sub3A : i32 to vector<16xi32>
    %sub3A_6 = arith.subi %iota3A, %sub3A_5 : vector<16xi32>
    %max3A = arith.constant 0 : i32
    %max3A_7 = vector.broadcast %max3A : i32 to vector<16xi32>
    %max3A_8 = arith.maxsi %sub3A_6, %max3A_7 : vector<16xi32>
    %get3A = arith.constant 0 : index
    %get3A_9 = tpu.vector_load %arg10[%get3A] {strides = array<i32>} : memref<16xi32, #tpu.memory_space<vmem>>, vector<16xi32>,
    %reduce_max3A = arith.constant true
    %reduce_max3A_10 = vector.broadcast %reduce_max3A : i1 to vector<16xi1>
    %reduce_max3A_11 = arith.constant -2147483648 : i32
    %reduce_max3A_12 = vector.broadcast %reduce_max3A_11 : i32 to vector<16xi32>
    %reduce_max3A_13 = arith.xori %get3A_9, %reduce_max3A_12 : vector<16xi32>
    %reduce_max3A_14 = tpu.scan <max>, %reduce_max3A_13 masked %reduce_max3A_10 : vector<16xi32>, vector<16xi1> -> vector<16xi32>
    %reduce_max3A_15 = arith.xori %reduce_max3A_14, %reduce_max3A_12 : vector<16xi32>
    %reduce_max3A_16 = vector.extract %reduce_max3A_15[15] : i32 from vector<16xi32>
    %mul3A_17 = arith.constant 256 : i32
    %mul3A_18 = arith.muli %reduce_max3A_16, %mul3A_17 : i32
    %scan3A = arith.constant 0 : i32
    %scan3A_19 = arith.constant 128 : i32
    %scan3A_20 = arith.addi %scan3A, %scan3A_19 : i32
    %scan3A_21 = arith.constant 1 : i32
    scf.for %scan3A_62 = %scan3A to %scan3A_20 step %scan3A_21  : i32 {
      %and3A = arith.constant 1 : i32
      %and3A_63 = arith.andi %scan3A_62, %and3A : i32
      %mul3A_64 = arith.constant 200 : i32
      %mul3A_65 = arith.muli %scan3A_62, %mul3A_64 : i32
      %add3A_66 = arith.constant 0 : i32
      %add3A_67 = arith.addi %mul3A_65, %add3A_66 : i32
      %get3A_68 = arith.index_cast %add3A_67 : i32 to index
      %get3A_69 = tpu.vector_load %arg6[%get3A_68] {strides = array<i32>} : memref<25608xf32, #tpu.memory_space<vmem>>, vector<16xf32>,
      %add3A_70 = arith.constant 0 : i32
      %add3A_71 = vector.broadcast %add3A_70 : i32 to vector<16xi32>
      %add3A_72 = arith.addi %iota3A, %add3A_71 : vector<16xi32>
      %add3A_73 = arith.constant 16 : i32
      %add3A_74 = arith.addi %mul3A_65, %add3A_73 : i32
      %get3A_75 = arith.index_cast %add3A_74 : i32 to index
      %get3A_76 = tpu.vector_load %arg6[%get3A_75] {strides = array<i32>} : memref<25608xf32, #tpu.memory_space<vmem>>, vector<16xf32>,
      %add3A_77 = arith.constant 16 : i32
      %add3A_78 = vector.broadcast %add3A_77 : i32 to vector<16xi32>
      %add3A_79 = arith.addi %iota3A, %add3A_78 : vector<16xi32>
      %add3A_80 = arith.constant 32 : i32
      %add3A_81 = arith.addi %mul3A_65, %add3A_80 : i32
      %get3A_82 = arith.index_cast %add3A_81 : i32 to index
      %get3A_83 = tpu.vector_load %arg6[%get3A_82] {strides = array<i32>} : memref<25608xf32, #tpu.memory_space<vmem>>, vector<16xf32>,
      %add3A_84 = arith.constant 32 : i32
      %add3A_85 = vector.broadcast %add3A_84 : i32 to vector<16xi32>
      %add3A_86 = arith.addi %iota3A, %add3A_85 : vector<16xi32>
      %add3A_87 = arith.constant 48 : i32
      %add3A_88 = arith.addi %mul3A_65, %add3A_87 : i32
      %get3A_89 = arith.index_cast %add3A_88 : i32 to index
      %get3A_90 = tpu.vector_load %arg6[%get3A_89] {strides = array<i32>} : memref<25608xf32, #tpu.memory_space<vmem>>, vector<16xf32>,
      %add3A_91 = arith.constant 48 : i32
      %add3A_92 = vector.broadcast %add3A_91 : i32 to vector<16xi32>
      %add3A_93 = arith.addi %iota3A, %add3A_92 : vector<16xi32>
      %add3A_94 = arith.constant 64 : i32
      %add3A_95 = arith.addi %mul3A_65, %add3A_94 : i32
      %get3A_96 = arith.index_cast %add3A_95 : i32 to index
      %get3A_97 = tpu.vector_load %arg6[%get3A_96] {strides = array<i32>} : memref<25608xf32, #tpu.memory_space<vmem>>, vector<16xf32>,
      %add3A_98 = arith.constant 64 : i32
      %add3A_99 = vector.broadcast %add3A_98 : i32 to vector<16xi32>
      %add3A_100 = arith.addi %iota3A, %add3A_99 : vector<16xi32>
      %add3A_101 = arith.constant 80 : i32
      %add3A_102 = arith.addi %mul3A_65, %add3A_101 : i32
      %get3A_103 = arith.index_cast %add3A_102 : i32 to index
      %get3A_104 = tpu.vector_load %arg6[%get3A_103] {strides = array<i32>} : memref<25608xf32, #tpu.memory_space<vmem>>, vector<16xf32>,
      %add3A_105 = arith.constant 80 : i32
      %add3A_106 = vector.broadcast %add3A_105 : i32 to vector<16xi32>
      %add3A_107 = arith.addi %iota3A, %add3A_106 : vector<16xi32>
      %add3A_108 = arith.constant 96 : i32
      %add3A_109 = arith.addi %mul3A_65, %add3A_108 : i32
      %get3A_110 = arith.index_cast %add3A_109 : i32 to index
      %get3A_111 = tpu.vector_load %arg6[%get3A_110] {strides = array<i32>} : memref<25608xf32, #tpu.memory_space<vmem>>, vector<16xf32>,
      %add3A_112 = arith.constant 96 : i32
      %add3A_113 = vector.broadcast %add3A_112 : i32 to vector<16xi32>
      %add3A_114 = arith.addi %iota3A, %add3A_113 : vector<16xi32>
      %add3A_115 = arith.constant 112 : i32
      %add3A_116 = arith.addi %mul3A_65, %add3A_115 : i32
      %get3A_117 = arith.index_cast %add3A_116 : i32 to index
      %get3A_118 = tpu.vector_load %arg6[%get3A_117] {strides = array<i32>} : memref<25608xf32, #tpu.memory_space<vmem>>, vector<16xf32>,
      %add3A_119 = arith.constant 112 : i32
      %add3A_120 = vector.broadcast %add3A_119 : i32 to vector<16xi32>
      %add3A_121 = arith.addi %iota3A, %add3A_120 : vector<16xi32>
      %add3A_122 = arith.constant 128 : i32
      %add3A_123 = arith.addi %mul3A_65, %add3A_122 : i32
      %get3A_124 = arith.index_cast %add3A_123 : i32 to index
      %get3A_125 = tpu.vector_load %arg6[%get3A_124] {strides = array<i32>} : memref<25608xf32, #tpu.memory_space<vmem>>, vector<16xf32>,
      %add3A_126 = arith.constant 128 : i32
      %add3A_127 = vector.broadcast %add3A_126 : i32 to vector<16xi32>
      %add3A_128 = arith.addi %iota3A, %add3A_127 : vector<16xi32>
      %add3A_129 = arith.constant 144 : i32
      %add3A_130 = arith.addi %mul3A_65, %add3A_129 : i32
      %get3A_131 = arith.index_cast %add3A_130 : i32 to index
      %get3A_132 = tpu.vector_load %arg6[%get3A_131] {strides = array<i32>} : memref<25608xf32, #tpu.memory_space<vmem>>, vector<16xf32>,
      %add3A_133 = arith.constant 144 : i32
      %add3A_134 = vector.broadcast %add3A_133 : i32 to vector<16xi32>
      %add3A_135 = arith.addi %iota3A, %add3A_134 : vector<16xi32>
      %add3A_136 = arith.constant 160 : i32
      %add3A_137 = arith.addi %mul3A_65, %add3A_136 : i32
      %get3A_138 = arith.index_cast %add3A_137 : i32 to index
      %get3A_139 = tpu.vector_load %arg6[%get3A_138] {strides = array<i32>} : memref<25608xf32, #tpu.memory_space<vmem>>, vector<16xf32>,
      %add3A_140 = arith.constant 160 : i32
      %add3A_141 = vector.broadcast %add3A_140 : i32 to vector<16xi32>
      %add3A_142 = arith.addi %iota3A, %add3A_141 : vector<16xi32>
      %add3A_143 = arith.constant 176 : i32
      %add3A_144 = arith.addi %mul3A_65, %add3A_143 : i32
      %get3A_145 = arith.index_cast %add3A_144 : i32 to index
      %get3A_146 = tpu.vector_load %arg6[%get3A_145] {strides = array<i32>} : memref<25608xf32, #tpu.memory_space<vmem>>, vector<16xf32>,
      %add3A_147 = arith.constant 176 : i32
      %add3A_148 = vector.broadcast %add3A_147 : i32 to vector<16xi32>
      %add3A_149 = arith.addi %iota3A, %add3A_148 : vector<16xi32>
      %add3A_150 = arith.constant 192 : i32
      %add3A_151 = arith.addi %mul3A_65, %add3A_150 : i32
      %get3A_152 = arith.index_cast %add3A_151 : i32 to index
      %get3A_153 = tpu.vector_load %arg6[%get3A_152] {strides = array<i32>} : memref<25608xf32, #tpu.memory_space<vmem>>, vector<16xf32>,
      %lt3A = arith.constant 8 : i32
      %lt3A_154 = vector.broadcast %lt3A : i32 to vector<16xi32>
      %lt3A_155 = arith.cmpi slt, %iota3A, %lt3A_154 : vector<16xi32>
      %jit3A = arith.constant 0x7F800000 : f32
      %broadcast_in_dim3A = vector.broadcast %jit3A : f32 to vector<16xf32>
      %select_n3A = arith.select %lt3A_155, %get3A_153, %broadcast_in_dim3A : vector<16xi1>, vector<16xf32>
      %add3A_156 = arith.constant 192 : i32
      %add3A_157 = vector.broadcast %add3A_156 : i32 to vector<16xi32>
      %add3A_158 = arith.addi %iota3A, %add3A_157 : vector<16xi32>
      %broadcast_in_dim3A_159 = arith.constant 0x7F800000 : f32
      %broadcast_in_dim3A_160 = vector.broadcast %broadcast_in_dim3A_159 : f32 to vector<16xf32>
      %add3A_161 = arith.constant 208 : i32
      %add3A_162 = vector.broadcast %add3A_161 : i32 to vector<16xi32>
      %add3A_163 = arith.addi %iota3A, %add3A_162 : vector<16xi32>
      %broadcast_in_dim3A_164 = arith.constant 0x7F800000 : f32
      %broadcast_in_dim3A_165 = vector.broadcast %broadcast_in_dim3A_164 : f32 to vector<16xf32>
      %add3A_166 = arith.constant 224 : i32
      %add3A_167 = vector.broadcast %add3A_166 : i32 to vector<16xi32>
      %add3A_168 = arith.addi %iota3A, %add3A_167 : vector<16xi32>
      %broadcast_in_dim3A_169 = arith.constant 0x7F800000 : f32
      %broadcast_in_dim3A_170 = vector.broadcast %broadcast_in_dim3A_169 : f32 to vector<16xf32>
      %add3A_171 = arith.constant 240 : i32
      %add3A_172 = vector.broadcast %add3A_171 : i32 to vector<16xi32>
      %add3A_173 = arith.addi %iota3A, %add3A_172 : vector<16xi32>
      %masked_sort3A = arith.constant dense<true> : vector<16xi1>
      %masked_sort3A_174, %masked_sort3A_175, %masked_sort3A_176 = tpu.sort %get3A_69, %add3A_72 masked %masked_sort3A : (vector<16xf32>, vector<16xi32>, vector<16xi1>) -> (vector<16xi1>, vector<16xf32>, vector<16xi32>)
      %masked_sort3A_177 = arith.constant dense<true> : vector<16xi1>
      %masked_sort3A_178, %masked_sort3A_179, %masked_sort3A_180 = tpu.sort %get3A_76, %add3A_79 masked %masked_sort3A_177 {descending = true} : (vector<16xf32>, vector<16xi32>, vector<16xi1>) -> (vector<16xi1>, vector<16xf32>, vector<16xi32>)
      %masked_sort3A_181 = arith.constant dense<true> : vector<16xi1>
      %masked_sort3A_182, %masked_sort3A_183, %masked_sort3A_184 = tpu.sort %get3A_83, %add3A_86 masked %masked_sort3A_181 : (vector<16xf32>, vector<16xi32>, vector<16xi1>) -> (vector<16xi1>, vector<16xf32>, vector<16xi32>)
      %masked_sort3A_185 = arith.constant dense<true> : vector<16xi1>
      %masked_sort3A_186, %masked_sort3A_187, %masked_sort3A_188 = tpu.sort %get3A_90, %add3A_93 masked %masked_sort3A_185 {descending = true} : (vector<16xf32>, vector<16xi32>, vector<16xi1>) -> (vector<16xi1>, vector<16xf32>, vector<16xi32>)
      %masked_sort3A_189 = arith.constant dense<true> : vector<16xi1>
      %masked_sort3A_190, %masked_sort3A_191, %masked_sort3A_192 = tpu.sort %get3A_97, %add3A_100 masked %masked_sort3A_189 : (vector<16xf32>, vector<16xi32>, vector<16xi1>) -> (vector<16xi1>, vector<16xf32>, vector<16xi32>)
      %masked_sort3A_193 = arith.constant dense<true> : vector<16xi1>
      %masked_sort3A_194, %masked_sort3A_195, %masked_sort3A_196 = tpu.sort %get3A_104, %add3A_107 masked %masked_sort3A_193 {descending = true} : (vector<16xf32>, vector<16xi32>, vector<16xi1>) -> (vector<16xi1>, vector<16xf32>, vector<16xi32>)
      %masked_sort3A_197 = arith.constant dense<true> : vector<16xi1>
      %masked_sort3A_198, %masked_sort3A_199, %masked_sort3A_200 = tpu.sort %get3A_111, %add3A_114 masked %masked_sort3A_197 : (vector<16xf32>, vector<16xi32>, vector<16xi1>) -> (vector<16xi1>, vector<16xf32>, vector<16xi32>)
      %masked_sort3A_201 = arith.constant dense<true> : vector<16xi1>
      %masked_sort3A_202, %masked_sort3A_203, %masked_sort3A_204 = tpu.sort %get3A_118, %add3A_121 masked %masked_sort3A_201 {descending = true} : (vector<16xf32>, vector<16xi32>, vector<16xi1>) -> (vector<16xi1>, vector<16xf32>, vector<16xi32>)
      %masked_sort3A_205 = arith.constant dense<true> : vector<16xi1>
      %masked_sort3A_206, %masked_sort3A_207, %masked_sort3A_208 = tpu.sort %get3A_125, %add3A_128 masked %masked_sort3A_205 : (vector<16xf32>, vector<16xi32>, vector<16xi1>) -> (vector<16xi1>, vector<16xf32>, vector<16xi32>)
      %masked_sort3A_209 = arith.constant dense<true> : vector<16xi1>
      %masked_sort3A_210, %masked_sort3A_211, %masked_sort3A_212 = tpu.sort %get3A_132, %add3A_135 masked %masked_sort3A_209 {descending = true} : (vector<16xf32>, vector<16xi32>, vector<16xi1>) -> (vector<16xi1>, vector<16xf32>, vector<16xi32>)
      %masked_sort3A_213 = arith.constant dense<true> : vector<16xi1>
      %masked_sort3A_214, %masked_sort3A_215, %masked_sort3A_216 = tpu.sort %get3A_139, %add3A_142 masked %masked_sort3A_213 : (vector<16xf32>, vector<16xi32>, vector<16xi1>) -> (vector<16xi1>, vector<16xf32>, vector<16xi32>)
      %masked_sort3A_217 = arith.constant dense<true> : vector<16xi1>
      %masked_sort3A_218, %masked_sort3A_219, %masked_sort3A_220 = tpu.sort %get3A_146, %add3A_149 masked %masked_sort3A_217 {descending = true} : (vector<16xf32>, vector<16xi32>, vector<16xi1>) -> (vector<16xi1>, vector<16xf32>, vector<16xi32>)
      %masked_sort3A_221 = arith.constant dense<true> : vector<16xi1>
      %masked_sort3A_222, %masked_sort3A_223, %masked_sort3A_224 = tpu.sort %select_n3A, %add3A_158 masked %masked_sort3A_221 : (vector<16xf32>, vector<16xi32>, vector<16xi1>) -> (vector<16xi1>, vector<16xf32>, vector<16xi32>)
      %masked_sort3A_225 = arith.constant dense<true> : vector<16xi1>
      %masked_sort3A_226, %masked_sort3A_227, %masked_sort3A_228 = tpu.sort %broadcast_in_dim3A_160, %add3A_163 masked %masked_sort3A_225 {descending = true} : (vector<16xf32>, vector<16xi32>, vector<16xi1>) -> (vector<16xi1>, vector<16xf32>, vector<16xi32>)
      %masked_sort3A_229 = arith.constant dense<true> : vector<16xi1>
      %masked_sort3A_230, %masked_sort3A_231, %masked_sort3A_232 = tpu.sort %broadcast_in_dim3A_165, %add3A_168 masked %masked_sort3A_229 : (vector<16xf32>, vector<16xi32>, vector<16xi1>) -> (vector<16xi1>, vector<16xf32>, vector<16xi32>)
      %masked_sort3A_233 = arith.constant dense<true> : vector<16xi1>
      %masked_sort3A_234, %masked_sort3A_235, %masked_sort3A_236 = tpu.sort %broadcast_in_dim3A_170, %add3A_173 masked %masked_sort3A_233 {descending = true} : (vector<16xf32>, vector<16xi32>, vector<16xi1>) -> (vector<16xi1>, vector<16xf32>, vector<16xi32>)
      %le3A = arith.cmpf ole, %masked_sort3A_175, %masked_sort3A_179 : vector<16xf32>
      %select_n3A_237 = arith.select %le3A, %masked_sort3A_175, %masked_sort3A_179 : vector<16xi1>, vector<16xf32>
      %select_n3A_238 = arith.select %le3A, %masked_sort3A_176, %masked_sort3A_180 : vector<16xi1>, vector<16xi32>
      %select_n3A_239 = arith.select %le3A, %masked_sort3A_179, %masked_sort3A_175 : vector<16xi1>, vector<16xf32>
      %select_n3A_240 = arith.select %le3A, %masked_sort3A_180, %masked_sort3A_176 : vector<16xi1>, vector<16xi32>
      %ge3A = arith.cmpf oge, %masked_sort3A_183, %masked_sort3A_187 : vector<16xf32>
      %select_n3A_241 = arith.select %ge3A, %masked_sort3A_183, %masked_sort3A_187 : vector<16xi1>, vector<16xf32>
      %select_n3A_242 = arith.select %ge3A, %masked_sort3A_184, %masked_sort3A_188 : vector<16xi1>, vector<16xi32>
      %select_n3A_243 = arith.select %ge3A, %masked_sort3A_187, %masked_sort3A_183 : vector<16xi1>, vector<16xf32>
      %select_n3A_244 = arith.select %ge3A, %masked_sort3A_188, %masked_sort3A_184 : vector<16xi1>, vector<16xi32>
      %le3A_245 = arith.cmpf ole, %masked_sort3A_191, %masked_sort3A_195 : vector<16xf32>
      %select_n3A_246 = arith.select %le3A_245, %masked_sort3A_191, %masked_sort3A_195 : vector<16xi1>, vector<16xf32>
      %select_n3A_247 = arith.select %le3A_245, %masked_sort3A_192, %masked_sort3A_196 : vector<16xi1>, vector<16xi32>
      %select_n3A_248 = arith.select %le3A_245, %masked_sort3A_195, %masked_sort3A_191 : vector<16xi1>, vector<16xf32>
      %select_n3A_249 = arith.select %le3A_245, %masked_sort3A_196, %masked_sort3A_192 : vector<16xi1>, vector<16xi32>
      %ge3A_250 = arith.cmpf oge, %masked_sort3A_199, %masked_sort3A_203 : vector<16xf32>
      %select_n3A_251 = arith.select %ge3A_250, %masked_sort3A_199, %masked_sort3A_203 : vector<16xi1>, vector<16xf32>
      %select_n3A_252 = arith.select %ge3A_250, %masked_sort3A_200, %masked_sort3A_204 : vector<16xi1>, vector<16xi32>
      %select_n3A_253 = arith.select %ge3A_250, %masked_sort3A_203, %masked_sort3A_199 : vector<16xi1>, vector<16xf32>
      %select_n3A_254 = arith.select %ge3A_250, %masked_sort3A_204, %masked_sort3A_200 : vector<16xi1>, vector<16xi32>
      %le3A_255 = arith.cmpf ole, %masked_sort3A_207, %masked_sort3A_211 : vector<16xf32>
      %select_n3A_256 = arith.select %le3A_255, %masked_sort3A_207, %masked_sort3A_211 : vector<16xi1>, vector<16xf32>
      %select_n3A_257 = arith.select %le3A_255, %masked_sort3A_208, %masked_sort3A_212 : vector<16xi1>, vector<16xi32>
      %select_n3A_258 = arith.select %le3A_255, %masked_sort3A_211, %masked_sort3A_207 : vector<16xi1>, vector<16xf32>
      %select_n3A_259 = arith.select %le3A_255, %masked_sort3A_212, %masked_sort3A_208 : vector<16xi1>, vector<16xi32>
      %ge3A_260 = arith.cmpf oge, %masked_sort3A_215, %masked_sort3A_219 : vector<16xf32>
      %select_n3A_261 = arith.select %ge3A_260, %masked_sort3A_215, %masked_sort3A_219 : vector<16xi1>, vector<16xf32>
      %select_n3A_262 = arith.select %ge3A_260, %masked_sort3A_216, %masked_sort3A_220 : vector<16xi1>, vector<16xi32>
      %select_n3A_263 = arith.select %ge3A_260, %masked_sort3A_219, %masked_sort3A_215 : vector<16xi1>, vector<16xf32>
      %select_n3A_264 = arith.select %ge3A_260, %masked_sort3A_220, %masked_sort3A_216 : vector<16xi1>, vector<16xi32>
      %le3A_265 = arith.cmpf ole, %masked_sort3A_223, %masked_sort3A_227 : vector<16xf32>
      %select_n3A_266 = arith.select %le3A_265, %masked_sort3A_223, %masked_sort3A_227 : vector<16xi1>, vector<16xf32>
      %select_n3A_267 = arith.select %le3A_265, %masked_sort3A_224, %masked_sort3A_228 : vector<16xi1>, vector<16xi32>
      %select_n3A_268 = arith.select %le3A_265, %masked_sort3A_227, %masked_sort3A_223 : vector<16xi1>, vector<16xf32>
      %select_n3A_269 = arith.select %le3A_265, %masked_sort3A_228, %masked_sort3A_224 : vector<16xi1>, vector<16xi32>
      %ge3A_270 = arith.cmpf oge, %masked_sort3A_231, %masked_sort3A_235 : vector<16xf32>
      %select_n3A_271 = arith.select %ge3A_270, %masked_sort3A_231, %masked_sort3A_235 : vector<16xi1>, vector<16xf32>
      %select_n3A_272 = arith.select %ge3A_270, %masked_sort3A_232, %masked_sort3A_236 : vector<16xi1>, vector<16xi32>
      %select_n3A_273 = arith.select %ge3A_270, %masked_sort3A_235, %masked_sort3A_231 : vector<16xi1>, vector<16xf32>
      %select_n3A_274 = arith.select %ge3A_270, %masked_sort3A_236, %masked_sort3A_232 : vector<16xi1>, vector<16xi32>
      %masked_sort3A_275 = arith.constant dense<true> : vector<16xi1>
      %masked_sort3A_276, %masked_sort3A_277, %masked_sort3A_278 = tpu.sort %select_n3A_237, %select_n3A_238 masked %masked_sort3A_275 : (vector<16xf32>, vector<16xi32>, vector<16xi1>) -> (vector<16xi1>, vector<16xf32>, vector<16xi32>)
      %masked_sort3A_279 = arith.constant dense<true> : vector<16xi1>
      %masked_sort3A_280, %masked_sort3A_281, %masked_sort3A_282 = tpu.sort %select_n3A_239, %select_n3A_240 masked %masked_sort3A_279 : (vector<16xf32>, vector<16xi32>, vector<16xi1>) -> (vector<16xi1>, vector<16xf32>, vector<16xi32>)
      %masked_sort3A_283 = arith.constant dense<true> : vector<16xi1>
      %masked_sort3A_284, %masked_sort3A_285, %masked_sort3A_286 = tpu.sort %select_n3A_241, %select_n3A_242 masked %masked_sort3A_283 {descending = true} : (vector<16xf32>, vector<16xi32>, vector<16xi1>) -> (vector<16xi1>, vector<16xf32>, vector<16xi32>)
      %masked_sort3A_287 = arith.constant dense<true> : vector<16xi1>
      %masked_sort3A_288, %masked_sort3A_289, %masked_sort3A_290 = tpu.sort %select_n3A_243, %select_n3A_244 masked %masked_sort3A_287 {descending = true} : (vector<16xf32>, vector<16xi32>, vector<16xi1>) -> (vector<16xi1>, vector<16xf32>, vector<16xi32>)
      %masked_sort3A_291 = arith.constant dense<true> : vector<16xi1>
      %masked_sort3A_292, %masked_sort3A_293, %masked_sort3A_294 = tpu.sort %select_n3A_246, %select_n3A_247 masked %masked_sort3A_291 : (vector<16xf32>, vector<16xi32>, vector<16xi1>) -> (vector<16xi1>, vector<16xf32>, vector<16xi32>)
      %masked_sort3A_295 = arith.constant dense<true> : vector<16xi1>
      %masked_sort3A_296, %masked_sort3A_297, %masked_sort3A_298 = tpu.sort %select_n3A_248, %select_n3A_249 masked %masked_sort3A_295 : (vector<16xf32>, vector<16xi32>, vector<16xi1>) -> (vector<16xi1>, vector<16xf32>, vector<16xi32>)
      %masked_sort3A_299 = arith.constant dense<true> : vector<16xi1>
      %masked_sort3A_300, %masked_sort3A_301, %masked_sort3A_302 = tpu.sort %select_n3A_251, %select_n3A_252 masked %masked_sort3A_299 {descending = true} : (vector<16xf32>, vector<16xi32>, vector<16xi1>) -> (vector<16xi1>, vector<16xf32>, vector<16xi32>)
      %masked_sort3A_303 = arith.constant dense<true> : vector<16xi1>
      %masked_sort3A_304, %masked_sort3A_305, %masked_sort3A_306 = tpu.sort %select_n3A_253, %select_n3A_254 masked %masked_sort3A_303 {descending = true} : (vector<16xf32>, vector<16xi32>, vector<16xi1>) -> (vector<16xi1>, vector<16xf32>, vector<16xi32>)
      %masked_sort3A_307 = arith.constant dense<true> : vector<16xi1>
      %masked_sort3A_308, %masked_sort3A_309, %masked_sort3A_310 = tpu.sort %select_n3A_256, %select_n3A_257 masked %masked_sort3A_307 : (vector<16xf32>, vector<16xi32>, vector<16xi1>) -> (vector<16xi1>, vector<16xf32>, vector<16xi32>)
      %masked_sort3A_311 = arith.constant dense<true> : vector<16xi1>
      %masked_sort3A_312, %masked_sort3A_313, %masked_sort3A_314 = tpu.sort %select_n3A_258, %select_n3A_259 masked %masked_sort3A_311 : (vector<16xf32>, vector<16xi32>, vector<16xi1>) -> (vector<16xi1>, vector<16xf32>, vector<16xi32>)
      %masked_sort3A_315 = arith.constant dense<true> : vector<16xi1>
      %masked_sort3A_316, %masked_sort3A_317, %masked_sort3A_318 = tpu.sort %select_n3A_261, %select_n3A_262 masked %masked_sort3A_315 {descending = true} : (vector<16xf32>, vector<16xi32>, vector<16xi1>) -> (vector<16xi1>, vector<16xf32>, vector<16xi32>)
      %masked_sort3A_319 = arith.constant dense<true> : vector<16xi1>
      %masked_sort3A_320, %masked_sort3A_321, %masked_sort3A_322 = tpu.sort %select_n3A_263, %select_n3A_264 masked %masked_sort3A_319 {descending = true} : (vector<16xf32>, vector<16xi32>, vector<16xi1>) -> (vector<16xi1>, vector<16xf32>, vector<16xi32>)
      %masked_sort3A_323 = arith.constant dense<true> : vector<16xi1>
      %masked_sort3A_324, %masked_sort3A_325, %masked_sort3A_326 = tpu.sort %select_n3A_266, %select_n3A_267 masked %masked_sort3A_323 : (vector<16xf32>, vector<16xi32>, vector<16xi1>) -> (vector<16xi1>, vector<16xf32>, vector<16xi32>)
      %masked_sort3A_327 = arith.constant dense<true> : vector<16xi1>
      %masked_sort3A_328, %masked_sort3A_329, %masked_sort3A_330 = tpu.sort %select_n3A_268, %select_n3A_269 masked %masked_sort3A_327 : (vector<16xf32>, vector<16xi32>, vector<16xi1>) -> (vector<16xi1>, vector<16xf32>, vector<16xi32>)
      %masked_sort3A_331 = arith.constant dense<true> : vector<16xi1>
      %masked_sort3A_332, %masked_sort3A_333, %masked_sort3A_334 = tpu.sort %select_n3A_271, %select_n3A_272 masked %masked_sort3A_331 {descending = true} : (vector<16xf32>, vector<16xi32>, vector<16xi1>) -> (vector<16xi1>, vector<16xf32>, vector<16xi32>)
      %masked_sort3A_335 = arith.constant dense<true> : vector<16xi1>
      %masked_sort3A_336, %masked_sort3A_337, %masked_sort3A_338 = tpu.sort %select_n3A_273, %select_n3A_274 masked %masked_sort3A_335 {descending = true} : (vector<16xf32>, vector<16xi32>, vector<16xi1>) -> (vector<16xi1>, vector<16xf32>, vector<16xi32>)
      %le3A_339 = arith.cmpf ole, %masked_sort3A_277, %masked_sort3A_285 : vector<16xf32>
      %select_n3A_340 = arith.select %le3A_339, %masked_sort3A_277, %masked_sort3A_285 : vector<16xi1>, vector<16xf32>
      %select_n3A_341 = arith.select %le3A_339, %masked_sort3A_278, %masked_sort3A_286 : vector<16xi1>, vector<16xi32>
      %select_n3A_342 = arith.select %le3A_339, %masked_sort3A_285, %masked_sort3A_277 : vector<16xi1>, vector<16xf32>
      %select_n3A_343 = arith.select %le3A_339, %masked_sort3A_286, %masked_sort3A_278 : vector<16xi1>, vector<16xi32>
      %le3A_344 = arith.cmpf ole, %masked_sort3A_281, %masked_sort3A_289 : vector<16xf32>
      %select_n3A_345 = arith.select %le3A_344, %masked_sort3A_281, %masked_sort3A_289 : vector<16xi1>, vector<16xf32>
      %select_n3A_346 = arith.select %le3A_344, %masked_sort3A_282, %masked_sort3A_290 : vector<16xi1>, vector<16xi32>
      %select_n3A_347 = arith.select %le3A_344, %masked_sort3A_289, %masked_sort3A_281 : vector<16xi1>, vector<16xf32>
      %select_n3A_348 = arith.select %le3A_344, %masked_sort3A_290, %masked_sort3A_282 : vector<16xi1>, vector<16xi32>
      %ge3A_349 = arith.cmpf oge, %masked_sort3A_293, %masked_sort3A_301 : vector<16xf32>
      %select_n3A_350 = arith.select %ge3A_349, %masked_sort3A_293, %masked_sort3A_301 : vector<16xi1>, vector<16xf32>
      %select_n3A_351 = arith.select %ge3A_349, %masked_sort3A_294, %masked_sort3A_302 : vector<16xi1>, vector<16xi32>
      %select_n3A_352 = arith.select %ge3A_349, %masked_sort3A_301, %masked_sort3A_293 : vector<16xi1>, vector<16xf32>
      %select_n3A_353 = arith.select %ge3A_349, %masked_sort3A_302, %masked_sort3A_294 : vector<16xi1>, vector<16xi32>
      %ge3A_354 = arith.cmpf oge, %masked_sort3A_297, %masked_sort3A_305 : vector<16xf32>
      %select_n3A_355 = arith.select %ge3A_354, %masked_sort3A_297, %masked_sort3A_305 : vector<16xi1>, vector<16xf32>
      %select_n3A_356 = arith.select %ge3A_354, %masked_sort3A_298, %masked_sort3A_306 : vector<16xi1>, vector<16xi32>
      %select_n3A_357 = arith.select %ge3A_354, %masked_sort3A_305, %masked_sort3A_297 : vector<16xi1>, vector<16xf32>
      %select_n3A_358 = arith.select %ge3A_354, %masked_sort3A_306, %masked_sort3A_298 : vector<16xi1>, vector<16xi32>
      %le3A_359 = arith.cmpf ole, %masked_sort3A_309, %masked_sort3A_317 : vector<16xf32>
      %select_n3A_360 = arith.select %le3A_359, %masked_sort3A_309, %masked_sort3A_317 : vector<16xi1>, vector<16xf32>
      %select_n3A_361 = arith.select %le3A_359, %masked_sort3A_310, %masked_sort3A_318 : vector<16xi1>, vector<16xi32>
      %select_n3A_362 = arith.select %le3A_359, %masked_sort3A_317, %masked_sort3A_309 : vector<16xi1>, vector<16xf32>
      %select_n3A_363 = arith.select %le3A_359, %masked_sort3A_318, %masked_sort3A_310 : vector<16xi1>, vector<16xi32>
      %le3A_364 = arith.cmpf ole, %masked_sort3A_313, %masked_sort3A_321 : vector<16xf32>
      %select_n3A_365 = arith.select %le3A_364, %masked_sort3A_313, %masked_sort3A_321 : vector<16xi1>, vector<16xf32>
      %select_n3A_366 = arith.select %le3A_364, %masked_sort3A_314, %masked_sort3A_322 : vector<16xi1>, vector<16xi32>
      %select_n3A_367 = arith.select %le3A_364, %masked_sort3A_321, %masked_sort3A_313 : vector<16xi1>, vector<16xf32>
      %select_n3A_368 = arith.select %le3A_364, %masked_sort3A_322, %masked_sort3A_314 : vector<16xi1>, vector<16xi32>
      %ge3A_369 = arith.cmpf oge, %masked_sort3A_325, %masked_sort3A_333 : vector<16xf32>
      %select_n3A_370 = arith.select %ge3A_369, %masked_sort3A_325, %masked_sort3A_333 : vector<16xi1>, vector<16xf32>
      %select_n3A_371 = arith.select %ge3A_369, %masked_sort3A_326, %masked_sort3A_334 : vector<16xi1>, vector<16xi32>
      %select_n3A_372 = arith.select %ge3A_369, %masked_sort3A_333, %masked_sort3A_325 : vector<16xi1>, vector<16xf32>
      %select_n3A_373 = arith.select %ge3A_369, %masked_sort3A_334, %masked_sort3A_326 : vector<16xi1>, vector<16xi32>
      %ge3A_374 = arith.cmpf oge, %masked_sort3A_329, %masked_sort3A_337 : vector<16xf32>
      %select_n3A_375 = arith.select %ge3A_374, %masked_sort3A_329, %masked_sort3A_337 : vector<16xi1>, vector<16xf32>
      %select_n3A_376 = arith.select %ge3A_374, %masked_sort3A_330, %masked_sort3A_338 : vector<16xi1>, vector<16xi32>
      %select_n3A_377 = arith.select %ge3A_374, %masked_sort3A_337, %masked_sort3A_329 : vector<16xi1>, vector<16xf32>
      %select_n3A_378 = arith.select %ge3A_374, %masked_sort3A_338, %masked_sort3A_330 : vector<16xi1>, vector<16xi32>
      %le3A_379 = arith.cmpf ole, %select_n3A_340, %select_n3A_345 : vector<16xf32>
      %select_n3A_380 = arith.select %le3A_379, %select_n3A_340, %select_n3A_345 : vector<16xi1>, vector<16xf32>
      %select_n3A_381 = arith.select %le3A_379, %select_n3A_341, %select_n3A_346 : vector<16xi1>, vector<16xi32>
      %select_n3A_382 = arith.select %le3A_379, %select_n3A_345, %select_n3A_340 : vector<16xi1>, vector<16xf32>
      %select_n3A_383 = arith.select %le3A_379, %select_n3A_346, %select_n3A_341 : vector<16xi1>, vector<16xi32>
      %le3A_384 = arith.cmpf ole, %select_n3A_342, %select_n3A_347 : vector<16xf32>
      %select_n3A_385 = arith.select %le3A_384, %select_n3A_342, %select_n3A_347 : vector<16xi1>, vector<16xf32>
      %select_n3A_386 = arith.select %le3A_384, %select_n3A_343, %select_n3A_348 : vector<16xi1>, vector<16xi32>
      %select_n3A_387 = arith.select %le3A_384, %select_n3A_347, %select_n3A_342 : vector<16xi1>, vector<16xf32>
      %select_n3A_388 = arith.select %le3A_384, %select_n3A_348, %select_n3A_343 : vector<16xi1>, vector<16xi32>
      %ge3A_389 = arith.cmpf oge, %select_n3A_350, %select_n3A_355 : vector<16xf32>
      %select_n3A_390 = arith.select %ge3A_389, %select_n3A_350, %select_n3A_355 : vector<16xi1>, vector<16xf32>
      %select_n3A_391 = arith.select %ge3A_389, %select_n3A_351, %select_n3A_356 : vector<16xi1>, vector<16xi32>
      %select_n3A_392 = arith.select %ge3A_389, %select_n3A_355, %select_n3A_350 : vector<16xi1>, vector<16xf32>
      %select_n3A_393 = arith.select %ge3A_389, %select_n3A_356, %select_n3A_351 : vector<16xi1>, vector<16xi32>
      %ge3A_394 = arith.cmpf oge, %select_n3A_352, %select_n3A_357 : vector<16xf32>
      %select_n3A_395 = arith.select %ge3A_394, %select_n3A_352, %select_n3A_357 : vector<16xi1>, vector<16xf32>
      %select_n3A_396 = arith.select %ge3A_394, %select_n3A_353, %select_n3A_358 : vector<16xi1>, vector<16xi32>
      %select_n3A_397 = arith.select %ge3A_394, %select_n3A_357, %select_n3A_352 : vector<16xi1>, vector<16xf32>
      %select_n3A_398 = arith.select %ge3A_394, %select_n3A_358, %select_n3A_353 : vector<16xi1>, vector<16xi32>
      %le3A_399 = arith.cmpf ole, %select_n3A_360, %select_n3A_365 : vector<16xf32>
      %select_n3A_400 = arith.select %le3A_399, %select_n3A_360, %select_n3A_365 : vector<16xi1>, vector<16xf32>
      %select_n3A_401 = arith.select %le3A_399, %select_n3A_361, %select_n3A_366 : vector<16xi1>, vector<16xi32>
      %select_n3A_402 = arith.select %le3A_399, %select_n3A_365, %select_n3A_360 : vector<16xi1>, vector<16xf32>
      %select_n3A_403 = arith.select %le3A_399, %select_n3A_366, %select_n3A_361 : vector<16xi1>, vector<16xi32>
      %le3A_404 = arith.cmpf ole, %select_n3A_362, %select_n3A_367 : vector<16xf32>
      %select_n3A_405 = arith.select %le3A_404, %select_n3A_362, %select_n3A_367 : vector<16xi1>, vector<16xf32>
      %select_n3A_406 = arith.select %le3A_404, %select_n3A_363, %select_n3A_368 : vector<16xi1>, vector<16xi32>
      %select_n3A_407 = arith.select %le3A_404, %select_n3A_367, %select_n3A_362 : vector<16xi1>, vector<16xf32>
      %select_n3A_408 = arith.select %le3A_404, %select_n3A_368, %select_n3A_363 : vector<16xi1>, vector<16xi32>
      %ge3A_409 = arith.cmpf oge, %select_n3A_370, %select_n3A_375 : vector<16xf32>
      %select_n3A_410 = arith.select %ge3A_409, %select_n3A_370, %select_n3A_375 : vector<16xi1>, vector<16xf32>
      %select_n3A_411 = arith.select %ge3A_409, %select_n3A_371, %select_n3A_376 : vector<16xi1>, vector<16xi32>
      %select_n3A_412 = arith.select %ge3A_409, %select_n3A_375, %select_n3A_370 : vector<16xi1>, vector<16xf32>
      %select_n3A_413 = arith.select %ge3A_409, %select_n3A_376, %select_n3A_371 : vector<16xi1>, vector<16xi32>
      %ge3A_414 = arith.cmpf oge, %select_n3A_372, %select_n3A_377 : vector<16xf32>
      %select_n3A_415 = arith.select %ge3A_414, %select_n3A_372, %select_n3A_377 : vector<16xi1>, vector<16xf32>
      %select_n3A_416 = arith.select %ge3A_414, %select_n3A_373, %select_n3A_378 : vector<16xi1>, vector<16xi32>
      %select_n3A_417 = arith.select %ge3A_414, %select_n3A_377, %select_n3A_372 : vector<16xi1>, vector<16xf32>
      %select_n3A_418 = arith.select %ge3A_414, %select_n3A_378, %select_n3A_373 : vector<16xi1>, vector<16xi32>
      %masked_sort3A_419 = arith.constant dense<true> : vector<16xi1>
      %masked_sort3A_420, %masked_sort3A_421, %masked_sort3A_422 = tpu.sort %select_n3A_380, %select_n3A_381 masked %masked_sort3A_419 : (vector<16xf32>, vector<16xi32>, vector<16xi1>) -> (vector<16xi1>, vector<16xf32>, vector<16xi32>)
      %masked_sort3A_423 = arith.constant dense<true> : vector<16xi1>
      %masked_sort3A_424, %masked_sort3A_425, %masked_sort3A_426 = tpu.sort %select_n3A_382, %select_n3A_383 masked %masked_sort3A_423 : (vector<16xf32>, vector<16xi32>, vector<16xi1>) -> (vector<16xi1>, vector<16xf32>, vector<16xi32>)
      %masked_sort3A_427 = arith.constant dense<true> : vector<16xi1>
      %masked_sort3A_428, %masked_sort3A_429, %masked_sort3A_430 = tpu.sort %select_n3A_385, %select_n3A_386 masked %masked_sort3A_427 : (vector<16xf32>, vector<16xi32>, vector<16xi1>) -> (vector<16xi1>, vector<16xf32>, vector<16xi32>)
      %masked_sort3A_431 = arith.constant dense<true> : vector<16xi1>
      %masked_sort3A_432, %masked_sort3A_433, %masked_sort3A_434 = tpu.sort %select_n3A_387, %select_n3A_388 masked %masked_sort3A_431 : (vector<16xf32>, vector<16xi32>, vector<16xi1>) -> (vector<16xi1>, vector<16xf32>, vector<16xi32>)
      %masked_sort3A_435 = arith.constant dense<true> : vector<16xi1>
      %masked_sort3A_436, %masked_sort3A_437, %masked_sort3A_438 = tpu.sort %select_n3A_390, %select_n3A_391 masked %masked_sort3A_435 {descending = true} : (vector<16xf32>, vector<16xi32>, vector<16xi1>) -> (vector<16xi1>, vector<16xf32>, vector<16xi32>)
      %masked_sort3A_439 = arith.constant dense<true> : vector<16xi1>
      %masked_sort3A_440, %masked_sort3A_441, %masked_sort3A_442 = tpu.sort %select_n3A_392, %select_n3A_393 masked %masked_sort3A_439 {descending = true} : (vector<16xf32>, vector<16xi32>, vector<16xi1>) -> (vector<16xi1>, vector<16xf32>, vector<16xi32>)
      %masked_sort3A_443 = arith.constant dense<true> : vector<16xi1>
      %masked_sort3A_444, %masked_sort3A_445, %masked_sort3A_446 = tpu.sort %select_n3A_395, %select_n3A_396 masked %masked_sort3A_443 {descending = true} : (vector<16xf32>, vector<16xi32>, vector<16xi1>) -> (vector<16xi1>, vector<16xf32>, vector<16xi32>)
      %masked_sort3A_447 = arith.constant dense<true> : vector<16xi1>
      %masked_sort3A_448, %masked_sort3A_449, %masked_sort3A_450 = tpu.sort %select_n3A_397, %select_n3A_398 masked %masked_sort3A_447 {descending = true} : (vector<16xf32>, vector<16xi32>, vector<16xi1>) -> (vector<16xi1>, vector<16xf32>, vector<16xi32>)
      %masked_sort3A_451 = arith.constant dense<true> : vector<16xi1>
      %masked_sort3A_452, %masked_sort3A_453, %masked_sort3A_454 = tpu.sort %select_n3A_400, %select_n3A_401 masked %masked_sort3A_451 : (vector<16xf32>, vector<16xi32>, vector<16xi1>) -> (vector<16xi1>, vector<16xf32>, vector<16xi32>)
      %masked_sort3A_455 = arith.constant dense<true> : vector<16xi1>
      %masked_sort3A_456, %masked_sort3A_457, %masked_sort3A_458 = tpu.sort %select_n3A_402, %select_n3A_403 masked %masked_sort3A_455 : (vector<16xf32>, vector<16xi32>, vector<16xi1>) -> (vector<16xi1>, vector<16xf32>, vector<16xi32>)
      %masked_sort3A_459 = arith.constant dense<true> : vector<16xi1>
      %masked_sort3A_460, %masked_sort3A_461, %masked_sort3A_462 = tpu.sort %select_n3A_405, %select_n3A_406 masked %masked_sort3A_459 : (vector<16xf32>, vector<16xi32>, vector<16xi1>) -> (vector<16xi1>, vector<16xf32>, vector<16xi32>)
      %masked_sort3A_463 = arith.constant dense<true> : vector<16xi1>
      %masked_sort3A_464, %masked_sort3A_465, %masked_sort3A_466 = tpu.sort %select_n3A_407, %select_n3A_408 masked %masked_sort3A_463 : (vector<16xf32>, vector<16xi32>, vector<16xi1>) -> (vector<16xi1>, vector<16xf32>, vector<16xi32>)
      %masked_sort3A_467 = arith.constant dense<true> : vector<16xi1>
      %masked_sort3A_468, %masked_sort3A_469, %masked_sort3A_470 = tpu.sort %select_n3A_410, %select_n3A_411 masked %masked_sort3A_467 {descending = true} : (vector<16xf32>, vector<16xi32>, vector<16xi1>) -> (vector<16xi1>, vector<16xf32>, vector<16xi32>)
      %masked_sort3A_471 = arith.constant dense<true> : vector<16xi1>
      %masked_sort3A_472, %masked_sort3A_473, %masked_sort3A_474 = tpu.sort %select_n3A_412, %select_n3A_413 masked %masked_sort3A_471 {descending = true} : (vector<16xf32>, vector<16xi32>, vector<16xi1>) -> (vector<16xi1>, vector<16xf32>, vector<16xi32>)
      %masked_sort3A_475 = arith.constant dense<true> : vector<16xi1>
      %masked_sort3A_476, %masked_sort3A_477, %masked_sort3A_478 = tpu.sort %select_n3A_415, %select_n3A_416 masked %masked_sort3A_475 {descending = true} : (vector<16xf32>, vector<16xi32>, vector<16xi1>) -> (vector<16xi1>, vector<16xf32>, vector<16xi32>)
      %masked_sort3A_479 = arith.constant dense<true> : vector<16xi1>
      %masked_sort3A_480, %masked_sort3A_481, %masked_sort3A_482 = tpu.sort %select_n3A_417, %select_n3A_418 masked %masked_sort3A_479 {descending = true} : (vector<16xf32>, vector<16xi32>, vector<16xi1>) -> (vector<16xi1>, vector<16xf32>, vector<16xi32>)
      %le3A_483 = arith.cmpf ole, %masked_sort3A_421, %masked_sort3A_437 : vector<16xf32>
      %select_n3A_484 = arith.select %le3A_483, %masked_sort3A_421, %masked_sort3A_437 : vector<16xi1>, vector<16xf32>
      %select_n3A_485 = arith.select %le3A_483, %masked_sort3A_422, %masked_sort3A_438 : vector<16xi1>, vector<16xi32>
      %select_n3A_486 = arith.select %le3A_483, %masked_sort3A_437, %masked_sort3A_421 : vector<16xi1>, vector<16xf32>
      %select_n3A_487 = arith.select %le3A_483, %masked_sort3A_438, %masked_sort3A_422 : vector<16xi1>, vector<16xi32>
      %le3A_488 = arith.cmpf ole, %masked_sort3A_425, %masked_sort3A_441 : vector<16xf32>
      %select_n3A_489 = arith.select %le3A_488, %masked_sort3A_425, %masked_sort3A_441 : vector<16xi1>, vector<16xf32>
      %select_n3A_490 = arith.select %le3A_488, %masked_sort3A_426, %masked_sort3A_442 : vector<16xi1>, vector<16xi32>
      %select_n3A_491 = arith.select %le3A_488, %masked_sort3A_441, %masked_sort3A_425 : vector<16xi1>, vector<16xf32>
      %select_n3A_492 = arith.select %le3A_488, %masked_sort3A_442, %masked_sort3A_426 : vector<16xi1>, vector<16xi32>
      %le3A_493 = arith.cmpf ole, %masked_sort3A_429, %masked_sort3A_445 : vector<16xf32>
      %select_n3A_494 = arith.select %le3A_493, %masked_sort3A_429, %masked_sort3A_445 : vector<16xi1>, vector<16xf32>
      %select_n3A_495 = arith.select %le3A_493, %masked_sort3A_430, %masked_sort3A_446 : vector<16xi1>, vector<16xi32>
      %select_n3A_496 = arith.select %le3A_493, %masked_sort3A_445, %masked_sort3A_429 : vector<16xi1>, vector<16xf32>
      %select_n3A_497 = arith.select %le3A_493, %masked_sort3A_446, %masked_sort3A_430 : vector<16xi1>, vector<16xi32>
      %le3A_498 = arith.cmpf ole, %masked_sort3A_433, %masked_sort3A_449 : vector<16xf32>
      %select_n3A_499 = arith.select %le3A_498, %masked_sort3A_433, %masked_sort3A_449 : vector<16xi1>, vector<16xf32>
      %select_n3A_500 = arith.select %le3A_498, %masked_sort3A_434, %masked_sort3A_450 : vector<16xi1>, vector<16xi32>
      %select_n3A_501 = arith.select %le3A_498, %masked_sort3A_449, %masked_sort3A_433 : vector<16xi1>, vector<16xf32>
      %select_n3A_502 = arith.select %le3A_498, %masked_sort3A_450, %masked_sort3A_434 : vector<16xi1>, vector<16xi32>
      %ge3A_503 = arith.cmpf oge, %masked_sort3A_453, %masked_sort3A_469 : vector<16xf32>
      %select_n3A_504 = arith.select %ge3A_503, %masked_sort3A_453, %masked_sort3A_469 : vector<16xi1>, vector<16xf32>
      %select_n3A_505 = arith.select %ge3A_503, %masked_sort3A_454, %masked_sort3A_470 : vector<16xi1>, vector<16xi32>
      %select_n3A_506 = arith.select %ge3A_503, %masked_sort3A_469, %masked_sort3A_453 : vector<16xi1>, vector<16xf32>
      %select_n3A_507 = arith.select %ge3A_503, %masked_sort3A_470, %masked_sort3A_454 : vector<16xi1>, vector<16xi32>
      %ge3A_508 = arith.cmpf oge, %masked_sort3A_457, %masked_sort3A_473 : vector<16xf32>
      %select_n3A_509 = arith.select %ge3A_508, %masked_sort3A_457, %masked_sort3A_473 : vector<16xi1>, vector<16xf32>
      %select_n3A_510 = arith.select %ge3A_508, %masked_sort3A_458, %masked_sort3A_474 : vector<16xi1>, vector<16xi32>
      %select_n3A_511 = arith.select %ge3A_508, %masked_sort3A_473, %masked_sort3A_457 : vector<16xi1>, vector<16xf32>
      %select_n3A_512 = arith.select %ge3A_508, %masked_sort3A_474, %masked_sort3A_458 : vector<16xi1>, vector<16xi32>
      %ge3A_513 = arith.cmpf oge, %masked_sort3A_461, %masked_sort3A_477 : vector<16xf32>
      %select_n3A_514 = arith.select %ge3A_513, %masked_sort3A_461, %masked_sort3A_477 : vector<16xi1>, vector<16xf32>
      %select_n3A_515 = arith.select %ge3A_513, %masked_sort3A_462, %masked_sort3A_478 : vector<16xi1>, vector<16xi32>
      %select_n3A_516 = arith.select %ge3A_513, %masked_sort3A_477, %masked_sort3A_461 : vector<16xi1>, vector<16xf32>
      %select_n3A_517 = arith.select %ge3A_513, %masked_sort3A_478, %masked_sort3A_462 : vector<16xi1>, vector<16xi32>
      %ge3A_518 = arith.cmpf oge, %masked_sort3A_465, %masked_sort3A_481 : vector<16xf32>
      %select_n3A_519 = arith.select %ge3A_518, %masked_sort3A_465, %masked_sort3A_481 : vector<16xi1>, vector<16xf32>
      %select_n3A_520 = arith.select %ge3A_518, %masked_sort3A_466, %masked_sort3A_482 : vector<16xi1>, vector<16xi32>
      %select_n3A_521 = arith.select %ge3A_518, %masked_sort3A_481, %masked_sort3A_465 : vector<16xi1>, vector<16xf32>
      %select_n3A_522 = arith.select %ge3A_518, %masked_sort3A_482, %masked_sort3A_466 : vector<16xi1>, vector<16xi32>
      %le3A_523 = arith.cmpf ole, %select_n3A_484, %select_n3A_494 : vector<16xf32>
      %select_n3A_524 = arith.select %le3A_523, %select_n3A_484, %select_n3A_494 : vector<16xi1>, vector<16xf32>
      %select_n3A_525 = arith.select %le3A_523, %select_n3A_485, %select_n3A_495 : vector<16xi1>, vector<16xi32>
      %select_n3A_526 = arith.select %le3A_523, %select_n3A_494, %select_n3A_484 : vector<16xi1>, vector<16xf32>
      %select_n3A_527 = arith.select %le3A_523, %select_n3A_495, %select_n3A_485 : vector<16xi1>, vector<16xi32>
      %le3A_528 = arith.cmpf ole, %select_n3A_489, %select_n3A_499 : vector<16xf32>
      %select_n3A_529 = arith.select %le3A_528, %select_n3A_489, %select_n3A_499 : vector<16xi1>, vector<16xf32>
      %select_n3A_530 = arith.select %le3A_528, %select_n3A_490, %select_n3A_500 : vector<16xi1>, vector<16xi32>
      %select_n3A_531 = arith.select %le3A_528, %select_n3A_499, %select_n3A_489 : vector<16xi1>, vector<16xf32>
      %select_n3A_532 = arith.select %le3A_528, %select_n3A_500, %select_n3A_490 : vector<16xi1>, vector<16xi32>
      %le3A_533 = arith.cmpf ole, %select_n3A_486, %select_n3A_496 : vector<16xf32>
      %select_n3A_534 = arith.select %le3A_533, %select_n3A_486, %select_n3A_496 : vector<16xi1>, vector<16xf32>
      %select_n3A_535 = arith.select %le3A_533, %select_n3A_487, %select_n3A_497 : vector<16xi1>, vector<16xi32>
      %select_n3A_536 = arith.select %le3A_533, %select_n3A_496, %select_n3A_486 : vector<16xi1>, vector<16xf32>
      %select_n3A_537 = arith.select %le3A_533, %select_n3A_497, %select_n3A_487 : vector<16xi1>, vector<16xi32>
      %le3A_538 = arith.cmpf ole, %select_n3A_491, %select_n3A_501 : vector<16xf32>
      %select_n3A_539 = arith.select %le3A_538, %select_n3A_491, %select_n3A_501 : vector<16xi1>, vector<16xf32>
      %select_n3A_540 = arith.select %le3A_538, %select_n3A_492, %select_n3A_502 : vector<16xi1>, vector<16xi32>
      %select_n3A_541 = arith.select %le3A_538, %select_n3A_501, %select_n3A_491 : vector<16xi1>, vector<16xf32>
      %select_n3A_542 = arith.select %le3A_538, %select_n3A_502, %select_n3A_492 : vector<16xi1>, vector<16xi32>
      %ge3A_543 = arith.cmpf oge, %select_n3A_504, %select_n3A_514 : vector<16xf32>
      %select_n3A_544 = arith.select %ge3A_543, %select_n3A_504, %select_n3A_514 : vector<16xi1>, vector<16xf32>
      %select_n3A_545 = arith.select %ge3A_543, %select_n3A_505, %select_n3A_515 : vector<16xi1>, vector<16xi32>
      %select_n3A_546 = arith.select %ge3A_543, %select_n3A_514, %select_n3A_504 : vector<16xi1>, vector<16xf32>
      %select_n3A_547 = arith.select %ge3A_543, %select_n3A_515, %select_n3A_505 : vector<16xi1>, vector<16xi32>
      %ge3A_548 = arith.cmpf oge, %select_n3A_509, %select_n3A_519 : vector<16xf32>
      %select_n3A_549 = arith.select %ge3A_548, %select_n3A_509, %select_n3A_519 : vector<16xi1>, vector<16xf32>
      %select_n3A_550 = arith.select %ge3A_548, %select_n3A_510, %select_n3A_520 : vector<16xi1>, vector<16xi32>
      %select_n3A_551 = arith.select %ge3A_548, %select_n3A_519, %select_n3A_509 : vector<16xi1>, vector<16xf32>
      %select_n3A_552 = arith.select %ge3A_548, %select_n3A_520, %select_n3A_510 : vector<16xi1>, vector<16xi32>
      %ge3A_553 = arith.cmpf oge, %select_n3A_506, %select_n3A_516 : vector<16xf32>
      %select_n3A_554 = arith.select %ge3A_553, %select_n3A_506, %select_n3A_516 : vector<16xi1>, vector<16xf32>
      %select_n3A_555 = arith.select %ge3A_553, %select_n3A_507, %select_n3A_517 : vector<16xi1>, vector<16xi32>
      %select_n3A_556 = arith.select %ge3A_553, %select_n3A_516, %select_n3A_506 : vector<16xi1>, vector<16xf32>
      %select_n3A_557 = arith.select %ge3A_553, %select_n3A_517, %select_n3A_507 : vector<16xi1>, vector<16xi32>
      %ge3A_558 = arith.cmpf oge, %select_n3A_511, %select_n3A_521 : vector<16xf32>
      %select_n3A_559 = arith.select %ge3A_558, %select_n3A_511, %select_n3A_521 : vector<16xi1>, vector<16xf32>
      %select_n3A_560 = arith.select %ge3A_558, %select_n3A_512, %select_n3A_522 : vector<16xi1>, vector<16xi32>
      %select_n3A_561 = arith.select %ge3A_558, %select_n3A_521, %select_n3A_511 : vector<16xi1>, vector<16xf32>
      %select_n3A_562 = arith.select %ge3A_558, %select_n3A_522, %select_n3A_512 : vector<16xi1>, vector<16xi32>
      %le3A_563 = arith.cmpf ole, %select_n3A_524, %select_n3A_529 : vector<16xf32>
      %select_n3A_564 = arith.select %le3A_563, %select_n3A_524, %select_n3A_529 : vector<16xi1>, vector<16xf32>
      %select_n3A_565 = arith.select %le3A_563, %select_n3A_525, %select_n3A_530 : vector<16xi1>, vector<16xi32>
      %select_n3A_566 = arith.select %le3A_563, %select_n3A_529, %select_n3A_524 : vector<16xi1>, vector<16xf32>
      %select_n3A_567 = arith.select %le3A_563, %select_n3A_530, %select_n3A_525 : vector<16xi1>, vector<16xi32>
      %le3A_568 = arith.cmpf ole, %select_n3A_526, %select_n3A_531 : vector<16xf32>
      %select_n3A_569 = arith.select %le3A_568, %select_n3A_526, %select_n3A_531 : vector<16xi1>, vector<16xf32>
      %select_n3A_570 = arith.select %le3A_568, %select_n3A_527, %select_n3A_532 : vector<16xi1>, vector<16xi32>
      %select_n3A_571 = arith.select %le3A_568, %select_n3A_531, %select_n3A_526 : vector<16xi1>, vector<16xf32>
      %select_n3A_572 = arith.select %le3A_568, %select_n3A_532, %select_n3A_527 : vector<16xi1>, vector<16xi32>
      %le3A_573 = arith.cmpf ole, %select_n3A_534, %select_n3A_539 : vector<16xf32>
      %select_n3A_574 = arith.select %le3A_573, %select_n3A_534, %select_n3A_539 : vector<16xi1>, vector<16xf32>
      %select_n3A_575 = arith.select %le3A_573, %select_n3A_535, %select_n3A_540 : vector<16xi1>, vector<16xi32>
      %select_n3A_576 = arith.select %le3A_573, %select_n3A_539, %select_n3A_534 : vector<16xi1>, vector<16xf32>
      %select_n3A_577 = arith.select %le3A_573, %select_n3A_540, %select_n3A_535 : vector<16xi1>, vector<16xi32>
      %le3A_578 = arith.cmpf ole, %select_n3A_536, %select_n3A_541 : vector<16xf32>
      %select_n3A_579 = arith.select %le3A_578, %select_n3A_536, %select_n3A_541 : vector<16xi1>, vector<16xf32>
      %select_n3A_580 = arith.select %le3A_578, %select_n3A_537, %select_n3A_542 : vector<16xi1>, vector<16xi32>
      %select_n3A_581 = arith.select %le3A_578, %select_n3A_541, %select_n3A_536 : vector<16xi1>, vector<16xf32>
      %select_n3A_582 = arith.select %le3A_578, %select_n3A_542, %select_n3A_537 : vector<16xi1>, vector<16xi32>
      %ge3A_583 = arith.cmpf oge, %select_n3A_544, %select_n3A_549 : vector<16xf32>
      %select_n3A_584 = arith.select %ge3A_583, %select_n3A_544, %select_n3A_549 : vector<16xi1>, vector<16xf32>
      %select_n3A_585 = arith.select %ge3A_583, %select_n3A_545, %select_n3A_550 : vector<16xi1>, vector<16xi32>
      %select_n3A_586 = arith.select %ge3A_583, %select_n3A_549, %select_n3A_544 : vector<16xi1>, vector<16xf32>
      %select_n3A_587 = arith.select %ge3A_583, %select_n3A_550, %select_n3A_545 : vector<16xi1>, vector<16xi32>
      %ge3A_588 = arith.cmpf oge, %select_n3A_546, %select_n3A_551 : vector<16xf32>
      %select_n3A_589 = arith.select %ge3A_588, %select_n3A_546, %select_n3A_551 : vector<16xi1>, vector<16xf32>
      %select_n3A_590 = arith.select %ge3A_588, %select_n3A_547, %select_n3A_552 : vector<16xi1>, vector<16xi32>
      %select_n3A_591 = arith.select %ge3A_588, %select_n3A_551, %select_n3A_546 : vector<16xi1>, vector<16xf32>
      %select_n3A_592 = arith.select %ge3A_588, %select_n3A_552, %select_n3A_547 : vector<16xi1>, vector<16xi32>
      %ge3A_593 = arith.cmpf oge, %select_n3A_554, %select_n3A_559 : vector<16xf32>
      %select_n3A_594 = arith.select %ge3A_593, %select_n3A_554, %select_n3A_559 : vector<16xi1>, vector<16xf32>
      %select_n3A_595 = arith.select %ge3A_593, %select_n3A_555, %select_n3A_560 : vector<16xi1>, vector<16xi32>
      %select_n3A_596 = arith.select %ge3A_593, %select_n3A_559, %select_n3A_554 : vector<16xi1>, vector<16xf32>
      %select_n3A_597 = arith.select %ge3A_593, %select_n3A_560, %select_n3A_555 : vector<16xi1>, vector<16xi32>
      %ge3A_598 = arith.cmpf oge, %select_n3A_556, %select_n3A_561 : vector<16xf32>
      %select_n3A_599 = arith.select %ge3A_598, %select_n3A_556, %select_n3A_561 : vector<16xi1>, vector<16xf32>
      %select_n3A_600 = arith.select %ge3A_598, %select_n3A_557, %select_n3A_562 : vector<16xi1>, vector<16xi32>
      %select_n3A_601 = arith.select %ge3A_598, %select_n3A_561, %select_n3A_556 : vector<16xi1>, vector<16xf32>
      %select_n3A_602 = arith.select %ge3A_598, %select_n3A_562, %select_n3A_557 : vector<16xi1>, vector<16xi32>
      %masked_sort3A_603 = arith.constant dense<true> : vector<16xi1>
      %masked_sort3A_604, %masked_sort3A_605, %masked_sort3A_606 = tpu.sort %select_n3A_564, %select_n3A_565 masked %masked_sort3A_603 : (vector<16xf32>, vector<16xi32>, vector<16xi1>) -> (vector<16xi1>, vector<16xf32>, vector<16xi32>)
      %masked_sort3A_607 = arith.constant dense<true> : vector<16xi1>
      %masked_sort3A_608, %masked_sort3A_609, %masked_sort3A_610 = tpu.sort %select_n3A_566, %select_n3A_567 masked %masked_sort3A_607 : (vector<16xf32>, vector<16xi32>, vector<16xi1>) -> (vector<16xi1>, vector<16xf32>, vector<16xi32>)
      %masked_sort3A_611 = arith.constant dense<true> : vector<16xi1>
      %masked_sort3A_612, %masked_sort3A_613, %masked_sort3A_614 = tpu.sort %select_n3A_569, %select_n3A_570 masked %masked_sort3A_611 : (vector<16xf32>, vector<16xi32>, vector<16xi1>) -> (vector<16xi1>, vector<16xf32>, vector<16xi32>)
      %masked_sort3A_615 = arith.constant dense<true> : vector<16xi1>
      %masked_sort3A_616, %masked_sort3A_617, %masked_sort3A_618 = tpu.sort %select_n3A_571, %select_n3A_572 masked %masked_sort3A_615 : (vector<16xf32>, vector<16xi32>, vector<16xi1>) -> (vector<16xi1>, vector<16xf32>, vector<16xi32>)
      %masked_sort3A_619 = arith.constant dense<true> : vector<16xi1>
      %masked_sort3A_620, %masked_sort3A_621, %masked_sort3A_622 = tpu.sort %select_n3A_574, %select_n3A_575 masked %masked_sort3A_619 : (vector<16xf32>, vector<16xi32>, vector<16xi1>) -> (vector<16xi1>, vector<16xf32>, vector<16xi32>)
      %masked_sort3A_623 = arith.constant dense<true> : vector<16xi1>
      %masked_sort3A_624, %masked_sort3A_625, %masked_sort3A_626 = tpu.sort %select_n3A_576, %select_n3A_577 masked %masked_sort3A_623 : (vector<16xf32>, vector<16xi32>, vector<16xi1>) -> (vector<16xi1>, vector<16xf32>, vector<16xi32>)
      %masked_sort3A_627 = arith.constant dense<true> : vector<16xi1>
      %masked_sort3A_628, %masked_sort3A_629, %masked_sort3A_630 = tpu.sort %select_n3A_579, %select_n3A_580 masked %masked_sort3A_627 : (vector<16xf32>, vector<16xi32>, vector<16xi1>) -> (vector<16xi1>, vector<16xf32>, vector<16xi32>)
      %masked_sort3A_631 = arith.constant dense<true> : vector<16xi1>
      %masked_sort3A_632, %masked_sort3A_633, %masked_sort3A_634 = tpu.sort %select_n3A_581, %select_n3A_582 masked %masked_sort3A_631 : (vector<16xf32>, vector<16xi32>, vector<16xi1>) -> (vector<16xi1>, vector<16xf32>, vector<16xi32>)
      %masked_sort3A_635 = arith.constant dense<true> : vector<16xi1>
      %masked_sort3A_636, %masked_sort3A_637, %masked_sort3A_638 = tpu.sort %select_n3A_584, %select_n3A_585 masked %masked_sort3A_635 {descending = true} : (vector<16xf32>, vector<16xi32>, vector<16xi1>) -> (vector<16xi1>, vector<16xf32>, vector<16xi32>)
      %masked_sort3A_639 = arith.constant dense<true> : vector<16xi1>
      %masked_sort3A_640, %masked_sort3A_641, %masked_sort3A_642 = tpu.sort %select_n3A_586, %select_n3A_587 masked %masked_sort3A_639 {descending = true} : (vector<16xf32>, vector<16xi32>, vector<16xi1>) -> (vector<16xi1>, vector<16xf32>, vector<16xi32>)
      %masked_sort3A_643 = arith.constant dense<true> : vector<16xi1>
      %masked_sort3A_644, %masked_sort3A_645, %masked_sort3A_646 = tpu.sort %select_n3A_589, %select_n3A_590 masked %masked_sort3A_643 {descending = true} : (vector<16xf32>, vector<16xi32>, vector<16xi1>) -> (vector<16xi1>, vector<16xf32>, vector<16xi32>)
      %masked_sort3A_647 = arith.constant dense<true> : vector<16xi1>
      %masked_sort3A_648, %masked_sort3A_649, %masked_sort3A_650 = tpu.sort %select_n3A_591, %select_n3A_592 masked %masked_sort3A_647 {descending = true} : (vector<16xf32>, vector<16xi32>, vector<16xi1>) -> (vector<16xi1>, vector<16xf32>, vector<16xi32>)
      %masked_sort3A_651 = arith.constant dense<true> : vector<16xi1>
      %masked_sort3A_652, %masked_sort3A_653, %masked_sort3A_654 = tpu.sort %select_n3A_594, %select_n3A_595 masked %masked_sort3A_651 {descending = true} : (vector<16xf32>, vector<16xi32>, vector<16xi1>) -> (vector<16xi1>, vector<16xf32>, vector<16xi32>)
      %masked_sort3A_655 = arith.constant dense<true> : vector<16xi1>
      %masked_sort3A_656, %masked_sort3A_657, %masked_sort3A_658 = tpu.sort %select_n3A_596, %select_n3A_597 masked %masked_sort3A_655 {descending = true} : (vector<16xf32>, vector<16xi32>, vector<16xi1>) -> (vector<16xi1>, vector<16xf32>, vector<16xi32>)
      %masked_sort3A_659 = arith.constant dense<true> : vector<16xi1>
      %masked_sort3A_660, %masked_sort3A_661, %masked_sort3A_662 = tpu.sort %select_n3A_599, %select_n3A_600 masked %masked_sort3A_659 {descending = true} : (vector<16xf32>, vector<16xi32>, vector<16xi1>) -> (vector<16xi1>, vector<16xf32>, vector<16xi32>)
      %masked_sort3A_663 = arith.constant dense<true> : vector<16xi1>
      %masked_sort3A_664, %masked_sort3A_665, %masked_sort3A_666 = tpu.sort %select_n3A_601, %select_n3A_602 masked %masked_sort3A_663 {descending = true} : (vector<16xf32>, vector<16xi32>, vector<16xi1>) -> (vector<16xi1>, vector<16xf32>, vector<16xi32>)
      %le3A_667 = arith.cmpf ole, %masked_sort3A_605, %masked_sort3A_637 : vector<16xf32>
      %select_n3A_668 = arith.select %le3A_667, %masked_sort3A_605, %masked_sort3A_637 : vector<16xi1>, vector<16xf32>
      %select_n3A_669 = arith.select %le3A_667, %masked_sort3A_606, %masked_sort3A_638 : vector<16xi1>, vector<16xi32>
      %select_n3A_670 = arith.select %le3A_667, %masked_sort3A_637, %masked_sort3A_605 : vector<16xi1>, vector<16xf32>
      %select_n3A_671 = arith.select %le3A_667, %masked_sort3A_638, %masked_sort3A_606 : vector<16xi1>, vector<16xi32>
      %le3A_672 = arith.cmpf ole, %masked_sort3A_609, %masked_sort3A_641 : vector<16xf32>
      %select_n3A_673 = arith.select %le3A_672, %masked_sort3A_609, %masked_sort3A_641 : vector<16xi1>, vector<16xf32>
      %select_n3A_674 = arith.select %le3A_672, %masked_sort3A_610, %masked_sort3A_642 : vector<16xi1>, vector<16xi32>
      %select_n3A_675 = arith.select %le3A_672, %masked_sort3A_641, %masked_sort3A_609 : vector<16xi1>, vector<16xf32>
      %select_n3A_676 = arith.select %le3A_672, %masked_sort3A_642, %masked_sort3A_610 : vector<16xi1>, vector<16xi32>
      %le3A_677 = arith.cmpf ole, %masked_sort3A_613, %masked_sort3A_645 : vector<16xf32>
      %select_n3A_678 = arith.select %le3A_677, %masked_sort3A_613, %masked_sort3A_645 : vector<16xi1>, vector<16xf32>
      %select_n3A_679 = arith.select %le3A_677, %masked_sort3A_614, %masked_sort3A_646 : vector<16xi1>, vector<16xi32>
      %select_n3A_680 = arith.select %le3A_677, %masked_sort3A_645, %masked_sort3A_613 : vector<16xi1>, vector<16xf32>
      %select_n3A_681 = arith.select %le3A_677, %masked_sort3A_646, %masked_sort3A_614 : vector<16xi1>, vector<16xi32>
      %le3A_682 = arith.cmpf ole, %masked_sort3A_617, %masked_sort3A_649 : vector<16xf32>
      %select_n3A_683 = arith.select %le3A_682, %masked_sort3A_617, %masked_sort3A_649 : vector<16xi1>, vector<16xf32>
      %select_n3A_684 = arith.select %le3A_682, %masked_sort3A_618, %masked_sort3A_650 : vector<16xi1>, vector<16xi32>
      %select_n3A_685 = arith.select %le3A_682, %masked_sort3A_649, %masked_sort3A_617 : vector<16xi1>, vector<16xf32>
      %select_n3A_686 = arith.select %le3A_682, %masked_sort3A_650, %masked_sort3A_618 : vector<16xi1>, vector<16xi32>
      %le3A_687 = arith.cmpf ole, %masked_sort3A_621, %masked_sort3A_653 : vector<16xf32>
      %select_n3A_688 = arith.select %le3A_687, %masked_sort3A_621, %masked_sort3A_653 : vector<16xi1>, vector<16xf32>
      %select_n3A_689 = arith.select %le3A_687, %masked_sort3A_622, %masked_sort3A_654 : vector<16xi1>, vector<16xi32>
      %select_n3A_690 = arith.select %le3A_687, %masked_sort3A_653, %masked_sort3A_621 : vector<16xi1>, vector<16xf32>
      %select_n3A_691 = arith.select %le3A_687, %masked_sort3A_654, %masked_sort3A_622 : vector<16xi1>, vector<16xi32>
      %le3A_692 = arith.cmpf ole, %masked_sort3A_625, %masked_sort3A_657 : vector<16xf32>
      %select_n3A_693 = arith.select %le3A_692, %masked_sort3A_625, %masked_sort3A_657 : vector<16xi1>, vector<16xf32>
      %select_n3A_694 = arith.select %le3A_692, %masked_sort3A_626, %masked_sort3A_658 : vector<16xi1>, vector<16xi32>
      %select_n3A_695 = arith.select %le3A_692, %masked_sort3A_657, %masked_sort3A_625 : vector<16xi1>, vector<16xf32>
      %select_n3A_696 = arith.select %le3A_692, %masked_sort3A_658, %masked_sort3A_626 : vector<16xi1>, vector<16xi32>
      %le3A_697 = arith.cmpf ole, %masked_sort3A_629, %masked_sort3A_661 : vector<16xf32>
      %select_n3A_698 = arith.select %le3A_697, %masked_sort3A_629, %masked_sort3A_661 : vector<16xi1>, vector<16xf32>
      %select_n3A_699 = arith.select %le3A_697, %masked_sort3A_630, %masked_sort3A_662 : vector<16xi1>, vector<16xi32>
      %select_n3A_700 = arith.select %le3A_697, %masked_sort3A_661, %masked_sort3A_629 : vector<16xi1>, vector<16xf32>
      %select_n3A_701 = arith.select %le3A_697, %masked_sort3A_662, %masked_sort3A_630 : vector<16xi1>, vector<16xi32>
      %le3A_702 = arith.cmpf ole, %masked_sort3A_633, %masked_sort3A_665 : vector<16xf32>
      %select_n3A_703 = arith.select %le3A_702, %masked_sort3A_633, %masked_sort3A_665 : vector<16xi1>, vector<16xf32>
      %select_n3A_704 = arith.select %le3A_702, %masked_sort3A_634, %masked_sort3A_666 : vector<16xi1>, vector<16xi32>
      %select_n3A_705 = arith.select %le3A_702, %masked_sort3A_665, %masked_sort3A_633 : vector<16xi1>, vector<16xf32>
      %select_n3A_706 = arith.select %le3A_702, %masked_sort3A_666, %masked_sort3A_634 : vector<16xi1>, vector<16xi32>
      %le3A_707 = arith.cmpf ole, %select_n3A_668, %select_n3A_688 : vector<16xf32>
      %select_n3A_708 = arith.select %le3A_707, %select_n3A_668, %select_n3A_688 : vector<16xi1>, vector<16xf32>
      %select_n3A_709 = arith.select %le3A_707, %select_n3A_669, %select_n3A_689 : vector<16xi1>, vector<16xi32>
      %select_n3A_710 = arith.select %le3A_707, %select_n3A_688, %select_n3A_668 : vector<16xi1>, vector<16xf32>
      %select_n3A_711 = arith.select %le3A_707, %select_n3A_689, %select_n3A_669 : vector<16xi1>, vector<16xi32>
      %le3A_712 = arith.cmpf ole, %select_n3A_673, %select_n3A_693 : vector<16xf32>
      %select_n3A_713 = arith.select %le3A_712, %select_n3A_673, %select_n3A_693 : vector<16xi1>, vector<16xf32>
      %select_n3A_714 = arith.select %le3A_712, %select_n3A_674, %select_n3A_694 : vector<16xi1>, vector<16xi32>
      %select_n3A_715 = arith.select %le3A_712, %select_n3A_693, %select_n3A_673 : vector<16xi1>, vector<16xf32>
      %select_n3A_716 = arith.select %le3A_712, %select_n3A_694, %select_n3A_674 : vector<16xi1>, vector<16xi32>
      %le3A_717 = arith.cmpf ole, %select_n3A_678, %select_n3A_698 : vector<16xf32>
      %select_n3A_718 = arith.select %le3A_717, %select_n3A_678, %select_n3A_698 : vector<16xi1>, vector<16xf32>
      %select_n3A_719 = arith.select %le3A_717, %select_n3A_679, %select_n3A_699 : vector<16xi1>, vector<16xi32>
      %select_n3A_720 = arith.select %le3A_717, %select_n3A_698, %select_n3A_678 : vector<16xi1>, vector<16xf32>
      %select_n3A_721 = arith.select %le3A_717, %select_n3A_699, %select_n3A_679 : vector<16xi1>, vector<16xi32>
      %le3A_722 = arith.cmpf ole, %select_n3A_683, %select_n3A_703 : vector<16xf32>
      %select_n3A_723 = arith.select %le3A_722, %select_n3A_683, %select_n3A_703 : vector<16xi1>, vector<16xf32>
      %select_n3A_724 = arith.select %le3A_722, %select_n3A_684, %select_n3A_704 : vector<16xi1>, vector<16xi32>
      %select_n3A_725 = arith.select %le3A_722, %select_n3A_703, %select_n3A_683 : vector<16xi1>, vector<16xf32>
      %select_n3A_726 = arith.select %le3A_722, %select_n3A_704, %select_n3A_684 : vector<16xi1>, vector<16xi32>
      %le3A_727 = arith.cmpf ole, %select_n3A_670, %select_n3A_690 : vector<16xf32>
      %select_n3A_728 = arith.select %le3A_727, %select_n3A_670, %select_n3A_690 : vector<16xi1>, vector<16xf32>
      %select_n3A_729 = arith.select %le3A_727, %select_n3A_671, %select_n3A_691 : vector<16xi1>, vector<16xi32>
      %select_n3A_730 = arith.select %le3A_727, %select_n3A_690, %select_n3A_670 : vector<16xi1>, vector<16xf32>
      %select_n3A_731 = arith.select %le3A_727, %select_n3A_691, %select_n3A_671 : vector<16xi1>, vector<16xi32>
      %le3A_732 = arith.cmpf ole, %select_n3A_675, %select_n3A_695 : vector<16xf32>
      %select_n3A_733 = arith.select %le3A_732, %select_n3A_675, %select_n3A_695 : vector<16xi1>, vector<16xf32>
      %select_n3A_734 = arith.select %le3A_732, %select_n3A_676, %select_n3A_696 : vector<16xi1>, vector<16xi32>
      %select_n3A_735 = arith.select %le3A_732, %select_n3A_695, %select_n3A_675 : vector<16xi1>, vector<16xf32>
      %select_n3A_736 = arith.select %le3A_732, %select_n3A_696, %select_n3A_676 : vector<16xi1>, vector<16xi32>
      %le3A_737 = arith.cmpf ole, %select_n3A_680, %select_n3A_700 : vector<16xf32>
      %select_n3A_738 = arith.select %le3A_737, %select_n3A_680, %select_n3A_700 : vector<16xi1>, vector<16xf32>
      %select_n3A_739 = arith.select %le3A_737, %select_n3A_681, %select_n3A_701 : vector<16xi1>, vector<16xi32>
      %select_n3A_740 = arith.select %le3A_737, %select_n3A_700, %select_n3A_680 : vector<16xi1>, vector<16xf32>
      %select_n3A_741 = arith.select %le3A_737, %select_n3A_701, %select_n3A_681 : vector<16xi1>, vector<16xi32>
      %le3A_742 = arith.cmpf ole, %select_n3A_685, %select_n3A_705 : vector<16xf32>
      %select_n3A_743 = arith.select %le3A_742, %select_n3A_685, %select_n3A_705 : vector<16xi1>, vector<16xf32>
      %select_n3A_744 = arith.select %le3A_742, %select_n3A_686, %select_n3A_706 : vector<16xi1>, vector<16xi32>
      %select_n3A_745 = arith.select %le3A_742, %select_n3A_705, %select_n3A_685 : vector<16xi1>, vector<16xf32>
      %select_n3A_746 = arith.select %le3A_742, %select_n3A_706, %select_n3A_686 : vector<16xi1>, vector<16xi32>
      %le3A_747 = arith.cmpf ole, %select_n3A_708, %select_n3A_718 : vector<16xf32>
      %select_n3A_748 = arith.select %le3A_747, %select_n3A_708, %select_n3A_718 : vector<16xi1>, vector<16xf32>
      %select_n3A_749 = arith.select %le3A_747, %select_n3A_709, %select_n3A_719 : vector<16xi1>, vector<16xi32>
      %select_n3A_750 = arith.select %le3A_747, %select_n3A_718, %select_n3A_708 : vector<16xi1>, vector<16xf32>
      %select_n3A_751 = arith.select %le3A_747, %select_n3A_719, %select_n3A_709 : vector<16xi1>, vector<16xi32>
      %le3A_752 = arith.cmpf ole, %select_n3A_713, %select_n3A_723 : vector<16xf32>
      %select_n3A_753 = arith.select %le3A_752, %select_n3A_713, %select_n3A_723 : vector<16xi1>, vector<16xf32>
      %select_n3A_754 = arith.select %le3A_752, %select_n3A_714, %select_n3A_724 : vector<16xi1>, vector<16xi32>
      %select_n3A_755 = arith.select %le3A_752, %select_n3A_723, %select_n3A_713 : vector<16xi1>, vector<16xf32>
      %select_n3A_756 = arith.select %le3A_752, %select_n3A_724, %select_n3A_714 : vector<16xi1>, vector<16xi32>
      %le3A_757 = arith.cmpf ole, %select_n3A_710, %select_n3A_720 : vector<16xf32>
      %select_n3A_758 = arith.select %le3A_757, %select_n3A_710, %select_n3A_720 : vector<16xi1>, vector<16xf32>
      %select_n3A_759 = arith.select %le3A_757, %select_n3A_711, %select_n3A_721 : vector<16xi1>, vector<16xi32>
      %select_n3A_760 = arith.select %le3A_757, %select_n3A_720, %select_n3A_710 : vector<16xi1>, vector<16xf32>
      %select_n3A_761 = arith.select %le3A_757, %select_n3A_721, %select_n3A_711 : vector<16xi1>, vector<16xi32>
      %le3A_762 = arith.cmpf ole, %select_n3A_715, %select_n3A_725 : vector<16xf32>
      %select_n3A_763 = arith.select %le3A_762, %select_n3A_715, %select_n3A_725 : vector<16xi1>, vector<16xf32>
      %select_n3A_764 = arith.select %le3A_762, %select_n3A_716, %select_n3A_726 : vector<16xi1>, vector<16xi32>
      %select_n3A_765 = arith.select %le3A_762, %select_n3A_725, %select_n3A_715 : vector<16xi1>, vector<16xf32>
      %select_n3A_766 = arith.select %le3A_762, %select_n3A_726, %select_n3A_716 : vector<16xi1>, vector<16xi32>
      %le3A_767 = arith.cmpf ole, %select_n3A_728, %select_n3A_738 : vector<16xf32>
      %select_n3A_768 = arith.select %le3A_767, %select_n3A_728, %select_n3A_738 : vector<16xi1>, vector<16xf32>
      %select_n3A_769 = arith.select %le3A_767, %select_n3A_729, %select_n3A_739 : vector<16xi1>, vector<16xi32>
      %select_n3A_770 = arith.select %le3A_767, %select_n3A_738, %select_n3A_728 : vector<16xi1>, vector<16xf32>
      %select_n3A_771 = arith.select %le3A_767, %select_n3A_739, %select_n3A_729 : vector<16xi1>, vector<16xi32>
      %le3A_772 = arith.cmpf ole, %select_n3A_733, %select_n3A_743 : vector<16xf32>
      %select_n3A_773 = arith.select %le3A_772, %select_n3A_733, %select_n3A_743 : vector<16xi1>, vector<16xf32>
      %select_n3A_774 = arith.select %le3A_772, %select_n3A_734, %select_n3A_744 : vector<16xi1>, vector<16xi32>
      %select_n3A_775 = arith.select %le3A_772, %select_n3A_743, %select_n3A_733 : vector<16xi1>, vector<16xf32>
      %select_n3A_776 = arith.select %le3A_772, %select_n3A_744, %select_n3A_734 : vector<16xi1>, vector<16xi32>
      %le3A_777 = arith.cmpf ole, %select_n3A_730, %select_n3A_740 : vector<16xf32>
      %select_n3A_778 = arith.select %le3A_777, %select_n3A_730, %select_n3A_740 : vector<16xi1>, vector<16xf32>
      %select_n3A_779 = arith.select %le3A_777, %select_n3A_731, %select_n3A_741 : vector<16xi1>, vector<16xi32>
      %select_n3A_780 = arith.select %le3A_777, %select_n3A_740, %select_n3A_730 : vector<16xi1>, vector<16xf32>
      %select_n3A_781 = arith.select %le3A_777, %select_n3A_741, %select_n3A_731 : vector<16xi1>, vector<16xi32>
      %le3A_782 = arith.cmpf ole, %select_n3A_735, %select_n3A_745 : vector<16xf32>
      %select_n3A_783 = arith.select %le3A_782, %select_n3A_735, %select_n3A_745 : vector<16xi1>, vector<16xf32>
      %select_n3A_784 = arith.select %le3A_782, %select_n3A_736, %select_n3A_746 : vector<16xi1>, vector<16xi32>
      %select_n3A_785 = arith.select %le3A_782, %select_n3A_745, %select_n3A_735 : vector<16xi1>, vector<16xf32>
      %select_n3A_786 = arith.select %le3A_782, %select_n3A_746, %select_n3A_736 : vector<16xi1>, vector<16xi32>
      %le3A_787 = arith.cmpf ole, %select_n3A_748, %select_n3A_753 : vector<16xf32>
      %select_n3A_788 = arith.select %le3A_787, %select_n3A_748, %select_n3A_753 : vector<16xi1>, vector<16xf32>
      %select_n3A_789 = arith.select %le3A_787, %select_n3A_749, %select_n3A_754 : vector<16xi1>, vector<16xi32>
      %select_n3A_790 = arith.select %le3A_787, %select_n3A_753, %select_n3A_748 : vector<16xi1>, vector<16xf32>
      %select_n3A_791 = arith.select %le3A_787, %select_n3A_754, %select_n3A_749 : vector<16xi1>, vector<16xi32>
      %le3A_792 = arith.cmpf ole, %select_n3A_750, %select_n3A_755 : vector<16xf32>
      %select_n3A_793 = arith.select %le3A_792, %select_n3A_750, %select_n3A_755 : vector<16xi1>, vector<16xf32>
      %select_n3A_794 = arith.select %le3A_792, %select_n3A_751, %select_n3A_756 : vector<16xi1>, vector<16xi32>
      %select_n3A_795 = arith.select %le3A_792, %select_n3A_755, %select_n3A_750 : vector<16xi1>, vector<16xf32>
      %select_n3A_796 = arith.select %le3A_792, %select_n3A_756, %select_n3A_751 : vector<16xi1>, vector<16xi32>
      %le3A_797 = arith.cmpf ole, %select_n3A_758, %select_n3A_763 : vector<16xf32>
      %select_n3A_798 = arith.select %le3A_797, %select_n3A_758, %select_n3A_763 : vector<16xi1>, vector<16xf32>
      %select_n3A_799 = arith.select %le3A_797, %select_n3A_759, %select_n3A_764 : vector<16xi1>, vector<16xi32>
      %select_n3A_800 = arith.select %le3A_797, %select_n3A_763, %select_n3A_758 : vector<16xi1>, vector<16xf32>
      %select_n3A_801 = arith.select %le3A_797, %select_n3A_764, %select_n3A_759 : vector<16xi1>, vector<16xi32>
      %le3A_802 = arith.cmpf ole, %select_n3A_760, %select_n3A_765 : vector<16xf32>
      %select_n3A_803 = arith.select %le3A_802, %select_n3A_760, %select_n3A_765 : vector<16xi1>, vector<16xf32>
      %select_n3A_804 = arith.select %le3A_802, %select_n3A_761, %select_n3A_766 : vector<16xi1>, vector<16xi32>
      %select_n3A_805 = arith.select %le3A_802, %select_n3A_765, %select_n3A_760 : vector<16xi1>, vector<16xf32>
      %select_n3A_806 = arith.select %le3A_802, %select_n3A_766, %select_n3A_761 : vector<16xi1>, vector<16xi32>
      %le3A_807 = arith.cmpf ole, %select_n3A_768, %select_n3A_773 : vector<16xf32>
      %select_n3A_808 = arith.select %le3A_807, %select_n3A_768, %select_n3A_773 : vector<16xi1>, vector<16xf32>
      %select_n3A_809 = arith.select %le3A_807, %select_n3A_769, %select_n3A_774 : vector<16xi1>, vector<16xi32>
      %select_n3A_810 = arith.select %le3A_807, %select_n3A_773, %select_n3A_768 : vector<16xi1>, vector<16xf32>
      %select_n3A_811 = arith.select %le3A_807, %select_n3A_774, %select_n3A_769 : vector<16xi1>, vector<16xi32>
      %le3A_812 = arith.cmpf ole, %select_n3A_770, %select_n3A_775 : vector<16xf32>
      %select_n3A_813 = arith.select %le3A_812, %select_n3A_770, %select_n3A_775 : vector<16xi1>, vector<16xf32>
      %select_n3A_814 = arith.select %le3A_812, %select_n3A_771, %select_n3A_776 : vector<16xi1>, vector<16xi32>
      %select_n3A_815 = arith.select %le3A_812, %select_n3A_775, %select_n3A_770 : vector<16xi1>, vector<16xf32>
      %select_n3A_816 = arith.select %le3A_812, %select_n3A_776, %select_n3A_771 : vector<16xi1>, vector<16xi32>
      %le3A_817 = arith.cmpf ole, %select_n3A_778, %select_n3A_783 : vector<16xf32>
      %select_n3A_818 = arith.select %le3A_817, %select_n3A_778, %select_n3A_783 : vector<16xi1>, vector<16xf32>
      %select_n3A_819 = arith.select %le3A_817, %select_n3A_779, %select_n3A_784 : vector<16xi1>, vector<16xi32>
      %select_n3A_820 = arith.select %le3A_817, %select_n3A_783, %select_n3A_778 : vector<16xi1>, vector<16xf32>
      %select_n3A_821 = arith.select %le3A_817, %select_n3A_784, %select_n3A_779 : vector<16xi1>, vector<16xi32>
      %le3A_822 = arith.cmpf ole, %select_n3A_780, %select_n3A_785 : vector<16xf32>
      %select_n3A_823 = arith.select %le3A_822, %select_n3A_780, %select_n3A_785 : vector<16xi1>, vector<16xf32>
      %select_n3A_824 = arith.select %le3A_822, %select_n3A_781, %select_n3A_786 : vector<16xi1>, vector<16xi32>
      %select_n3A_825 = arith.select %le3A_822, %select_n3A_785, %select_n3A_780 : vector<16xi1>, vector<16xf32>
      %select_n3A_826 = arith.select %le3A_822, %select_n3A_786, %select_n3A_781 : vector<16xi1>, vector<16xi32>
      %masked_sort3A_827 = arith.constant dense<true> : vector<16xi1>
      %masked_sort3A_828, %masked_sort3A_829, %masked_sort3A_830 = tpu.sort %select_n3A_788, %select_n3A_789 masked %masked_sort3A_827 : (vector<16xf32>, vector<16xi32>, vector<16xi1>) -> (vector<16xi1>, vector<16xf32>, vector<16xi32>)
      %masked_sort3A_831 = arith.constant dense<true> : vector<16xi1>
      %masked_sort3A_832, %masked_sort3A_833, %masked_sort3A_834 = tpu.sort %select_n3A_790, %select_n3A_791 masked %masked_sort3A_831 : (vector<16xf32>, vector<16xi32>, vector<16xi1>) -> (vector<16xi1>, vector<16xf32>, vector<16xi32>)
      %masked_sort3A_835 = arith.constant dense<true> : vector<16xi1>
      %masked_sort3A_836, %masked_sort3A_837, %masked_sort3A_838 = tpu.sort %select_n3A_793, %select_n3A_794 masked %masked_sort3A_835 : (vector<16xf32>, vector<16xi32>, vector<16xi1>) -> (vector<16xi1>, vector<16xf32>, vector<16xi32>)
      %masked_sort3A_839 = arith.constant dense<true> : vector<16xi1>
      %masked_sort3A_840, %masked_sort3A_841, %masked_sort3A_842 = tpu.sort %select_n3A_795, %select_n3A_796 masked %masked_sort3A_839 : (vector<16xf32>, vector<16xi32>, vector<16xi1>) -> (vector<16xi1>, vector<16xf32>, vector<16xi32>)
      %masked_sort3A_843 = arith.constant dense<true> : vector<16xi1>
      %masked_sort3A_844, %masked_sort3A_845, %masked_sort3A_846 = tpu.sort %select_n3A_798, %select_n3A_799 masked %masked_sort3A_843 : (vector<16xf32>, vector<16xi32>, vector<16xi1>) -> (vector<16xi1>, vector<16xf32>, vector<16xi32>)
      %masked_sort3A_847 = arith.constant dense<true> : vector<16xi1>
      %masked_sort3A_848, %masked_sort3A_849, %masked_sort3A_850 = tpu.sort %select_n3A_800, %select_n3A_801 masked %masked_sort3A_847 : (vector<16xf32>, vector<16xi32>, vector<16xi1>) -> (vector<16xi1>, vector<16xf32>, vector<16xi32>)
      %masked_sort3A_851 = arith.constant dense<true> : vector<16xi1>
      %masked_sort3A_852, %masked_sort3A_853, %masked_sort3A_854 = tpu.sort %select_n3A_803, %select_n3A_804 masked %masked_sort3A_851 : (vector<16xf32>, vector<16xi32>, vector<16xi1>) -> (vector<16xi1>, vector<16xf32>, vector<16xi32>)
      %masked_sort3A_855 = arith.constant dense<true> : vector<16xi1>
      %masked_sort3A_856, %masked_sort3A_857, %masked_sort3A_858 = tpu.sort %select_n3A_805, %select_n3A_806 masked %masked_sort3A_855 : (vector<16xf32>, vector<16xi32>, vector<16xi1>) -> (vector<16xi1>, vector<16xf32>, vector<16xi32>)
      %masked_sort3A_859 = arith.constant dense<true> : vector<16xi1>
      %masked_sort3A_860, %masked_sort3A_861, %masked_sort3A_862 = tpu.sort %select_n3A_808, %select_n3A_809 masked %masked_sort3A_859 : (vector<16xf32>, vector<16xi32>, vector<16xi1>) -> (vector<16xi1>, vector<16xf32>, vector<16xi32>)
      %masked_sort3A_863 = arith.constant dense<true> : vector<16xi1>
      %masked_sort3A_864, %masked_sort3A_865, %masked_sort3A_866 = tpu.sort %select_n3A_810, %select_n3A_811 masked %masked_sort3A_863 : (vector<16xf32>, vector<16xi32>, vector<16xi1>) -> (vector<16xi1>, vector<16xf32>, vector<16xi32>)
      %masked_sort3A_867 = arith.constant dense<true> : vector<16xi1>
      %masked_sort3A_868, %masked_sort3A_869, %masked_sort3A_870 = tpu.sort %select_n3A_813, %select_n3A_814 masked %masked_sort3A_867 : (vector<16xf32>, vector<16xi32>, vector<16xi1>) -> (vector<16xi1>, vector<16xf32>, vector<16xi32>)
      %masked_sort3A_871 = arith.constant dense<true> : vector<16xi1>
      %masked_sort3A_872, %masked_sort3A_873, %masked_sort3A_874 = tpu.sort %select_n3A_815, %select_n3A_816 masked %masked_sort3A_871 : (vector<16xf32>, vector<16xi32>, vector<16xi1>) -> (vector<16xi1>, vector<16xf32>, vector<16xi32>)
      %masked_sort3A_875 = arith.constant dense<true> : vector<16xi1>
      %masked_sort3A_876, %masked_sort3A_877, %masked_sort3A_878 = tpu.sort %select_n3A_818, %select_n3A_819 masked %masked_sort3A_875 : (vector<16xf32>, vector<16xi32>, vector<16xi1>) -> (vector<16xi1>, vector<16xf32>, vector<16xi32>)
      %masked_sort3A_879 = arith.constant dense<true> : vector<16xi1>
      %masked_sort3A_880, %masked_sort3A_881, %masked_sort3A_882 = tpu.sort %select_n3A_820, %select_n3A_821 masked %masked_sort3A_879 : (vector<16xf32>, vector<16xi32>, vector<16xi1>) -> (vector<16xi1>, vector<16xf32>, vector<16xi32>)
      %masked_sort3A_883 = arith.constant dense<true> : vector<16xi1>
      %masked_sort3A_884, %masked_sort3A_885, %masked_sort3A_886 = tpu.sort %select_n3A_823, %select_n3A_824 masked %masked_sort3A_883 : (vector<16xf32>, vector<16xi32>, vector<16xi1>) -> (vector<16xi1>, vector<16xf32>, vector<16xi32>)
      %masked_sort3A_887 = arith.constant dense<true> : vector<16xi1>
      %masked_sort3A_888, %masked_sort3A_889, %masked_sort3A_890 = tpu.sort %select_n3A_825, %select_n3A_826 masked %masked_sort3A_887 : (vector<16xf32>, vector<16xi32>, vector<16xi1>) -> (vector<16xi1>, vector<16xf32>, vector<16xi32>)
      %lt3A_891 = arith.constant 0 : i32
      %lt3A_892 = vector.broadcast %lt3A_891 : i32 to vector<16xi32>
      %lt3A_893 = arith.cmpi slt, %max3A_8, %lt3A_892 : vector<16xi32>
      %add3A_894 = arith.constant 16 : i32
      %add3A_895 = vector.broadcast %add3A_894 : i32 to vector<16xi32>
      %add3A_896 = arith.addi %max3A_8, %add3A_895 : vector<16xi32>
      %select_n3A_897 = arith.select %lt3A_893, %add3A_896, %max3A_8 : vector<16xi1>, vector<16xi32>
      %broadcast_in_dim3A_898 = vector.shape_cast %select_n3A_897 : vector<16xi32> to vector<16x1xi32>
      %gather3A = vector.shape_cast %broadcast_in_dim3A_898 : vector<16x1xi32> to vector<16xi32>
      %gather3A_899 = tpu.dynamic_gather %masked_sort3A_829[%gather3A] in [0] : vector<16xf32>, vector<16xi32> -> vector<16xf32>
      %eq3A = arith.constant 0 : i32
      %eq3A_900 = vector.broadcast %eq3A : i32 to vector<16xi32>
      %eq3A_901 = arith.cmpi eq, %iota3A, %eq3A_900 : vector<16xi32>
      %jit3A_902 = arith.constant 0xFF800000 : f32
      %broadcast_in_dim3A_903 = vector.broadcast %jit3A_902 : f32 to vector<16xf32>
      %select_n3A_904 = arith.select %eq3A_901, %broadcast_in_dim3A_903, %gather3A_899 : vector<16xi1>, vector<16xf32>
      %ne3A = arith.cmpf one, %masked_sort3A_829, %select_n3A_904 : vector<16xf32>
      %eq3A_905 = arith.constant 0 : i32
      %eq3A_906 = vector.broadcast %eq3A_905 : i32 to vector<16xi32>
      %eq3A_907 = arith.cmpi eq, %iota3A, %eq3A_906 : vector<16xi32>
      %or3A = arith.ori %ne3A, %eq3A_907 : vector<16xi1>
      %add3A_908 = arith.constant 0 : i32
      %add3A_909 = vector.broadcast %add3A_908 : i32 to vector<16xi32>
      %add3A_910 = arith.addi %iota3A, %add3A_909 : vector<16xi32>
      %jit3A_911 = arith.constant 0 : i32
      %broadcast_in_dim3A_912 = vector.broadcast %jit3A_911 : i32 to vector<16xi32>
      %select_n3A_913 = arith.select %or3A, %add3A_910, %broadcast_in_dim3A_912 : vector<16xi1>, vector<16xi32>
      %max3A_914 = arith.constant 0 : i32
      %max3A_915 = vector.broadcast %max3A_914 : i32 to vector<16xi32>
      %max3A_916 = arith.maxsi %select_n3A_913, %max3A_915 : vector<16xi32>
      %broadcast_in_dim3A_917 = arith.constant true
      %broadcast_in_dim3A_918 = vector.broadcast %broadcast_in_dim3A_917 : i1 to vector<16xi1>
      %masked_cummax3A = arith.constant -2147483648 : i32
      %masked_cummax3A_919 = vector.broadcast %masked_cummax3A : i32 to vector<16xi32>
      %masked_cummax3A_920 = arith.xori %max3A_916, %masked_cummax3A_919 : vector<16xi32>
      %masked_cummax3A_921 = tpu.scan <max>, %masked_cummax3A_920 masked %broadcast_in_dim3A_918 : vector<16xi32>, vector<16xi1> -> vector<16xi32>
      %masked_cummax3A_922 = arith.xori %masked_cummax3A_921, %masked_cummax3A_919 : vector<16xi32>
      %reduce_max3A_923 = arith.constant true
      %reduce_max3A_924 = vector.broadcast %reduce_max3A_923 : i1 to vector<16xi1>
      %reduce_max3A_925 = arith.constant -2147483648 : i32
      %reduce_max3A_926 = vector.broadcast %reduce_max3A_925 : i32 to vector<16xi32>
      %reduce_max3A_927 = arith.xori %masked_cummax3A_922, %reduce_max3A_926 : vector<16xi32>
      %reduce_max3A_928 = tpu.scan <max>, %reduce_max3A_927 masked %reduce_max3A_924 : vector<16xi32>, vector<16xi1> -> vector<16xi32>
      %reduce_max3A_929 = arith.xori %reduce_max3A_928, %reduce_max3A_926 : vector<16xi32>
      %reduce_max3A_930 = vector.extract %reduce_max3A_929[15] : i32 from vector<16xi32>
      %reduce_max3A_931 = arith.constant true
      %reduce_max3A_932 = vector.broadcast %reduce_max3A_931 : i1 to vector<16xi1>
      %reduce_max3A_933 = tpu.scan <max>, %masked_sort3A_829 masked %reduce_max3A_932 : vector<16xf32>, vector<16xi1> -> vector<16xf32>
      %reduce_max3A_934 = vector.extract %reduce_max3A_933[15] : f32 from vector<16xf32>
      %mul3A_935 = arith.constant 256 : i32
      %mul3A_936 = vector.broadcast %mul3A_935 : i32 to vector<16xi32>
      %mul3A_937 = arith.muli %masked_cummax3A_922, %mul3A_936 : vector<16xi32>
      %add3A_938 = arith.addi %mul3A_937, %masked_sort3A_830 : vector<16xi32>
      %lt3A_939 = arith.constant 0 : i32
      %lt3A_940 = vector.broadcast %lt3A_939 : i32 to vector<16xi32>
      %lt3A_941 = arith.cmpi slt, %max3A_8, %lt3A_940 : vector<16xi32>
      %add3A_942 = arith.constant 16 : i32
      %add3A_943 = vector.broadcast %add3A_942 : i32 to vector<16xi32>
      %add3A_944 = arith.addi %max3A_8, %add3A_943 : vector<16xi32>
      %select_n3A_945 = arith.select %lt3A_941, %add3A_944, %max3A_8 : vector<16xi1>, vector<16xi32>
      %broadcast_in_dim3A_946 = vector.shape_cast %select_n3A_945 : vector<16xi32> to vector<16x1xi32>
      %gather3A_947 = vector.shape_cast %broadcast_in_dim3A_946 : vector<16x1xi32> to vector<16xi32>
      %gather3A_948 = tpu.dynamic_gather %masked_sort3A_833[%gather3A_947] in [0] : vector<16xf32>, vector<16xi32> -> vector<16xf32>
      %eq3A_949 = arith.constant 0 : i32
      %eq3A_950 = vector.broadcast %eq3A_949 : i32 to vector<16xi32>
      %eq3A_951 = arith.cmpi eq, %iota3A, %eq3A_950 : vector<16xi32>
      %broadcast_in_dim3A_952 = vector.broadcast %reduce_max3A_934 : f32 to vector<16xf32>
      %select_n3A_953 = arith.select %eq3A_951, %broadcast_in_dim3A_952, %gather3A_948 : vector<16xi1>, vector<16xf32>
      %ne3A_954 = arith.cmpf one, %masked_sort3A_833, %select_n3A_953 : vector<16xf32>
      %add3A_955 = arith.constant 16 : i32
      %add3A_956 = vector.broadcast %add3A_955 : i32 to vector<16xi32>
      %add3A_957 = arith.addi %iota3A, %add3A_956 : vector<16xi32>
      %jit3A_958 = arith.constant 0 : i32
      %broadcast_in_dim3A_959 = vector.broadcast %jit3A_958 : i32 to vector<16xi32>
      %select_n3A_960 = arith.select %ne3A_954, %add3A_957, %broadcast_in_dim3A_959 : vector<16xi1>, vector<16xi32>
      %max3A_961 = vector.broadcast %reduce_max3A_930 : i32 to vector<16xi32>
      %max3A_962 = arith.maxsi %select_n3A_960, %max3A_961 : vector<16xi32>
      %broadcast_in_dim3A_963 = arith.constant true
      %broadcast_in_dim3A_964 = vector.broadcast %broadcast_in_dim3A_963 : i1 to vector<16xi1>
      %masked_cummax3A_965 = arith.constant -2147483648 : i32
      %masked_cummax3A_966 = vector.broadcast %masked_cummax3A_965 : i32 to vector<16xi32>
      %masked_cummax3A_967 = arith.xori %max3A_962, %masked_cummax3A_966 : vector<16xi32>
      %masked_cummax3A_968 = tpu.scan <max>, %masked_cummax3A_967 masked %broadcast_in_dim3A_964 : vector<16xi32>, vector<16xi1> -> vector<16xi32>
      %masked_cummax3A_969 = arith.xori %masked_cummax3A_968, %masked_cummax3A_966 : vector<16xi32>
      %reduce_max3A_970 = arith.constant true
      %reduce_max3A_971 = vector.broadcast %reduce_max3A_970 : i1 to vector<16xi1>
      %reduce_max3A_972 = arith.constant -2147483648 : i32
      %reduce_max3A_973 = vector.broadcast %reduce_max3A_972 : i32 to vector<16xi32>
      %reduce_max3A_974 = arith.xori %masked_cummax3A_969, %reduce_max3A_973 : vector<16xi32>
      %reduce_max3A_975 = tpu.scan <max>, %reduce_max3A_974 masked %reduce_max3A_971 : vector<16xi32>, vector<16xi1> -> vector<16xi32>
      %reduce_max3A_976 = arith.xori %reduce_max3A_975, %reduce_max3A_973 : vector<16xi32>
      %reduce_max3A_977 = vector.extract %reduce_max3A_976[15] : i32 from vector<16xi32>
      %reduce_max3A_978 = arith.constant true
      %reduce_max3A_979 = vector.broadcast %reduce_max3A_978 : i1 to vector<16xi1>
      %reduce_max3A_980 = tpu.scan <max>, %masked_sort3A_833 masked %reduce_max3A_979 : vector<16xf32>, vector<16xi1> -> vector<16xf32>
      %reduce_max3A_981 = vector.extract %reduce_max3A_980[15] : f32 from vector<16xf32>
      %mul3A_982 = arith.constant 256 : i32
      %mul3A_983 = vector.broadcast %mul3A_982 : i32 to vector<16xi32>
      %mul3A_984 = arith.muli %masked_cummax3A_969, %mul3A_983 : vector<16xi32>
      %add3A_985 = arith.addi %mul3A_984, %masked_sort3A_834 : vector<16xi32>
      %lt3A_986 = arith.constant 0 : i32
      %lt3A_987 = vector.broadcast %lt3A_986 : i32 to vector<16xi32>
      %lt3A_988 = arith.cmpi slt, %max3A_8, %lt3A_987 : vector<16xi32>
      %add3A_989 = arith.constant 16 : i32
      %add3A_990 = vector.broadcast %add3A_989 : i32 to vector<16xi32>
      %add3A_991 = arith.addi %max3A_8, %add3A_990 : vector<16xi32>
      %select_n3A_992 = arith.select %lt3A_988, %add3A_991, %max3A_8 : vector<16xi1>, vector<16xi32>
      %broadcast_in_dim3A_993 = vector.shape_cast %select_n3A_992 : vector<16xi32> to vector<16x1xi32>
      %gather3A_994 = vector.shape_cast %broadcast_in_dim3A_993 : vector<16x1xi32> to vector<16xi32>
      %gather3A_995 = tpu.dynamic_gather %masked_sort3A_837[%gather3A_994] in [0] : vector<16xf32>, vector<16xi32> -> vector<16xf32>
      %eq3A_996 = arith.constant 0 : i32
      %eq3A_997 = vector.broadcast %eq3A_996 : i32 to vector<16xi32>
      %eq3A_998 = arith.cmpi eq, %iota3A, %eq3A_997 : vector<16xi32>
      %broadcast_in_dim3A_999 = vector.broadcast %reduce_max3A_981 : f32 to vector<16xf32>
      %select_n3A_1000 = arith.select %eq3A_998, %broadcast_in_dim3A_999, %gather3A_995 : vector<16xi1>, vector<16xf32>
      %ne3A_1001 = arith.cmpf one, %masked_sort3A_837, %select_n3A_1000 : vector<16xf32>
      %add3A_1002 = arith.constant 32 : i32
      %add3A_1003 = vector.broadcast %add3A_1002 : i32 to vector<16xi32>
      %add3A_1004 = arith.addi %iota3A, %add3A_1003 : vector<16xi32>
      %jit3A_1005 = arith.constant 0 : i32
      %broadcast_in_dim3A_1006 = vector.broadcast %jit3A_1005 : i32 to vector<16xi32>
      %select_n3A_1007 = arith.select %ne3A_1001, %add3A_1004, %broadcast_in_dim3A_1006 : vector<16xi1>, vector<16xi32>
      %max3A_1008 = vector.broadcast %reduce_max3A_977 : i32 to vector<16xi32>
      %max3A_1009 = arith.maxsi %select_n3A_1007, %max3A_1008 : vector<16xi32>
      %broadcast_in_dim3A_1010 = arith.constant true
      %broadcast_in_dim3A_1011 = vector.broadcast %broadcast_in_dim3A_1010 : i1 to vector<16xi1>
      %masked_cummax3A_1012 = arith.constant -2147483648 : i32
      %masked_cummax3A_1013 = vector.broadcast %masked_cummax3A_1012 : i32 to vector<16xi32>
      %masked_cummax3A_1014 = arith.xori %max3A_1009, %masked_cummax3A_1013 : vector<16xi32>
      %masked_cummax3A_1015 = tpu.scan <max>, %masked_cummax3A_1014 masked %broadcast_in_dim3A_1011 : vector<16xi32>, vector<16xi1> -> vector<16xi32>
      %masked_cummax3A_1016 = arith.xori %masked_cummax3A_1015, %masked_cummax3A_1013 : vector<16xi32>
      %reduce_max3A_1017 = arith.constant true
      %reduce_max3A_1018 = vector.broadcast %reduce_max3A_1017 : i1 to vector<16xi1>
      %reduce_max3A_1019 = arith.constant -2147483648 : i32
      %reduce_max3A_1020 = vector.broadcast %reduce_max3A_1019 : i32 to vector<16xi32>
      %reduce_max3A_1021 = arith.xori %masked_cummax3A_1016, %reduce_max3A_1020 : vector<16xi32>
      %reduce_max3A_1022 = tpu.scan <max>, %reduce_max3A_1021 masked %reduce_max3A_1018 : vector<16xi32>, vector<16xi1> -> vector<16xi32>
      %reduce_max3A_1023 = arith.xori %reduce_max3A_1022, %reduce_max3A_1020 : vector<16xi32>
      %reduce_max3A_1024 = vector.extract %reduce_max3A_1023[15] : i32 from vector<16xi32>
      %reduce_max3A_1025 = arith.constant true
      %reduce_max3A_1026 = vector.broadcast %reduce_max3A_1025 : i1 to vector<16xi1>
      %reduce_max3A_1027 = tpu.scan <max>, %masked_sort3A_837 masked %reduce_max3A_1026 : vector<16xf32>, vector<16xi1> -> vector<16xf32>
      %reduce_max3A_1028 = vector.extract %reduce_max3A_1027[15] : f32 from vector<16xf32>
      %mul3A_1029 = arith.constant 256 : i32
      %mul3A_1030 = vector.broadcast %mul3A_1029 : i32 to vector<16xi32>
      %mul3A_1031 = arith.muli %masked_cummax3A_1016, %mul3A_1030 : vector<16xi32>
      %add3A_1032 = arith.addi %mul3A_1031, %masked_sort3A_838 : vector<16xi32>
      %lt3A_1033 = arith.constant 0 : i32
      %lt3A_1034 = vector.broadcast %lt3A_1033 : i32 to vector<16xi32>
      %lt3A_1035 = arith.cmpi slt, %max3A_8, %lt3A_1034 : vector<16xi32>
      %add3A_1036 = arith.constant 16 : i32
      %add3A_1037 = vector.broadcast %add3A_1036 : i32 to vector<16xi32>
      %add3A_1038 = arith.addi %max3A_8, %add3A_1037 : vector<16xi32>
      %select_n3A_1039 = arith.select %lt3A_1035, %add3A_1038, %max3A_8 : vector<16xi1>, vector<16xi32>
      %broadcast_in_dim3A_1040 = vector.shape_cast %select_n3A_1039 : vector<16xi32> to vector<16x1xi32>
      %gather3A_1041 = vector.shape_cast %broadcast_in_dim3A_1040 : vector<16x1xi32> to vector<16xi32>
      %gather3A_1042 = tpu.dynamic_gather %masked_sort3A_841[%gather3A_1041] in [0] : vector<16xf32>, vector<16xi32> -> vector<16xf32>
      %eq3A_1043 = arith.constant 0 : i32
      %eq3A_1044 = vector.broadcast %eq3A_1043 : i32 to vector<16xi32>
      %eq3A_1045 = arith.cmpi eq, %iota3A, %eq3A_1044 : vector<16xi32>
      %broadcast_in_dim3A_1046 = vector.broadcast %reduce_max3A_1028 : f32 to vector<16xf32>
      %select_n3A_1047 = arith.select %eq3A_1045, %broadcast_in_dim3A_1046, %gather3A_1042 : vector<16xi1>, vector<16xf32>
      %ne3A_1048 = arith.cmpf one, %masked_sort3A_841, %select_n3A_1047 : vector<16xf32>
      %add3A_1049 = arith.constant 48 : i32
      %add3A_1050 = vector.broadcast %add3A_1049 : i32 to vector<16xi32>
      %add3A_1051 = arith.addi %iota3A, %add3A_1050 : vector<16xi32>
      %jit3A_1052 = arith.constant 0 : i32
      %broadcast_in_dim3A_1053 = vector.broadcast %jit3A_1052 : i32 to vector<16xi32>
      %select_n3A_1054 = arith.select %ne3A_1048, %add3A_1051, %broadcast_in_dim3A_1053 : vector<16xi1>, vector<16xi32>
      %max3A_1055 = vector.broadcast %reduce_max3A_1024 : i32 to vector<16xi32>
      %max3A_1056 = arith.maxsi %select_n3A_1054, %max3A_1055 : vector<16xi32>
      %broadcast_in_dim3A_1057 = arith.constant true
      %broadcast_in_dim3A_1058 = vector.broadcast %broadcast_in_dim3A_1057 : i1 to vector<16xi1>
      %masked_cummax3A_1059 = arith.constant -2147483648 : i32
      %masked_cummax3A_1060 = vector.broadcast %masked_cummax3A_1059 : i32 to vector<16xi32>
      %masked_cummax3A_1061 = arith.xori %max3A_1056, %masked_cummax3A_1060 : vector<16xi32>
      %masked_cummax3A_1062 = tpu.scan <max>, %masked_cummax3A_1061 masked %broadcast_in_dim3A_1058 : vector<16xi32>, vector<16xi1> -> vector<16xi32>
      %masked_cummax3A_1063 = arith.xori %masked_cummax3A_1062, %masked_cummax3A_1060 : vector<16xi32>
      %reduce_max3A_1064 = arith.constant true
      %reduce_max3A_1065 = vector.broadcast %reduce_max3A_1064 : i1 to vector<16xi1>
      %reduce_max3A_1066 = arith.constant -2147483648 : i32
      %reduce_max3A_1067 = vector.broadcast %reduce_max3A_1066 : i32 to vector<16xi32>
      %reduce_max3A_1068 = arith.xori %masked_cummax3A_1063, %reduce_max3A_1067 : vector<16xi32>
      %reduce_max3A_1069 = tpu.scan <max>, %reduce_max3A_1068 masked %reduce_max3A_1065 : vector<16xi32>, vector<16xi1> -> vector<16xi32>
      %reduce_max3A_1070 = arith.xori %reduce_max3A_1069, %reduce_max3A_1067 : vector<16xi32>
      %reduce_max3A_1071 = vector.extract %reduce_max3A_1070[15] : i32 from vector<16xi32>
      %reduce_max3A_1072 = arith.constant true
      %reduce_max3A_1073 = vector.broadcast %reduce_max3A_1072 : i1 to vector<16xi1>
      %reduce_max3A_1074 = tpu.scan <max>, %masked_sort3A_841 masked %reduce_max3A_1073 : vector<16xf32>, vector<16xi1> -> vector<16xf32>
      %reduce_max3A_1075 = vector.extract %reduce_max3A_1074[15] : f32 from vector<16xf32>
      %mul3A_1076 = arith.constant 256 : i32
      %mul3A_1077 = vector.broadcast %mul3A_1076 : i32 to vector<16xi32>
      %mul3A_1078 = arith.muli %masked_cummax3A_1063, %mul3A_1077 : vector<16xi32>
      %add3A_1079 = arith.addi %mul3A_1078, %masked_sort3A_842 : vector<16xi32>
      %lt3A_1080 = arith.constant 0 : i32
      %lt3A_1081 = vector.broadcast %lt3A_1080 : i32 to vector<16xi32>
      %lt3A_1082 = arith.cmpi slt, %max3A_8, %lt3A_1081 : vector<16xi32>
      %add3A_1083 = arith.constant 16 : i32
      %add3A_1084 = vector.broadcast %add3A_1083 : i32 to vector<16xi32>
      %add3A_1085 = arith.addi %max3A_8, %add3A_1084 : vector<16xi32>
      %select_n3A_1086 = arith.select %lt3A_1082, %add3A_1085, %max3A_8 : vector<16xi1>, vector<16xi32>
      %broadcast_in_dim3A_1087 = vector.shape_cast %select_n3A_1086 : vector<16xi32> to vector<16x1xi32>
      %gather3A_1088 = vector.shape_cast %broadcast_in_dim3A_1087 : vector<16x1xi32> to vector<16xi32>
      %gather3A_1089 = tpu.dynamic_gather %masked_sort3A_845[%gather3A_1088] in [0] : vector<16xf32>, vector<16xi32> -> vector<16xf32>
      %eq3A_1090 = arith.constant 0 : i32
      %eq3A_1091 = vector.broadcast %eq3A_1090 : i32 to vector<16xi32>
      %eq3A_1092 = arith.cmpi eq, %iota3A, %eq3A_1091 : vector<16xi32>
      %broadcast_in_dim3A_1093 = vector.broadcast %reduce_max3A_1075 : f32 to vector<16xf32>
      %select_n3A_1094 = arith.select %eq3A_1092, %broadcast_in_dim3A_1093, %gather3A_1089 : vector<16xi1>, vector<16xf32>
      %ne3A_1095 = arith.cmpf one, %masked_sort3A_845, %select_n3A_1094 : vector<16xf32>
      %add3A_1096 = arith.constant 64 : i32
      %add3A_1097 = vector.broadcast %add3A_1096 : i32 to vector<16xi32>
      %add3A_1098 = arith.addi %iota3A, %add3A_1097 : vector<16xi32>
      %jit3A_1099 = arith.constant 0 : i32
      %broadcast_in_dim3A_1100 = vector.broadcast %jit3A_1099 : i32 to vector<16xi32>
      %select_n3A_1101 = arith.select %ne3A_1095, %add3A_1098, %broadcast_in_dim3A_1100 : vector<16xi1>, vector<16xi32>
      %max3A_1102 = vector.broadcast %reduce_max3A_1071 : i32 to vector<16xi32>
      %max3A_1103 = arith.maxsi %select_n3A_1101, %max3A_1102 : vector<16xi32>
      %broadcast_in_dim3A_1104 = arith.constant true
      %broadcast_in_dim3A_1105 = vector.broadcast %broadcast_in_dim3A_1104 : i1 to vector<16xi1>
      %masked_cummax3A_1106 = arith.constant -2147483648 : i32
      %masked_cummax3A_1107 = vector.broadcast %masked_cummax3A_1106 : i32 to vector<16xi32>
      %masked_cummax3A_1108 = arith.xori %max3A_1103, %masked_cummax3A_1107 : vector<16xi32>
      %masked_cummax3A_1109 = tpu.scan <max>, %masked_cummax3A_1108 masked %broadcast_in_dim3A_1105 : vector<16xi32>, vector<16xi1> -> vector<16xi32>
      %masked_cummax3A_1110 = arith.xori %masked_cummax3A_1109, %masked_cummax3A_1107 : vector<16xi32>
      %reduce_max3A_1111 = arith.constant true
      %reduce_max3A_1112 = vector.broadcast %reduce_max3A_1111 : i1 to vector<16xi1>
      %reduce_max3A_1113 = arith.constant -2147483648 : i32
      %reduce_max3A_1114 = vector.broadcast %reduce_max3A_1113 : i32 to vector<16xi32>
      %reduce_max3A_1115 = arith.xori %masked_cummax3A_1110, %reduce_max3A_1114 : vector<16xi32>
      %reduce_max3A_1116 = tpu.scan <max>, %reduce_max3A_1115 masked %reduce_max3A_1112 : vector<16xi32>, vector<16xi1> -> vector<16xi32>
      %reduce_max3A_1117 = arith.xori %reduce_max3A_1116, %reduce_max3A_1114 : vector<16xi32>
      %reduce_max3A_1118 = vector.extract %reduce_max3A_1117[15] : i32 from vector<16xi32>
      %reduce_max3A_1119 = arith.constant true
      %reduce_max3A_1120 = vector.broadcast %reduce_max3A_1119 : i1 to vector<16xi1>
      %reduce_max3A_1121 = tpu.scan <max>, %masked_sort3A_845 masked %reduce_max3A_1120 : vector<16xf32>, vector<16xi1> -> vector<16xf32>
      %reduce_max3A_1122 = vector.extract %reduce_max3A_1121[15] : f32 from vector<16xf32>
      %mul3A_1123 = arith.constant 256 : i32
      %mul3A_1124 = vector.broadcast %mul3A_1123 : i32 to vector<16xi32>
      %mul3A_1125 = arith.muli %masked_cummax3A_1110, %mul3A_1124 : vector<16xi32>
      %add3A_1126 = arith.addi %mul3A_1125, %masked_sort3A_846 : vector<16xi32>
      %lt3A_1127 = arith.constant 0 : i32
      %lt3A_1128 = vector.broadcast %lt3A_1127 : i32 to vector<16xi32>
      %lt3A_1129 = arith.cmpi slt, %max3A_8, %lt3A_1128 : vector<16xi32>
      %add3A_1130 = arith.constant 16 : i32
      %add3A_1131 = vector.broadcast %add3A_1130 : i32 to vector<16xi32>
      %add3A_1132 = arith.addi %max3A_8, %add3A_1131 : vector<16xi32>
      %select_n3A_1133 = arith.select %lt3A_1129, %add3A_1132, %max3A_8 : vector<16xi1>, vector<16xi32>
      %broadcast_in_dim3A_1134 = vector.shape_cast %select_n3A_1133 : vector<16xi32> to vector<16x1xi32>
      %gather3A_1135 = vector.shape_cast %broadcast_in_dim3A_1134 : vector<16x1xi32> to vector<16xi32>
      %gather3A_1136 = tpu.dynamic_gather %masked_sort3A_849[%gather3A_1135] in [0] : vector<16xf32>, vector<16xi32> -> vector<16xf32>
      %eq3A_1137 = arith.constant 0 : i32
      %eq3A_1138 = vector.broadcast %eq3A_1137 : i32 to vector<16xi32>
      %eq3A_1139 = arith.cmpi eq, %iota3A, %eq3A_1138 : vector<16xi32>
      %broadcast_in_dim3A_1140 = vector.broadcast %reduce_max3A_1122 : f32 to vector<16xf32>
      %select_n3A_1141 = arith.select %eq3A_1139, %broadcast_in_dim3A_1140, %gather3A_1136 : vector<16xi1>, vector<16xf32>
      %ne3A_1142 = arith.cmpf one, %masked_sort3A_849, %select_n3A_1141 : vector<16xf32>
      %add3A_1143 = arith.constant 80 : i32
      %add3A_1144 = vector.broadcast %add3A_1143 : i32 to vector<16xi32>
      %add3A_1145 = arith.addi %iota3A, %add3A_1144 : vector<16xi32>
      %jit3A_1146 = arith.constant 0 : i32
      %broadcast_in_dim3A_1147 = vector.broadcast %jit3A_1146 : i32 to vector<16xi32>
      %select_n3A_1148 = arith.select %ne3A_1142, %add3A_1145, %broadcast_in_dim3A_1147 : vector<16xi1>, vector<16xi32>
      %max3A_1149 = vector.broadcast %reduce_max3A_1118 : i32 to vector<16xi32>
      %max3A_1150 = arith.maxsi %select_n3A_1148, %max3A_1149 : vector<16xi32>
      %broadcast_in_dim3A_1151 = arith.constant true
      %broadcast_in_dim3A_1152 = vector.broadcast %broadcast_in_dim3A_1151 : i1 to vector<16xi1>
      %masked_cummax3A_1153 = arith.constant -2147483648 : i32
      %masked_cummax3A_1154 = vector.broadcast %masked_cummax3A_1153 : i32 to vector<16xi32>
      %masked_cummax3A_1155 = arith.xori %max3A_1150, %masked_cummax3A_1154 : vector<16xi32>
      %masked_cummax3A_1156 = tpu.scan <max>, %masked_cummax3A_1155 masked %broadcast_in_dim3A_1152 : vector<16xi32>, vector<16xi1> -> vector<16xi32>
      %masked_cummax3A_1157 = arith.xori %masked_cummax3A_1156, %masked_cummax3A_1154 : vector<16xi32>
      %reduce_max3A_1158 = arith.constant true
      %reduce_max3A_1159 = vector.broadcast %reduce_max3A_1158 : i1 to vector<16xi1>
      %reduce_max3A_1160 = arith.constant -2147483648 : i32
      %reduce_max3A_1161 = vector.broadcast %reduce_max3A_1160 : i32 to vector<16xi32>
      %reduce_max3A_1162 = arith.xori %masked_cummax3A_1157, %reduce_max3A_1161 : vector<16xi32>
      %reduce_max3A_1163 = tpu.scan <max>, %reduce_max3A_1162 masked %reduce_max3A_1159 : vector<16xi32>, vector<16xi1> -> vector<16xi32>
      %reduce_max3A_1164 = arith.xori %reduce_max3A_1163, %reduce_max3A_1161 : vector<16xi32>
      %reduce_max3A_1165 = vector.extract %reduce_max3A_1164[15] : i32 from vector<16xi32>
      %reduce_max3A_1166 = arith.constant true
      %reduce_max3A_1167 = vector.broadcast %reduce_max3A_1166 : i1 to vector<16xi1>
      %reduce_max3A_1168 = tpu.scan <max>, %masked_sort3A_849 masked %reduce_max3A_1167 : vector<16xf32>, vector<16xi1> -> vector<16xf32>
      %reduce_max3A_1169 = vector.extract %reduce_max3A_1168[15] : f32 from vector<16xf32>
      %mul3A_1170 = arith.constant 256 : i32
      %mul3A_1171 = vector.broadcast %mul3A_1170 : i32 to vector<16xi32>
      %mul3A_1172 = arith.muli %masked_cummax3A_1157, %mul3A_1171 : vector<16xi32>
      %add3A_1173 = arith.addi %mul3A_1172, %masked_sort3A_850 : vector<16xi32>
      %lt3A_1174 = arith.constant 0 : i32
      %lt3A_1175 = vector.broadcast %lt3A_1174 : i32 to vector<16xi32>
      %lt3A_1176 = arith.cmpi slt, %max3A_8, %lt3A_1175 : vector<16xi32>
      %add3A_1177 = arith.constant 16 : i32
      %add3A_1178 = vector.broadcast %add3A_1177 : i32 to vector<16xi32>
      %add3A_1179 = arith.addi %max3A_8, %add3A_1178 : vector<16xi32>
      %select_n3A_1180 = arith.select %lt3A_1176, %add3A_1179, %max3A_8 : vector<16xi1>, vector<16xi32>
      %broadcast_in_dim3A_1181 = vector.shape_cast %select_n3A_1180 : vector<16xi32> to vector<16x1xi32>
      %gather3A_1182 = vector.shape_cast %broadcast_in_dim3A_1181 : vector<16x1xi32> to vector<16xi32>
      %gather3A_1183 = tpu.dynamic_gather %masked_sort3A_853[%gather3A_1182] in [0] : vector<16xf32>, vector<16xi32> -> vector<16xf32>
      %eq3A_1184 = arith.constant 0 : i32
      %eq3A_1185 = vector.broadcast %eq3A_1184 : i32 to vector<16xi32>
      %eq3A_1186 = arith.cmpi eq, %iota3A, %eq3A_1185 : vector<16xi32>
      %broadcast_in_dim3A_1187 = vector.broadcast %reduce_max3A_1169 : f32 to vector<16xf32>
      %select_n3A_1188 = arith.select %eq3A_1186, %broadcast_in_dim3A_1187, %gather3A_1183 : vector<16xi1>, vector<16xf32>
      %ne3A_1189 = arith.cmpf one, %masked_sort3A_853, %select_n3A_1188 : vector<16xf32>
      %add3A_1190 = arith.constant 96 : i32
      %add3A_1191 = vector.broadcast %add3A_1190 : i32 to vector<16xi32>
      %add3A_1192 = arith.addi %iota3A, %add3A_1191 : vector<16xi32>
      %jit3A_1193 = arith.constant 0 : i32
      %broadcast_in_dim3A_1194 = vector.broadcast %jit3A_1193 : i32 to vector<16xi32>
      %select_n3A_1195 = arith.select %ne3A_1189, %add3A_1192, %broadcast_in_dim3A_1194 : vector<16xi1>, vector<16xi32>
      %max3A_1196 = vector.broadcast %reduce_max3A_1165 : i32 to vector<16xi32>
      %max3A_1197 = arith.maxsi %select_n3A_1195, %max3A_1196 : vector<16xi32>
      %broadcast_in_dim3A_1198 = arith.constant true
      %broadcast_in_dim3A_1199 = vector.broadcast %broadcast_in_dim3A_1198 : i1 to vector<16xi1>
      %masked_cummax3A_1200 = arith.constant -2147483648 : i32
      %masked_cummax3A_1201 = vector.broadcast %masked_cummax3A_1200 : i32 to vector<16xi32>
      %masked_cummax3A_1202 = arith.xori %max3A_1197, %masked_cummax3A_1201 : vector<16xi32>
      %masked_cummax3A_1203 = tpu.scan <max>, %masked_cummax3A_1202 masked %broadcast_in_dim3A_1199 : vector<16xi32>, vector<16xi1> -> vector<16xi32>
      %masked_cummax3A_1204 = arith.xori %masked_cummax3A_1203, %masked_cummax3A_1201 : vector<16xi32>
      %reduce_max3A_1205 = arith.constant true
      %reduce_max3A_1206 = vector.broadcast %reduce_max3A_1205 : i1 to vector<16xi1>
      %reduce_max3A_1207 = arith.constant -2147483648 : i32
      %reduce_max3A_1208 = vector.broadcast %reduce_max3A_1207 : i32 to vector<16xi32>
      %reduce_max3A_1209 = arith.xori %masked_cummax3A_1204, %reduce_max3A_1208 : vector<16xi32>
      %reduce_max3A_1210 = tpu.scan <max>, %reduce_max3A_1209 masked %reduce_max3A_1206 : vector<16xi32>, vector<16xi1> -> vector<16xi32>
      %reduce_max3A_1211 = arith.xori %reduce_max3A_1210, %reduce_max3A_1208 : vector<16xi32>
      %reduce_max3A_1212 = vector.extract %reduce_max3A_1211[15] : i32 from vector<16xi32>
      %reduce_max3A_1213 = arith.constant true
      %reduce_max3A_1214 = vector.broadcast %reduce_max3A_1213 : i1 to vector<16xi1>
      %reduce_max3A_1215 = tpu.scan <max>, %masked_sort3A_853 masked %reduce_max3A_1214 : vector<16xf32>, vector<16xi1> -> vector<16xf32>
      %reduce_max3A_1216 = vector.extract %reduce_max3A_1215[15] : f32 from vector<16xf32>
      %mul3A_1217 = arith.constant 256 : i32
      %mul3A_1218 = vector.broadcast %mul3A_1217 : i32 to vector<16xi32>
      %mul3A_1219 = arith.muli %masked_cummax3A_1204, %mul3A_1218 : vector<16xi32>
      %add3A_1220 = arith.addi %mul3A_1219, %masked_sort3A_854 : vector<16xi32>
      %lt3A_1221 = arith.constant 0 : i32
      %lt3A_1222 = vector.broadcast %lt3A_1221 : i32 to vector<16xi32>
      %lt3A_1223 = arith.cmpi slt, %max3A_8, %lt3A_1222 : vector<16xi32>
      %add3A_1224 = arith.constant 16 : i32
      %add3A_1225 = vector.broadcast %add3A_1224 : i32 to vector<16xi32>
      %add3A_1226 = arith.addi %max3A_8, %add3A_1225 : vector<16xi32>
      %select_n3A_1227 = arith.select %lt3A_1223, %add3A_1226, %max3A_8 : vector<16xi1>, vector<16xi32>
      %broadcast_in_dim3A_1228 = vector.shape_cast %select_n3A_1227 : vector<16xi32> to vector<16x1xi32>
      %gather3A_1229 = vector.shape_cast %broadcast_in_dim3A_1228 : vector<16x1xi32> to vector<16xi32>
      %gather3A_1230 = tpu.dynamic_gather %masked_sort3A_857[%gather3A_1229] in [0] : vector<16xf32>, vector<16xi32> -> vector<16xf32>
      %eq3A_1231 = arith.constant 0 : i32
      %eq3A_1232 = vector.broadcast %eq3A_1231 : i32 to vector<16xi32>
      %eq3A_1233 = arith.cmpi eq, %iota3A, %eq3A_1232 : vector<16xi32>
      %broadcast_in_dim3A_1234 = vector.broadcast %reduce_max3A_1216 : f32 to vector<16xf32>
      %select_n3A_1235 = arith.select %eq3A_1233, %broadcast_in_dim3A_1234, %gather3A_1230 : vector<16xi1>, vector<16xf32>
      %ne3A_1236 = arith.cmpf one, %masked_sort3A_857, %select_n3A_1235 : vector<16xf32>
      %add3A_1237 = arith.constant 112 : i32
      %add3A_1238 = vector.broadcast %add3A_1237 : i32 to vector<16xi32>
      %add3A_1239 = arith.addi %iota3A, %add3A_1238 : vector<16xi32>
      %jit3A_1240 = arith.constant 0 : i32
      %broadcast_in_dim3A_1241 = vector.broadcast %jit3A_1240 : i32 to vector<16xi32>
      %select_n3A_1242 = arith.select %ne3A_1236, %add3A_1239, %broadcast_in_dim3A_1241 : vector<16xi1>, vector<16xi32>
      %max3A_1243 = vector.broadcast %reduce_max3A_1212 : i32 to vector<16xi32>
      %max3A_1244 = arith.maxsi %select_n3A_1242, %max3A_1243 : vector<16xi32>
      %broadcast_in_dim3A_1245 = arith.constant true
      %broadcast_in_dim3A_1246 = vector.broadcast %broadcast_in_dim3A_1245 : i1 to vector<16xi1>
      %masked_cummax3A_1247 = arith.constant -2147483648 : i32
      %masked_cummax3A_1248 = vector.broadcast %masked_cummax3A_1247 : i32 to vector<16xi32>
      %masked_cummax3A_1249 = arith.xori %max3A_1244, %masked_cummax3A_1248 : vector<16xi32>
      %masked_cummax3A_1250 = tpu.scan <max>, %masked_cummax3A_1249 masked %broadcast_in_dim3A_1246 : vector<16xi32>, vector<16xi1> -> vector<16xi32>
      %masked_cummax3A_1251 = arith.xori %masked_cummax3A_1250, %masked_cummax3A_1248 : vector<16xi32>
      %reduce_max3A_1252 = arith.constant true
      %reduce_max3A_1253 = vector.broadcast %reduce_max3A_1252 : i1 to vector<16xi1>
      %reduce_max3A_1254 = arith.constant -2147483648 : i32
      %reduce_max3A_1255 = vector.broadcast %reduce_max3A_1254 : i32 to vector<16xi32>
      %reduce_max3A_1256 = arith.xori %masked_cummax3A_1251, %reduce_max3A_1255 : vector<16xi32>
      %reduce_max3A_1257 = tpu.scan <max>, %reduce_max3A_1256 masked %reduce_max3A_1253 : vector<16xi32>, vector<16xi1> -> vector<16xi32>
      %reduce_max3A_1258 = arith.xori %reduce_max3A_1257, %reduce_max3A_1255 : vector<16xi32>
      %reduce_max3A_1259 = vector.extract %reduce_max3A_1258[15] : i32 from vector<16xi32>
      %reduce_max3A_1260 = arith.constant true
      %reduce_max3A_1261 = vector.broadcast %reduce_max3A_1260 : i1 to vector<16xi1>
      %reduce_max3A_1262 = tpu.scan <max>, %masked_sort3A_857 masked %reduce_max3A_1261 : vector<16xf32>, vector<16xi1> -> vector<16xf32>
      %reduce_max3A_1263 = vector.extract %reduce_max3A_1262[15] : f32 from vector<16xf32>
      %mul3A_1264 = arith.constant 256 : i32
      %mul3A_1265 = vector.broadcast %mul3A_1264 : i32 to vector<16xi32>
      %mul3A_1266 = arith.muli %masked_cummax3A_1251, %mul3A_1265 : vector<16xi32>
      %add3A_1267 = arith.addi %mul3A_1266, %masked_sort3A_858 : vector<16xi32>
      %lt3A_1268 = arith.constant 0 : i32
      %lt3A_1269 = vector.broadcast %lt3A_1268 : i32 to vector<16xi32>
      %lt3A_1270 = arith.cmpi slt, %max3A_8, %lt3A_1269 : vector<16xi32>
      %add3A_1271 = arith.constant 16 : i32
      %add3A_1272 = vector.broadcast %add3A_1271 : i32 to vector<16xi32>
      %add3A_1273 = arith.addi %max3A_8, %add3A_1272 : vector<16xi32>
      %select_n3A_1274 = arith.select %lt3A_1270, %add3A_1273, %max3A_8 : vector<16xi1>, vector<16xi32>
      %broadcast_in_dim3A_1275 = vector.shape_cast %select_n3A_1274 : vector<16xi32> to vector<16x1xi32>
      %gather3A_1276 = vector.shape_cast %broadcast_in_dim3A_1275 : vector<16x1xi32> to vector<16xi32>
      %gather3A_1277 = tpu.dynamic_gather %masked_sort3A_861[%gather3A_1276] in [0] : vector<16xf32>, vector<16xi32> -> vector<16xf32>
      %eq3A_1278 = arith.constant 0 : i32
      %eq3A_1279 = vector.broadcast %eq3A_1278 : i32 to vector<16xi32>
      %eq3A_1280 = arith.cmpi eq, %iota3A, %eq3A_1279 : vector<16xi32>
      %broadcast_in_dim3A_1281 = vector.broadcast %reduce_max3A_1263 : f32 to vector<16xf32>
      %select_n3A_1282 = arith.select %eq3A_1280, %broadcast_in_dim3A_1281, %gather3A_1277 : vector<16xi1>, vector<16xf32>
      %ne3A_1283 = arith.cmpf one, %masked_sort3A_861, %select_n3A_1282 : vector<16xf32>
      %add3A_1284 = arith.constant 128 : i32
      %add3A_1285 = vector.broadcast %add3A_1284 : i32 to vector<16xi32>
      %add3A_1286 = arith.addi %iota3A, %add3A_1285 : vector<16xi32>
      %jit3A_1287 = arith.constant 0 : i32
      %broadcast_in_dim3A_1288 = vector.broadcast %jit3A_1287 : i32 to vector<16xi32>
      %select_n3A_1289 = arith.select %ne3A_1283, %add3A_1286, %broadcast_in_dim3A_1288 : vector<16xi1>, vector<16xi32>
      %max3A_1290 = vector.broadcast %reduce_max3A_1259 : i32 to vector<16xi32>
      %max3A_1291 = arith.maxsi %select_n3A_1289, %max3A_1290 : vector<16xi32>
      %broadcast_in_dim3A_1292 = arith.constant true
      %broadcast_in_dim3A_1293 = vector.broadcast %broadcast_in_dim3A_1292 : i1 to vector<16xi1>
      %masked_cummax3A_1294 = arith.constant -2147483648 : i32
      %masked_cummax3A_1295 = vector.broadcast %masked_cummax3A_1294 : i32 to vector<16xi32>
      %masked_cummax3A_1296 = arith.xori %max3A_1291, %masked_cummax3A_1295 : vector<16xi32>
      %masked_cummax3A_1297 = tpu.scan <max>, %masked_cummax3A_1296 masked %broadcast_in_dim3A_1293 : vector<16xi32>, vector<16xi1> -> vector<16xi32>
      %masked_cummax3A_1298 = arith.xori %masked_cummax3A_1297, %masked_cummax3A_1295 : vector<16xi32>
      %reduce_max3A_1299 = arith.constant true
      %reduce_max3A_1300 = vector.broadcast %reduce_max3A_1299 : i1 to vector<16xi1>
      %reduce_max3A_1301 = arith.constant -2147483648 : i32
      %reduce_max3A_1302 = vector.broadcast %reduce_max3A_1301 : i32 to vector<16xi32>
      %reduce_max3A_1303 = arith.xori %masked_cummax3A_1298, %reduce_max3A_1302 : vector<16xi32>
      %reduce_max3A_1304 = tpu.scan <max>, %reduce_max3A_1303 masked %reduce_max3A_1300 : vector<16xi32>, vector<16xi1> -> vector<16xi32>
      %reduce_max3A_1305 = arith.xori %reduce_max3A_1304, %reduce_max3A_1302 : vector<16xi32>
      %reduce_max3A_1306 = vector.extract %reduce_max3A_1305[15] : i32 from vector<16xi32>
      %reduce_max3A_1307 = arith.constant true
      %reduce_max3A_1308 = vector.broadcast %reduce_max3A_1307 : i1 to vector<16xi1>
      %reduce_max3A_1309 = tpu.scan <max>, %masked_sort3A_861 masked %reduce_max3A_1308 : vector<16xf32>, vector<16xi1> -> vector<16xf32>
      %reduce_max3A_1310 = vector.extract %reduce_max3A_1309[15] : f32 from vector<16xf32>
      %mul3A_1311 = arith.constant 256 : i32
      %mul3A_1312 = vector.broadcast %mul3A_1311 : i32 to vector<16xi32>
      %mul3A_1313 = arith.muli %masked_cummax3A_1298, %mul3A_1312 : vector<16xi32>
      %add3A_1314 = arith.addi %mul3A_1313, %masked_sort3A_862 : vector<16xi32>
      %lt3A_1315 = arith.constant 0 : i32
      %lt3A_1316 = vector.broadcast %lt3A_1315 : i32 to vector<16xi32>
      %lt3A_1317 = arith.cmpi slt, %max3A_8, %lt3A_1316 : vector<16xi32>
      %add3A_1318 = arith.constant 16 : i32
      %add3A_1319 = vector.broadcast %add3A_1318 : i32 to vector<16xi32>
      %add3A_1320 = arith.addi %max3A_8, %add3A_1319 : vector<16xi32>
      %select_n3A_1321 = arith.select %lt3A_1317, %add3A_1320, %max3A_8 : vector<16xi1>, vector<16xi32>
      %broadcast_in_dim3A_1322 = vector.shape_cast %select_n3A_1321 : vector<16xi32> to vector<16x1xi32>
      %gather3A_1323 = vector.shape_cast %broadcast_in_dim3A_1322 : vector<16x1xi32> to vector<16xi32>
      %gather3A_1324 = tpu.dynamic_gather %masked_sort3A_865[%gather3A_1323] in [0] : vector<16xf32>, vector<16xi32> -> vector<16xf32>
      %eq3A_1325 = arith.constant 0 : i32
      %eq3A_1326 = vector.broadcast %eq3A_1325 : i32 to vector<16xi32>
      %eq3A_1327 = arith.cmpi eq, %iota3A, %eq3A_1326 : vector<16xi32>
      %broadcast_in_dim3A_1328 = vector.broadcast %reduce_max3A_1310 : f32 to vector<16xf32>
      %select_n3A_1329 = arith.select %eq3A_1327, %broadcast_in_dim3A_1328, %gather3A_1324 : vector<16xi1>, vector<16xf32>
      %ne3A_1330 = arith.cmpf one, %masked_sort3A_865, %select_n3A_1329 : vector<16xf32>
      %add3A_1331 = arith.constant 144 : i32
      %add3A_1332 = vector.broadcast %add3A_1331 : i32 to vector<16xi32>
      %add3A_1333 = arith.addi %iota3A, %add3A_1332 : vector<16xi32>
      %jit3A_1334 = arith.constant 0 : i32
      %broadcast_in_dim3A_1335 = vector.broadcast %jit3A_1334 : i32 to vector<16xi32>
      %select_n3A_1336 = arith.select %ne3A_1330, %add3A_1333, %broadcast_in_dim3A_1335 : vector<16xi1>, vector<16xi32>
      %max3A_1337 = vector.broadcast %reduce_max3A_1306 : i32 to vector<16xi32>
      %max3A_1338 = arith.maxsi %select_n3A_1336, %max3A_1337 : vector<16xi32>
      %broadcast_in_dim3A_1339 = arith.constant true
      %broadcast_in_dim3A_1340 = vector.broadcast %broadcast_in_dim3A_1339 : i1 to vector<16xi1>
      %masked_cummax3A_1341 = arith.constant -2147483648 : i32
      %masked_cummax3A_1342 = vector.broadcast %masked_cummax3A_1341 : i32 to vector<16xi32>
      %masked_cummax3A_1343 = arith.xori %max3A_1338, %masked_cummax3A_1342 : vector<16xi32>
      %masked_cummax3A_1344 = tpu.scan <max>, %masked_cummax3A_1343 masked %broadcast_in_dim3A_1340 : vector<16xi32>, vector<16xi1> -> vector<16xi32>
      %masked_cummax3A_1345 = arith.xori %masked_cummax3A_1344, %masked_cummax3A_1342 : vector<16xi32>
      %reduce_max3A_1346 = arith.constant true
      %reduce_max3A_1347 = vector.broadcast %reduce_max3A_1346 : i1 to vector<16xi1>
      %reduce_max3A_1348 = arith.constant -2147483648 : i32
      %reduce_max3A_1349 = vector.broadcast %reduce_max3A_1348 : i32 to vector<16xi32>
      %reduce_max3A_1350 = arith.xori %masked_cummax3A_1345, %reduce_max3A_1349 : vector<16xi32>
      %reduce_max3A_1351 = tpu.scan <max>, %reduce_max3A_1350 masked %reduce_max3A_1347 : vector<16xi32>, vector<16xi1> -> vector<16xi32>
      %reduce_max3A_1352 = arith.xori %reduce_max3A_1351, %reduce_max3A_1349 : vector<16xi32>
      %reduce_max3A_1353 = vector.extract %reduce_max3A_1352[15] : i32 from vector<16xi32>
      %reduce_max3A_1354 = arith.constant true
      %reduce_max3A_1355 = vector.broadcast %reduce_max3A_1354 : i1 to vector<16xi1>
      %reduce_max3A_1356 = tpu.scan <max>, %masked_sort3A_865 masked %reduce_max3A_1355 : vector<16xf32>, vector<16xi1> -> vector<16xf32>
      %reduce_max3A_1357 = vector.extract %reduce_max3A_1356[15] : f32 from vector<16xf32>
      %mul3A_1358 = arith.constant 256 : i32
      %mul3A_1359 = vector.broadcast %mul3A_1358 : i32 to vector<16xi32>
      %mul3A_1360 = arith.muli %masked_cummax3A_1345, %mul3A_1359 : vector<16xi32>
      %add3A_1361 = arith.addi %mul3A_1360, %masked_sort3A_866 : vector<16xi32>
      %lt3A_1362 = arith.constant 0 : i32
      %lt3A_1363 = vector.broadcast %lt3A_1362 : i32 to vector<16xi32>
      %lt3A_1364 = arith.cmpi slt, %max3A_8, %lt3A_1363 : vector<16xi32>
      %add3A_1365 = arith.constant 16 : i32
      %add3A_1366 = vector.broadcast %add3A_1365 : i32 to vector<16xi32>
      %add3A_1367 = arith.addi %max3A_8, %add3A_1366 : vector<16xi32>
      %select_n3A_1368 = arith.select %lt3A_1364, %add3A_1367, %max3A_8 : vector<16xi1>, vector<16xi32>
      %broadcast_in_dim3A_1369 = vector.shape_cast %select_n3A_1368 : vector<16xi32> to vector<16x1xi32>
      %gather3A_1370 = vector.shape_cast %broadcast_in_dim3A_1369 : vector<16x1xi32> to vector<16xi32>
      %gather3A_1371 = tpu.dynamic_gather %masked_sort3A_869[%gather3A_1370] in [0] : vector<16xf32>, vector<16xi32> -> vector<16xf32>
      %eq3A_1372 = arith.constant 0 : i32
      %eq3A_1373 = vector.broadcast %eq3A_1372 : i32 to vector<16xi32>
      %eq3A_1374 = arith.cmpi eq, %iota3A, %eq3A_1373 : vector<16xi32>
      %broadcast_in_dim3A_1375 = vector.broadcast %reduce_max3A_1357 : f32 to vector<16xf32>
      %select_n3A_1376 = arith.select %eq3A_1374, %broadcast_in_dim3A_1375, %gather3A_1371 : vector<16xi1>, vector<16xf32>
      %ne3A_1377 = arith.cmpf one, %masked_sort3A_869, %select_n3A_1376 : vector<16xf32>
      %add3A_1378 = arith.constant 160 : i32
      %add3A_1379 = vector.broadcast %add3A_1378 : i32 to vector<16xi32>
      %add3A_1380 = arith.addi %iota3A, %add3A_1379 : vector<16xi32>
      %jit3A_1381 = arith.constant 0 : i32
      %broadcast_in_dim3A_1382 = vector.broadcast %jit3A_1381 : i32 to vector<16xi32>
      %select_n3A_1383 = arith.select %ne3A_1377, %add3A_1380, %broadcast_in_dim3A_1382 : vector<16xi1>, vector<16xi32>
      %max3A_1384 = vector.broadcast %reduce_max3A_1353 : i32 to vector<16xi32>
      %max3A_1385 = arith.maxsi %select_n3A_1383, %max3A_1384 : vector<16xi32>
      %broadcast_in_dim3A_1386 = arith.constant true
      %broadcast_in_dim3A_1387 = vector.broadcast %broadcast_in_dim3A_1386 : i1 to vector<16xi1>
      %masked_cummax3A_1388 = arith.constant -2147483648 : i32
      %masked_cummax3A_1389 = vector.broadcast %masked_cummax3A_1388 : i32 to vector<16xi32>
      %masked_cummax3A_1390 = arith.xori %max3A_1385, %masked_cummax3A_1389 : vector<16xi32>
      %masked_cummax3A_1391 = tpu.scan <max>, %masked_cummax3A_1390 masked %broadcast_in_dim3A_1387 : vector<16xi32>, vector<16xi1> -> vector<16xi32>
      %masked_cummax3A_1392 = arith.xori %masked_cummax3A_1391, %masked_cummax3A_1389 : vector<16xi32>
      %reduce_max3A_1393 = arith.constant true
      %reduce_max3A_1394 = vector.broadcast %reduce_max3A_1393 : i1 to vector<16xi1>
      %reduce_max3A_1395 = arith.constant -2147483648 : i32
      %reduce_max3A_1396 = vector.broadcast %reduce_max3A_1395 : i32 to vector<16xi32>
      %reduce_max3A_1397 = arith.xori %masked_cummax3A_1392, %reduce_max3A_1396 : vector<16xi32>
      %reduce_max3A_1398 = tpu.scan <max>, %reduce_max3A_1397 masked %reduce_max3A_1394 : vector<16xi32>, vector<16xi1> -> vector<16xi32>
      %reduce_max3A_1399 = arith.xori %reduce_max3A_1398, %reduce_max3A_1396 : vector<16xi32>
      %reduce_max3A_1400 = vector.extract %reduce_max3A_1399[15] : i32 from vector<16xi32>
      %reduce_max3A_1401 = arith.constant true
      %reduce_max3A_1402 = vector.broadcast %reduce_max3A_1401 : i1 to vector<16xi1>
      %reduce_max3A_1403 = tpu.scan <max>, %masked_sort3A_869 masked %reduce_max3A_1402 : vector<16xf32>, vector<16xi1> -> vector<16xf32>
      %reduce_max3A_1404 = vector.extract %reduce_max3A_1403[15] : f32 from vector<16xf32>
      %mul3A_1405 = arith.constant 256 : i32
      %mul3A_1406 = vector.broadcast %mul3A_1405 : i32 to vector<16xi32>
      %mul3A_1407 = arith.muli %masked_cummax3A_1392, %mul3A_1406 : vector<16xi32>
      %add3A_1408 = arith.addi %mul3A_1407, %masked_sort3A_870 : vector<16xi32>
      %lt3A_1409 = arith.constant 0 : i32
      %lt3A_1410 = vector.broadcast %lt3A_1409 : i32 to vector<16xi32>
      %lt3A_1411 = arith.cmpi slt, %max3A_8, %lt3A_1410 : vector<16xi32>
      %add3A_1412 = arith.constant 16 : i32
      %add3A_1413 = vector.broadcast %add3A_1412 : i32 to vector<16xi32>
      %add3A_1414 = arith.addi %max3A_8, %add3A_1413 : vector<16xi32>
      %select_n3A_1415 = arith.select %lt3A_1411, %add3A_1414, %max3A_8 : vector<16xi1>, vector<16xi32>
      %broadcast_in_dim3A_1416 = vector.shape_cast %select_n3A_1415 : vector<16xi32> to vector<16x1xi32>
      %gather3A_1417 = vector.shape_cast %broadcast_in_dim3A_1416 : vector<16x1xi32> to vector<16xi32>
      %gather3A_1418 = tpu.dynamic_gather %masked_sort3A_873[%gather3A_1417] in [0] : vector<16xf32>, vector<16xi32> -> vector<16xf32>
      %eq3A_1419 = arith.constant 0 : i32
      %eq3A_1420 = vector.broadcast %eq3A_1419 : i32 to vector<16xi32>
      %eq3A_1421 = arith.cmpi eq, %iota3A, %eq3A_1420 : vector<16xi32>
      %broadcast_in_dim3A_1422 = vector.broadcast %reduce_max3A_1404 : f32 to vector<16xf32>
      %select_n3A_1423 = arith.select %eq3A_1421, %broadcast_in_dim3A_1422, %gather3A_1418 : vector<16xi1>, vector<16xf32>
      %ne3A_1424 = arith.cmpf one, %masked_sort3A_873, %select_n3A_1423 : vector<16xf32>
      %add3A_1425 = arith.constant 176 : i32
      %add3A_1426 = vector.broadcast %add3A_1425 : i32 to vector<16xi32>
      %add3A_1427 = arith.addi %iota3A, %add3A_1426 : vector<16xi32>
      %jit3A_1428 = arith.constant 0 : i32
      %broadcast_in_dim3A_1429 = vector.broadcast %jit3A_1428 : i32 to vector<16xi32>
      %select_n3A_1430 = arith.select %ne3A_1424, %add3A_1427, %broadcast_in_dim3A_1429 : vector<16xi1>, vector<16xi32>
      %max3A_1431 = vector.broadcast %reduce_max3A_1400 : i32 to vector<16xi32>
      %max3A_1432 = arith.maxsi %select_n3A_1430, %max3A_1431 : vector<16xi32>
      %broadcast_in_dim3A_1433 = arith.constant true
      %broadcast_in_dim3A_1434 = vector.broadcast %broadcast_in_dim3A_1433 : i1 to vector<16xi1>
      %masked_cummax3A_1435 = arith.constant -2147483648 : i32
      %masked_cummax3A_1436 = vector.broadcast %masked_cummax3A_1435 : i32 to vector<16xi32>
      %masked_cummax3A_1437 = arith.xori %max3A_1432, %masked_cummax3A_1436 : vector<16xi32>
      %masked_cummax3A_1438 = tpu.scan <max>, %masked_cummax3A_1437 masked %broadcast_in_dim3A_1434 : vector<16xi32>, vector<16xi1> -> vector<16xi32>
      %masked_cummax3A_1439 = arith.xori %masked_cummax3A_1438, %masked_cummax3A_1436 : vector<16xi32>
      %reduce_max3A_1440 = arith.constant true
      %reduce_max3A_1441 = vector.broadcast %reduce_max3A_1440 : i1 to vector<16xi1>
      %reduce_max3A_1442 = arith.constant -2147483648 : i32
      %reduce_max3A_1443 = vector.broadcast %reduce_max3A_1442 : i32 to vector<16xi32>
      %reduce_max3A_1444 = arith.xori %masked_cummax3A_1439, %reduce_max3A_1443 : vector<16xi32>
      %reduce_max3A_1445 = tpu.scan <max>, %reduce_max3A_1444 masked %reduce_max3A_1441 : vector<16xi32>, vector<16xi1> -> vector<16xi32>
      %reduce_max3A_1446 = arith.xori %reduce_max3A_1445, %reduce_max3A_1443 : vector<16xi32>
      %reduce_max3A_1447 = vector.extract %reduce_max3A_1446[15] : i32 from vector<16xi32>
      %reduce_max3A_1448 = arith.constant true
      %reduce_max3A_1449 = vector.broadcast %reduce_max3A_1448 : i1 to vector<16xi1>
      %reduce_max3A_1450 = tpu.scan <max>, %masked_sort3A_873 masked %reduce_max3A_1449 : vector<16xf32>, vector<16xi1> -> vector<16xf32>
      %reduce_max3A_1451 = vector.extract %reduce_max3A_1450[15] : f32 from vector<16xf32>
      %mul3A_1452 = arith.constant 256 : i32
      %mul3A_1453 = vector.broadcast %mul3A_1452 : i32 to vector<16xi32>
      %mul3A_1454 = arith.muli %masked_cummax3A_1439, %mul3A_1453 : vector<16xi32>
      %add3A_1455 = arith.addi %mul3A_1454, %masked_sort3A_874 : vector<16xi32>
      %lt3A_1456 = arith.constant 0 : i32
      %lt3A_1457 = vector.broadcast %lt3A_1456 : i32 to vector<16xi32>
      %lt3A_1458 = arith.cmpi slt, %max3A_8, %lt3A_1457 : vector<16xi32>
      %add3A_1459 = arith.constant 16 : i32
      %add3A_1460 = vector.broadcast %add3A_1459 : i32 to vector<16xi32>
      %add3A_1461 = arith.addi %max3A_8, %add3A_1460 : vector<16xi32>
      %select_n3A_1462 = arith.select %lt3A_1458, %add3A_1461, %max3A_8 : vector<16xi1>, vector<16xi32>
      %broadcast_in_dim3A_1463 = vector.shape_cast %select_n3A_1462 : vector<16xi32> to vector<16x1xi32>
      %gather3A_1464 = vector.shape_cast %broadcast_in_dim3A_1463 : vector<16x1xi32> to vector<16xi32>
      %gather3A_1465 = tpu.dynamic_gather %masked_sort3A_877[%gather3A_1464] in [0] : vector<16xf32>, vector<16xi32> -> vector<16xf32>
      %eq3A_1466 = arith.constant 0 : i32
      %eq3A_1467 = vector.broadcast %eq3A_1466 : i32 to vector<16xi32>
      %eq3A_1468 = arith.cmpi eq, %iota3A, %eq3A_1467 : vector<16xi32>
      %broadcast_in_dim3A_1469 = vector.broadcast %reduce_max3A_1451 : f32 to vector<16xf32>
      %select_n3A_1470 = arith.select %eq3A_1468, %broadcast_in_dim3A_1469, %gather3A_1465 : vector<16xi1>, vector<16xf32>
      %ne3A_1471 = arith.cmpf one, %masked_sort3A_877, %select_n3A_1470 : vector<16xf32>
      %add3A_1472 = arith.constant 192 : i32
      %add3A_1473 = vector.broadcast %add3A_1472 : i32 to vector<16xi32>
      %add3A_1474 = arith.addi %iota3A, %add3A_1473 : vector<16xi32>
      %jit3A_1475 = arith.constant 0 : i32
      %broadcast_in_dim3A_1476 = vector.broadcast %jit3A_1475 : i32 to vector<16xi32>
      %select_n3A_1477 = arith.select %ne3A_1471, %add3A_1474, %broadcast_in_dim3A_1476 : vector<16xi1>, vector<16xi32>
      %max3A_1478 = vector.broadcast %reduce_max3A_1447 : i32 to vector<16xi32>
      %max3A_1479 = arith.maxsi %select_n3A_1477, %max3A_1478 : vector<16xi32>
      %broadcast_in_dim3A_1480 = arith.constant true
      %broadcast_in_dim3A_1481 = vector.broadcast %broadcast_in_dim3A_1480 : i1 to vector<16xi1>
      %masked_cummax3A_1482 = arith.constant -2147483648 : i32
      %masked_cummax3A_1483 = vector.broadcast %masked_cummax3A_1482 : i32 to vector<16xi32>
      %masked_cummax3A_1484 = arith.xori %max3A_1479, %masked_cummax3A_1483 : vector<16xi32>
      %masked_cummax3A_1485 = tpu.scan <max>, %masked_cummax3A_1484 masked %broadcast_in_dim3A_1481 : vector<16xi32>, vector<16xi1> -> vector<16xi32>
      %masked_cummax3A_1486 = arith.xori %masked_cummax3A_1485, %masked_cummax3A_1483 : vector<16xi32>
      %reduce_max3A_1487 = arith.constant true
      %reduce_max3A_1488 = vector.broadcast %reduce_max3A_1487 : i1 to vector<16xi1>
      %reduce_max3A_1489 = arith.constant -2147483648 : i32
      %reduce_max3A_1490 = vector.broadcast %reduce_max3A_1489 : i32 to vector<16xi32>
      %reduce_max3A_1491 = arith.xori %masked_cummax3A_1486, %reduce_max3A_1490 : vector<16xi32>
      %reduce_max3A_1492 = tpu.scan <max>, %reduce_max3A_1491 masked %reduce_max3A_1488 : vector<16xi32>, vector<16xi1> -> vector<16xi32>
      %reduce_max3A_1493 = arith.xori %reduce_max3A_1492, %reduce_max3A_1490 : vector<16xi32>
      %reduce_max3A_1494 = vector.extract %reduce_max3A_1493[15] : i32 from vector<16xi32>
      %reduce_max3A_1495 = arith.constant true
      %reduce_max3A_1496 = vector.broadcast %reduce_max3A_1495 : i1 to vector<16xi1>
      %reduce_max3A_1497 = tpu.scan <max>, %masked_sort3A_877 masked %reduce_max3A_1496 : vector<16xf32>, vector<16xi1> -> vector<16xf32>
      %reduce_max3A_1498 = vector.extract %reduce_max3A_1497[15] : f32 from vector<16xf32>
      %mul3A_1499 = arith.constant 256 : i32
      %mul3A_1500 = vector.broadcast %mul3A_1499 : i32 to vector<16xi32>
      %mul3A_1501 = arith.muli %masked_cummax3A_1486, %mul3A_1500 : vector<16xi32>
      %add3A_1502 = arith.addi %mul3A_1501, %masked_sort3A_878 : vector<16xi32>
      %lt3A_1503 = arith.constant 0 : i32
      %lt3A_1504 = vector.broadcast %lt3A_1503 : i32 to vector<16xi32>
      %lt3A_1505 = arith.cmpi slt, %max3A_8, %lt3A_1504 : vector<16xi32>
      %add3A_1506 = arith.constant 16 : i32
      %add3A_1507 = vector.broadcast %add3A_1506 : i32 to vector<16xi32>
      %add3A_1508 = arith.addi %max3A_8, %add3A_1507 : vector<16xi32>
      %select_n3A_1509 = arith.select %lt3A_1505, %add3A_1508, %max3A_8 : vector<16xi1>, vector<16xi32>
      %broadcast_in_dim3A_1510 = vector.shape_cast %select_n3A_1509 : vector<16xi32> to vector<16x1xi32>
      %gather3A_1511 = vector.shape_cast %broadcast_in_dim3A_1510 : vector<16x1xi32> to vector<16xi32>
      %gather3A_1512 = tpu.dynamic_gather %masked_sort3A_881[%gather3A_1511] in [0] : vector<16xf32>, vector<16xi32> -> vector<16xf32>
      %eq3A_1513 = arith.constant 0 : i32
      %eq3A_1514 = vector.broadcast %eq3A_1513 : i32 to vector<16xi32>
      %eq3A_1515 = arith.cmpi eq, %iota3A, %eq3A_1514 : vector<16xi32>
      %broadcast_in_dim3A_1516 = vector.broadcast %reduce_max3A_1498 : f32 to vector<16xf32>
      %select_n3A_1517 = arith.select %eq3A_1515, %broadcast_in_dim3A_1516, %gather3A_1512 : vector<16xi1>, vector<16xf32>
      %ne3A_1518 = arith.cmpf one, %masked_sort3A_881, %select_n3A_1517 : vector<16xf32>
      %add3A_1519 = arith.constant 208 : i32
      %add3A_1520 = vector.broadcast %add3A_1519 : i32 to vector<16xi32>
      %add3A_1521 = arith.addi %iota3A, %add3A_1520 : vector<16xi32>
      %jit3A_1522 = arith.constant 0 : i32
      %broadcast_in_dim3A_1523 = vector.broadcast %jit3A_1522 : i32 to vector<16xi32>
      %select_n3A_1524 = arith.select %ne3A_1518, %add3A_1521, %broadcast_in_dim3A_1523 : vector<16xi1>, vector<16xi32>
      %max3A_1525 = vector.broadcast %reduce_max3A_1494 : i32 to vector<16xi32>
      %max3A_1526 = arith.maxsi %select_n3A_1524, %max3A_1525 : vector<16xi32>
      %broadcast_in_dim3A_1527 = arith.constant true
      %broadcast_in_dim3A_1528 = vector.broadcast %broadcast_in_dim3A_1527 : i1 to vector<16xi1>
      %masked_cummax3A_1529 = arith.constant -2147483648 : i32
      %masked_cummax3A_1530 = vector.broadcast %masked_cummax3A_1529 : i32 to vector<16xi32>
      %masked_cummax3A_1531 = arith.xori %max3A_1526, %masked_cummax3A_1530 : vector<16xi32>
      %masked_cummax3A_1532 = tpu.scan <max>, %masked_cummax3A_1531 masked %broadcast_in_dim3A_1528 : vector<16xi32>, vector<16xi1> -> vector<16xi32>
      %masked_cummax3A_1533 = arith.xori %masked_cummax3A_1532, %masked_cummax3A_1530 : vector<16xi32>
      %reduce_max3A_1534 = arith.constant true
      %reduce_max3A_1535 = vector.broadcast %reduce_max3A_1534 : i1 to vector<16xi1>
      %reduce_max3A_1536 = arith.constant -2147483648 : i32
      %reduce_max3A_1537 = vector.broadcast %reduce_max3A_1536 : i32 to vector<16xi32>
      %reduce_max3A_1538 = arith.xori %masked_cummax3A_1533, %reduce_max3A_1537 : vector<16xi32>
      %reduce_max3A_1539 = tpu.scan <max>, %reduce_max3A_1538 masked %reduce_max3A_1535 : vector<16xi32>, vector<16xi1> -> vector<16xi32>
      %reduce_max3A_1540 = arith.xori %reduce_max3A_1539, %reduce_max3A_1537 : vector<16xi32>
      %reduce_max3A_1541 = vector.extract %reduce_max3A_1540[15] : i32 from vector<16xi32>
      %reduce_max3A_1542 = arith.constant true
      %reduce_max3A_1543 = vector.broadcast %reduce_max3A_1542 : i1 to vector<16xi1>
      %reduce_max3A_1544 = tpu.scan <max>, %masked_sort3A_881 masked %reduce_max3A_1543 : vector<16xf32>, vector<16xi1> -> vector<16xf32>
      %reduce_max3A_1545 = vector.extract %reduce_max3A_1544[15] : f32 from vector<16xf32>
      %mul3A_1546 = arith.constant 256 : i32
      %mul3A_1547 = vector.broadcast %mul3A_1546 : i32 to vector<16xi32>
      %mul3A_1548 = arith.muli %masked_cummax3A_1533, %mul3A_1547 : vector<16xi32>
      %add3A_1549 = arith.addi %mul3A_1548, %masked_sort3A_882 : vector<16xi32>
      %lt3A_1550 = arith.constant 0 : i32
      %lt3A_1551 = vector.broadcast %lt3A_1550 : i32 to vector<16xi32>
      %lt3A_1552 = arith.cmpi slt, %max3A_8, %lt3A_1551 : vector<16xi32>
      %add3A_1553 = arith.constant 16 : i32
      %add3A_1554 = vector.broadcast %add3A_1553 : i32 to vector<16xi32>
      %add3A_1555 = arith.addi %max3A_8, %add3A_1554 : vector<16xi32>
      %select_n3A_1556 = arith.select %lt3A_1552, %add3A_1555, %max3A_8 : vector<16xi1>, vector<16xi32>
      %broadcast_in_dim3A_1557 = vector.shape_cast %select_n3A_1556 : vector<16xi32> to vector<16x1xi32>
      %gather3A_1558 = vector.shape_cast %broadcast_in_dim3A_1557 : vector<16x1xi32> to vector<16xi32>
      %gather3A_1559 = tpu.dynamic_gather %masked_sort3A_885[%gather3A_1558] in [0] : vector<16xf32>, vector<16xi32> -> vector<16xf32>
      %eq3A_1560 = arith.constant 0 : i32
      %eq3A_1561 = vector.broadcast %eq3A_1560 : i32 to vector<16xi32>
      %eq3A_1562 = arith.cmpi eq, %iota3A, %eq3A_1561 : vector<16xi32>
      %broadcast_in_dim3A_1563 = vector.broadcast %reduce_max3A_1545 : f32 to vector<16xf32>
      %select_n3A_1564 = arith.select %eq3A_1562, %broadcast_in_dim3A_1563, %gather3A_1559 : vector<16xi1>, vector<16xf32>
      %ne3A_1565 = arith.cmpf one, %masked_sort3A_885, %select_n3A_1564 : vector<16xf32>
      %add3A_1566 = arith.constant 224 : i32
      %add3A_1567 = vector.broadcast %add3A_1566 : i32 to vector<16xi32>
      %add3A_1568 = arith.addi %iota3A, %add3A_1567 : vector<16xi32>
      %jit3A_1569 = arith.constant 0 : i32
      %broadcast_in_dim3A_1570 = vector.broadcast %jit3A_1569 : i32 to vector<16xi32>
      %select_n3A_1571 = arith.select %ne3A_1565, %add3A_1568, %broadcast_in_dim3A_1570 : vector<16xi1>, vector<16xi32>
      %max3A_1572 = vector.broadcast %reduce_max3A_1541 : i32 to vector<16xi32>
      %max3A_1573 = arith.maxsi %select_n3A_1571, %max3A_1572 : vector<16xi32>
      %broadcast_in_dim3A_1574 = arith.constant true
      %broadcast_in_dim3A_1575 = vector.broadcast %broadcast_in_dim3A_1574 : i1 to vector<16xi1>
      %masked_cummax3A_1576 = arith.constant -2147483648 : i32
      %masked_cummax3A_1577 = vector.broadcast %masked_cummax3A_1576 : i32 to vector<16xi32>
      %masked_cummax3A_1578 = arith.xori %max3A_1573, %masked_cummax3A_1577 : vector<16xi32>
      %masked_cummax3A_1579 = tpu.scan <max>, %masked_cummax3A_1578 masked %broadcast_in_dim3A_1575 : vector<16xi32>, vector<16xi1> -> vector<16xi32>
      %masked_cummax3A_1580 = arith.xori %masked_cummax3A_1579, %masked_cummax3A_1577 : vector<16xi32>
      %reduce_max3A_1581 = arith.constant true
      %reduce_max3A_1582 = vector.broadcast %reduce_max3A_1581 : i1 to vector<16xi1>
      %reduce_max3A_1583 = arith.constant -2147483648 : i32
      %reduce_max3A_1584 = vector.broadcast %reduce_max3A_1583 : i32 to vector<16xi32>
      %reduce_max3A_1585 = arith.xori %masked_cummax3A_1580, %reduce_max3A_1584 : vector<16xi32>
      %reduce_max3A_1586 = tpu.scan <max>, %reduce_max3A_1585 masked %reduce_max3A_1582 : vector<16xi32>, vector<16xi1> -> vector<16xi32>
      %reduce_max3A_1587 = arith.xori %reduce_max3A_1586, %reduce_max3A_1584 : vector<16xi32>
      %reduce_max3A_1588 = vector.extract %reduce_max3A_1587[15] : i32 from vector<16xi32>
      %reduce_max3A_1589 = arith.constant true
      %reduce_max3A_1590 = vector.broadcast %reduce_max3A_1589 : i1 to vector<16xi1>
      %reduce_max3A_1591 = tpu.scan <max>, %masked_sort3A_885 masked %reduce_max3A_1590 : vector<16xf32>, vector<16xi1> -> vector<16xf32>
      %reduce_max3A_1592 = vector.extract %reduce_max3A_1591[15] : f32 from vector<16xf32>
      %mul3A_1593 = arith.constant 256 : i32
      %mul3A_1594 = vector.broadcast %mul3A_1593 : i32 to vector<16xi32>
      %mul3A_1595 = arith.muli %masked_cummax3A_1580, %mul3A_1594 : vector<16xi32>
      %add3A_1596 = arith.addi %mul3A_1595, %masked_sort3A_886 : vector<16xi32>
      %lt3A_1597 = arith.constant 0 : i32
      %lt3A_1598 = vector.broadcast %lt3A_1597 : i32 to vector<16xi32>
      %lt3A_1599 = arith.cmpi slt, %max3A_8, %lt3A_1598 : vector<16xi32>
      %add3A_1600 = arith.constant 16 : i32
      %add3A_1601 = vector.broadcast %add3A_1600 : i32 to vector<16xi32>
      %add3A_1602 = arith.addi %max3A_8, %add3A_1601 : vector<16xi32>
      %select_n3A_1603 = arith.select %lt3A_1599, %add3A_1602, %max3A_8 : vector<16xi1>, vector<16xi32>
      %broadcast_in_dim3A_1604 = vector.shape_cast %select_n3A_1603 : vector<16xi32> to vector<16x1xi32>
      %gather3A_1605 = vector.shape_cast %broadcast_in_dim3A_1604 : vector<16x1xi32> to vector<16xi32>
      %gather3A_1606 = tpu.dynamic_gather %masked_sort3A_889[%gather3A_1605] in [0] : vector<16xf32>, vector<16xi32> -> vector<16xf32>
      %eq3A_1607 = arith.constant 0 : i32
      %eq3A_1608 = vector.broadcast %eq3A_1607 : i32 to vector<16xi32>
      %eq3A_1609 = arith.cmpi eq, %iota3A, %eq3A_1608 : vector<16xi32>
      %broadcast_in_dim3A_1610 = vector.broadcast %reduce_max3A_1592 : f32 to vector<16xf32>
      %select_n3A_1611 = arith.select %eq3A_1609, %broadcast_in_dim3A_1610, %gather3A_1606 : vector<16xi1>, vector<16xf32>
      %ne3A_1612 = arith.cmpf one, %masked_sort3A_889, %select_n3A_1611 : vector<16xf32>
      %add3A_1613 = arith.constant 240 : i32
      %add3A_1614 = vector.broadcast %add3A_1613 : i32 to vector<16xi32>
      %add3A_1615 = arith.addi %iota3A, %add3A_1614 : vector<16xi32>
      %jit3A_1616 = arith.constant 0 : i32
      %broadcast_in_dim3A_1617 = vector.broadcast %jit3A_1616 : i32 to vector<16xi32>
      %select_n3A_1618 = arith.select %ne3A_1612, %add3A_1615, %broadcast_in_dim3A_1617 : vector<16xi1>, vector<16xi32>
      %max3A_1619 = vector.broadcast %reduce_max3A_1588 : i32 to vector<16xi32>
      %max3A_1620 = arith.maxsi %select_n3A_1618, %max3A_1619 : vector<16xi32>
      %broadcast_in_dim3A_1621 = arith.constant true
      %broadcast_in_dim3A_1622 = vector.broadcast %broadcast_in_dim3A_1621 : i1 to vector<16xi1>
      %masked_cummax3A_1623 = arith.constant -2147483648 : i32
      %masked_cummax3A_1624 = vector.broadcast %masked_cummax3A_1623 : i32 to vector<16xi32>
      %masked_cummax3A_1625 = arith.xori %max3A_1620, %masked_cummax3A_1624 : vector<16xi32>
      %masked_cummax3A_1626 = tpu.scan <max>, %masked_cummax3A_1625 masked %broadcast_in_dim3A_1622 : vector<16xi32>, vector<16xi1> -> vector<16xi32>
      %masked_cummax3A_1627 = arith.xori %masked_cummax3A_1626, %masked_cummax3A_1624 : vector<16xi32>
      %reduce_max3A_1628 = arith.constant true
      %reduce_max3A_1629 = vector.broadcast %reduce_max3A_1628 : i1 to vector<16xi1>
      %reduce_max3A_1630 = arith.constant -2147483648 : i32
      %reduce_max3A_1631 = vector.broadcast %reduce_max3A_1630 : i32 to vector<16xi32>
      %reduce_max3A_1632 = arith.xori %masked_cummax3A_1627, %reduce_max3A_1631 : vector<16xi32>
      %reduce_max3A_1633 = tpu.scan <max>, %reduce_max3A_1632 masked %reduce_max3A_1629 : vector<16xi32>, vector<16xi1> -> vector<16xi32>
      %reduce_max3A_1634 = arith.xori %reduce_max3A_1633, %reduce_max3A_1631 : vector<16xi32>
      %reduce_max3A_1635 = vector.extract %reduce_max3A_1634[15] : i32 from vector<16xi32>
      %reduce_max3A_1636 = arith.constant true
      %reduce_max3A_1637 = vector.broadcast %reduce_max3A_1636 : i1 to vector<16xi1>
      %reduce_max3A_1638 = tpu.scan <max>, %masked_sort3A_889 masked %reduce_max3A_1637 : vector<16xf32>, vector<16xi1> -> vector<16xf32>
      %reduce_max3A_1639 = vector.extract %reduce_max3A_1638[15] : f32 from vector<16xf32>
      %mul3A_1640 = arith.constant 256 : i32
      %mul3A_1641 = vector.broadcast %mul3A_1640 : i32 to vector<16xi32>
      %mul3A_1642 = arith.muli %masked_cummax3A_1627, %mul3A_1641 : vector<16xi32>
      %add3A_1643 = arith.addi %mul3A_1642, %masked_sort3A_890 : vector<16xi32>
      %masked_sort3A_1644 = arith.constant dense<true> : vector<16xi1>
      %masked_sort3A_1645 = arith.constant -2147483648 : i32
      %masked_sort3A_1646 = vector.broadcast %masked_sort3A_1645 : i32 to vector<16xi32>
      %masked_sort3A_1647 = arith.xori %add3A_938, %masked_sort3A_1646 : vector<16xi32>
      %masked_sort3A_1648, %masked_sort3A_1649, %masked_sort3A_1650 = tpu.sort %masked_sort3A_1647, %masked_sort3A_830 masked %masked_sort3A_1644 : (vector<16xi32>, vector<16xi32>, vector<16xi1>) -> (vector<16xi1>, vector<16xi32>, vector<16xi32>)
      %masked_sort3A_1651 = arith.xori %masked_sort3A_1649, %masked_sort3A_1646 : vector<16xi32>
      %masked_sort3A_1652 = arith.constant dense<true> : vector<16xi1>
      %masked_sort3A_1653 = arith.constant -2147483648 : i32
      %masked_sort3A_1654 = vector.broadcast %masked_sort3A_1653 : i32 to vector<16xi32>
      %masked_sort3A_1655 = arith.xori %add3A_985, %masked_sort3A_1654 : vector<16xi32>
      %masked_sort3A_1656, %masked_sort3A_1657, %masked_sort3A_1658 = tpu.sort %masked_sort3A_1655, %masked_sort3A_834 masked %masked_sort3A_1652 {descending = true} : (vector<16xi32>, vector<16xi32>, vector<16xi1>) -> (vector<16xi1>, vector<16xi32>, vector<16xi32>)
      %masked_sort3A_1659 = arith.xori %masked_sort3A_1657, %masked_sort3A_1654 : vector<16xi32>
      %masked_sort3A_1660 = arith.constant dense<true> : vector<16xi1>
      %masked_sort3A_1661 = arith.constant -2147483648 : i32
      %masked_sort3A_1662 = vector.broadcast %masked_sort3A_1661 : i32 to vector<16xi32>
      %masked_sort3A_1663 = arith.xori %add3A_1032, %masked_sort3A_1662 : vector<16xi32>
      %masked_sort3A_1664, %masked_sort3A_1665, %masked_sort3A_1666 = tpu.sort %masked_sort3A_1663, %masked_sort3A_838 masked %masked_sort3A_1660 : (vector<16xi32>, vector<16xi32>, vector<16xi1>) -> (vector<16xi1>, vector<16xi32>, vector<16xi32>)
      %masked_sort3A_1667 = arith.xori %masked_sort3A_1665, %masked_sort3A_1662 : vector<16xi32>
      %masked_sort3A_1668 = arith.constant dense<true> : vector<16xi1>
      %masked_sort3A_1669 = arith.constant -2147483648 : i32
      %masked_sort3A_1670 = vector.broadcast %masked_sort3A_1669 : i32 to vector<16xi32>
      %masked_sort3A_1671 = arith.xori %add3A_1079, %masked_sort3A_1670 : vector<16xi32>
      %masked_sort3A_1672, %masked_sort3A_1673, %masked_sort3A_1674 = tpu.sort %masked_sort3A_1671, %masked_sort3A_842 masked %masked_sort3A_1668 {descending = true} : (vector<16xi32>, vector<16xi32>, vector<16xi1>) -> (vector<16xi1>, vector<16xi32>, vector<16xi32>)
      %masked_sort3A_1675 = arith.xori %masked_sort3A_1673, %masked_sort3A_1670 : vector<16xi32>
      %masked_sort3A_1676 = arith.constant dense<true> : vector<16xi1>
      %masked_sort3A_1677 = arith.constant -2147483648 : i32
      %masked_sort3A_1678 = vector.broadcast %masked_sort3A_1677 : i32 to vector<16xi32>
      %masked_sort3A_1679 = arith.xori %add3A_1126, %masked_sort3A_1678 : vector<16xi32>
      %masked_sort3A_1680, %masked_sort3A_1681, %masked_sort3A_1682 = tpu.sort %masked_sort3A_1679, %masked_sort3A_846 masked %masked_sort3A_1676 : (vector<16xi32>, vector<16xi32>, vector<16xi1>) -> (vector<16xi1>, vector<16xi32>, vector<16xi32>)
      %masked_sort3A_1683 = arith.xori %masked_sort3A_1681, %masked_sort3A_1678 : vector<16xi32>
      %masked_sort3A_1684 = arith.constant dense<true> : vector<16xi1>
      %masked_sort3A_1685 = arith.constant -2147483648 : i32
      %masked_sort3A_1686 = vector.broadcast %masked_sort3A_1685 : i32 to vector<16xi32>
      %masked_sort3A_1687 = arith.xori %add3A_1173, %masked_sort3A_1686 : vector<16xi32>
      %masked_sort3A_1688, %masked_sort3A_1689, %masked_sort3A_1690 = tpu.sort %masked_sort3A_1687, %masked_sort3A_850 masked %masked_sort3A_1684 {descending = true} : (vector<16xi32>, vector<16xi32>, vector<16xi1>) -> (vector<16xi1>, vector<16xi32>, vector<16xi32>)
      %masked_sort3A_1691 = arith.xori %masked_sort3A_1689, %masked_sort3A_1686 : vector<16xi32>
      %masked_sort3A_1692 = arith.constant dense<true> : vector<16xi1>
      %masked_sort3A_1693 = arith.constant -2147483648 : i32
      %masked_sort3A_1694 = vector.broadcast %masked_sort3A_1693 : i32 to vector<16xi32>
      %masked_sort3A_1695 = arith.xori %add3A_1220, %masked_sort3A_1694 : vector<16xi32>
      %masked_sort3A_1696, %masked_sort3A_1697, %masked_sort3A_1698 = tpu.sort %masked_sort3A_1695, %masked_sort3A_854 masked %masked_sort3A_1692 : (vector<16xi32>, vector<16xi32>, vector<16xi1>) -> (vector<16xi1>, vector<16xi32>, vector<16xi32>)
      %masked_sort3A_1699 = arith.xori %masked_sort3A_1697, %masked_sort3A_1694 : vector<16xi32>
      %masked_sort3A_1700 = arith.constant dense<true> : vector<16xi1>
      %masked_sort3A_1701 = arith.constant -2147483648 : i32
      %masked_sort3A_1702 = vector.broadcast %masked_sort3A_1701 : i32 to vector<16xi32>
      %masked_sort3A_1703 = arith.xori %add3A_1267, %masked_sort3A_1702 : vector<16xi32>
      %masked_sort3A_1704, %masked_sort3A_1705, %masked_sort3A_1706 = tpu.sort %masked_sort3A_1703, %masked_sort3A_858 masked %masked_sort3A_1700 {descending = true} : (vector<16xi32>, vector<16xi32>, vector<16xi1>) -> (vector<16xi1>, vector<16xi32>, vector<16xi32>)
      %masked_sort3A_1707 = arith.xori %masked_sort3A_1705, %masked_sort3A_1702 : vector<16xi32>
      %masked_sort3A_1708 = arith.constant dense<true> : vector<16xi1>
      %masked_sort3A_1709 = arith.constant -2147483648 : i32
      %masked_sort3A_1710 = vector.broadcast %masked_sort3A_1709 : i32 to vector<16xi32>
      %masked_sort3A_1711 = arith.xori %add3A_1314, %masked_sort3A_1710 : vector<16xi32>
      %masked_sort3A_1712, %masked_sort3A_1713, %masked_sort3A_1714 = tpu.sort %masked_sort3A_1711, %masked_sort3A_862 masked %masked_sort3A_1708 : (vector<16xi32>, vector<16xi32>, vector<16xi1>) -> (vector<16xi1>, vector<16xi32>, vector<16xi32>)
      %masked_sort3A_1715 = arith.xori %masked_sort3A_1713, %masked_sort3A_1710 : vector<16xi32>
      %masked_sort3A_1716 = arith.constant dense<true> : vector<16xi1>
      %masked_sort3A_1717 = arith.constant -2147483648 : i32
      %masked_sort3A_1718 = vector.broadcast %masked_sort3A_1717 : i32 to vector<16xi32>
      %masked_sort3A_1719 = arith.xori %add3A_1361, %masked_sort3A_1718 : vector<16xi32>
      %masked_sort3A_1720, %masked_sort3A_1721, %masked_sort3A_1722 = tpu.sort %masked_sort3A_1719, %masked_sort3A_866 masked %masked_sort3A_1716 {descending = true} : (vector<16xi32>, vector<16xi32>, vector<16xi1>) -> (vector<16xi1>, vector<16xi32>, vector<16xi32>)
      %masked_sort3A_1723 = arith.xori %masked_sort3A_1721, %masked_sort3A_1718 : vector<16xi32>
      %masked_sort3A_1724 = arith.constant dense<true> : vector<16xi1>
      %masked_sort3A_1725 = arith.constant -2147483648 : i32
      %masked_sort3A_1726 = vector.broadcast %masked_sort3A_1725 : i32 to vector<16xi32>
      %masked_sort3A_1727 = arith.xori %add3A_1408, %masked_sort3A_1726 : vector<16xi32>
      %masked_sort3A_1728, %masked_sort3A_1729, %masked_sort3A_1730 = tpu.sort %masked_sort3A_1727, %masked_sort3A_870 masked %masked_sort3A_1724 : (vector<16xi32>, vector<16xi32>, vector<16xi1>) -> (vector<16xi1>, vector<16xi32>, vector<16xi32>)
      %masked_sort3A_1731 = arith.xori %masked_sort3A_1729, %masked_sort3A_1726 : vector<16xi32>
      %masked_sort3A_1732 = arith.constant dense<true> : vector<16xi1>
      %masked_sort3A_1733 = arith.constant -2147483648 : i32
      %masked_sort3A_1734 = vector.broadcast %masked_sort3A_1733 : i32 to vector<16xi32>
      %masked_sort3A_1735 = arith.xori %add3A_1455, %masked_sort3A_1734 : vector<16xi32>
      %masked_sort3A_1736, %masked_sort3A_1737, %masked_sort3A_1738 = tpu.sort %masked_sort3A_1735, %masked_sort3A_874 masked %masked_sort3A_1732 {descending = true} : (vector<16xi32>, vector<16xi32>, vector<16xi1>) -> (vector<16xi1>, vector<16xi32>, vector<16xi32>)
      %masked_sort3A_1739 = arith.xori %masked_sort3A_1737, %masked_sort3A_1734 : vector<16xi32>
      %masked_sort3A_1740 = arith.constant dense<true> : vector<16xi1>
      %masked_sort3A_1741 = arith.constant -2147483648 : i32
      %masked_sort3A_1742 = vector.broadcast %masked_sort3A_1741 : i32 to vector<16xi32>
      %masked_sort3A_1743 = arith.xori %add3A_1502, %masked_sort3A_1742 : vector<16xi32>
      %masked_sort3A_1744, %masked_sort3A_1745, %masked_sort3A_1746 = tpu.sort %masked_sort3A_1743, %masked_sort3A_878 masked %masked_sort3A_1740 : (vector<16xi32>, vector<16xi32>, vector<16xi1>) -> (vector<16xi1>, vector<16xi32>, vector<16xi32>)
      %masked_sort3A_1747 = arith.xori %masked_sort3A_1745, %masked_sort3A_1742 : vector<16xi32>
      %masked_sort3A_1748 = arith.constant dense<true> : vector<16xi1>
      %masked_sort3A_1749 = arith.constant -2147483648 : i32
      %masked_sort3A_1750 = vector.broadcast %masked_sort3A_1749 : i32 to vector<16xi32>
      %masked_sort3A_1751 = arith.xori %add3A_1549, %masked_sort3A_1750 : vector<16xi32>
      %masked_sort3A_1752, %masked_sort3A_1753, %masked_sort3A_1754 = tpu.sort %masked_sort3A_1751, %masked_sort3A_882 masked %masked_sort3A_1748 {descending = true} : (vector<16xi32>, vector<16xi32>, vector<16xi1>) -> (vector<16xi1>, vector<16xi32>, vector<16xi32>)
      %masked_sort3A_1755 = arith.xori %masked_sort3A_1753, %masked_sort3A_1750 : vector<16xi32>
      %masked_sort3A_1756 = arith.constant dense<true> : vector<16xi1>
      %masked_sort3A_1757 = arith.constant -2147483648 : i32
      %masked_sort3A_1758 = vector.broadcast %masked_sort3A_1757 : i32 to vector<16xi32>
      %masked_sort3A_1759 = arith.xori %add3A_1596, %masked_sort3A_1758 : vector<16xi32>
      %masked_sort3A_1760, %masked_sort3A_1761, %masked_sort3A_1762 = tpu.sort %masked_sort3A_1759, %masked_sort3A_886 masked %masked_sort3A_1756 : (vector<16xi32>, vector<16xi32>, vector<16xi1>) -> (vector<16xi1>, vector<16xi32>, vector<16xi32>)
      %masked_sort3A_1763 = arith.xori %masked_sort3A_1761, %masked_sort3A_1758 : vector<16xi32>
      %masked_sort3A_1764 = arith.constant dense<true> : vector<16xi1>
      %masked_sort3A_1765 = arith.constant -2147483648 : i32
      %masked_sort3A_1766 = vector.broadcast %masked_sort3A_1765 : i32 to vector<16xi32>
      %masked_sort3A_1767 = arith.xori %add3A_1643, %masked_sort3A_1766 : vector<16xi32>
      %masked_sort3A_1768, %masked_sort3A_1769, %masked_sort3A_1770 = tpu.sort %masked_sort3A_1767, %masked_sort3A_890 masked %masked_sort3A_1764 {descending = true} : (vector<16xi32>, vector<16xi32>, vector<16xi1>) -> (vector<16xi1>, vector<16xi32>, vector<16xi32>)
      %masked_sort3A_1771 = arith.xori %masked_sort3A_1769, %masked_sort3A_1766 : vector<16xi32>
      %le3A_1772 = arith.cmpi sle, %masked_sort3A_1651, %masked_sort3A_1659 : vector<16xi32>
      %select_n3A_1773 = arith.select %le3A_1772, %masked_sort3A_1651, %masked_sort3A_1659 : vector<16xi1>, vector<16xi32>
      %select_n3A_1774 = arith.select %le3A_1772, %masked_sort3A_1650, %masked_sort3A_1658 : vector<16xi1>, vector<16xi32>
      %select_n3A_1775 = arith.select %le3A_1772, %masked_sort3A_1659, %masked_sort3A_1651 : vector<16xi1>, vector<16xi32>
      %select_n3A_1776 = arith.select %le3A_1772, %masked_sort3A_1658, %masked_sort3A_1650 : vector<16xi1>, vector<16xi32>
      %ge3A_1777 = arith.cmpi sge, %masked_sort3A_1667, %masked_sort3A_1675 : vector<16xi32>
      %select_n3A_1778 = arith.select %ge3A_1777, %masked_sort3A_1667, %masked_sort3A_1675 : vector<16xi1>, vector<16xi32>
      %select_n3A_1779 = arith.select %ge3A_1777, %masked_sort3A_1666, %masked_sort3A_1674 : vector<16xi1>, vector<16xi32>
      %select_n3A_1780 = arith.select %ge3A_1777, %masked_sort3A_1675, %masked_sort3A_1667 : vector<16xi1>, vector<16xi32>
      %select_n3A_1781 = arith.select %ge3A_1777, %masked_sort3A_1674, %masked_sort3A_1666 : vector<16xi1>, vector<16xi32>
      %le3A_1782 = arith.cmpi sle, %masked_sort3A_1683, %masked_sort3A_1691 : vector<16xi32>
      %select_n3A_1783 = arith.select %le3A_1782, %masked_sort3A_1683, %masked_sort3A_1691 : vector<16xi1>, vector<16xi32>
      %select_n3A_1784 = arith.select %le3A_1782, %masked_sort3A_1682, %masked_sort3A_1690 : vector<16xi1>, vector<16xi32>
      %select_n3A_1785 = arith.select %le3A_1782, %masked_sort3A_1691, %masked_sort3A_1683 : vector<16xi1>, vector<16xi32>
      %select_n3A_1786 = arith.select %le3A_1782, %masked_sort3A_1690, %masked_sort3A_1682 : vector<16xi1>, vector<16xi32>
      %ge3A_1787 = arith.cmpi sge, %masked_sort3A_1699, %masked_sort3A_1707 : vector<16xi32>
      %select_n3A_1788 = arith.select %ge3A_1787, %masked_sort3A_1699, %masked_sort3A_1707 : vector<16xi1>, vector<16xi32>
      %select_n3A_1789 = arith.select %ge3A_1787, %masked_sort3A_1698, %masked_sort3A_1706 : vector<16xi1>, vector<16xi32>
      %select_n3A_1790 = arith.select %ge3A_1787, %masked_sort3A_1707, %masked_sort3A_1699 : vector<16xi1>, vector<16xi32>
      %select_n3A_1791 = arith.select %ge3A_1787, %masked_sort3A_1706, %masked_sort3A_1698 : vector<16xi1>, vector<16xi32>
      %le3A_1792 = arith.cmpi sle, %masked_sort3A_1715, %masked_sort3A_1723 : vector<16xi32>
      %select_n3A_1793 = arith.select %le3A_1792, %masked_sort3A_1715, %masked_sort3A_1723 : vector<16xi1>, vector<16xi32>
      %select_n3A_1794 = arith.select %le3A_1792, %masked_sort3A_1714, %masked_sort3A_1722 : vector<16xi1>, vector<16xi32>
      %select_n3A_1795 = arith.select %le3A_1792, %masked_sort3A_1723, %masked_sort3A_1715 : vector<16xi1>, vector<16xi32>
      %select_n3A_1796 = arith.select %le3A_1792, %masked_sort3A_1722, %masked_sort3A_1714 : vector<16xi1>, vector<16xi32>
      %ge3A_1797 = arith.cmpi sge, %masked_sort3A_1731, %masked_sort3A_1739 : vector<16xi32>
      %select_n3A_1798 = arith.select %ge3A_1797, %masked_sort3A_1731, %masked_sort3A_1739 : vector<16xi1>, vector<16xi32>
      %select_n3A_1799 = arith.select %ge3A_1797, %masked_sort3A_1730, %masked_sort3A_1738 : vector<16xi1>, vector<16xi32>
      %select_n3A_1800 = arith.select %ge3A_1797, %masked_sort3A_1739, %masked_sort3A_1731 : vector<16xi1>, vector<16xi32>
      %select_n3A_1801 = arith.select %ge3A_1797, %masked_sort3A_1738, %masked_sort3A_1730 : vector<16xi1>, vector<16xi32>
      %le3A_1802 = arith.cmpi sle, %masked_sort3A_1747, %masked_sort3A_1755 : vector<16xi32>
      %select_n3A_1803 = arith.select %le3A_1802, %masked_sort3A_1747, %masked_sort3A_1755 : vector<16xi1>, vector<16xi32>
      %select_n3A_1804 = arith.select %le3A_1802, %masked_sort3A_1746, %masked_sort3A_1754 : vector<16xi1>, vector<16xi32>
      %select_n3A_1805 = arith.select %le3A_1802, %masked_sort3A_1755, %masked_sort3A_1747 : vector<16xi1>, vector<16xi32>
      %select_n3A_1806 = arith.select %le3A_1802, %masked_sort3A_1754, %masked_sort3A_1746 : vector<16xi1>, vector<16xi32>
      %ge3A_1807 = arith.cmpi sge, %masked_sort3A_1763, %masked_sort3A_1771 : vector<16xi32>
      %select_n3A_1808 = arith.select %ge3A_1807, %masked_sort3A_1763, %masked_sort3A_1771 : vector<16xi1>, vector<16xi32>
      %select_n3A_1809 = arith.select %ge3A_1807, %masked_sort3A_1762, %masked_sort3A_1770 : vector<16xi1>, vector<16xi32>
      %select_n3A_1810 = arith.select %ge3A_1807, %masked_sort3A_1771, %masked_sort3A_1763 : vector<16xi1>, vector<16xi32>
      %select_n3A_1811 = arith.select %ge3A_1807, %masked_sort3A_1770, %masked_sort3A_1762 : vector<16xi1>, vector<16xi32>
      %masked_sort3A_1812 = arith.constant dense<true> : vector<16xi1>
      %masked_sort3A_1813 = arith.constant -2147483648 : i32
      %masked_sort3A_1814 = vector.broadcast %masked_sort3A_1813 : i32 to vector<16xi32>
      %masked_sort3A_1815 = arith.xori %select_n3A_1773, %masked_sort3A_1814 : vector<16xi32>
      %masked_sort3A_1816, %masked_sort3A_1817, %masked_sort3A_1818 = tpu.sort %masked_sort3A_1815, %select_n3A_1774 masked %masked_sort3A_1812 : (vector<16xi32>, vector<16xi32>, vector<16xi1>) -> (vector<16xi1>, vector<16xi32>, vector<16xi32>)
      %masked_sort3A_1819 = arith.xori %masked_sort3A_1817, %masked_sort3A_1814 : vector<16xi32>
      %masked_sort3A_1820 = arith.constant dense<true> : vector<16xi1>
      %masked_sort3A_1821 = arith.constant -2147483648 : i32
      %masked_sort3A_1822 = vector.broadcast %masked_sort3A_1821 : i32 to vector<16xi32>
      %masked_sort3A_1823 = arith.xori %select_n3A_1775, %masked_sort3A_1822 : vector<16xi32>
      %masked_sort3A_1824, %masked_sort3A_1825, %masked_sort3A_1826 = tpu.sort %masked_sort3A_1823, %select_n3A_1776 masked %masked_sort3A_1820 : (vector<16xi32>, vector<16xi32>, vector<16xi1>) -> (vector<16xi1>, vector<16xi32>, vector<16xi32>)
      %masked_sort3A_1827 = arith.xori %masked_sort3A_1825, %masked_sort3A_1822 : vector<16xi32>
      %masked_sort3A_1828 = arith.constant dense<true> : vector<16xi1>
      %masked_sort3A_1829 = arith.constant -2147483648 : i32
      %masked_sort3A_1830 = vector.broadcast %masked_sort3A_1829 : i32 to vector<16xi32>
      %masked_sort3A_1831 = arith.xori %select_n3A_1778, %masked_sort3A_1830 : vector<16xi32>
      %masked_sort3A_1832, %masked_sort3A_1833, %masked_sort3A_1834 = tpu.sort %masked_sort3A_1831, %select_n3A_1779 masked %masked_sort3A_1828 {descending = true} : (vector<16xi32>, vector<16xi32>, vector<16xi1>) -> (vector<16xi1>, vector<16xi32>, vector<16xi32>)
      %masked_sort3A_1835 = arith.xori %masked_sort3A_1833, %masked_sort3A_1830 : vector<16xi32>
      %masked_sort3A_1836 = arith.constant dense<true> : vector<16xi1>
      %masked_sort3A_1837 = arith.constant -2147483648 : i32
      %masked_sort3A_1838 = vector.broadcast %masked_sort3A_1837 : i32 to vector<16xi32>
      %masked_sort3A_1839 = arith.xori %select_n3A_1780, %masked_sort3A_1838 : vector<16xi32>
      %masked_sort3A_1840, %masked_sort3A_1841, %masked_sort3A_1842 = tpu.sort %masked_sort3A_1839, %select_n3A_1781 masked %masked_sort3A_1836 {descending = true} : (vector<16xi32>, vector<16xi32>, vector<16xi1>) -> (vector<16xi1>, vector<16xi32>, vector<16xi32>)
      %masked_sort3A_1843 = arith.xori %masked_sort3A_1841, %masked_sort3A_1838 : vector<16xi32>
      %masked_sort3A_1844 = arith.constant dense<true> : vector<16xi1>
      %masked_sort3A_1845 = arith.constant -2147483648 : i32
      %masked_sort3A_1846 = vector.broadcast %masked_sort3A_1845 : i32 to vector<16xi32>
      %masked_sort3A_1847 = arith.xori %select_n3A_1783, %masked_sort3A_1846 : vector<16xi32>
      %masked_sort3A_1848, %masked_sort3A_1849, %masked_sort3A_1850 = tpu.sort %masked_sort3A_1847, %select_n3A_1784 masked %masked_sort3A_1844 : (vector<16xi32>, vector<16xi32>, vector<16xi1>) -> (vector<16xi1>, vector<16xi32>, vector<16xi32>)
      %masked_sort3A_1851 = arith.xori %masked_sort3A_1849, %masked_sort3A_1846 : vector<16xi32>
      %masked_sort3A_1852 = arith.constant dense<true> : vector<16xi1>
      %masked_sort3A_1853 = arith.constant -2147483648 : i32
      %masked_sort3A_1854 = vector.broadcast %masked_sort3A_1853 : i32 to vector<16xi32>
      %masked_sort3A_1855 = arith.xori %select_n3A_1785, %masked_sort3A_1854 : vector<16xi32>
      %masked_sort3A_1856, %masked_sort3A_1857, %masked_sort3A_1858 = tpu.sort %masked_sort3A_1855, %select_n3A_1786 masked %masked_sort3A_1852 : (vector<16xi32>, vector<16xi32>, vector<16xi1>) -> (vector<16xi1>, vector<16xi32>, vector<16xi32>)
      %masked_sort3A_1859 = arith.xori %masked_sort3A_1857, %masked_sort3A_1854 : vector<16xi32>
      %masked_sort3A_1860 = arith.constant dense<true> : vector<16xi1>
      %masked_sort3A_1861 = arith.constant -2147483648 : i32
      %masked_sort3A_1862 = vector.broadcast %masked_sort3A_1861 : i32 to vector<16xi32>
      %masked_sort3A_1863 = arith.xori %select_n3A_1788, %masked_sort3A_1862 : vector<16xi32>
      %masked_sort3A_1864, %masked_sort3A_1865, %masked_sort3A_1866 = tpu.sort %masked_sort3A_1863, %select_n3A_1789 masked %masked_sort3A_1860 {descending = true} : (vector<16xi32>, vector<16xi32>, vector<16xi1>) -> (vector<16xi1>, vector<16xi32>, vector<16xi32>)
      %masked_sort3A_1867 = arith.xori %masked_sort3A_1865, %masked_sort3A_1862 : vector<16xi32>
      %masked_sort3A_1868 = arith.constant dense<true> : vector<16xi1>
      %masked_sort3A_1869 = arith.constant -2147483648 : i32
      %masked_sort3A_1870 = vector.broadcast %masked_sort3A_1869 : i32 to vector<16xi32>
      %masked_sort3A_1871 = arith.xori %select_n3A_1790, %masked_sort3A_1870 : vector<16xi32>
      %masked_sort3A_1872, %masked_sort3A_1873, %masked_sort3A_1874 = tpu.sort %masked_sort3A_1871, %select_n3A_1791 masked %masked_sort3A_1868 {descending = true} : (vector<16xi32>, vector<16xi32>, vector<16xi1>) -> (vector<16xi1>, vector<16xi32>, vector<16xi32>)
      %masked_sort3A_1875 = arith.xori %masked_sort3A_1873, %masked_sort3A_1870 : vector<16xi32>
      %masked_sort3A_1876 = arith.constant dense<true> : vector<16xi1>
      %masked_sort3A_1877 = arith.constant -2147483648 : i32
      %masked_sort3A_1878 = vector.broadcast %masked_sort3A_1877 : i32 to vector<16xi32>
      %masked_sort3A_1879 = arith.xori %select_n3A_1793, %masked_sort3A_1878 : vector<16xi32>
      %masked_sort3A_1880, %masked_sort3A_1881, %masked_sort3A_1882 = tpu.sort %masked_sort3A_1879, %select_n3A_1794 masked %masked_sort3A_1876 : (vector<16xi32>, vector<16xi32>, vector<16xi1>) -> (vector<16xi1>, vector<16xi32>, vector<16xi32>)
      %masked_sort3A_1883 = arith.xori %masked_sort3A_1881, %masked_sort3A_1878 : vector<16xi32>
      %masked_sort3A_1884 = arith.constant dense<true> : vector<16xi1>
      %masked_sort3A_1885 = arith.constant -2147483648 : i32
      %masked_sort3A_1886 = vector.broadcast %masked_sort3A_1885 : i32 to vector<16xi32>
      %masked_sort3A_1887 = arith.xori %select_n3A_1795, %masked_sort3A_1886 : vector<16xi32>
      %masked_sort3A_1888, %masked_sort3A_1889, %masked_sort3A_1890 = tpu.sort %masked_sort3A_1887, %select_n3A_1796 masked %masked_sort3A_1884 : (vector<16xi32>, vector<16xi32>, vector<16xi1>) -> (vector<16xi1>, vector<16xi32>, vector<16xi32>)
      %masked_sort3A_1891 = arith.xori %masked_sort3A_1889, %masked_sort3A_1886 : vector<16xi32>
      %masked_sort3A_1892 = arith.constant dense<true> : vector<16xi1>
      %masked_sort3A_1893 = arith.constant -2147483648 : i32
      %masked_sort3A_1894 = vector.broadcast %masked_sort3A_1893 : i32 to vector<16xi32>
      %masked_sort3A_1895 = arith.xori %select_n3A_1798, %masked_sort3A_1894 : vector<16xi32>
      %masked_sort3A_1896, %masked_sort3A_1897, %masked_sort3A_1898 = tpu.sort %masked_sort3A_1895, %select_n3A_1799 masked %masked_sort3A_1892 {descending = true} : (vector<16xi32>, vector<16xi32>, vector<16xi1>) -> (vector<16xi1>, vector<16xi32>, vector<16xi32>)
      %masked_sort3A_1899 = arith.xori %masked_sort3A_1897, %masked_sort3A_1894 : vector<16xi32>
      %masked_sort3A_1900 = arith.constant dense<true> : vector<16xi1>
      %masked_sort3A_1901 = arith.constant -2147483648 : i32
      %masked_sort3A_1902 = vector.broadcast %masked_sort3A_1901 : i32 to vector<16xi32>
      %masked_sort3A_1903 = arith.xori %select_n3A_1800, %masked_sort3A_1902 : vector<16xi32>
      %masked_sort3A_1904, %masked_sort3A_1905, %masked_sort3A_1906 = tpu.sort %masked_sort3A_1903, %select_n3A_1801 masked %masked_sort3A_1900 {descending = true} : (vector<16xi32>, vector<16xi32>, vector<16xi1>) -> (vector<16xi1>, vector<16xi32>, vector<16xi32>)
      %masked_sort3A_1907 = arith.xori %masked_sort3A_1905, %masked_sort3A_1902 : vector<16xi32>
      %masked_sort3A_1908 = arith.constant dense<true> : vector<16xi1>
      %masked_sort3A_1909 = arith.constant -2147483648 : i32
      %masked_sort3A_1910 = vector.broadcast %masked_sort3A_1909 : i32 to vector<16xi32>
      %masked_sort3A_1911 = arith.xori %select_n3A_1803, %masked_sort3A_1910 : vector<16xi32>
      %masked_sort3A_1912, %masked_sort3A_1913, %masked_sort3A_1914 = tpu.sort %masked_sort3A_1911, %select_n3A_1804 masked %masked_sort3A_1908 : (vector<16xi32>, vector<16xi32>, vector<16xi1>) -> (vector<16xi1>, vector<16xi32>, vector<16xi32>)
      %masked_sort3A_1915 = arith.xori %masked_sort3A_1913, %masked_sort3A_1910 : vector<16xi32>
      %masked_sort3A_1916 = arith.constant dense<true> : vector<16xi1>
      %masked_sort3A_1917 = arith.constant -2147483648 : i32
      %masked_sort3A_1918 = vector.broadcast %masked_sort3A_1917 : i32 to vector<16xi32>
      %masked_sort3A_1919 = arith.xori %select_n3A_1805, %masked_sort3A_1918 : vector<16xi32>
      %masked_sort3A_1920, %masked_sort3A_1921, %masked_sort3A_1922 = tpu.sort %masked_sort3A_1919, %select_n3A_1806 masked %masked_sort3A_1916 : (vector<16xi32>, vector<16xi32>, vector<16xi1>) -> (vector<16xi1>, vector<16xi32>, vector<16xi32>)
      %masked_sort3A_1923 = arith.xori %masked_sort3A_1921, %masked_sort3A_1918 : vector<16xi32>
      %masked_sort3A_1924 = arith.constant dense<true> : vector<16xi1>
      %masked_sort3A_1925 = arith.constant -2147483648 : i32
      %masked_sort3A_1926 = vector.broadcast %masked_sort3A_1925 : i32 to vector<16xi32>
      %masked_sort3A_1927 = arith.xori %select_n3A_1808, %masked_sort3A_1926 : vector<16xi32>
      %masked_sort3A_1928, %masked_sort3A_1929, %masked_sort3A_1930 = tpu.sort %masked_sort3A_1927, %select_n3A_1809 masked %masked_sort3A_1924 {descending = true} : (vector<16xi32>, vector<16xi32>, vector<16xi1>) -> (vector<16xi1>, vector<16xi32>, vector<16xi32>)
      %masked_sort3A_1931 = arith.xori %masked_sort3A_1929, %masked_sort3A_1926 : vector<16xi32>
      %masked_sort3A_1932 = arith.constant dense<true> : vector<16xi1>
      %masked_sort3A_1933 = arith.constant -2147483648 : i32
      %masked_sort3A_1934 = vector.broadcast %masked_sort3A_1933 : i32 to vector<16xi32>
      %masked_sort3A_1935 = arith.xori %select_n3A_1810, %masked_sort3A_1934 : vector<16xi32>
      %masked_sort3A_1936, %masked_sort3A_1937, %masked_sort3A_1938 = tpu.sort %masked_sort3A_1935, %select_n3A_1811 masked %masked_sort3A_1932 {descending = true} : (vector<16xi32>, vector<16xi32>, vector<16xi1>) -> (vector<16xi1>, vector<16xi32>, vector<16xi32>)
      %masked_sort3A_1939 = arith.xori %masked_sort3A_1937, %masked_sort3A_1934 : vector<16xi32>
      %le3A_1940 = arith.cmpi sle, %masked_sort3A_1819, %masked_sort3A_1835 : vector<16xi32>
      %select_n3A_1941 = arith.select %le3A_1940, %masked_sort3A_1819, %masked_sort3A_1835 : vector<16xi1>, vector<16xi32>
      %select_n3A_1942 = arith.select %le3A_1940, %masked_sort3A_1818, %masked_sort3A_1834 : vector<16xi1>, vector<16xi32>
      %select_n3A_1943 = arith.select %le3A_1940, %masked_sort3A_1835, %masked_sort3A_1819 : vector<16xi1>, vector<16xi32>
      %select_n3A_1944 = arith.select %le3A_1940, %masked_sort3A_1834, %masked_sort3A_1818 : vector<16xi1>, vector<16xi32>
      %le3A_1945 = arith.cmpi sle, %masked_sort3A_1827, %masked_sort3A_1843 : vector<16xi32>
      %select_n3A_1946 = arith.select %le3A_1945, %masked_sort3A_1827, %masked_sort3A_1843 : vector<16xi1>, vector<16xi32>
      %select_n3A_1947 = arith.select %le3A_1945, %masked_sort3A_1826, %masked_sort3A_1842 : vector<16xi1>, vector<16xi32>
      %select_n3A_1948 = arith.select %le3A_1945, %masked_sort3A_1843, %masked_sort3A_1827 : vector<16xi1>, vector<16xi32>
      %select_n3A_1949 = arith.select %le3A_1945, %masked_sort3A_1842, %masked_sort3A_1826 : vector<16xi1>, vector<16xi32>
      %ge3A_1950 = arith.cmpi sge, %masked_sort3A_1851, %masked_sort3A_1867 : vector<16xi32>
      %select_n3A_1951 = arith.select %ge3A_1950, %masked_sort3A_1851, %masked_sort3A_1867 : vector<16xi1>, vector<16xi32>
      %select_n3A_1952 = arith.select %ge3A_1950, %masked_sort3A_1850, %masked_sort3A_1866 : vector<16xi1>, vector<16xi32>
      %select_n3A_1953 = arith.select %ge3A_1950, %masked_sort3A_1867, %masked_sort3A_1851 : vector<16xi1>, vector<16xi32>
      %select_n3A_1954 = arith.select %ge3A_1950, %masked_sort3A_1866, %masked_sort3A_1850 : vector<16xi1>, vector<16xi32>
      %ge3A_1955 = arith.cmpi sge, %masked_sort3A_1859, %masked_sort3A_1875 : vector<16xi32>
      %select_n3A_1956 = arith.select %ge3A_1955, %masked_sort3A_1859, %masked_sort3A_1875 : vector<16xi1>, vector<16xi32>
      %select_n3A_1957 = arith.select %ge3A_1955, %masked_sort3A_1858, %masked_sort3A_1874 : vector<16xi1>, vector<16xi32>
      %select_n3A_1958 = arith.select %ge3A_1955, %masked_sort3A_1875, %masked_sort3A_1859 : vector<16xi1>, vector<16xi32>
      %select_n3A_1959 = arith.select %ge3A_1955, %masked_sort3A_1874, %masked_sort3A_1858 : vector<16xi1>, vector<16xi32>
      %le3A_1960 = arith.cmpi sle, %masked_sort3A_1883, %masked_sort3A_1899 : vector<16xi32>
      %select_n3A_1961 = arith.select %le3A_1960, %masked_sort3A_1883, %masked_sort3A_1899 : vector<16xi1>, vector<16xi32>
      %select_n3A_1962 = arith.select %le3A_1960, %masked_sort3A_1882, %masked_sort3A_1898 : vector<16xi1>, vector<16xi32>
      %select_n3A_1963 = arith.select %le3A_1960, %masked_sort3A_1899, %masked_sort3A_1883 : vector<16xi1>, vector<16xi32>
      %select_n3A_1964 = arith.select %le3A_1960, %masked_sort3A_1898, %masked_sort3A_1882 : vector<16xi1>, vector<16xi32>
      %le3A_1965 = arith.cmpi sle, %masked_sort3A_1891, %masked_sort3A_1907 : vector<16xi32>
      %select_n3A_1966 = arith.select %le3A_1965, %masked_sort3A_1891, %masked_sort3A_1907 : vector<16xi1>, vector<16xi32>
      %select_n3A_1967 = arith.select %le3A_1965, %masked_sort3A_1890, %masked_sort3A_1906 : vector<16xi1>, vector<16xi32>
      %select_n3A_1968 = arith.select %le3A_1965, %masked_sort3A_1907, %masked_sort3A_1891 : vector<16xi1>, vector<16xi32>
      %select_n3A_1969 = arith.select %le3A_1965, %masked_sort3A_1906, %masked_sort3A_1890 : vector<16xi1>, vector<16xi32>
      %ge3A_1970 = arith.cmpi sge, %masked_sort3A_1915, %masked_sort3A_1931 : vector<16xi32>
      %select_n3A_1971 = arith.select %ge3A_1970, %masked_sort3A_1915, %masked_sort3A_1931 : vector<16xi1>, vector<16xi32>
      %select_n3A_1972 = arith.select %ge3A_1970, %masked_sort3A_1914, %masked_sort3A_1930 : vector<16xi1>, vector<16xi32>
      %select_n3A_1973 = arith.select %ge3A_1970, %masked_sort3A_1931, %masked_sort3A_1915 : vector<16xi1>, vector<16xi32>
      %select_n3A_1974 = arith.select %ge3A_1970, %masked_sort3A_1930, %masked_sort3A_1914 : vector<16xi1>, vector<16xi32>
      %ge3A_1975 = arith.cmpi sge, %masked_sort3A_1923, %masked_sort3A_1939 : vector<16xi32>
      %select_n3A_1976 = arith.select %ge3A_1975, %masked_sort3A_1923, %masked_sort3A_1939 : vector<16xi1>, vector<16xi32>
      %select_n3A_1977 = arith.select %ge3A_1975, %masked_sort3A_1922, %masked_sort3A_1938 : vector<16xi1>, vector<16xi32>
      %select_n3A_1978 = arith.select %ge3A_1975, %masked_sort3A_1939, %masked_sort3A_1923 : vector<16xi1>, vector<16xi32>
      %select_n3A_1979 = arith.select %ge3A_1975, %masked_sort3A_1938, %masked_sort3A_1922 : vector<16xi1>, vector<16xi32>
      %le3A_1980 = arith.cmpi sle, %select_n3A_1941, %select_n3A_1946 : vector<16xi32>
      %select_n3A_1981 = arith.select %le3A_1980, %select_n3A_1941, %select_n3A_1946 : vector<16xi1>, vector<16xi32>
      %select_n3A_1982 = arith.select %le3A_1980, %select_n3A_1942, %select_n3A_1947 : vector<16xi1>, vector<16xi32>
      %select_n3A_1983 = arith.select %le3A_1980, %select_n3A_1946, %select_n3A_1941 : vector<16xi1>, vector<16xi32>
      %select_n3A_1984 = arith.select %le3A_1980, %select_n3A_1947, %select_n3A_1942 : vector<16xi1>, vector<16xi32>
      %le3A_1985 = arith.cmpi sle, %select_n3A_1943, %select_n3A_1948 : vector<16xi32>
      %select_n3A_1986 = arith.select %le3A_1985, %select_n3A_1943, %select_n3A_1948 : vector<16xi1>, vector<16xi32>
      %select_n3A_1987 = arith.select %le3A_1985, %select_n3A_1944, %select_n3A_1949 : vector<16xi1>, vector<16xi32>
      %select_n3A_1988 = arith.select %le3A_1985, %select_n3A_1948, %select_n3A_1943 : vector<16xi1>, vector<16xi32>
      %select_n3A_1989 = arith.select %le3A_1985, %select_n3A_1949, %select_n3A_1944 : vector<16xi1>, vector<16xi32>
      %ge3A_1990 = arith.cmpi sge, %select_n3A_1951, %select_n3A_1956 : vector<16xi32>
      %select_n3A_1991 = arith.select %ge3A_1990, %select_n3A_1951, %select_n3A_1956 : vector<16xi1>, vector<16xi32>
      %select_n3A_1992 = arith.select %ge3A_1990, %select_n3A_1952, %select_n3A_1957 : vector<16xi1>, vector<16xi32>
      %select_n3A_1993 = arith.select %ge3A_1990, %select_n3A_1956, %select_n3A_1951 : vector<16xi1>, vector<16xi32>
      %select_n3A_1994 = arith.select %ge3A_1990, %select_n3A_1957, %select_n3A_1952 : vector<16xi1>, vector<16xi32>
      %ge3A_1995 = arith.cmpi sge, %select_n3A_1953, %select_n3A_1958 : vector<16xi32>
      %select_n3A_1996 = arith.select %ge3A_1995, %select_n3A_1953, %select_n3A_1958 : vector<16xi1>, vector<16xi32>
      %select_n3A_1997 = arith.select %ge3A_1995, %select_n3A_1954, %select_n3A_1959 : vector<16xi1>, vector<16xi32>
      %select_n3A_1998 = arith.select %ge3A_1995, %select_n3A_1958, %select_n3A_1953 : vector<16xi1>, vector<16xi32>
      %select_n3A_1999 = arith.select %ge3A_1995, %select_n3A_1959, %select_n3A_1954 : vector<16xi1>, vector<16xi32>
      %le3A_2000 = arith.cmpi sle, %select_n3A_1961, %select_n3A_1966 : vector<16xi32>
      %select_n3A_2001 = arith.select %le3A_2000, %select_n3A_1961, %select_n3A_1966 : vector<16xi1>, vector<16xi32>
      %select_n3A_2002 = arith.select %le3A_2000, %select_n3A_1962, %select_n3A_1967 : vector<16xi1>, vector<16xi32>
      %select_n3A_2003 = arith.select %le3A_2000, %select_n3A_1966, %select_n3A_1961 : vector<16xi1>, vector<16xi32>
      %select_n3A_2004 = arith.select %le3A_2000, %select_n3A_1967, %select_n3A_1962 : vector<16xi1>, vector<16xi32>
      %le3A_2005 = arith.cmpi sle, %select_n3A_1963, %select_n3A_1968 : vector<16xi32>
      %select_n3A_2006 = arith.select %le3A_2005, %select_n3A_1963, %select_n3A_1968 : vector<16xi1>, vector<16xi32>
      %select_n3A_2007 = arith.select %le3A_2005, %select_n3A_1964, %select_n3A_1969 : vector<16xi1>, vector<16xi32>
      %select_n3A_2008 = arith.select %le3A_2005, %select_n3A_1968, %select_n3A_1963 : vector<16xi1>, vector<16xi32>
      %select_n3A_2009 = arith.select %le3A_2005, %select_n3A_1969, %select_n3A_1964 : vector<16xi1>, vector<16xi32>
      %ge3A_2010 = arith.cmpi sge, %select_n3A_1971, %select_n3A_1976 : vector<16xi32>
      %select_n3A_2011 = arith.select %ge3A_2010, %select_n3A_1971, %select_n3A_1976 : vector<16xi1>, vector<16xi32>
      %select_n3A_2012 = arith.select %ge3A_2010, %select_n3A_1972, %select_n3A_1977 : vector<16xi1>, vector<16xi32>
      %select_n3A_2013 = arith.select %ge3A_2010, %select_n3A_1976, %select_n3A_1971 : vector<16xi1>, vector<16xi32>
      %select_n3A_2014 = arith.select %ge3A_2010, %select_n3A_1977, %select_n3A_1972 : vector<16xi1>, vector<16xi32>
      %ge3A_2015 = arith.cmpi sge, %select_n3A_1973, %select_n3A_1978 : vector<16xi32>
      %select_n3A_2016 = arith.select %ge3A_2015, %select_n3A_1973, %select_n3A_1978 : vector<16xi1>, vector<16xi32>
      %select_n3A_2017 = arith.select %ge3A_2015, %select_n3A_1974, %select_n3A_1979 : vector<16xi1>, vector<16xi32>
      %select_n3A_2018 = arith.select %ge3A_2015, %select_n3A_1978, %select_n3A_1973 : vector<16xi1>, vector<16xi32>
      %select_n3A_2019 = arith.select %ge3A_2015, %select_n3A_1979, %select_n3A_1974 : vector<16xi1>, vector<16xi32>
      %masked_sort3A_2020 = arith.constant dense<true> : vector<16xi1>
      %masked_sort3A_2021 = arith.constant -2147483648 : i32
      %masked_sort3A_2022 = vector.broadcast %masked_sort3A_2021 : i32 to vector<16xi32>
      %masked_sort3A_2023 = arith.xori %select_n3A_1981, %masked_sort3A_2022 : vector<16xi32>
      %masked_sort3A_2024, %masked_sort3A_2025, %masked_sort3A_2026 = tpu.sort %masked_sort3A_2023, %select_n3A_1982 masked %masked_sort3A_2020 : (vector<16xi32>, vector<16xi32>, vector<16xi1>) -> (vector<16xi1>, vector<16xi32>, vector<16xi32>)
      %masked_sort3A_2027 = arith.xori %masked_sort3A_2025, %masked_sort3A_2022 : vector<16xi32>
      %masked_sort3A_2028 = arith.constant dense<true> : vector<16xi1>
      %masked_sort3A_2029 = arith.constant -2147483648 : i32
      %masked_sort3A_2030 = vector.broadcast %masked_sort3A_2029 : i32 to vector<16xi32>
      %masked_sort3A_2031 = arith.xori %select_n3A_1983, %masked_sort3A_2030 : vector<16xi32>
      %masked_sort3A_2032, %masked_sort3A_2033, %masked_sort3A_2034 = tpu.sort %masked_sort3A_2031, %select_n3A_1984 masked %masked_sort3A_2028 : (vector<16xi32>, vector<16xi32>, vector<16xi1>) -> (vector<16xi1>, vector<16xi32>, vector<16xi32>)
      %masked_sort3A_2035 = arith.xori %masked_sort3A_2033, %masked_sort3A_2030 : vector<16xi32>
      %masked_sort3A_2036 = arith.constant dense<true> : vector<16xi1>
      %masked_sort3A_2037 = arith.constant -2147483648 : i32
      %masked_sort3A_2038 = vector.broadcast %masked_sort3A_2037 : i32 to vector<16xi32>
      %masked_sort3A_2039 = arith.xori %select_n3A_1986, %masked_sort3A_2038 : vector<16xi32>
      %masked_sort3A_2040, %masked_sort3A_2041, %masked_sort3A_2042 = tpu.sort %masked_sort3A_2039, %select_n3A_1987 masked %masked_sort3A_2036 : (vector<16xi32>, vector<16xi32>, vector<16xi1>) -> (vector<16xi1>, vector<16xi32>, vector<16xi32>)
      %masked_sort3A_2043 = arith.xori %masked_sort3A_2041, %masked_sort3A_2038 : vector<16xi32>
      %masked_sort3A_2044 = arith.constant dense<true> : vector<16xi1>
      %masked_sort3A_2045 = arith.constant -2147483648 : i32
      %masked_sort3A_2046 = vector.broadcast %masked_sort3A_2045 : i32 to vector<16xi32>
      %masked_sort3A_2047 = arith.xori %select_n3A_1988, %masked_sort3A_2046 : vector<16xi32>
      %masked_sort3A_2048, %masked_sort3A_2049, %masked_sort3A_2050 = tpu.sort %masked_sort3A_2047, %select_n3A_1989 masked %masked_sort3A_2044 : (vector<16xi32>, vector<16xi32>, vector<16xi1>) -> (vector<16xi1>, vector<16xi32>, vector<16xi32>)
      %masked_sort3A_2051 = arith.xori %masked_sort3A_2049, %masked_sort3A_2046 : vector<16xi32>
      %masked_sort3A_2052 = arith.constant dense<true> : vector<16xi1>
      %masked_sort3A_2053 = arith.constant -2147483648 : i32
      %masked_sort3A_2054 = vector.broadcast %masked_sort3A_2053 : i32 to vector<16xi32>
      %masked_sort3A_2055 = arith.xori %select_n3A_1991, %masked_sort3A_2054 : vector<16xi32>
      %masked_sort3A_2056, %masked_sort3A_2057, %masked_sort3A_2058 = tpu.sort %masked_sort3A_2055, %select_n3A_1992 masked %masked_sort3A_2052 {descending = true} : (vector<16xi32>, vector<16xi32>, vector<16xi1>) -> (vector<16xi1>, vector<16xi32>, vector<16xi32>)
      %masked_sort3A_2059 = arith.xori %masked_sort3A_2057, %masked_sort3A_2054 : vector<16xi32>
      %masked_sort3A_2060 = arith.constant dense<true> : vector<16xi1>
      %masked_sort3A_2061 = arith.constant -2147483648 : i32
      %masked_sort3A_2062 = vector.broadcast %masked_sort3A_2061 : i32 to vector<16xi32>
      %masked_sort3A_2063 = arith.xori %select_n3A_1993, %masked_sort3A_2062 : vector<16xi32>
      %masked_sort3A_2064, %masked_sort3A_2065, %masked_sort3A_2066 = tpu.sort %masked_sort3A_2063, %select_n3A_1994 masked %masked_sort3A_2060 {descending = true} : (vector<16xi32>, vector<16xi32>, vector<16xi1>) -> (vector<16xi1>, vector<16xi32>, vector<16xi32>)
      %masked_sort3A_2067 = arith.xori %masked_sort3A_2065, %masked_sort3A_2062 : vector<16xi32>
      %masked_sort3A_2068 = arith.constant dense<true> : vector<16xi1>
      %masked_sort3A_2069 = arith.constant -2147483648 : i32
      %masked_sort3A_2070 = vector.broadcast %masked_sort3A_2069 : i32 to vector<16xi32>
      %masked_sort3A_2071 = arith.xori %select_n3A_1996, %masked_sort3A_2070 : vector<16xi32>
      %masked_sort3A_2072, %masked_sort3A_2073, %masked_sort3A_2074 = tpu.sort %masked_sort3A_2071, %select_n3A_1997 masked %masked_sort3A_2068 {descending = true} : (vector<16xi32>, vector<16xi32>, vector<16xi1>) -> (vector<16xi1>, vector<16xi32>, vector<16xi32>)
      %masked_sort3A_2075 = arith.xori %masked_sort3A_2073, %masked_sort3A_2070 : vector<16xi32>
      %masked_sort3A_2076 = arith.constant dense<true> : vector<16xi1>
      %masked_sort3A_2077 = arith.constant -2147483648 : i32
      %masked_sort3A_2078 = vector.broadcast %masked_sort3A_2077 : i32 to vector<16xi32>
      %masked_sort3A_2079 = arith.xori %select_n3A_1998, %masked_sort3A_2078 : vector<16xi32>
      %masked_sort3A_2080, %masked_sort3A_2081, %masked_sort3A_2082 = tpu.sort %masked_sort3A_2079, %select_n3A_1999 masked %masked_sort3A_2076 {descending = true} : (vector<16xi32>, vector<16xi32>, vector<16xi1>) -> (vector<16xi1>, vector<16xi32>, vector<16xi32>)
      %masked_sort3A_2083 = arith.xori %masked_sort3A_2081, %masked_sort3A_2078 : vector<16xi32>
      %masked_sort3A_2084 = arith.constant dense<true> : vector<16xi1>
      %masked_sort3A_2085 = arith.constant -2147483648 : i32
      %masked_sort3A_2086 = vector.broadcast %masked_sort3A_2085 : i32 to vector<16xi32>
      %masked_sort3A_2087 = arith.xori %select_n3A_2001, %masked_sort3A_2086 : vector<16xi32>
      %masked_sort3A_2088, %masked_sort3A_2089, %masked_sort3A_2090 = tpu.sort %masked_sort3A_2087, %select_n3A_2002 masked %masked_sort3A_2084 : (vector<16xi32>, vector<16xi32>, vector<16xi1>) -> (vector<16xi1>, vector<16xi32>, vector<16xi32>)
      %masked_sort3A_2091 = arith.xori %masked_sort3A_2089, %masked_sort3A_2086 : vector<16xi32>
      %masked_sort3A_2092 = arith.constant dense<true> : vector<16xi1>
      %masked_sort3A_2093 = arith.constant -2147483648 : i32
      %masked_sort3A_2094 = vector.broadcast %masked_sort3A_2093 : i32 to vector<16xi32>
      %masked_sort3A_2095 = arith.xori %select_n3A_2003, %masked_sort3A_2094 : vector<16xi32>
      %masked_sort3A_2096, %masked_sort3A_2097, %masked_sort3A_2098 = tpu.sort %masked_sort3A_2095, %select_n3A_2004 masked %masked_sort3A_2092 : (vector<16xi32>, vector<16xi32>, vector<16xi1>) -> (vector<16xi1>, vector<16xi32>, vector<16xi32>)
      %masked_sort3A_2099 = arith.xori %masked_sort3A_2097, %masked_sort3A_2094 : vector<16xi32>
      %masked_sort3A_2100 = arith.constant dense<true> : vector<16xi1>
      %masked_sort3A_2101 = arith.constant -2147483648 : i32
      %masked_sort3A_2102 = vector.broadcast %masked_sort3A_2101 : i32 to vector<16xi32>
      %masked_sort3A_2103 = arith.xori %select_n3A_2006, %masked_sort3A_2102 : vector<16xi32>
      %masked_sort3A_2104, %masked_sort3A_2105, %masked_sort3A_2106 = tpu.sort %masked_sort3A_2103, %select_n3A_2007 masked %masked_sort3A_2100 : (vector<16xi32>, vector<16xi32>, vector<16xi1>) -> (vector<16xi1>, vector<16xi32>, vector<16xi32>)
      %masked_sort3A_2107 = arith.xori %masked_sort3A_2105, %masked_sort3A_2102 : vector<16xi32>
      %masked_sort3A_2108 = arith.constant dense<true> : vector<16xi1>
      %masked_sort3A_2109 = arith.constant -2147483648 : i32
      %masked_sort3A_2110 = vector.broadcast %masked_sort3A_2109 : i32 to vector<16xi32>
      %masked_sort3A_2111 = arith.xori %select_n3A_2008, %masked_sort3A_2110 : vector<16xi32>
      %masked_sort3A_2112, %masked_sort3A_2113, %masked_sort3A_2114 = tpu.sort %masked_sort3A_2111, %select_n3A_2009 masked %masked_sort3A_2108 : (vector<16xi32>, vector<16xi32>, vector<16xi1>) -> (vector<16xi1>, vector<16xi32>, vector<16xi32>)
      %masked_sort3A_2115 = arith.xori %masked_sort3A_2113, %masked_sort3A_2110 : vector<16xi32>
      %masked_sort3A_2116 = arith.constant dense<true> : vector<16xi1>
      %masked_sort3A_2117 = arith.constant -2147483648 : i32
      %masked_sort3A_2118 = vector.broadcast %masked_sort3A_2117 : i32 to vector<16xi32>
      %masked_sort3A_2119 = arith.xori %select_n3A_2011, %masked_sort3A_2118 : vector<16xi32>
      %masked_sort3A_2120, %masked_sort3A_2121, %masked_sort3A_2122 = tpu.sort %masked_sort3A_2119, %select_n3A_2012 masked %masked_sort3A_2116 {descending = true} : (vector<16xi32>, vector<16xi32>, vector<16xi1>) -> (vector<16xi1>, vector<16xi32>, vector<16xi32>)
      %masked_sort3A_2123 = arith.xori %masked_sort3A_2121, %masked_sort3A_2118 : vector<16xi32>
      %masked_sort3A_2124 = arith.constant dense<true> : vector<16xi1>
      %masked_sort3A_2125 = arith.constant -2147483648 : i32
      %masked_sort3A_2126 = vector.broadcast %masked_sort3A_2125 : i32 to vector<16xi32>
      %masked_sort3A_2127 = arith.xori %select_n3A_2013, %masked_sort3A_2126 : vector<16xi32>
      %masked_sort3A_2128, %masked_sort3A_2129, %masked_sort3A_2130 = tpu.sort %masked_sort3A_2127, %select_n3A_2014 masked %masked_sort3A_2124 {descending = true} : (vector<16xi32>, vector<16xi32>, vector<16xi1>) -> (vector<16xi1>, vector<16xi32>, vector<16xi32>)
      %masked_sort3A_2131 = arith.xori %masked_sort3A_2129, %masked_sort3A_2126 : vector<16xi32>
      %masked_sort3A_2132 = arith.constant dense<true> : vector<16xi1>
      %masked_sort3A_2133 = arith.constant -2147483648 : i32
      %masked_sort3A_2134 = vector.broadcast %masked_sort3A_2133 : i32 to vector<16xi32>
      %masked_sort3A_2135 = arith.xori %select_n3A_2016, %masked_sort3A_2134 : vector<16xi32>
      %masked_sort3A_2136, %masked_sort3A_2137, %masked_sort3A_2138 = tpu.sort %masked_sort3A_2135, %select_n3A_2017 masked %masked_sort3A_2132 {descending = true} : (vector<16xi32>, vector<16xi32>, vector<16xi1>) -> (vector<16xi1>, vector<16xi32>, vector<16xi32>)
      %masked_sort3A_2139 = arith.xori %masked_sort3A_2137, %masked_sort3A_2134 : vector<16xi32>
      %masked_sort3A_2140 = arith.constant dense<true> : vector<16xi1>
      %masked_sort3A_2141 = arith.constant -2147483648 : i32
      %masked_sort3A_2142 = vector.broadcast %masked_sort3A_2141 : i32 to vector<16xi32>
      %masked_sort3A_2143 = arith.xori %select_n3A_2018, %masked_sort3A_2142 : vector<16xi32>
      %masked_sort3A_2144, %masked_sort3A_2145, %masked_sort3A_2146 = tpu.sort %masked_sort3A_2143, %select_n3A_2019 masked %masked_sort3A_2140 {descending = true} : (vector<16xi32>, vector<16xi32>, vector<16xi1>) -> (vector<16xi1>, vector<16xi32>, vector<16xi32>)
      %masked_sort3A_2147 = arith.xori %masked_sort3A_2145, %masked_sort3A_2142 : vector<16xi32>
      %le3A_2148 = arith.cmpi sle, %masked_sort3A_2027, %masked_sort3A_2059 : vector<16xi32>
      %select_n3A_2149 = arith.select %le3A_2148, %masked_sort3A_2027, %masked_sort3A_2059 : vector<16xi1>, vector<16xi32>
      %select_n3A_2150 = arith.select %le3A_2148, %masked_sort3A_2026, %masked_sort3A_2058 : vector<16xi1>, vector<16xi32>
      %select_n3A_2151 = arith.select %le3A_2148, %masked_sort3A_2059, %masked_sort3A_2027 : vector<16xi1>, vector<16xi32>
      %select_n3A_2152 = arith.select %le3A_2148, %masked_sort3A_2058, %masked_sort3A_2026 : vector<16xi1>, vector<16xi32>
      %le3A_2153 = arith.cmpi sle, %masked_sort3A_2035, %masked_sort3A_2067 : vector<16xi32>
      %select_n3A_2154 = arith.select %le3A_2153, %masked_sort3A_2035, %masked_sort3A_2067 : vector<16xi1>, vector<16xi32>
      %select_n3A_2155 = arith.select %le3A_2153, %masked_sort3A_2034, %masked_sort3A_2066 : vector<16xi1>, vector<16xi32>
      %select_n3A_2156 = arith.select %le3A_2153, %masked_sort3A_2067, %masked_sort3A_2035 : vector<16xi1>, vector<16xi32>
      %select_n3A_2157 = arith.select %le3A_2153, %masked_sort3A_2066, %masked_sort3A_2034 : vector<16xi1>, vector<16xi32>
      %le3A_2158 = arith.cmpi sle, %masked_sort3A_2043, %masked_sort3A_2075 : vector<16xi32>
      %select_n3A_2159 = arith.select %le3A_2158, %masked_sort3A_2043, %masked_sort3A_2075 : vector<16xi1>, vector<16xi32>
      %select_n3A_2160 = arith.select %le3A_2158, %masked_sort3A_2042, %masked_sort3A_2074 : vector<16xi1>, vector<16xi32>
      %select_n3A_2161 = arith.select %le3A_2158, %masked_sort3A_2075, %masked_sort3A_2043 : vector<16xi1>, vector<16xi32>
      %select_n3A_2162 = arith.select %le3A_2158, %masked_sort3A_2074, %masked_sort3A_2042 : vector<16xi1>, vector<16xi32>
      %le3A_2163 = arith.cmpi sle, %masked_sort3A_2051, %masked_sort3A_2083 : vector<16xi32>
      %select_n3A_2164 = arith.select %le3A_2163, %masked_sort3A_2051, %masked_sort3A_2083 : vector<16xi1>, vector<16xi32>
      %select_n3A_2165 = arith.select %le3A_2163, %masked_sort3A_2050, %masked_sort3A_2082 : vector<16xi1>, vector<16xi32>
      %select_n3A_2166 = arith.select %le3A_2163, %masked_sort3A_2083, %masked_sort3A_2051 : vector<16xi1>, vector<16xi32>
      %select_n3A_2167 = arith.select %le3A_2163, %masked_sort3A_2082, %masked_sort3A_2050 : vector<16xi1>, vector<16xi32>
      %ge3A_2168 = arith.cmpi sge, %masked_sort3A_2091, %masked_sort3A_2123 : vector<16xi32>
      %select_n3A_2169 = arith.select %ge3A_2168, %masked_sort3A_2091, %masked_sort3A_2123 : vector<16xi1>, vector<16xi32>
      %select_n3A_2170 = arith.select %ge3A_2168, %masked_sort3A_2090, %masked_sort3A_2122 : vector<16xi1>, vector<16xi32>
      %select_n3A_2171 = arith.select %ge3A_2168, %masked_sort3A_2123, %masked_sort3A_2091 : vector<16xi1>, vector<16xi32>
      %select_n3A_2172 = arith.select %ge3A_2168, %masked_sort3A_2122, %masked_sort3A_2090 : vector<16xi1>, vector<16xi32>
      %ge3A_2173 = arith.cmpi sge, %masked_sort3A_2099, %masked_sort3A_2131 : vector<16xi32>
      %select_n3A_2174 = arith.select %ge3A_2173, %masked_sort3A_2099, %masked_sort3A_2131 : vector<16xi1>, vector<16xi32>
      %select_n3A_2175 = arith.select %ge3A_2173, %masked_sort3A_2098, %masked_sort3A_2130 : vector<16xi1>, vector<16xi32>
      %select_n3A_2176 = arith.select %ge3A_2173, %masked_sort3A_2131, %masked_sort3A_2099 : vector<16xi1>, vector<16xi32>
      %select_n3A_2177 = arith.select %ge3A_2173, %masked_sort3A_2130, %masked_sort3A_2098 : vector<16xi1>, vector<16xi32>
      %ge3A_2178 = arith.cmpi sge, %masked_sort3A_2107, %masked_sort3A_2139 : vector<16xi32>
      %select_n3A_2179 = arith.select %ge3A_2178, %masked_sort3A_2107, %masked_sort3A_2139 : vector<16xi1>, vector<16xi32>
      %select_n3A_2180 = arith.select %ge3A_2178, %masked_sort3A_2106, %masked_sort3A_2138 : vector<16xi1>, vector<16xi32>
      %select_n3A_2181 = arith.select %ge3A_2178, %masked_sort3A_2139, %masked_sort3A_2107 : vector<16xi1>, vector<16xi32>
      %select_n3A_2182 = arith.select %ge3A_2178, %masked_sort3A_2138, %masked_sort3A_2106 : vector<16xi1>, vector<16xi32>
      %ge3A_2183 = arith.cmpi sge, %masked_sort3A_2115, %masked_sort3A_2147 : vector<16xi32>
      %select_n3A_2184 = arith.select %ge3A_2183, %masked_sort3A_2115, %masked_sort3A_2147 : vector<16xi1>, vector<16xi32>
      %select_n3A_2185 = arith.select %ge3A_2183, %masked_sort3A_2114, %masked_sort3A_2146 : vector<16xi1>, vector<16xi32>
      %select_n3A_2186 = arith.select %ge3A_2183, %masked_sort3A_2147, %masked_sort3A_2115 : vector<16xi1>, vector<16xi32>
      %select_n3A_2187 = arith.select %ge3A_2183, %masked_sort3A_2146, %masked_sort3A_2114 : vector<16xi1>, vector<16xi32>
      %le3A_2188 = arith.cmpi sle, %select_n3A_2149, %select_n3A_2159 : vector<16xi32>
      %select_n3A_2189 = arith.select %le3A_2188, %select_n3A_2149, %select_n3A_2159 : vector<16xi1>, vector<16xi32>
      %select_n3A_2190 = arith.select %le3A_2188, %select_n3A_2150, %select_n3A_2160 : vector<16xi1>, vector<16xi32>
      %select_n3A_2191 = arith.select %le3A_2188, %select_n3A_2159, %select_n3A_2149 : vector<16xi1>, vector<16xi32>
      %select_n3A_2192 = arith.select %le3A_2188, %select_n3A_2160, %select_n3A_2150 : vector<16xi1>, vector<16xi32>
      %le3A_2193 = arith.cmpi sle, %select_n3A_2154, %select_n3A_2164 : vector<16xi32>
      %select_n3A_2194 = arith.select %le3A_2193, %select_n3A_2154, %select_n3A_2164 : vector<16xi1>, vector<16xi32>
      %select_n3A_2195 = arith.select %le3A_2193, %select_n3A_2155, %select_n3A_2165 : vector<16xi1>, vector<16xi32>
      %select_n3A_2196 = arith.select %le3A_2193, %select_n3A_2164, %select_n3A_2154 : vector<16xi1>, vector<16xi32>
      %select_n3A_2197 = arith.select %le3A_2193, %select_n3A_2165, %select_n3A_2155 : vector<16xi1>, vector<16xi32>
      %le3A_2198 = arith.cmpi sle, %select_n3A_2151, %select_n3A_2161 : vector<16xi32>
      %select_n3A_2199 = arith.select %le3A_2198, %select_n3A_2151, %select_n3A_2161 : vector<16xi1>, vector<16xi32>
      %select_n3A_2200 = arith.select %le3A_2198, %select_n3A_2152, %select_n3A_2162 : vector<16xi1>, vector<16xi32>
      %select_n3A_2201 = arith.select %le3A_2198, %select_n3A_2161, %select_n3A_2151 : vector<16xi1>, vector<16xi32>
      %select_n3A_2202 = arith.select %le3A_2198, %select_n3A_2162, %select_n3A_2152 : vector<16xi1>, vector<16xi32>
      %le3A_2203 = arith.cmpi sle, %select_n3A_2156, %select_n3A_2166 : vector<16xi32>
      %select_n3A_2204 = arith.select %le3A_2203, %select_n3A_2156, %select_n3A_2166 : vector<16xi1>, vector<16xi32>
      %select_n3A_2205 = arith.select %le3A_2203, %select_n3A_2157, %select_n3A_2167 : vector<16xi1>, vector<16xi32>
      %select_n3A_2206 = arith.select %le3A_2203, %select_n3A_2166, %select_n3A_2156 : vector<16xi1>, vector<16xi32>
      %select_n3A_2207 = arith.select %le3A_2203, %select_n3A_2167, %select_n3A_2157 : vector<16xi1>, vector<16xi32>
      %ge3A_2208 = arith.cmpi sge, %select_n3A_2169, %select_n3A_2179 : vector<16xi32>
      %select_n3A_2209 = arith.select %ge3A_2208, %select_n3A_2169, %select_n3A_2179 : vector<16xi1>, vector<16xi32>
      %select_n3A_2210 = arith.select %ge3A_2208, %select_n3A_2170, %select_n3A_2180 : vector<16xi1>, vector<16xi32>
      %select_n3A_2211 = arith.select %ge3A_2208, %select_n3A_2179, %select_n3A_2169 : vector<16xi1>, vector<16xi32>
      %select_n3A_2212 = arith.select %ge3A_2208, %select_n3A_2180, %select_n3A_2170 : vector<16xi1>, vector<16xi32>
      %ge3A_2213 = arith.cmpi sge, %select_n3A_2174, %select_n3A_2184 : vector<16xi32>
      %select_n3A_2214 = arith.select %ge3A_2213, %select_n3A_2174, %select_n3A_2184 : vector<16xi1>, vector<16xi32>
      %select_n3A_2215 = arith.select %ge3A_2213, %select_n3A_2175, %select_n3A_2185 : vector<16xi1>, vector<16xi32>
      %select_n3A_2216 = arith.select %ge3A_2213, %select_n3A_2184, %select_n3A_2174 : vector<16xi1>, vector<16xi32>
      %select_n3A_2217 = arith.select %ge3A_2213, %select_n3A_2185, %select_n3A_2175 : vector<16xi1>, vector<16xi32>
      %ge3A_2218 = arith.cmpi sge, %select_n3A_2171, %select_n3A_2181 : vector<16xi32>
      %select_n3A_2219 = arith.select %ge3A_2218, %select_n3A_2171, %select_n3A_2181 : vector<16xi1>, vector<16xi32>
      %select_n3A_2220 = arith.select %ge3A_2218, %select_n3A_2172, %select_n3A_2182 : vector<16xi1>, vector<16xi32>
      %select_n3A_2221 = arith.select %ge3A_2218, %select_n3A_2181, %select_n3A_2171 : vector<16xi1>, vector<16xi32>
      %select_n3A_2222 = arith.select %ge3A_2218, %select_n3A_2182, %select_n3A_2172 : vector<16xi1>, vector<16xi32>
      %ge3A_2223 = arith.cmpi sge, %select_n3A_2176, %select_n3A_2186 : vector<16xi32>
      %select_n3A_2224 = arith.select %ge3A_2223, %select_n3A_2176, %select_n3A_2186 : vector<16xi1>, vector<16xi32>
      %select_n3A_2225 = arith.select %ge3A_2223, %select_n3A_2177, %select_n3A_2187 : vector<16xi1>, vector<16xi32>
      %select_n3A_2226 = arith.select %ge3A_2223, %select_n3A_2186, %select_n3A_2176 : vector<16xi1>, vector<16xi32>
      %select_n3A_2227 = arith.select %ge3A_2223, %select_n3A_2187, %select_n3A_2177 : vector<16xi1>, vector<16xi32>
      %le3A_2228 = arith.cmpi sle, %select_n3A_2189, %select_n3A_2194 : vector<16xi32>
      %select_n3A_2229 = arith.select %le3A_2228, %select_n3A_2189, %select_n3A_2194 : vector<16xi1>, vector<16xi32>
      %select_n3A_2230 = arith.select %le3A_2228, %select_n3A_2190, %select_n3A_2195 : vector<16xi1>, vector<16xi32>
      %select_n3A_2231 = arith.select %le3A_2228, %select_n3A_2194, %select_n3A_2189 : vector<16xi1>, vector<16xi32>
      %select_n3A_2232 = arith.select %le3A_2228, %select_n3A_2195, %select_n3A_2190 : vector<16xi1>, vector<16xi32>
      %le3A_2233 = arith.cmpi sle, %select_n3A_2191, %select_n3A_2196 : vector<16xi32>
      %select_n3A_2234 = arith.select %le3A_2233, %select_n3A_2191, %select_n3A_2196 : vector<16xi1>, vector<16xi32>
      %select_n3A_2235 = arith.select %le3A_2233, %select_n3A_2192, %select_n3A_2197 : vector<16xi1>, vector<16xi32>
      %select_n3A_2236 = arith.select %le3A_2233, %select_n3A_2196, %select_n3A_2191 : vector<16xi1>, vector<16xi32>
      %select_n3A_2237 = arith.select %le3A_2233, %select_n3A_2197, %select_n3A_2192 : vector<16xi1>, vector<16xi32>
      %le3A_2238 = arith.cmpi sle, %select_n3A_2199, %select_n3A_2204 : vector<16xi32>
      %select_n3A_2239 = arith.select %le3A_2238, %select_n3A_2199, %select_n3A_2204 : vector<16xi1>, vector<16xi32>
      %select_n3A_2240 = arith.select %le3A_2238, %select_n3A_2200, %select_n3A_2205 : vector<16xi1>, vector<16xi32>
      %select_n3A_2241 = arith.select %le3A_2238, %select_n3A_2204, %select_n3A_2199 : vector<16xi1>, vector<16xi32>
      %select_n3A_2242 = arith.select %le3A_2238, %select_n3A_2205, %select_n3A_2200 : vector<16xi1>, vector<16xi32>
      %le3A_2243 = arith.cmpi sle, %select_n3A_2201, %select_n3A_2206 : vector<16xi32>
      %select_n3A_2244 = arith.select %le3A_2243, %select_n3A_2201, %select_n3A_2206 : vector<16xi1>, vector<16xi32>
      %select_n3A_2245 = arith.select %le3A_2243, %select_n3A_2202, %select_n3A_2207 : vector<16xi1>, vector<16xi32>
      %select_n3A_2246 = arith.select %le3A_2243, %select_n3A_2206, %select_n3A_2201 : vector<16xi1>, vector<16xi32>
      %select_n3A_2247 = arith.select %le3A_2243, %select_n3A_2207, %select_n3A_2202 : vector<16xi1>, vector<16xi32>
      %ge3A_2248 = arith.cmpi sge, %select_n3A_2209, %select_n3A_2214 : vector<16xi32>
      %select_n3A_2249 = arith.select %ge3A_2248, %select_n3A_2209, %select_n3A_2214 : vector<16xi1>, vector<16xi32>
      %select_n3A_2250 = arith.select %ge3A_2248, %select_n3A_2210, %select_n3A_2215 : vector<16xi1>, vector<16xi32>
      %select_n3A_2251 = arith.select %ge3A_2248, %select_n3A_2214, %select_n3A_2209 : vector<16xi1>, vector<16xi32>
      %select_n3A_2252 = arith.select %ge3A_2248, %select_n3A_2215, %select_n3A_2210 : vector<16xi1>, vector<16xi32>
      %ge3A_2253 = arith.cmpi sge, %select_n3A_2211, %select_n3A_2216 : vector<16xi32>
      %select_n3A_2254 = arith.select %ge3A_2253, %select_n3A_2211, %select_n3A_2216 : vector<16xi1>, vector<16xi32>
      %select_n3A_2255 = arith.select %ge3A_2253, %select_n3A_2212, %select_n3A_2217 : vector<16xi1>, vector<16xi32>
      %select_n3A_2256 = arith.select %ge3A_2253, %select_n3A_2216, %select_n3A_2211 : vector<16xi1>, vector<16xi32>
      %select_n3A_2257 = arith.select %ge3A_2253, %select_n3A_2217, %select_n3A_2212 : vector<16xi1>, vector<16xi32>
      %ge3A_2258 = arith.cmpi sge, %select_n3A_2219, %select_n3A_2224 : vector<16xi32>
      %select_n3A_2259 = arith.select %ge3A_2258, %select_n3A_2219, %select_n3A_2224 : vector<16xi1>, vector<16xi32>
      %select_n3A_2260 = arith.select %ge3A_2258, %select_n3A_2220, %select_n3A_2225 : vector<16xi1>, vector<16xi32>
      %select_n3A_2261 = arith.select %ge3A_2258, %select_n3A_2224, %select_n3A_2219 : vector<16xi1>, vector<16xi32>
      %select_n3A_2262 = arith.select %ge3A_2258, %select_n3A_2225, %select_n3A_2220 : vector<16xi1>, vector<16xi32>
      %ge3A_2263 = arith.cmpi sge, %select_n3A_2221, %select_n3A_2226 : vector<16xi32>
      %select_n3A_2264 = arith.select %ge3A_2263, %select_n3A_2221, %select_n3A_2226 : vector<16xi1>, vector<16xi32>
      %select_n3A_2265 = arith.select %ge3A_2263, %select_n3A_2222, %select_n3A_2227 : vector<16xi1>, vector<16xi32>
      %select_n3A_2266 = arith.select %ge3A_2263, %select_n3A_2226, %select_n3A_2221 : vector<16xi1>, vector<16xi32>
      %select_n3A_2267 = arith.select %ge3A_2263, %select_n3A_2227, %select_n3A_2222 : vector<16xi1>, vector<16xi32>
      %masked_sort3A_2268 = arith.constant dense<true> : vector<16xi1>
      %masked_sort3A_2269 = arith.constant -2147483648 : i32
      %masked_sort3A_2270 = vector.broadcast %masked_sort3A_2269 : i32 to vector<16xi32>
      %masked_sort3A_2271 = arith.xori %select_n3A_2229, %masked_sort3A_2270 : vector<16xi32>
      %masked_sort3A_2272, %masked_sort3A_2273, %masked_sort3A_2274 = tpu.sort %masked_sort3A_2271, %select_n3A_2230 masked %masked_sort3A_2268 : (vector<16xi32>, vector<16xi32>, vector<16xi1>) -> (vector<16xi1>, vector<16xi32>, vector<16xi32>)
      %masked_sort3A_2275 = arith.xori %masked_sort3A_2273, %masked_sort3A_2270 : vector<16xi32>
      %masked_sort3A_2276 = arith.constant dense<true> : vector<16xi1>
      %masked_sort3A_2277 = arith.constant -2147483648 : i32
      %masked_sort3A_2278 = vector.broadcast %masked_sort3A_2277 : i32 to vector<16xi32>
      %masked_sort3A_2279 = arith.xori %select_n3A_2231, %masked_sort3A_2278 : vector<16xi32>
      %masked_sort3A_2280, %masked_sort3A_2281, %masked_sort3A_2282 = tpu.sort %masked_sort3A_2279, %select_n3A_2232 masked %masked_sort3A_2276 : (vector<16xi32>, vector<16xi32>, vector<16xi1>) -> (vector<16xi1>, vector<16xi32>, vector<16xi32>)
      %masked_sort3A_2283 = arith.xori %masked_sort3A_2281, %masked_sort3A_2278 : vector<16xi32>
      %masked_sort3A_2284 = arith.constant dense<true> : vector<16xi1>
      %masked_sort3A_2285 = arith.constant -2147483648 : i32
      %masked_sort3A_2286 = vector.broadcast %masked_sort3A_2285 : i32 to vector<16xi32>
      %masked_sort3A_2287 = arith.xori %select_n3A_2234, %masked_sort3A_2286 : vector<16xi32>
      %masked_sort3A_2288, %masked_sort3A_2289, %masked_sort3A_2290 = tpu.sort %masked_sort3A_2287, %select_n3A_2235 masked %masked_sort3A_2284 : (vector<16xi32>, vector<16xi32>, vector<16xi1>) -> (vector<16xi1>, vector<16xi32>, vector<16xi32>)
      %masked_sort3A_2291 = arith.xori %masked_sort3A_2289, %masked_sort3A_2286 : vector<16xi32>
      %masked_sort3A_2292 = arith.constant dense<true> : vector<16xi1>
      %masked_sort3A_2293 = arith.constant -2147483648 : i32
      %masked_sort3A_2294 = vector.broadcast %masked_sort3A_2293 : i32 to vector<16xi32>
      %masked_sort3A_2295 = arith.xori %select_n3A_2236, %masked_sort3A_2294 : vector<16xi32>
      %masked_sort3A_2296, %masked_sort3A_2297, %masked_sort3A_2298 = tpu.sort %masked_sort3A_2295, %select_n3A_2237 masked %masked_sort3A_2292 : (vector<16xi32>, vector<16xi32>, vector<16xi1>) -> (vector<16xi1>, vector<16xi32>, vector<16xi32>)
      %masked_sort3A_2299 = arith.xori %masked_sort3A_2297, %masked_sort3A_2294 : vector<16xi32>
      %masked_sort3A_2300 = arith.constant dense<true> : vector<16xi1>
      %masked_sort3A_2301 = arith.constant -2147483648 : i32
      %masked_sort3A_2302 = vector.broadcast %masked_sort3A_2301 : i32 to vector<16xi32>
      %masked_sort3A_2303 = arith.xori %select_n3A_2239, %masked_sort3A_2302 : vector<16xi32>
      %masked_sort3A_2304, %masked_sort3A_2305, %masked_sort3A_2306 = tpu.sort %masked_sort3A_2303, %select_n3A_2240 masked %masked_sort3A_2300 : (vector<16xi32>, vector<16xi32>, vector<16xi1>) -> (vector<16xi1>, vector<16xi32>, vector<16xi32>)
      %masked_sort3A_2307 = arith.xori %masked_sort3A_2305, %masked_sort3A_2302 : vector<16xi32>
      %masked_sort3A_2308 = arith.constant dense<true> : vector<16xi1>
      %masked_sort3A_2309 = arith.constant -2147483648 : i32
      %masked_sort3A_2310 = vector.broadcast %masked_sort3A_2309 : i32 to vector<16xi32>
      %masked_sort3A_2311 = arith.xori %select_n3A_2241, %masked_sort3A_2310 : vector<16xi32>
      %masked_sort3A_2312, %masked_sort3A_2313, %masked_sort3A_2314 = tpu.sort %masked_sort3A_2311, %select_n3A_2242 masked %masked_sort3A_2308 : (vector<16xi32>, vector<16xi32>, vector<16xi1>) -> (vector<16xi1>, vector<16xi32>, vector<16xi32>)
      %masked_sort3A_2315 = arith.xori %masked_sort3A_2313, %masked_sort3A_2310 : vector<16xi32>
      %masked_sort3A_2316 = arith.constant dense<true> : vector<16xi1>
      %masked_sort3A_2317 = arith.constant -2147483648 : i32
      %masked_sort3A_2318 = vector.broadcast %masked_sort3A_2317 : i32 to vector<16xi32>
      %masked_sort3A_2319 = arith.xori %select_n3A_2244, %masked_sort3A_2318 : vector<16xi32>
      %masked_sort3A_2320, %masked_sort3A_2321, %masked_sort3A_2322 = tpu.sort %masked_sort3A_2319, %select_n3A_2245 masked %masked_sort3A_2316 : (vector<16xi32>, vector<16xi32>, vector<16xi1>) -> (vector<16xi1>, vector<16xi32>, vector<16xi32>)
      %masked_sort3A_2323 = arith.xori %masked_sort3A_2321, %masked_sort3A_2318 : vector<16xi32>
      %masked_sort3A_2324 = arith.constant dense<true> : vector<16xi1>
      %masked_sort3A_2325 = arith.constant -2147483648 : i32
      %masked_sort3A_2326 = vector.broadcast %masked_sort3A_2325 : i32 to vector<16xi32>
      %masked_sort3A_2327 = arith.xori %select_n3A_2246, %masked_sort3A_2326 : vector<16xi32>
      %masked_sort3A_2328, %masked_sort3A_2329, %masked_sort3A_2330 = tpu.sort %masked_sort3A_2327, %select_n3A_2247 masked %masked_sort3A_2324 : (vector<16xi32>, vector<16xi32>, vector<16xi1>) -> (vector<16xi1>, vector<16xi32>, vector<16xi32>)
      %masked_sort3A_2331 = arith.xori %masked_sort3A_2329, %masked_sort3A_2326 : vector<16xi32>
      %masked_sort3A_2332 = arith.constant dense<true> : vector<16xi1>
      %masked_sort3A_2333 = arith.constant -2147483648 : i32
      %masked_sort3A_2334 = vector.broadcast %masked_sort3A_2333 : i32 to vector<16xi32>
      %masked_sort3A_2335 = arith.xori %select_n3A_2249, %masked_sort3A_2334 : vector<16xi32>
      %masked_sort3A_2336, %masked_sort3A_2337, %masked_sort3A_2338 = tpu.sort %masked_sort3A_2335, %select_n3A_2250 masked %masked_sort3A_2332 {descending = true} : (vector<16xi32>, vector<16xi32>, vector<16xi1>) -> (vector<16xi1>, vector<16xi32>, vector<16xi32>)
      %masked_sort3A_2339 = arith.xori %masked_sort3A_2337, %masked_sort3A_2334 : vector<16xi32>
      %masked_sort3A_2340 = arith.constant dense<true> : vector<16xi1>
      %masked_sort3A_2341 = arith.constant -2147483648 : i32
      %masked_sort3A_2342 = vector.broadcast %masked_sort3A_2341 : i32 to vector<16xi32>
      %masked_sort3A_2343 = arith.xori %select_n3A_2251, %masked_sort3A_2342 : vector<16xi32>
      %masked_sort3A_2344, %masked_sort3A_2345, %masked_sort3A_2346 = tpu.sort %masked_sort3A_2343, %select_n3A_2252 masked %masked_sort3A_2340 {descending = true} : (vector<16xi32>, vector<16xi32>, vector<16xi1>) -> (vector<16xi1>, vector<16xi32>, vector<16xi32>)
      %masked_sort3A_2347 = arith.xori %masked_sort3A_2345, %masked_sort3A_2342 : vector<16xi32>
      %masked_sort3A_2348 = arith.constant dense<true> : vector<16xi1>
      %masked_sort3A_2349 = arith.constant -2147483648 : i32
      %masked_sort3A_2350 = vector.broadcast %masked_sort3A_2349 : i32 to vector<16xi32>
      %masked_sort3A_2351 = arith.xori %select_n3A_2254, %masked_sort3A_2350 : vector<16xi32>
      %masked_sort3A_2352, %masked_sort3A_2353, %masked_sort3A_2354 = tpu.sort %masked_sort3A_2351, %select_n3A_2255 masked %masked_sort3A_2348 {descending = true} : (vector<16xi32>, vector<16xi32>, vector<16xi1>) -> (vector<16xi1>, vector<16xi32>, vector<16xi32>)
      %masked_sort3A_2355 = arith.xori %masked_sort3A_2353, %masked_sort3A_2350 : vector<16xi32>
      %masked_sort3A_2356 = arith.constant dense<true> : vector<16xi1>
      %masked_sort3A_2357 = arith.constant -2147483648 : i32
      %masked_sort3A_2358 = vector.broadcast %masked_sort3A_2357 : i32 to vector<16xi32>
      %masked_sort3A_2359 = arith.xori %select_n3A_2256, %masked_sort3A_2358 : vector<16xi32>
      %masked_sort3A_2360, %masked_sort3A_2361, %masked_sort3A_2362 = tpu.sort %masked_sort3A_2359, %select_n3A_2257 masked %masked_sort3A_2356 {descending = true} : (vector<16xi32>, vector<16xi32>, vector<16xi1>) -> (vector<16xi1>, vector<16xi32>, vector<16xi32>)
      %masked_sort3A_2363 = arith.xori %masked_sort3A_2361, %masked_sort3A_2358 : vector<16xi32>
      %masked_sort3A_2364 = arith.constant dense<true> : vector<16xi1>
      %masked_sort3A_2365 = arith.constant -2147483648 : i32
      %masked_sort3A_2366 = vector.broadcast %masked_sort3A_2365 : i32 to vector<16xi32>
      %masked_sort3A_2367 = arith.xori %select_n3A_2259, %masked_sort3A_2366 : vector<16xi32>
      %masked_sort3A_2368, %masked_sort3A_2369, %masked_sort3A_2370 = tpu.sort %masked_sort3A_2367, %select_n3A_2260 masked %masked_sort3A_2364 {descending = true} : (vector<16xi32>, vector<16xi32>, vector<16xi1>) -> (vector<16xi1>, vector<16xi32>, vector<16xi32>)
      %masked_sort3A_2371 = arith.xori %masked_sort3A_2369, %masked_sort3A_2366 : vector<16xi32>
      %masked_sort3A_2372 = arith.constant dense<true> : vector<16xi1>
      %masked_sort3A_2373 = arith.constant -2147483648 : i32
      %masked_sort3A_2374 = vector.broadcast %masked_sort3A_2373 : i32 to vector<16xi32>
      %masked_sort3A_2375 = arith.xori %select_n3A_2261, %masked_sort3A_2374 : vector<16xi32>
      %masked_sort3A_2376, %masked_sort3A_2377, %masked_sort3A_2378 = tpu.sort %masked_sort3A_2375, %select_n3A_2262 masked %masked_sort3A_2372 {descending = true} : (vector<16xi32>, vector<16xi32>, vector<16xi1>) -> (vector<16xi1>, vector<16xi32>, vector<16xi32>)
      %masked_sort3A_2379 = arith.xori %masked_sort3A_2377, %masked_sort3A_2374 : vector<16xi32>
      %masked_sort3A_2380 = arith.constant dense<true> : vector<16xi1>
      %masked_sort3A_2381 = arith.constant -2147483648 : i32
      %masked_sort3A_2382 = vector.broadcast %masked_sort3A_2381 : i32 to vector<16xi32>
      %masked_sort3A_2383 = arith.xori %select_n3A_2264, %masked_sort3A_2382 : vector<16xi32>
      %masked_sort3A_2384, %masked_sort3A_2385, %masked_sort3A_2386 = tpu.sort %masked_sort3A_2383, %select_n3A_2265 masked %masked_sort3A_2380 {descending = true} : (vector<16xi32>, vector<16xi32>, vector<16xi1>) -> (vector<16xi1>, vector<16xi32>, vector<16xi32>)
      %masked_sort3A_2387 = arith.xori %masked_sort3A_2385, %masked_sort3A_2382 : vector<16xi32>
      %masked_sort3A_2388 = arith.constant dense<true> : vector<16xi1>
      %masked_sort3A_2389 = arith.constant -2147483648 : i32
      %masked_sort3A_2390 = vector.broadcast %masked_sort3A_2389 : i32 to vector<16xi32>
      %masked_sort3A_2391 = arith.xori %select_n3A_2266, %masked_sort3A_2390 : vector<16xi32>
      %masked_sort3A_2392, %masked_sort3A_2393, %masked_sort3A_2394 = tpu.sort %masked_sort3A_2391, %select_n3A_2267 masked %masked_sort3A_2388 {descending = true} : (vector<16xi32>, vector<16xi32>, vector<16xi1>) -> (vector<16xi1>, vector<16xi32>, vector<16xi32>)
      %masked_sort3A_2395 = arith.xori %masked_sort3A_2393, %masked_sort3A_2390 : vector<16xi32>
      %le3A_2396 = arith.cmpi sle, %masked_sort3A_2275, %masked_sort3A_2339 : vector<16xi32>
      %select_n3A_2397 = arith.select %le3A_2396, %masked_sort3A_2275, %masked_sort3A_2339 : vector<16xi1>, vector<16xi32>
      %select_n3A_2398 = arith.select %le3A_2396, %masked_sort3A_2274, %masked_sort3A_2338 : vector<16xi1>, vector<16xi32>
      %select_n3A_2399 = arith.select %le3A_2396, %masked_sort3A_2339, %masked_sort3A_2275 : vector<16xi1>, vector<16xi32>
      %select_n3A_2400 = arith.select %le3A_2396, %masked_sort3A_2338, %masked_sort3A_2274 : vector<16xi1>, vector<16xi32>
      %le3A_2401 = arith.cmpi sle, %masked_sort3A_2283, %masked_sort3A_2347 : vector<16xi32>
      %select_n3A_2402 = arith.select %le3A_2401, %masked_sort3A_2283, %masked_sort3A_2347 : vector<16xi1>, vector<16xi32>
      %select_n3A_2403 = arith.select %le3A_2401, %masked_sort3A_2282, %masked_sort3A_2346 : vector<16xi1>, vector<16xi32>
      %select_n3A_2404 = arith.select %le3A_2401, %masked_sort3A_2347, %masked_sort3A_2283 : vector<16xi1>, vector<16xi32>
      %select_n3A_2405 = arith.select %le3A_2401, %masked_sort3A_2346, %masked_sort3A_2282 : vector<16xi1>, vector<16xi32>
      %le3A_2406 = arith.cmpi sle, %masked_sort3A_2291, %masked_sort3A_2355 : vector<16xi32>
      %select_n3A_2407 = arith.select %le3A_2406, %masked_sort3A_2291, %masked_sort3A_2355 : vector<16xi1>, vector<16xi32>
      %select_n3A_2408 = arith.select %le3A_2406, %masked_sort3A_2290, %masked_sort3A_2354 : vector<16xi1>, vector<16xi32>
      %select_n3A_2409 = arith.select %le3A_2406, %masked_sort3A_2355, %masked_sort3A_2291 : vector<16xi1>, vector<16xi32>
      %select_n3A_2410 = arith.select %le3A_2406, %masked_sort3A_2354, %masked_sort3A_2290 : vector<16xi1>, vector<16xi32>
      %le3A_2411 = arith.cmpi sle, %masked_sort3A_2299, %masked_sort3A_2363 : vector<16xi32>
      %select_n3A_2412 = arith.select %le3A_2411, %masked_sort3A_2299, %masked_sort3A_2363 : vector<16xi1>, vector<16xi32>
      %select_n3A_2413 = arith.select %le3A_2411, %masked_sort3A_2298, %masked_sort3A_2362 : vector<16xi1>, vector<16xi32>
      %select_n3A_2414 = arith.select %le3A_2411, %masked_sort3A_2363, %masked_sort3A_2299 : vector<16xi1>, vector<16xi32>
      %select_n3A_2415 = arith.select %le3A_2411, %masked_sort3A_2362, %masked_sort3A_2298 : vector<16xi1>, vector<16xi32>
      %le3A_2416 = arith.cmpi sle, %masked_sort3A_2307, %masked_sort3A_2371 : vector<16xi32>
      %select_n3A_2417 = arith.select %le3A_2416, %masked_sort3A_2307, %masked_sort3A_2371 : vector<16xi1>, vector<16xi32>
      %select_n3A_2418 = arith.select %le3A_2416, %masked_sort3A_2306, %masked_sort3A_2370 : vector<16xi1>, vector<16xi32>
      %select_n3A_2419 = arith.select %le3A_2416, %masked_sort3A_2371, %masked_sort3A_2307 : vector<16xi1>, vector<16xi32>
      %select_n3A_2420 = arith.select %le3A_2416, %masked_sort3A_2370, %masked_sort3A_2306 : vector<16xi1>, vector<16xi32>
      %le3A_2421 = arith.cmpi sle, %masked_sort3A_2315, %masked_sort3A_2379 : vector<16xi32>
      %select_n3A_2422 = arith.select %le3A_2421, %masked_sort3A_2315, %masked_sort3A_2379 : vector<16xi1>, vector<16xi32>
      %select_n3A_2423 = arith.select %le3A_2421, %masked_sort3A_2314, %masked_sort3A_2378 : vector<16xi1>, vector<16xi32>
      %select_n3A_2424 = arith.select %le3A_2421, %masked_sort3A_2379, %masked_sort3A_2315 : vector<16xi1>, vector<16xi32>
      %select_n3A_2425 = arith.select %le3A_2421, %masked_sort3A_2378, %masked_sort3A_2314 : vector<16xi1>, vector<16xi32>
      %le3A_2426 = arith.cmpi sle, %masked_sort3A_2323, %masked_sort3A_2387 : vector<16xi32>
      %select_n3A_2427 = arith.select %le3A_2426, %masked_sort3A_2323, %masked_sort3A_2387 : vector<16xi1>, vector<16xi32>
      %select_n3A_2428 = arith.select %le3A_2426, %masked_sort3A_2322, %masked_sort3A_2386 : vector<16xi1>, vector<16xi32>
      %select_n3A_2429 = arith.select %le3A_2426, %masked_sort3A_2387, %masked_sort3A_2323 : vector<16xi1>, vector<16xi32>
      %select_n3A_2430 = arith.select %le3A_2426, %masked_sort3A_2386, %masked_sort3A_2322 : vector<16xi1>, vector<16xi32>
      %le3A_2431 = arith.cmpi sle, %masked_sort3A_2331, %masked_sort3A_2395 : vector<16xi32>
      %select_n3A_2432 = arith.select %le3A_2431, %masked_sort3A_2331, %masked_sort3A_2395 : vector<16xi1>, vector<16xi32>
      %select_n3A_2433 = arith.select %le3A_2431, %masked_sort3A_2330, %masked_sort3A_2394 : vector<16xi1>, vector<16xi32>
      %select_n3A_2434 = arith.select %le3A_2431, %masked_sort3A_2395, %masked_sort3A_2331 : vector<16xi1>, vector<16xi32>
      %select_n3A_2435 = arith.select %le3A_2431, %masked_sort3A_2394, %masked_sort3A_2330 : vector<16xi1>, vector<16xi32>
      %le3A_2436 = arith.cmpi sle, %select_n3A_2397, %select_n3A_2417 : vector<16xi32>
      %select_n3A_2437 = arith.select %le3A_2436, %select_n3A_2397, %select_n3A_2417 : vector<16xi1>, vector<16xi32>
      %select_n3A_2438 = arith.select %le3A_2436, %select_n3A_2398, %select_n3A_2418 : vector<16xi1>, vector<16xi32>
      %select_n3A_2439 = arith.select %le3A_2436, %select_n3A_2417, %select_n3A_2397 : vector<16xi1>, vector<16xi32>
      %select_n3A_2440 = arith.select %le3A_2436, %select_n3A_2418, %select_n3A_2398 : vector<16xi1>, vector<16xi32>
      %le3A_2441 = arith.cmpi sle, %select_n3A_2402, %select_n3A_2422 : vector<16xi32>
      %select_n3A_2442 = arith.select %le3A_2441, %select_n3A_2402, %select_n3A_2422 : vector<16xi1>, vector<16xi32>
      %select_n3A_2443 = arith.select %le3A_2441, %select_n3A_2403, %select_n3A_2423 : vector<16xi1>, vector<16xi32>
      %select_n3A_2444 = arith.select %le3A_2441, %select_n3A_2422, %select_n3A_2402 : vector<16xi1>, vector<16xi32>
      %select_n3A_2445 = arith.select %le3A_2441, %select_n3A_2423, %select_n3A_2403 : vector<16xi1>, vector<16xi32>
      %le3A_2446 = arith.cmpi sle, %select_n3A_2407, %select_n3A_2427 : vector<16xi32>
      %select_n3A_2447 = arith.select %le3A_2446, %select_n3A_2407, %select_n3A_2427 : vector<16xi1>, vector<16xi32>
      %select_n3A_2448 = arith.select %le3A_2446, %select_n3A_2408, %select_n3A_2428 : vector<16xi1>, vector<16xi32>
      %select_n3A_2449 = arith.select %le3A_2446, %select_n3A_2427, %select_n3A_2407 : vector<16xi1>, vector<16xi32>
      %select_n3A_2450 = arith.select %le3A_2446, %select_n3A_2428, %select_n3A_2408 : vector<16xi1>, vector<16xi32>
      %le3A_2451 = arith.cmpi sle, %select_n3A_2412, %select_n3A_2432 : vector<16xi32>
      %select_n3A_2452 = arith.select %le3A_2451, %select_n3A_2412, %select_n3A_2432 : vector<16xi1>, vector<16xi32>
      %select_n3A_2453 = arith.select %le3A_2451, %select_n3A_2413, %select_n3A_2433 : vector<16xi1>, vector<16xi32>
      %select_n3A_2454 = arith.select %le3A_2451, %select_n3A_2432, %select_n3A_2412 : vector<16xi1>, vector<16xi32>
      %select_n3A_2455 = arith.select %le3A_2451, %select_n3A_2433, %select_n3A_2413 : vector<16xi1>, vector<16xi32>
      %le3A_2456 = arith.cmpi sle, %select_n3A_2399, %select_n3A_2419 : vector<16xi32>
      %select_n3A_2457 = arith.select %le3A_2456, %select_n3A_2399, %select_n3A_2419 : vector<16xi1>, vector<16xi32>
      %select_n3A_2458 = arith.select %le3A_2456, %select_n3A_2400, %select_n3A_2420 : vector<16xi1>, vector<16xi32>
      %select_n3A_2459 = arith.select %le3A_2456, %select_n3A_2419, %select_n3A_2399 : vector<16xi1>, vector<16xi32>
      %select_n3A_2460 = arith.select %le3A_2456, %select_n3A_2420, %select_n3A_2400 : vector<16xi1>, vector<16xi32>
      %le3A_2461 = arith.cmpi sle, %select_n3A_2404, %select_n3A_2424 : vector<16xi32>
      %select_n3A_2462 = arith.select %le3A_2461, %select_n3A_2404, %select_n3A_2424 : vector<16xi1>, vector<16xi32>
      %select_n3A_2463 = arith.select %le3A_2461, %select_n3A_2405, %select_n3A_2425 : vector<16xi1>, vector<16xi32>
      %select_n3A_2464 = arith.select %le3A_2461, %select_n3A_2424, %select_n3A_2404 : vector<16xi1>, vector<16xi32>
      %select_n3A_2465 = arith.select %le3A_2461, %select_n3A_2425, %select_n3A_2405 : vector<16xi1>, vector<16xi32>
      %le3A_2466 = arith.cmpi sle, %select_n3A_2409, %select_n3A_2429 : vector<16xi32>
      %select_n3A_2467 = arith.select %le3A_2466, %select_n3A_2409, %select_n3A_2429 : vector<16xi1>, vector<16xi32>
      %select_n3A_2468 = arith.select %le3A_2466, %select_n3A_2410, %select_n3A_2430 : vector<16xi1>, vector<16xi32>
      %select_n3A_2469 = arith.select %le3A_2466, %select_n3A_2429, %select_n3A_2409 : vector<16xi1>, vector<16xi32>
      %select_n3A_2470 = arith.select %le3A_2466, %select_n3A_2430, %select_n3A_2410 : vector<16xi1>, vector<16xi32>
      %le3A_2471 = arith.cmpi sle, %select_n3A_2414, %select_n3A_2434 : vector<16xi32>
      %select_n3A_2472 = arith.select %le3A_2471, %select_n3A_2414, %select_n3A_2434 : vector<16xi1>, vector<16xi32>
      %select_n3A_2473 = arith.select %le3A_2471, %select_n3A_2415, %select_n3A_2435 : vector<16xi1>, vector<16xi32>
      %select_n3A_2474 = arith.select %le3A_2471, %select_n3A_2434, %select_n3A_2414 : vector<16xi1>, vector<16xi32>
      %select_n3A_2475 = arith.select %le3A_2471, %select_n3A_2435, %select_n3A_2415 : vector<16xi1>, vector<16xi32>
      %le3A_2476 = arith.cmpi sle, %select_n3A_2437, %select_n3A_2447 : vector<16xi32>
      %select_n3A_2477 = arith.select %le3A_2476, %select_n3A_2437, %select_n3A_2447 : vector<16xi1>, vector<16xi32>
      %select_n3A_2478 = arith.select %le3A_2476, %select_n3A_2438, %select_n3A_2448 : vector<16xi1>, vector<16xi32>
      %select_n3A_2479 = arith.select %le3A_2476, %select_n3A_2447, %select_n3A_2437 : vector<16xi1>, vector<16xi32>
      %select_n3A_2480 = arith.select %le3A_2476, %select_n3A_2448, %select_n3A_2438 : vector<16xi1>, vector<16xi32>
      %le3A_2481 = arith.cmpi sle, %select_n3A_2442, %select_n3A_2452 : vector<16xi32>
      %select_n3A_2482 = arith.select %le3A_2481, %select_n3A_2442, %select_n3A_2452 : vector<16xi1>, vector<16xi32>
      %select_n3A_2483 = arith.select %le3A_2481, %select_n3A_2443, %select_n3A_2453 : vector<16xi1>, vector<16xi32>
      %select_n3A_2484 = arith.select %le3A_2481, %select_n3A_2452, %select_n3A_2442 : vector<16xi1>, vector<16xi32>
      %select_n3A_2485 = arith.select %le3A_2481, %select_n3A_2453, %select_n3A_2443 : vector<16xi1>, vector<16xi32>
      %le3A_2486 = arith.cmpi sle, %select_n3A_2439, %select_n3A_2449 : vector<16xi32>
      %select_n3A_2487 = arith.select %le3A_2486, %select_n3A_2439, %select_n3A_2449 : vector<16xi1>, vector<16xi32>
      %select_n3A_2488 = arith.select %le3A_2486, %select_n3A_2440, %select_n3A_2450 : vector<16xi1>, vector<16xi32>
      %select_n3A_2489 = arith.select %le3A_2486, %select_n3A_2449, %select_n3A_2439 : vector<16xi1>, vector<16xi32>
      %select_n3A_2490 = arith.select %le3A_2486, %select_n3A_2450, %select_n3A_2440 : vector<16xi1>, vector<16xi32>
      %le3A_2491 = arith.cmpi sle, %select_n3A_2444, %select_n3A_2454 : vector<16xi32>
      %select_n3A_2492 = arith.select %le3A_2491, %select_n3A_2444, %select_n3A_2454 : vector<16xi1>, vector<16xi32>
      %select_n3A_2493 = arith.select %le3A_2491, %select_n3A_2445, %select_n3A_2455 : vector<16xi1>, vector<16xi32>
      %select_n3A_2494 = arith.select %le3A_2491, %select_n3A_2454, %select_n3A_2444 : vector<16xi1>, vector<16xi32>
      %select_n3A_2495 = arith.select %le3A_2491, %select_n3A_2455, %select_n3A_2445 : vector<16xi1>, vector<16xi32>
      %le3A_2496 = arith.cmpi sle, %select_n3A_2457, %select_n3A_2467 : vector<16xi32>
      %select_n3A_2497 = arith.select %le3A_2496, %select_n3A_2457, %select_n3A_2467 : vector<16xi1>, vector<16xi32>
      %select_n3A_2498 = arith.select %le3A_2496, %select_n3A_2458, %select_n3A_2468 : vector<16xi1>, vector<16xi32>
      %select_n3A_2499 = arith.select %le3A_2496, %select_n3A_2467, %select_n3A_2457 : vector<16xi1>, vector<16xi32>
      %select_n3A_2500 = arith.select %le3A_2496, %select_n3A_2468, %select_n3A_2458 : vector<16xi1>, vector<16xi32>
      %le3A_2501 = arith.cmpi sle, %select_n3A_2462, %select_n3A_2472 : vector<16xi32>
      %select_n3A_2502 = arith.select %le3A_2501, %select_n3A_2462, %select_n3A_2472 : vector<16xi1>, vector<16xi32>
      %select_n3A_2503 = arith.select %le3A_2501, %select_n3A_2463, %select_n3A_2473 : vector<16xi1>, vector<16xi32>
      %select_n3A_2504 = arith.select %le3A_2501, %select_n3A_2472, %select_n3A_2462 : vector<16xi1>, vector<16xi32>
      %select_n3A_2505 = arith.select %le3A_2501, %select_n3A_2473, %select_n3A_2463 : vector<16xi1>, vector<16xi32>
      %le3A_2506 = arith.cmpi sle, %select_n3A_2459, %select_n3A_2469 : vector<16xi32>
      %select_n3A_2507 = arith.select %le3A_2506, %select_n3A_2459, %select_n3A_2469 : vector<16xi1>, vector<16xi32>
      %select_n3A_2508 = arith.select %le3A_2506, %select_n3A_2460, %select_n3A_2470 : vector<16xi1>, vector<16xi32>
      %select_n3A_2509 = arith.select %le3A_2506, %select_n3A_2469, %select_n3A_2459 : vector<16xi1>, vector<16xi32>
      %select_n3A_2510 = arith.select %le3A_2506, %select_n3A_2470, %select_n3A_2460 : vector<16xi1>, vector<16xi32>
      %le3A_2511 = arith.cmpi sle, %select_n3A_2464, %select_n3A_2474 : vector<16xi32>
      %select_n3A_2512 = arith.select %le3A_2511, %select_n3A_2464, %select_n3A_2474 : vector<16xi1>, vector<16xi32>
      %select_n3A_2513 = arith.select %le3A_2511, %select_n3A_2465, %select_n3A_2475 : vector<16xi1>, vector<16xi32>
      %select_n3A_2514 = arith.select %le3A_2511, %select_n3A_2474, %select_n3A_2464 : vector<16xi1>, vector<16xi32>
      %select_n3A_2515 = arith.select %le3A_2511, %select_n3A_2475, %select_n3A_2465 : vector<16xi1>, vector<16xi32>
      %le3A_2516 = arith.cmpi sle, %select_n3A_2477, %select_n3A_2482 : vector<16xi32>
      %select_n3A_2517 = arith.select %le3A_2516, %select_n3A_2477, %select_n3A_2482 : vector<16xi1>, vector<16xi32>
      %select_n3A_2518 = arith.select %le3A_2516, %select_n3A_2478, %select_n3A_2483 : vector<16xi1>, vector<16xi32>
      %select_n3A_2519 = arith.select %le3A_2516, %select_n3A_2482, %select_n3A_2477 : vector<16xi1>, vector<16xi32>
      %select_n3A_2520 = arith.select %le3A_2516, %select_n3A_2483, %select_n3A_2478 : vector<16xi1>, vector<16xi32>
      %le3A_2521 = arith.cmpi sle, %select_n3A_2479, %select_n3A_2484 : vector<16xi32>
      %select_n3A_2522 = arith.select %le3A_2521, %select_n3A_2479, %select_n3A_2484 : vector<16xi1>, vector<16xi32>
      %select_n3A_2523 = arith.select %le3A_2521, %select_n3A_2480, %select_n3A_2485 : vector<16xi1>, vector<16xi32>
      %select_n3A_2524 = arith.select %le3A_2521, %select_n3A_2484, %select_n3A_2479 : vector<16xi1>, vector<16xi32>
      %select_n3A_2525 = arith.select %le3A_2521, %select_n3A_2485, %select_n3A_2480 : vector<16xi1>, vector<16xi32>
      %le3A_2526 = arith.cmpi sle, %select_n3A_2487, %select_n3A_2492 : vector<16xi32>
      %select_n3A_2527 = arith.select %le3A_2526, %select_n3A_2487, %select_n3A_2492 : vector<16xi1>, vector<16xi32>
      %select_n3A_2528 = arith.select %le3A_2526, %select_n3A_2488, %select_n3A_2493 : vector<16xi1>, vector<16xi32>
      %select_n3A_2529 = arith.select %le3A_2526, %select_n3A_2492, %select_n3A_2487 : vector<16xi1>, vector<16xi32>
      %select_n3A_2530 = arith.select %le3A_2526, %select_n3A_2493, %select_n3A_2488 : vector<16xi1>, vector<16xi32>
      %le3A_2531 = arith.cmpi sle, %select_n3A_2489, %select_n3A_2494 : vector<16xi32>
      %select_n3A_2532 = arith.select %le3A_2531, %select_n3A_2489, %select_n3A_2494 : vector<16xi1>, vector<16xi32>
      %select_n3A_2533 = arith.select %le3A_2531, %select_n3A_2490, %select_n3A_2495 : vector<16xi1>, vector<16xi32>
      %select_n3A_2534 = arith.select %le3A_2531, %select_n3A_2494, %select_n3A_2489 : vector<16xi1>, vector<16xi32>
      %select_n3A_2535 = arith.select %le3A_2531, %select_n3A_2495, %select_n3A_2490 : vector<16xi1>, vector<16xi32>
      %le3A_2536 = arith.cmpi sle, %select_n3A_2497, %select_n3A_2502 : vector<16xi32>
      %select_n3A_2537 = arith.select %le3A_2536, %select_n3A_2497, %select_n3A_2502 : vector<16xi1>, vector<16xi32>
      %select_n3A_2538 = arith.select %le3A_2536, %select_n3A_2498, %select_n3A_2503 : vector<16xi1>, vector<16xi32>
      %select_n3A_2539 = arith.select %le3A_2536, %select_n3A_2502, %select_n3A_2497 : vector<16xi1>, vector<16xi32>
      %select_n3A_2540 = arith.select %le3A_2536, %select_n3A_2503, %select_n3A_2498 : vector<16xi1>, vector<16xi32>
      %le3A_2541 = arith.cmpi sle, %select_n3A_2499, %select_n3A_2504 : vector<16xi32>
      %select_n3A_2542 = arith.select %le3A_2541, %select_n3A_2499, %select_n3A_2504 : vector<16xi1>, vector<16xi32>
      %select_n3A_2543 = arith.select %le3A_2541, %select_n3A_2500, %select_n3A_2505 : vector<16xi1>, vector<16xi32>
      %select_n3A_2544 = arith.select %le3A_2541, %select_n3A_2504, %select_n3A_2499 : vector<16xi1>, vector<16xi32>
      %select_n3A_2545 = arith.select %le3A_2541, %select_n3A_2505, %select_n3A_2500 : vector<16xi1>, vector<16xi32>
      %le3A_2546 = arith.cmpi sle, %select_n3A_2507, %select_n3A_2512 : vector<16xi32>
      %select_n3A_2547 = arith.select %le3A_2546, %select_n3A_2507, %select_n3A_2512 : vector<16xi1>, vector<16xi32>
      %select_n3A_2548 = arith.select %le3A_2546, %select_n3A_2508, %select_n3A_2513 : vector<16xi1>, vector<16xi32>
      %select_n3A_2549 = arith.select %le3A_2546, %select_n3A_2512, %select_n3A_2507 : vector<16xi1>, vector<16xi32>
      %select_n3A_2550 = arith.select %le3A_2546, %select_n3A_2513, %select_n3A_2508 : vector<16xi1>, vector<16xi32>
      %le3A_2551 = arith.cmpi sle, %select_n3A_2509, %select_n3A_2514 : vector<16xi32>
      %select_n3A_2552 = arith.select %le3A_2551, %select_n3A_2509, %select_n3A_2514 : vector<16xi1>, vector<16xi32>
      %select_n3A_2553 = arith.select %le3A_2551, %select_n3A_2510, %select_n3A_2515 : vector<16xi1>, vector<16xi32>
      %select_n3A_2554 = arith.select %le3A_2551, %select_n3A_2514, %select_n3A_2509 : vector<16xi1>, vector<16xi32>
      %select_n3A_2555 = arith.select %le3A_2551, %select_n3A_2515, %select_n3A_2510 : vector<16xi1>, vector<16xi32>
      %masked_sort3A_2556 = arith.constant dense<true> : vector<16xi1>
      %masked_sort3A_2557 = arith.constant -2147483648 : i32
      %masked_sort3A_2558 = vector.broadcast %masked_sort3A_2557 : i32 to vector<16xi32>
      %masked_sort3A_2559 = arith.xori %select_n3A_2517, %masked_sort3A_2558 : vector<16xi32>
      %masked_sort3A_2560, %masked_sort3A_2561, %masked_sort3A_2562 = tpu.sort %masked_sort3A_2559, %select_n3A_2518 masked %masked_sort3A_2556 : (vector<16xi32>, vector<16xi32>, vector<16xi1>) -> (vector<16xi1>, vector<16xi32>, vector<16xi32>)
      %masked_sort3A_2563 = arith.xori %masked_sort3A_2561, %masked_sort3A_2558 : vector<16xi32>
      %masked_sort3A_2564 = arith.constant dense<true> : vector<16xi1>
      %masked_sort3A_2565 = arith.constant -2147483648 : i32
      %masked_sort3A_2566 = vector.broadcast %masked_sort3A_2565 : i32 to vector<16xi32>
      %masked_sort3A_2567 = arith.xori %select_n3A_2519, %masked_sort3A_2566 : vector<16xi32>
      %masked_sort3A_2568, %masked_sort3A_2569, %masked_sort3A_2570 = tpu.sort %masked_sort3A_2567, %select_n3A_2520 masked %masked_sort3A_2564 : (vector<16xi32>, vector<16xi32>, vector<16xi1>) -> (vector<16xi1>, vector<16xi32>, vector<16xi32>)
      %masked_sort3A_2571 = arith.xori %masked_sort3A_2569, %masked_sort3A_2566 : vector<16xi32>
      %masked_sort3A_2572 = arith.constant dense<true> : vector<16xi1>
      %masked_sort3A_2573 = arith.constant -2147483648 : i32
      %masked_sort3A_2574 = vector.broadcast %masked_sort3A_2573 : i32 to vector<16xi32>
      %masked_sort3A_2575 = arith.xori %select_n3A_2522, %masked_sort3A_2574 : vector<16xi32>
      %masked_sort3A_2576, %masked_sort3A_2577, %masked_sort3A_2578 = tpu.sort %masked_sort3A_2575, %select_n3A_2523 masked %masked_sort3A_2572 : (vector<16xi32>, vector<16xi32>, vector<16xi1>) -> (vector<16xi1>, vector<16xi32>, vector<16xi32>)
      %masked_sort3A_2579 = arith.xori %masked_sort3A_2577, %masked_sort3A_2574 : vector<16xi32>
      %masked_sort3A_2580 = arith.constant dense<true> : vector<16xi1>
      %masked_sort3A_2581 = arith.constant -2147483648 : i32
      %masked_sort3A_2582 = vector.broadcast %masked_sort3A_2581 : i32 to vector<16xi32>
      %masked_sort3A_2583 = arith.xori %select_n3A_2524, %masked_sort3A_2582 : vector<16xi32>
      %masked_sort3A_2584, %masked_sort3A_2585, %masked_sort3A_2586 = tpu.sort %masked_sort3A_2583, %select_n3A_2525 masked %masked_sort3A_2580 : (vector<16xi32>, vector<16xi32>, vector<16xi1>) -> (vector<16xi1>, vector<16xi32>, vector<16xi32>)
      %masked_sort3A_2587 = arith.xori %masked_sort3A_2585, %masked_sort3A_2582 : vector<16xi32>
      %masked_sort3A_2588 = arith.constant dense<true> : vector<16xi1>
      %masked_sort3A_2589 = arith.constant -2147483648 : i32
      %masked_sort3A_2590 = vector.broadcast %masked_sort3A_2589 : i32 to vector<16xi32>
      %masked_sort3A_2591 = arith.xori %select_n3A_2527, %masked_sort3A_2590 : vector<16xi32>
      %masked_sort3A_2592, %masked_sort3A_2593, %masked_sort3A_2594 = tpu.sort %masked_sort3A_2591, %select_n3A_2528 masked %masked_sort3A_2588 : (vector<16xi32>, vector<16xi32>, vector<16xi1>) -> (vector<16xi1>, vector<16xi32>, vector<16xi32>)
      %masked_sort3A_2595 = arith.xori %masked_sort3A_2593, %masked_sort3A_2590 : vector<16xi32>
      %masked_sort3A_2596 = arith.constant dense<true> : vector<16xi1>
      %masked_sort3A_2597 = arith.constant -2147483648 : i32
      %masked_sort3A_2598 = vector.broadcast %masked_sort3A_2597 : i32 to vector<16xi32>
      %masked_sort3A_2599 = arith.xori %select_n3A_2529, %masked_sort3A_2598 : vector<16xi32>
      %masked_sort3A_2600, %masked_sort3A_2601, %masked_sort3A_2602 = tpu.sort %masked_sort3A_2599, %select_n3A_2530 masked %masked_sort3A_2596 : (vector<16xi32>, vector<16xi32>, vector<16xi1>) -> (vector<16xi1>, vector<16xi32>, vector<16xi32>)
      %masked_sort3A_2603 = arith.xori %masked_sort3A_2601, %masked_sort3A_2598 : vector<16xi32>
      %masked_sort3A_2604 = arith.constant dense<true> : vector<16xi1>
      %masked_sort3A_2605 = arith.constant -2147483648 : i32
      %masked_sort3A_2606 = vector.broadcast %masked_sort3A_2605 : i32 to vector<16xi32>
      %masked_sort3A_2607 = arith.xori %select_n3A_2532, %masked_sort3A_2606 : vector<16xi32>
      %masked_sort3A_2608, %masked_sort3A_2609, %masked_sort3A_2610 = tpu.sort %masked_sort3A_2607, %select_n3A_2533 masked %masked_sort3A_2604 : (vector<16xi32>, vector<16xi32>, vector<16xi1>) -> (vector<16xi1>, vector<16xi32>, vector<16xi32>)
      %masked_sort3A_2611 = arith.xori %masked_sort3A_2609, %masked_sort3A_2606 : vector<16xi32>
      %masked_sort3A_2612 = arith.constant dense<true> : vector<16xi1>
      %masked_sort3A_2613 = arith.constant -2147483648 : i32
      %masked_sort3A_2614 = vector.broadcast %masked_sort3A_2613 : i32 to vector<16xi32>
      %masked_sort3A_2615 = arith.xori %select_n3A_2534, %masked_sort3A_2614 : vector<16xi32>
      %masked_sort3A_2616, %masked_sort3A_2617, %masked_sort3A_2618 = tpu.sort %masked_sort3A_2615, %select_n3A_2535 masked %masked_sort3A_2612 : (vector<16xi32>, vector<16xi32>, vector<16xi1>) -> (vector<16xi1>, vector<16xi32>, vector<16xi32>)
      %masked_sort3A_2619 = arith.xori %masked_sort3A_2617, %masked_sort3A_2614 : vector<16xi32>
      %masked_sort3A_2620 = arith.constant dense<true> : vector<16xi1>
      %masked_sort3A_2621 = arith.constant -2147483648 : i32
      %masked_sort3A_2622 = vector.broadcast %masked_sort3A_2621 : i32 to vector<16xi32>
      %masked_sort3A_2623 = arith.xori %select_n3A_2537, %masked_sort3A_2622 : vector<16xi32>
      %masked_sort3A_2624, %masked_sort3A_2625, %masked_sort3A_2626 = tpu.sort %masked_sort3A_2623, %select_n3A_2538 masked %masked_sort3A_2620 : (vector<16xi32>, vector<16xi32>, vector<16xi1>) -> (vector<16xi1>, vector<16xi32>, vector<16xi32>)
      %masked_sort3A_2627 = arith.xori %masked_sort3A_2625, %masked_sort3A_2622 : vector<16xi32>
      %masked_sort3A_2628 = arith.constant dense<true> : vector<16xi1>
      %masked_sort3A_2629 = arith.constant -2147483648 : i32
      %masked_sort3A_2630 = vector.broadcast %masked_sort3A_2629 : i32 to vector<16xi32>
      %masked_sort3A_2631 = arith.xori %select_n3A_2539, %masked_sort3A_2630 : vector<16xi32>
      %masked_sort3A_2632, %masked_sort3A_2633, %masked_sort3A_2634 = tpu.sort %masked_sort3A_2631, %select_n3A_2540 masked %masked_sort3A_2628 : (vector<16xi32>, vector<16xi32>, vector<16xi1>) -> (vector<16xi1>, vector<16xi32>, vector<16xi32>)
      %masked_sort3A_2635 = arith.xori %masked_sort3A_2633, %masked_sort3A_2630 : vector<16xi32>
      %masked_sort3A_2636 = arith.constant dense<true> : vector<16xi1>
      %masked_sort3A_2637 = arith.constant -2147483648 : i32
      %masked_sort3A_2638 = vector.broadcast %masked_sort3A_2637 : i32 to vector<16xi32>
      %masked_sort3A_2639 = arith.xori %select_n3A_2542, %masked_sort3A_2638 : vector<16xi32>
      %masked_sort3A_2640, %masked_sort3A_2641, %masked_sort3A_2642 = tpu.sort %masked_sort3A_2639, %select_n3A_2543 masked %masked_sort3A_2636 : (vector<16xi32>, vector<16xi32>, vector<16xi1>) -> (vector<16xi1>, vector<16xi32>, vector<16xi32>)
      %masked_sort3A_2643 = arith.xori %masked_sort3A_2641, %masked_sort3A_2638 : vector<16xi32>
      %masked_sort3A_2644 = arith.constant dense<true> : vector<16xi1>
      %masked_sort3A_2645 = arith.constant -2147483648 : i32
      %masked_sort3A_2646 = vector.broadcast %masked_sort3A_2645 : i32 to vector<16xi32>
      %masked_sort3A_2647 = arith.xori %select_n3A_2544, %masked_sort3A_2646 : vector<16xi32>
      %masked_sort3A_2648, %masked_sort3A_2649, %masked_sort3A_2650 = tpu.sort %masked_sort3A_2647, %select_n3A_2545 masked %masked_sort3A_2644 : (vector<16xi32>, vector<16xi32>, vector<16xi1>) -> (vector<16xi1>, vector<16xi32>, vector<16xi32>)
      %masked_sort3A_2651 = arith.xori %masked_sort3A_2649, %masked_sort3A_2646 : vector<16xi32>
      %masked_sort3A_2652 = arith.constant dense<true> : vector<16xi1>
      %masked_sort3A_2653 = arith.constant -2147483648 : i32
      %masked_sort3A_2654 = vector.broadcast %masked_sort3A_2653 : i32 to vector<16xi32>
      %masked_sort3A_2655 = arith.xori %select_n3A_2547, %masked_sort3A_2654 : vector<16xi32>
      %masked_sort3A_2656, %masked_sort3A_2657, %masked_sort3A_2658 = tpu.sort %masked_sort3A_2655, %select_n3A_2548 masked %masked_sort3A_2652 : (vector<16xi32>, vector<16xi32>, vector<16xi1>) -> (vector<16xi1>, vector<16xi32>, vector<16xi32>)
      %masked_sort3A_2659 = arith.xori %masked_sort3A_2657, %masked_sort3A_2654 : vector<16xi32>
      %masked_sort3A_2660 = arith.constant dense<true> : vector<16xi1>
      %masked_sort3A_2661 = arith.constant -2147483648 : i32
      %masked_sort3A_2662 = vector.broadcast %masked_sort3A_2661 : i32 to vector<16xi32>
      %masked_sort3A_2663 = arith.xori %select_n3A_2549, %masked_sort3A_2662 : vector<16xi32>
      %masked_sort3A_2664, %masked_sort3A_2665, %masked_sort3A_2666 = tpu.sort %masked_sort3A_2663, %select_n3A_2550 masked %masked_sort3A_2660 : (vector<16xi32>, vector<16xi32>, vector<16xi1>) -> (vector<16xi1>, vector<16xi32>, vector<16xi32>)
      %masked_sort3A_2667 = arith.xori %masked_sort3A_2665, %masked_sort3A_2662 : vector<16xi32>
      %masked_sort3A_2668 = arith.constant dense<true> : vector<16xi1>
      %masked_sort3A_2669 = arith.constant -2147483648 : i32
      %masked_sort3A_2670 = vector.broadcast %masked_sort3A_2669 : i32 to vector<16xi32>
      %masked_sort3A_2671 = arith.xori %select_n3A_2552, %masked_sort3A_2670 : vector<16xi32>
      %masked_sort3A_2672, %masked_sort3A_2673, %masked_sort3A_2674 = tpu.sort %masked_sort3A_2671, %select_n3A_2553 masked %masked_sort3A_2668 : (vector<16xi32>, vector<16xi32>, vector<16xi1>) -> (vector<16xi1>, vector<16xi32>, vector<16xi32>)
      %masked_sort3A_2675 = arith.xori %masked_sort3A_2673, %masked_sort3A_2670 : vector<16xi32>
      %masked_sort3A_2676 = arith.constant dense<true> : vector<16xi1>
      %masked_sort3A_2677 = arith.constant -2147483648 : i32
      %masked_sort3A_2678 = vector.broadcast %masked_sort3A_2677 : i32 to vector<16xi32>
      %masked_sort3A_2679 = arith.xori %select_n3A_2554, %masked_sort3A_2678 : vector<16xi32>
      %masked_sort3A_2680, %masked_sort3A_2681, %masked_sort3A_2682 = tpu.sort %masked_sort3A_2679, %select_n3A_2555 masked %masked_sort3A_2676 : (vector<16xi32>, vector<16xi32>, vector<16xi1>) -> (vector<16xi1>, vector<16xi32>, vector<16xi32>)
      %masked_sort3A_2683 = arith.xori %masked_sort3A_2681, %masked_sort3A_2678 : vector<16xi32>
      %ge3A_2684 = arith.constant 2 : i32
      %ge3A_2685 = arith.cmpi sge, %scan3A_62, %ge3A_2684 : i32
      %convert_element_type3A = arith.extui %ge3A_2685 : i1 to i32
      %cond3A = arith.constant 0 : i32
      %cond3A_2686 = arith.cmpi ne, %convert_element_type3A, %cond3A : i32
      scf.if %cond3A_2686 {
        %dma_wait3A_2999 = arith.constant 0 : i32
        %dma_wait3A_3000 = arith.constant 0 : i32
        %dma_wait3A_3001 = arith.constant 0 : i32
        %dma_wait3A_3002 = tpu.memref_slice %arg7[%dma_wait3A_3000, %dma_wait3A_3001] : memref<512x128xf32, #tpu.memory_space<vmem>> -> memref<128x128xf32, #tpu.memory_space<vmem>>
        %dma_wait3A_3003 = arith.constant 0 : i32
        %dma_wait3A_3004 = tpu.memref_slice %arg8[%dma_wait3A_2999, %dma_wait3A_3003] : memref<2x128xi32, #tpu.memory_space<vmem>> -> memref<1x128xi32, #tpu.memory_space<vmem>>
        %dma_wait3A_3005 = tpu.memref_squeeze %dma_wait3A_3004 : memref<1x128xi32, #tpu.memory_space<vmem>> -> memref<128xi32, #tpu.memory_space<vmem>>
        %dma_wait3A_3006 = arith.constant 0 : i32
        %dma_wait3A_3007 = arith.constant 0 : i32
        %dma_wait3A_3008 = tpu.memref_slice %arg5[%dma_wait3A_3006, %dma_wait3A_3007] : memref<819200x128xf32, #tpu.memory_space<hbm>> -> memref<819200x128xf32, #tpu.memory_space<hbm>>
        tpu.wait_indirect_dma semaphore(%arg11 : memref<!tpu.dma_semaphore, #tpu.memory_space<semaphore_mem>>) src(%dma_wait3A_3002 : memref<128x128xf32, #tpu.memory_space<vmem>>) dst(%dma_wait3A_3008 : memref<819200x128xf32, #tpu.memory_space<hbm>>)
        %dma_wait3A_3009 = arith.constant 0 : i32
        %dma_wait3A_3010 = arith.constant 0 : i32
        %dma_wait3A_3011 = arith.constant 0 : i32
        %dma_wait3A_3012 = tpu.memref_slice %arg7[%dma_wait3A_3010, %dma_wait3A_3011] : memref<512x128xf32, #tpu.memory_space<vmem>> -> memref<72x128xf32, #tpu.memory_space<vmem>>
        %dma_wait3A_3013 = arith.constant 0 : i32
        %dma_wait3A_3014 = tpu.memref_slice %arg9[%dma_wait3A_3009, %dma_wait3A_3013] : memref<2x72xi32, #tpu.memory_space<vmem>> -> memref<1x72xi32, #tpu.memory_space<vmem>>
        %dma_wait3A_3015 = tpu.memref_squeeze %dma_wait3A_3014 : memref<1x72xi32, #tpu.memory_space<vmem>> -> memref<72xi32, #tpu.memory_space<vmem>>
        %dma_wait3A_3016 = arith.constant 0 : i32
        %dma_wait3A_3017 = arith.constant 0 : i32
        %dma_wait3A_3018 = tpu.memref_slice %arg5[%dma_wait3A_3016, %dma_wait3A_3017] : memref<819200x128xf32, #tpu.memory_space<hbm>> -> memref<819200x128xf32, #tpu.memory_space<hbm>>
        tpu.wait_indirect_dma semaphore(%arg11 : memref<!tpu.dma_semaphore, #tpu.memory_space<semaphore_mem>>) src(%dma_wait3A_3012 : memref<72x128xf32, #tpu.memory_space<vmem>>) dst(%dma_wait3A_3018 : memref<819200x128xf32, #tpu.memory_space<hbm>>)
      } else {
      }
      %broadcast_in_dim3A_2687 = arith.constant 0 : i32
      %broadcast_in_dim3A_2688 = vector.broadcast %broadcast_in_dim3A_2687 : i32 to vector<16xi32>
      %add3A_2689 = vector.broadcast %and3A_63 : i32 to vector<16xi32>
      %add3A_2690 = arith.addi %broadcast_in_dim3A_2688, %add3A_2689 : vector<16xi32>
      %add3A_2691 = arith.addi %mul3A_2, %scan3A_62 : i32
      %mul3A_2692 = arith.constant 200 : i32
      %mul3A_2693 = arith.muli %add3A_2691, %mul3A_2692 : i32
      %add3A_2694 = arith.constant 0 : i32
      %add3A_2695 = vector.broadcast %add3A_2694 : i32 to vector<16xi32>
      %add3A_2696 = arith.addi %iota3A, %add3A_2695 : vector<16xi32>
      %add3A_2697 = vector.broadcast %mul3A_2693 : i32 to vector<16xi32>
      %add3A_2698 = arith.addi %add3A_2696, %add3A_2697 : vector<16xi32>
      %lt3A_2699 = arith.constant 128 : i32
      %lt3A_2700 = vector.broadcast %lt3A_2699 : i32 to vector<16xi32>
      %lt3A_2701 = arith.cmpi slt, %masked_sort3A_2562, %lt3A_2700 : vector<16xi32>
      %ge3A_2702 = arith.constant 128 : i32
      %ge3A_2703 = vector.broadcast %ge3A_2702 : i32 to vector<16xi32>
      %ge3A_2704 = arith.cmpi sge, %masked_sort3A_2562, %ge3A_2703 : vector<16xi32>
      %lt3A_2705 = arith.constant 200 : i32
      %lt3A_2706 = vector.broadcast %lt3A_2705 : i32 to vector<16xi32>
      %lt3A_2707 = arith.cmpi slt, %masked_sort3A_2562, %lt3A_2706 : vector<16xi32>
      %and3A_2708 = arith.andi %ge3A_2704, %lt3A_2707 : vector<16xi1>
      tpu.vector_store_idx %arg8[%add3A_2690, %masked_sort3A_2562], %add3A_2698 masked %lt3A_2701 : memref<2x128xi32, #tpu.memory_space<vmem>>[vector<16xi32>, vector<16xi32>], vector<16xi32>, vector<16xi1>
      %sub3A_2709 = arith.constant 128 : i32
      %sub3A_2710 = vector.broadcast %sub3A_2709 : i32 to vector<16xi32>
      %sub3A_2711 = arith.subi %masked_sort3A_2562, %sub3A_2710 : vector<16xi32>
      tpu.vector_store_idx %arg9[%add3A_2690, %sub3A_2711], %add3A_2698 masked %and3A_2708 : memref<2x72xi32, #tpu.memory_space<vmem>>[vector<16xi32>, vector<16xi32>], vector<16xi32>, vector<16xi1>
      %add3A_2712 = arith.constant 16 : i32
      %add3A_2713 = vector.broadcast %add3A_2712 : i32 to vector<16xi32>
      %add3A_2714 = arith.addi %iota3A, %add3A_2713 : vector<16xi32>
      %add3A_2715 = vector.broadcast %mul3A_2693 : i32 to vector<16xi32>
      %add3A_2716 = arith.addi %add3A_2714, %add3A_2715 : vector<16xi32>
      %lt3A_2717 = arith.constant 128 : i32
      %lt3A_2718 = vector.broadcast %lt3A_2717 : i32 to vector<16xi32>
      %lt3A_2719 = arith.cmpi slt, %masked_sort3A_2570, %lt3A_2718 : vector<16xi32>
      %ge3A_2720 = arith.constant 128 : i32
      %ge3A_2721 = vector.broadcast %ge3A_2720 : i32 to vector<16xi32>
      %ge3A_2722 = arith.cmpi sge, %masked_sort3A_2570, %ge3A_2721 : vector<16xi32>
      %lt3A_2723 = arith.constant 200 : i32
      %lt3A_2724 = vector.broadcast %lt3A_2723 : i32 to vector<16xi32>
      %lt3A_2725 = arith.cmpi slt, %masked_sort3A_2570, %lt3A_2724 : vector<16xi32>
      %and3A_2726 = arith.andi %ge3A_2722, %lt3A_2725 : vector<16xi1>
      tpu.vector_store_idx %arg8[%add3A_2690, %masked_sort3A_2570], %add3A_2716 masked %lt3A_2719 : memref<2x128xi32, #tpu.memory_space<vmem>>[vector<16xi32>, vector<16xi32>], vector<16xi32>, vector<16xi1>
      %sub3A_2727 = arith.constant 128 : i32
      %sub3A_2728 = vector.broadcast %sub3A_2727 : i32 to vector<16xi32>
      %sub3A_2729 = arith.subi %masked_sort3A_2570, %sub3A_2728 : vector<16xi32>
      tpu.vector_store_idx %arg9[%add3A_2690, %sub3A_2729], %add3A_2716 masked %and3A_2726 : memref<2x72xi32, #tpu.memory_space<vmem>>[vector<16xi32>, vector<16xi32>], vector<16xi32>, vector<16xi1>
      %add3A_2730 = arith.constant 32 : i32
      %add3A_2731 = vector.broadcast %add3A_2730 : i32 to vector<16xi32>
      %add3A_2732 = arith.addi %iota3A, %add3A_2731 : vector<16xi32>
      %add3A_2733 = vector.broadcast %mul3A_2693 : i32 to vector<16xi32>
      %add3A_2734 = arith.addi %add3A_2732, %add3A_2733 : vector<16xi32>
      %lt3A_2735 = arith.constant 128 : i32
      %lt3A_2736 = vector.broadcast %lt3A_2735 : i32 to vector<16xi32>
      %lt3A_2737 = arith.cmpi slt, %masked_sort3A_2578, %lt3A_2736 : vector<16xi32>
      %ge3A_2738 = arith.constant 128 : i32
      %ge3A_2739 = vector.broadcast %ge3A_2738 : i32 to vector<16xi32>
      %ge3A_2740 = arith.cmpi sge, %masked_sort3A_2578, %ge3A_2739 : vector<16xi32>
      %lt3A_2741 = arith.constant 200 : i32
      %lt3A_2742 = vector.broadcast %lt3A_2741 : i32 to vector<16xi32>
      %lt3A_2743 = arith.cmpi slt, %masked_sort3A_2578, %lt3A_2742 : vector<16xi32>
      %and3A_2744 = arith.andi %ge3A_2740, %lt3A_2743 : vector<16xi1>
      tpu.vector_store_idx %arg8[%add3A_2690, %masked_sort3A_2578], %add3A_2734 masked %lt3A_2737 : memref<2x128xi32, #tpu.memory_space<vmem>>[vector<16xi32>, vector<16xi32>], vector<16xi32>, vector<16xi1>
      %sub3A_2745 = arith.constant 128 : i32
      %sub3A_2746 = vector.broadcast %sub3A_2745 : i32 to vector<16xi32>
      %sub3A_2747 = arith.subi %masked_sort3A_2578, %sub3A_2746 : vector<16xi32>
      tpu.vector_store_idx %arg9[%add3A_2690, %sub3A_2747], %add3A_2734 masked %and3A_2744 : memref<2x72xi32, #tpu.memory_space<vmem>>[vector<16xi32>, vector<16xi32>], vector<16xi32>, vector<16xi1>
      %add3A_2748 = arith.constant 48 : i32
      %add3A_2749 = vector.broadcast %add3A_2748 : i32 to vector<16xi32>
      %add3A_2750 = arith.addi %iota3A, %add3A_2749 : vector<16xi32>
      %add3A_2751 = vector.broadcast %mul3A_2693 : i32 to vector<16xi32>
      %add3A_2752 = arith.addi %add3A_2750, %add3A_2751 : vector<16xi32>
      %lt3A_2753 = arith.constant 128 : i32
      %lt3A_2754 = vector.broadcast %lt3A_2753 : i32 to vector<16xi32>
      %lt3A_2755 = arith.cmpi slt, %masked_sort3A_2586, %lt3A_2754 : vector<16xi32>
      %ge3A_2756 = arith.constant 128 : i32
      %ge3A_2757 = vector.broadcast %ge3A_2756 : i32 to vector<16xi32>
      %ge3A_2758 = arith.cmpi sge, %masked_sort3A_2586, %ge3A_2757 : vector<16xi32>
      %lt3A_2759 = arith.constant 200 : i32
      %lt3A_2760 = vector.broadcast %lt3A_2759 : i32 to vector<16xi32>
      %lt3A_2761 = arith.cmpi slt, %masked_sort3A_2586, %lt3A_2760 : vector<16xi32>
      %and3A_2762 = arith.andi %ge3A_2758, %lt3A_2761 : vector<16xi1>
      tpu.vector_store_idx %arg8[%add3A_2690, %masked_sort3A_2586], %add3A_2752 masked %lt3A_2755 : memref<2x128xi32, #tpu.memory_space<vmem>>[vector<16xi32>, vector<16xi32>], vector<16xi32>, vector<16xi1>
      %sub3A_2763 = arith.constant 128 : i32
      %sub3A_2764 = vector.broadcast %sub3A_2763 : i32 to vector<16xi32>
      %sub3A_2765 = arith.subi %masked_sort3A_2586, %sub3A_2764 : vector<16xi32>
      tpu.vector_store_idx %arg9[%add3A_2690, %sub3A_2765], %add3A_2752 masked %and3A_2762 : memref<2x72xi32, #tpu.memory_space<vmem>>[vector<16xi32>, vector<16xi32>], vector<16xi32>, vector<16xi1>
      %add3A_2766 = arith.constant 64 : i32
      %add3A_2767 = vector.broadcast %add3A_2766 : i32 to vector<16xi32>
      %add3A_2768 = arith.addi %iota3A, %add3A_2767 : vector<16xi32>
      %add3A_2769 = vector.broadcast %mul3A_2693 : i32 to vector<16xi32>
      %add3A_2770 = arith.addi %add3A_2768, %add3A_2769 : vector<16xi32>
      %lt3A_2771 = arith.constant 128 : i32
      %lt3A_2772 = vector.broadcast %lt3A_2771 : i32 to vector<16xi32>
      %lt3A_2773 = arith.cmpi slt, %masked_sort3A_2594, %lt3A_2772 : vector<16xi32>
      %ge3A_2774 = arith.constant 128 : i32
      %ge3A_2775 = vector.broadcast %ge3A_2774 : i32 to vector<16xi32>
      %ge3A_2776 = arith.cmpi sge, %masked_sort3A_2594, %ge3A_2775 : vector<16xi32>
      %lt3A_2777 = arith.constant 200 : i32
      %lt3A_2778 = vector.broadcast %lt3A_2777 : i32 to vector<16xi32>
      %lt3A_2779 = arith.cmpi slt, %masked_sort3A_2594, %lt3A_2778 : vector<16xi32>
      %and3A_2780 = arith.andi %ge3A_2776, %lt3A_2779 : vector<16xi1>
      tpu.vector_store_idx %arg8[%add3A_2690, %masked_sort3A_2594], %add3A_2770 masked %lt3A_2773 : memref<2x128xi32, #tpu.memory_space<vmem>>[vector<16xi32>, vector<16xi32>], vector<16xi32>, vector<16xi1>
      %sub3A_2781 = arith.constant 128 : i32
      %sub3A_2782 = vector.broadcast %sub3A_2781 : i32 to vector<16xi32>
      %sub3A_2783 = arith.subi %masked_sort3A_2594, %sub3A_2782 : vector<16xi32>
      tpu.vector_store_idx %arg9[%add3A_2690, %sub3A_2783], %add3A_2770 masked %and3A_2780 : memref<2x72xi32, #tpu.memory_space<vmem>>[vector<16xi32>, vector<16xi32>], vector<16xi32>, vector<16xi1>
      %add3A_2784 = arith.constant 80 : i32
      %add3A_2785 = vector.broadcast %add3A_2784 : i32 to vector<16xi32>
      %add3A_2786 = arith.addi %iota3A, %add3A_2785 : vector<16xi32>
      %add3A_2787 = vector.broadcast %mul3A_2693 : i32 to vector<16xi32>
      %add3A_2788 = arith.addi %add3A_2786, %add3A_2787 : vector<16xi32>
      %lt3A_2789 = arith.constant 128 : i32
      %lt3A_2790 = vector.broadcast %lt3A_2789 : i32 to vector<16xi32>
      %lt3A_2791 = arith.cmpi slt, %masked_sort3A_2602, %lt3A_2790 : vector<16xi32>
      %ge3A_2792 = arith.constant 128 : i32
      %ge3A_2793 = vector.broadcast %ge3A_2792 : i32 to vector<16xi32>
      %ge3A_2794 = arith.cmpi sge, %masked_sort3A_2602, %ge3A_2793 : vector<16xi32>
      %lt3A_2795 = arith.constant 200 : i32
      %lt3A_2796 = vector.broadcast %lt3A_2795 : i32 to vector<16xi32>
      %lt3A_2797 = arith.cmpi slt, %masked_sort3A_2602, %lt3A_2796 : vector<16xi32>
      %and3A_2798 = arith.andi %ge3A_2794, %lt3A_2797 : vector<16xi1>
      tpu.vector_store_idx %arg8[%add3A_2690, %masked_sort3A_2602], %add3A_2788 masked %lt3A_2791 : memref<2x128xi32, #tpu.memory_space<vmem>>[vector<16xi32>, vector<16xi32>], vector<16xi32>, vector<16xi1>
      %sub3A_2799 = arith.constant 128 : i32
      %sub3A_2800 = vector.broadcast %sub3A_2799 : i32 to vector<16xi32>
      %sub3A_2801 = arith.subi %masked_sort3A_2602, %sub3A_2800 : vector<16xi32>
      tpu.vector_store_idx %arg9[%add3A_2690, %sub3A_2801], %add3A_2788 masked %and3A_2798 : memref<2x72xi32, #tpu.memory_space<vmem>>[vector<16xi32>, vector<16xi32>], vector<16xi32>, vector<16xi1>
      %add3A_2802 = arith.constant 96 : i32
      %add3A_2803 = vector.broadcast %add3A_2802 : i32 to vector<16xi32>
      %add3A_2804 = arith.addi %iota3A, %add3A_2803 : vector<16xi32>
      %add3A_2805 = vector.broadcast %mul3A_2693 : i32 to vector<16xi32>
      %add3A_2806 = arith.addi %add3A_2804, %add3A_2805 : vector<16xi32>
      %lt3A_2807 = arith.constant 128 : i32
      %lt3A_2808 = vector.broadcast %lt3A_2807 : i32 to vector<16xi32>
      %lt3A_2809 = arith.cmpi slt, %masked_sort3A_2610, %lt3A_2808 : vector<16xi32>
      %ge3A_2810 = arith.constant 128 : i32
      %ge3A_2811 = vector.broadcast %ge3A_2810 : i32 to vector<16xi32>
      %ge3A_2812 = arith.cmpi sge, %masked_sort3A_2610, %ge3A_2811 : vector<16xi32>
      %lt3A_2813 = arith.constant 200 : i32
      %lt3A_2814 = vector.broadcast %lt3A_2813 : i32 to vector<16xi32>
      %lt3A_2815 = arith.cmpi slt, %masked_sort3A_2610, %lt3A_2814 : vector<16xi32>
      %and3A_2816 = arith.andi %ge3A_2812, %lt3A_2815 : vector<16xi1>
      tpu.vector_store_idx %arg8[%add3A_2690, %masked_sort3A_2610], %add3A_2806 masked %lt3A_2809 : memref<2x128xi32, #tpu.memory_space<vmem>>[vector<16xi32>, vector<16xi32>], vector<16xi32>, vector<16xi1>
      %sub3A_2817 = arith.constant 128 : i32
      %sub3A_2818 = vector.broadcast %sub3A_2817 : i32 to vector<16xi32>
      %sub3A_2819 = arith.subi %masked_sort3A_2610, %sub3A_2818 : vector<16xi32>
      tpu.vector_store_idx %arg9[%add3A_2690, %sub3A_2819], %add3A_2806 masked %and3A_2816 : memref<2x72xi32, #tpu.memory_space<vmem>>[vector<16xi32>, vector<16xi32>], vector<16xi32>, vector<16xi1>
      %add3A_2820 = arith.constant 112 : i32
      %add3A_2821 = vector.broadcast %add3A_2820 : i32 to vector<16xi32>
      %add3A_2822 = arith.addi %iota3A, %add3A_2821 : vector<16xi32>
      %add3A_2823 = vector.broadcast %mul3A_2693 : i32 to vector<16xi32>
      %add3A_2824 = arith.addi %add3A_2822, %add3A_2823 : vector<16xi32>
      %lt3A_2825 = arith.constant 128 : i32
      %lt3A_2826 = vector.broadcast %lt3A_2825 : i32 to vector<16xi32>
      %lt3A_2827 = arith.cmpi slt, %masked_sort3A_2618, %lt3A_2826 : vector<16xi32>
      %ge3A_2828 = arith.constant 128 : i32
      %ge3A_2829 = vector.broadcast %ge3A_2828 : i32 to vector<16xi32>
      %ge3A_2830 = arith.cmpi sge, %masked_sort3A_2618, %ge3A_2829 : vector<16xi32>
      %lt3A_2831 = arith.constant 200 : i32
      %lt3A_2832 = vector.broadcast %lt3A_2831 : i32 to vector<16xi32>
      %lt3A_2833 = arith.cmpi slt, %masked_sort3A_2618, %lt3A_2832 : vector<16xi32>
      %and3A_2834 = arith.andi %ge3A_2830, %lt3A_2833 : vector<16xi1>
      tpu.vector_store_idx %arg8[%add3A_2690, %masked_sort3A_2618], %add3A_2824 masked %lt3A_2827 : memref<2x128xi32, #tpu.memory_space<vmem>>[vector<16xi32>, vector<16xi32>], vector<16xi32>, vector<16xi1>
      %sub3A_2835 = arith.constant 128 : i32
      %sub3A_2836 = vector.broadcast %sub3A_2835 : i32 to vector<16xi32>
      %sub3A_2837 = arith.subi %masked_sort3A_2618, %sub3A_2836 : vector<16xi32>
      tpu.vector_store_idx %arg9[%add3A_2690, %sub3A_2837], %add3A_2824 masked %and3A_2834 : memref<2x72xi32, #tpu.memory_space<vmem>>[vector<16xi32>, vector<16xi32>], vector<16xi32>, vector<16xi1>
      %add3A_2838 = arith.constant 128 : i32
      %add3A_2839 = vector.broadcast %add3A_2838 : i32 to vector<16xi32>
      %add3A_2840 = arith.addi %iota3A, %add3A_2839 : vector<16xi32>
      %add3A_2841 = vector.broadcast %mul3A_2693 : i32 to vector<16xi32>
      %add3A_2842 = arith.addi %add3A_2840, %add3A_2841 : vector<16xi32>
      %lt3A_2843 = arith.constant 128 : i32
      %lt3A_2844 = vector.broadcast %lt3A_2843 : i32 to vector<16xi32>
      %lt3A_2845 = arith.cmpi slt, %masked_sort3A_2626, %lt3A_2844 : vector<16xi32>
      %ge3A_2846 = arith.constant 128 : i32
      %ge3A_2847 = vector.broadcast %ge3A_2846 : i32 to vector<16xi32>
      %ge3A_2848 = arith.cmpi sge, %masked_sort3A_2626, %ge3A_2847 : vector<16xi32>
      %lt3A_2849 = arith.constant 200 : i32
      %lt3A_2850 = vector.broadcast %lt3A_2849 : i32 to vector<16xi32>
      %lt3A_2851 = arith.cmpi slt, %masked_sort3A_2626, %lt3A_2850 : vector<16xi32>
      %and3A_2852 = arith.andi %ge3A_2848, %lt3A_2851 : vector<16xi1>
      tpu.vector_store_idx %arg8[%add3A_2690, %masked_sort3A_2626], %add3A_2842 masked %lt3A_2845 : memref<2x128xi32, #tpu.memory_space<vmem>>[vector<16xi32>, vector<16xi32>], vector<16xi32>, vector<16xi1>
      %sub3A_2853 = arith.constant 128 : i32
      %sub3A_2854 = vector.broadcast %sub3A_2853 : i32 to vector<16xi32>
      %sub3A_2855 = arith.subi %masked_sort3A_2626, %sub3A_2854 : vector<16xi32>
      tpu.vector_store_idx %arg9[%add3A_2690, %sub3A_2855], %add3A_2842 masked %and3A_2852 : memref<2x72xi32, #tpu.memory_space<vmem>>[vector<16xi32>, vector<16xi32>], vector<16xi32>, vector<16xi1>
      %add3A_2856 = arith.constant 144 : i32
      %add3A_2857 = vector.broadcast %add3A_2856 : i32 to vector<16xi32>
      %add3A_2858 = arith.addi %iota3A, %add3A_2857 : vector<16xi32>
      %add3A_2859 = vector.broadcast %mul3A_2693 : i32 to vector<16xi32>
      %add3A_2860 = arith.addi %add3A_2858, %add3A_2859 : vector<16xi32>
      %lt3A_2861 = arith.constant 128 : i32
      %lt3A_2862 = vector.broadcast %lt3A_2861 : i32 to vector<16xi32>
      %lt3A_2863 = arith.cmpi slt, %masked_sort3A_2634, %lt3A_2862 : vector<16xi32>
      %ge3A_2864 = arith.constant 128 : i32
      %ge3A_2865 = vector.broadcast %ge3A_2864 : i32 to vector<16xi32>
      %ge3A_2866 = arith.cmpi sge, %masked_sort3A_2634, %ge3A_2865 : vector<16xi32>
      %lt3A_2867 = arith.constant 200 : i32
      %lt3A_2868 = vector.broadcast %lt3A_2867 : i32 to vector<16xi32>
      %lt3A_2869 = arith.cmpi slt, %masked_sort3A_2634, %lt3A_2868 : vector<16xi32>
      %and3A_2870 = arith.andi %ge3A_2866, %lt3A_2869 : vector<16xi1>
      tpu.vector_store_idx %arg8[%add3A_2690, %masked_sort3A_2634], %add3A_2860 masked %lt3A_2863 : memref<2x128xi32, #tpu.memory_space<vmem>>[vector<16xi32>, vector<16xi32>], vector<16xi32>, vector<16xi1>
      %sub3A_2871 = arith.constant 128 : i32
      %sub3A_2872 = vector.broadcast %sub3A_2871 : i32 to vector<16xi32>
      %sub3A_2873 = arith.subi %masked_sort3A_2634, %sub3A_2872 : vector<16xi32>
      tpu.vector_store_idx %arg9[%add3A_2690, %sub3A_2873], %add3A_2860 masked %and3A_2870 : memref<2x72xi32, #tpu.memory_space<vmem>>[vector<16xi32>, vector<16xi32>], vector<16xi32>, vector<16xi1>
      %add3A_2874 = arith.constant 160 : i32
      %add3A_2875 = vector.broadcast %add3A_2874 : i32 to vector<16xi32>
      %add3A_2876 = arith.addi %iota3A, %add3A_2875 : vector<16xi32>
      %add3A_2877 = vector.broadcast %mul3A_2693 : i32 to vector<16xi32>
      %add3A_2878 = arith.addi %add3A_2876, %add3A_2877 : vector<16xi32>
      %lt3A_2879 = arith.constant 128 : i32
      %lt3A_2880 = vector.broadcast %lt3A_2879 : i32 to vector<16xi32>
      %lt3A_2881 = arith.cmpi slt, %masked_sort3A_2642, %lt3A_2880 : vector<16xi32>
      %ge3A_2882 = arith.constant 128 : i32
      %ge3A_2883 = vector.broadcast %ge3A_2882 : i32 to vector<16xi32>
      %ge3A_2884 = arith.cmpi sge, %masked_sort3A_2642, %ge3A_2883 : vector<16xi32>
      %lt3A_2885 = arith.constant 200 : i32
      %lt3A_2886 = vector.broadcast %lt3A_2885 : i32 to vector<16xi32>
      %lt3A_2887 = arith.cmpi slt, %masked_sort3A_2642, %lt3A_2886 : vector<16xi32>
      %and3A_2888 = arith.andi %ge3A_2884, %lt3A_2887 : vector<16xi1>
      tpu.vector_store_idx %arg8[%add3A_2690, %masked_sort3A_2642], %add3A_2878 masked %lt3A_2881 : memref<2x128xi32, #tpu.memory_space<vmem>>[vector<16xi32>, vector<16xi32>], vector<16xi32>, vector<16xi1>
      %sub3A_2889 = arith.constant 128 : i32
      %sub3A_2890 = vector.broadcast %sub3A_2889 : i32 to vector<16xi32>
      %sub3A_2891 = arith.subi %masked_sort3A_2642, %sub3A_2890 : vector<16xi32>
      tpu.vector_store_idx %arg9[%add3A_2690, %sub3A_2891], %add3A_2878 masked %and3A_2888 : memref<2x72xi32, #tpu.memory_space<vmem>>[vector<16xi32>, vector<16xi32>], vector<16xi32>, vector<16xi1>
      %add3A_2892 = arith.constant 176 : i32
      %add3A_2893 = vector.broadcast %add3A_2892 : i32 to vector<16xi32>
      %add3A_2894 = arith.addi %iota3A, %add3A_2893 : vector<16xi32>
      %add3A_2895 = vector.broadcast %mul3A_2693 : i32 to vector<16xi32>
      %add3A_2896 = arith.addi %add3A_2894, %add3A_2895 : vector<16xi32>
      %lt3A_2897 = arith.constant 128 : i32
      %lt3A_2898 = vector.broadcast %lt3A_2897 : i32 to vector<16xi32>
      %lt3A_2899 = arith.cmpi slt, %masked_sort3A_2650, %lt3A_2898 : vector<16xi32>
      %ge3A_2900 = arith.constant 128 : i32
      %ge3A_2901 = vector.broadcast %ge3A_2900 : i32 to vector<16xi32>
      %ge3A_2902 = arith.cmpi sge, %masked_sort3A_2650, %ge3A_2901 : vector<16xi32>
      %lt3A_2903 = arith.constant 200 : i32
      %lt3A_2904 = vector.broadcast %lt3A_2903 : i32 to vector<16xi32>
      %lt3A_2905 = arith.cmpi slt, %masked_sort3A_2650, %lt3A_2904 : vector<16xi32>
      %and3A_2906 = arith.andi %ge3A_2902, %lt3A_2905 : vector<16xi1>
      tpu.vector_store_idx %arg8[%add3A_2690, %masked_sort3A_2650], %add3A_2896 masked %lt3A_2899 : memref<2x128xi32, #tpu.memory_space<vmem>>[vector<16xi32>, vector<16xi32>], vector<16xi32>, vector<16xi1>
      %sub3A_2907 = arith.constant 128 : i32
      %sub3A_2908 = vector.broadcast %sub3A_2907 : i32 to vector<16xi32>
      %sub3A_2909 = arith.subi %masked_sort3A_2650, %sub3A_2908 : vector<16xi32>
      tpu.vector_store_idx %arg9[%add3A_2690, %sub3A_2909], %add3A_2896 masked %and3A_2906 : memref<2x72xi32, #tpu.memory_space<vmem>>[vector<16xi32>, vector<16xi32>], vector<16xi32>, vector<16xi1>
      %add3A_2910 = arith.constant 192 : i32
      %add3A_2911 = vector.broadcast %add3A_2910 : i32 to vector<16xi32>
      %add3A_2912 = arith.addi %iota3A, %add3A_2911 : vector<16xi32>
      %add3A_2913 = vector.broadcast %mul3A_2693 : i32 to vector<16xi32>
      %add3A_2914 = arith.addi %add3A_2912, %add3A_2913 : vector<16xi32>
      %lt3A_2915 = arith.constant 128 : i32
      %lt3A_2916 = vector.broadcast %lt3A_2915 : i32 to vector<16xi32>
      %lt3A_2917 = arith.cmpi slt, %masked_sort3A_2658, %lt3A_2916 : vector<16xi32>
      %ge3A_2918 = arith.constant 128 : i32
      %ge3A_2919 = vector.broadcast %ge3A_2918 : i32 to vector<16xi32>
      %ge3A_2920 = arith.cmpi sge, %masked_sort3A_2658, %ge3A_2919 : vector<16xi32>
      %lt3A_2921 = arith.constant 200 : i32
      %lt3A_2922 = vector.broadcast %lt3A_2921 : i32 to vector<16xi32>
      %lt3A_2923 = arith.cmpi slt, %masked_sort3A_2658, %lt3A_2922 : vector<16xi32>
      %and3A_2924 = arith.andi %ge3A_2920, %lt3A_2923 : vector<16xi1>
      tpu.vector_store_idx %arg8[%add3A_2690, %masked_sort3A_2658], %add3A_2914 masked %lt3A_2917 : memref<2x128xi32, #tpu.memory_space<vmem>>[vector<16xi32>, vector<16xi32>], vector<16xi32>, vector<16xi1>
      %sub3A_2925 = arith.constant 128 : i32
      %sub3A_2926 = vector.broadcast %sub3A_2925 : i32 to vector<16xi32>
      %sub3A_2927 = arith.subi %masked_sort3A_2658, %sub3A_2926 : vector<16xi32>
      tpu.vector_store_idx %arg9[%add3A_2690, %sub3A_2927], %add3A_2914 masked %and3A_2924 : memref<2x72xi32, #tpu.memory_space<vmem>>[vector<16xi32>, vector<16xi32>], vector<16xi32>, vector<16xi1>
      %add3A_2928 = arith.constant 208 : i32
      %add3A_2929 = vector.broadcast %add3A_2928 : i32 to vector<16xi32>
      %add3A_2930 = arith.addi %iota3A, %add3A_2929 : vector<16xi32>
      %add3A_2931 = vector.broadcast %mul3A_2693 : i32 to vector<16xi32>
      %add3A_2932 = arith.addi %add3A_2930, %add3A_2931 : vector<16xi32>
      %lt3A_2933 = arith.constant 128 : i32
      %lt3A_2934 = vector.broadcast %lt3A_2933 : i32 to vector<16xi32>
      %lt3A_2935 = arith.cmpi slt, %masked_sort3A_2666, %lt3A_2934 : vector<16xi32>
      %ge3A_2936 = arith.constant 128 : i32
      %ge3A_2937 = vector.broadcast %ge3A_2936 : i32 to vector<16xi32>
      %ge3A_2938 = arith.cmpi sge, %masked_sort3A_2666, %ge3A_2937 : vector<16xi32>
      %lt3A_2939 = arith.constant 200 : i32
      %lt3A_2940 = vector.broadcast %lt3A_2939 : i32 to vector<16xi32>
      %lt3A_2941 = arith.cmpi slt, %masked_sort3A_2666, %lt3A_2940 : vector<16xi32>
      %and3A_2942 = arith.andi %ge3A_2938, %lt3A_2941 : vector<16xi1>
      tpu.vector_store_idx %arg8[%add3A_2690, %masked_sort3A_2666], %add3A_2932 masked %lt3A_2935 : memref<2x128xi32, #tpu.memory_space<vmem>>[vector<16xi32>, vector<16xi32>], vector<16xi32>, vector<16xi1>
      %sub3A_2943 = arith.constant 128 : i32
      %sub3A_2944 = vector.broadcast %sub3A_2943 : i32 to vector<16xi32>
      %sub3A_2945 = arith.subi %masked_sort3A_2666, %sub3A_2944 : vector<16xi32>
      tpu.vector_store_idx %arg9[%add3A_2690, %sub3A_2945], %add3A_2932 masked %and3A_2942 : memref<2x72xi32, #tpu.memory_space<vmem>>[vector<16xi32>, vector<16xi32>], vector<16xi32>, vector<16xi1>
      %add3A_2946 = arith.constant 224 : i32
      %add3A_2947 = vector.broadcast %add3A_2946 : i32 to vector<16xi32>
      %add3A_2948 = arith.addi %iota3A, %add3A_2947 : vector<16xi32>
      %add3A_2949 = vector.broadcast %mul3A_2693 : i32 to vector<16xi32>
      %add3A_2950 = arith.addi %add3A_2948, %add3A_2949 : vector<16xi32>
      %lt3A_2951 = arith.constant 128 : i32
      %lt3A_2952 = vector.broadcast %lt3A_2951 : i32 to vector<16xi32>
      %lt3A_2953 = arith.cmpi slt, %masked_sort3A_2674, %lt3A_2952 : vector<16xi32>
      %ge3A_2954 = arith.constant 128 : i32
      %ge3A_2955 = vector.broadcast %ge3A_2954 : i32 to vector<16xi32>
      %ge3A_2956 = arith.cmpi sge, %masked_sort3A_2674, %ge3A_2955 : vector<16xi32>
      %lt3A_2957 = arith.constant 200 : i32
      %lt3A_2958 = vector.broadcast %lt3A_2957 : i32 to vector<16xi32>
      %lt3A_2959 = arith.cmpi slt, %masked_sort3A_2674, %lt3A_2958 : vector<16xi32>
      %and3A_2960 = arith.andi %ge3A_2956, %lt3A_2959 : vector<16xi1>
      tpu.vector_store_idx %arg8[%add3A_2690, %masked_sort3A_2674], %add3A_2950 masked %lt3A_2953 : memref<2x128xi32, #tpu.memory_space<vmem>>[vector<16xi32>, vector<16xi32>], vector<16xi32>, vector<16xi1>
      %sub3A_2961 = arith.constant 128 : i32
      %sub3A_2962 = vector.broadcast %sub3A_2961 : i32 to vector<16xi32>
      %sub3A_2963 = arith.subi %masked_sort3A_2674, %sub3A_2962 : vector<16xi32>
      tpu.vector_store_idx %arg9[%add3A_2690, %sub3A_2963], %add3A_2950 masked %and3A_2960 : memref<2x72xi32, #tpu.memory_space<vmem>>[vector<16xi32>, vector<16xi32>], vector<16xi32>, vector<16xi1>
      %add3A_2964 = arith.constant 240 : i32
      %add3A_2965 = vector.broadcast %add3A_2964 : i32 to vector<16xi32>
      %add3A_2966 = arith.addi %iota3A, %add3A_2965 : vector<16xi32>
      %add3A_2967 = vector.broadcast %mul3A_2693 : i32 to vector<16xi32>
      %add3A_2968 = arith.addi %add3A_2966, %add3A_2967 : vector<16xi32>
      %lt3A_2969 = arith.constant 128 : i32
      %lt3A_2970 = vector.broadcast %lt3A_2969 : i32 to vector<16xi32>
      %lt3A_2971 = arith.cmpi slt, %masked_sort3A_2682, %lt3A_2970 : vector<16xi32>
      %ge3A_2972 = arith.constant 128 : i32
      %ge3A_2973 = vector.broadcast %ge3A_2972 : i32 to vector<16xi32>
      %ge3A_2974 = arith.cmpi sge, %masked_sort3A_2682, %ge3A_2973 : vector<16xi32>
      %lt3A_2975 = arith.constant 200 : i32
      %lt3A_2976 = vector.broadcast %lt3A_2975 : i32 to vector<16xi32>
      %lt3A_2977 = arith.cmpi slt, %masked_sort3A_2682, %lt3A_2976 : vector<16xi32>
      %and3A_2978 = arith.andi %ge3A_2974, %lt3A_2977 : vector<16xi1>
      tpu.vector_store_idx %arg8[%add3A_2690, %masked_sort3A_2682], %add3A_2968 masked %lt3A_2971 : memref<2x128xi32, #tpu.memory_space<vmem>>[vector<16xi32>, vector<16xi32>], vector<16xi32>, vector<16xi1>
      %sub3A_2979 = arith.constant 128 : i32
      %sub3A_2980 = vector.broadcast %sub3A_2979 : i32 to vector<16xi32>
      %sub3A_2981 = arith.subi %masked_sort3A_2682, %sub3A_2980 : vector<16xi32>
      tpu.vector_store_idx %arg9[%add3A_2690, %sub3A_2981], %add3A_2968 masked %and3A_2978 : memref<2x72xi32, #tpu.memory_space<vmem>>[vector<16xi32>, vector<16xi32>], vector<16xi32>, vector<16xi1>
      %dma_start3A = arith.constant 0 : i32
      %dma_start3A_2982 = tpu.memref_slice %arg7[%mul3A_18, %dma_start3A] : memref<512x128xf32, #tpu.memory_space<vmem>> -> memref<128x128xf32, #tpu.memory_space<vmem>>
      %dma_start3A_2983 = arith.constant 0 : i32
      %dma_start3A_2984 = tpu.memref_slice %arg8[%and3A_63, %dma_start3A_2983] : memref<2x128xi32, #tpu.memory_space<vmem>> -> memref<1x128xi32, #tpu.memory_space<vmem>>
      %dma_start3A_2985 = tpu.memref_squeeze %dma_start3A_2984 : memref<1x128xi32, #tpu.memory_space<vmem>> -> memref<128xi32, #tpu.memory_space<vmem>>
      %dma_start3A_2986 = arith.constant 0 : i32
      %dma_start3A_2987 = arith.constant 0 : i32
      %dma_start3A_2988 = tpu.memref_slice %arg5[%dma_start3A_2986, %dma_start3A_2987] : memref<819200x128xf32, #tpu.memory_space<hbm>> -> memref<819200x128xf32, #tpu.memory_space<hbm>>
      tpu.enqueue_indirect_dma source(%dma_start3A_2982 : memref<128x128xf32, #tpu.memory_space<vmem>>) target(%dma_start3A_2988 : memref<819200x128xf32, #tpu.memory_space<hbm>>) offsets(%dma_start3A_2985 : memref<128xi32, #tpu.memory_space<vmem>>) semaphore(%arg11 : memref<!tpu.dma_semaphore, #tpu.memory_space<semaphore_mem>>)
      %add3A_2989 = arith.constant 128 : i32
      %add3A_2990 = arith.addi %mul3A_18, %add3A_2989 : i32
      %dma_start3A_2991 = arith.constant 0 : i32
      %dma_start3A_2992 = tpu.memref_slice %arg7[%add3A_2990, %dma_start3A_2991] : memref<512x128xf32, #tpu.memory_space<vmem>> -> memref<72x128xf32, #tpu.memory_space<vmem>>
      %dma_start3A_2993 = arith.constant 0 : i32
      %dma_start3A_2994 = tpu.memref_slice %arg9[%and3A_63, %dma_start3A_2993] : memref<2x72xi32, #tpu.memory_space<vmem>> -> memref<1x72xi32, #tpu.memory_space<vmem>>
      %dma_start3A_2995 = tpu.memref_squeeze %dma_start3A_2994 : memref<1x72xi32, #tpu.memory_space<vmem>> -> memref<72xi32, #tpu.memory_space<vmem>>
      %dma_start3A_2996 = arith.constant 0 : i32
      %dma_start3A_2997 = arith.constant 0 : i32
      %dma_start3A_2998 = tpu.memref_slice %arg5[%dma_start3A_2996, %dma_start3A_2997] : memref<819200x128xf32, #tpu.memory_space<hbm>> -> memref<819200x128xf32, #tpu.memory_space<hbm>>
      tpu.enqueue_indirect_dma source(%dma_start3A_2992 : memref<72x128xf32, #tpu.memory_space<vmem>>) target(%dma_start3A_2998 : memref<819200x128xf32, #tpu.memory_space<hbm>>) offsets(%dma_start3A_2995 : memref<72xi32, #tpu.memory_space<vmem>>) semaphore(%arg11 : memref<!tpu.dma_semaphore, #tpu.memory_space<semaphore_mem>>)
    }
    %scan3A_22 = arith.constant 128 : i32
    %dma_wait3A = arith.constant 0 : i32
    %dma_wait3A_23 = arith.constant 0 : i32
    %dma_wait3A_24 = arith.constant 0 : i32
    %dma_wait3A_25 = tpu.memref_slice %arg7[%dma_wait3A_23, %dma_wait3A_24] : memref<512x128xf32, #tpu.memory_space<vmem>> -> memref<128x128xf32, #tpu.memory_space<vmem>>
    %dma_wait3A_26 = arith.constant 0 : i32
    %dma_wait3A_27 = tpu.memref_slice %arg8[%dma_wait3A, %dma_wait3A_26] : memref<2x128xi32, #tpu.memory_space<vmem>> -> memref<1x128xi32, #tpu.memory_space<vmem>>
    %dma_wait3A_28 = tpu.memref_squeeze %dma_wait3A_27 : memref<1x128xi32, #tpu.memory_space<vmem>> -> memref<128xi32, #tpu.memory_space<vmem>>
    %dma_wait3A_29 = arith.constant 0 : i32
    %dma_wait3A_30 = arith.constant 0 : i32
    %dma_wait3A_31 = tpu.memref_slice %arg5[%dma_wait3A_29, %dma_wait3A_30] : memref<819200x128xf32, #tpu.memory_space<hbm>> -> memref<819200x128xf32, #tpu.memory_space<hbm>>
    tpu.wait_indirect_dma semaphore(%arg11 : memref<!tpu.dma_semaphore, #tpu.memory_space<semaphore_mem>>) src(%dma_wait3A_25 : memref<128x128xf32, #tpu.memory_space<vmem>>) dst(%dma_wait3A_31 : memref<819200x128xf32, #tpu.memory_space<hbm>>)
    %dma_wait3A_32 = arith.constant 0 : i32
    %dma_wait3A_33 = arith.constant 0 : i32
    %dma_wait3A_34 = arith.constant 0 : i32
    %dma_wait3A_35 = tpu.memref_slice %arg7[%dma_wait3A_33, %dma_wait3A_34] : memref<512x128xf32, #tpu.memory_space<vmem>> -> memref<72x128xf32, #tpu.memory_space<vmem>>
    %dma_wait3A_36 = arith.constant 0 : i32
    %dma_wait3A_37 = tpu.memref_slice %arg9[%dma_wait3A_32, %dma_wait3A_36] : memref<2x72xi32, #tpu.memory_space<vmem>> -> memref<1x72xi32, #tpu.memory_space<vmem>>
    %dma_wait3A_38 = tpu.memref_squeeze %dma_wait3A_37 : memref<1x72xi32, #tpu.memory_space<vmem>> -> memref<72xi32, #tpu.memory_space<vmem>>
    %dma_wait3A_39 = arith.constant 0 : i32
    %dma_wait3A_40 = arith.constant 0 : i32
    %dma_wait3A_41 = tpu.memref_slice %arg5[%dma_wait3A_39, %dma_wait3A_40] : memref<819200x128xf32, #tpu.memory_space<hbm>> -> memref<819200x128xf32, #tpu.memory_space<hbm>>
    tpu.wait_indirect_dma semaphore(%arg11 : memref<!tpu.dma_semaphore, #tpu.memory_space<semaphore_mem>>) src(%dma_wait3A_35 : memref<72x128xf32, #tpu.memory_space<vmem>>) dst(%dma_wait3A_41 : memref<819200x128xf32, #tpu.memory_space<hbm>>)
    %dma_wait3A_42 = arith.constant 0 : i32
    %dma_wait3A_43 = arith.constant 0 : i32
    %dma_wait3A_44 = arith.constant 0 : i32
    %dma_wait3A_45 = tpu.memref_slice %arg7[%dma_wait3A_43, %dma_wait3A_44] : memref<512x128xf32, #tpu.memory_space<vmem>> -> memref<128x128xf32, #tpu.memory_space<vmem>>
    %dma_wait3A_46 = arith.constant 0 : i32
    %dma_wait3A_47 = tpu.memref_slice %arg8[%dma_wait3A_42, %dma_wait3A_46] : memref<2x128xi32, #tpu.memory_space<vmem>> -> memref<1x128xi32, #tpu.memory_space<vmem>>
    %dma_wait3A_48 = tpu.memref_squeeze %dma_wait3A_47 : memref<1x128xi32, #tpu.memory_space<vmem>> -> memref<128xi32, #tpu.memory_space<vmem>>
    %dma_wait3A_49 = arith.constant 0 : i32
    %dma_wait3A_50 = arith.constant 0 : i32
    %dma_wait3A_51 = tpu.memref_slice %arg5[%dma_wait3A_49, %dma_wait3A_50] : memref<819200x128xf32, #tpu.memory_space<hbm>> -> memref<819200x128xf32, #tpu.memory_space<hbm>>
    tpu.wait_indirect_dma semaphore(%arg11 : memref<!tpu.dma_semaphore, #tpu.memory_space<semaphore_mem>>) src(%dma_wait3A_45 : memref<128x128xf32, #tpu.memory_space<vmem>>) dst(%dma_wait3A_51 : memref<819200x128xf32, #tpu.memory_space<hbm>>)
    %dma_wait3A_52 = arith.constant 0 : i32
    %dma_wait3A_53 = arith.constant 0 : i32
    %dma_wait3A_54 = arith.constant 0 : i32
    %dma_wait3A_55 = tpu.memref_slice %arg7[%dma_wait3A_53, %dma_wait3A_54] : memref<512x128xf32, #tpu.memory_space<vmem>> -> memref<72x128xf32, #tpu.memory_space<vmem>>
    %dma_wait3A_56 = arith.constant 0 : i32
    %dma_wait3A_57 = tpu.memref_slice %arg9[%dma_wait3A_52, %dma_wait3A_56] : memref<2x72xi32, #tpu.memory_space<vmem>> -> memref<1x72xi32, #tpu.memory_space<vmem>>
    %dma_wait3A_58 = tpu.memref_squeeze %dma_wait3A_57 : memref<1x72xi32, #tpu.memory_space<vmem>> -> memref<72xi32, #tpu.memory_space<vmem>>
    %dma_wait3A_59 = arith.constant 0 : i32
    %dma_wait3A_60 = arith.constant 0 : i32
    %dma_wait3A_61 = tpu.memref_slice %arg5[%dma_wait3A_59, %dma_wait3A_60] : memref<819200x128xf32, #tpu.memory_space<hbm>> -> memref<819200x128xf32, #tpu.memory_space<hbm>>
    tpu.wait_indirect_dma semaphore(%arg11 : memref<!tpu.dma_semaphore, #tpu.memory_space<semaphore_mem>>) src(%dma_wait3A_55 : memref<72x128xf32, #tpu.memory_space<vmem>>) dst(%dma_wait3A_61 : memref<819200x128xf32, #tpu.memory_space<hbm>>)
    return
  }
}

</mosaic_0001>

<sc_bundles>
// kernel: kernel.3.cloned.1.call-start
scs
__scs_entry_jumppad:
0x0: {  	(pc) =	sbr.rel $0x88, $3  }
0x1: {  	(tag) =	ssettag $0x0;
	lr =	simm.s32 $0x1  }
0x2: {  	[smem:$0x3F9F] =	sst lr;
	_ =	strace $0xD0000000  }
0x3: {  	_ = 	snop  }
0x4: {  	_ = 	snop  }
0x5: {  	_ = 	snop  }
0x6: {  	_ = 	snop  }
0x7: {  	_ = 	snop  }
__scs_overlays_trampoline_lowered:
0x8: {  	[smem:$0x3FAE] =	sst s0  }
0x9: {  	[smem:$0x3FAF] =	sst s1  }
0xa: {  	[smem:$0x3FB0] =	sst s2  }
0xb: {  	[smem:$0x3FB1] =	sst s3  }
0xc: {  	[smem:$0x3FB2] =	sst s4  }
0xd: {  	[smem:$0x3FB3] =	sst s5  }
0xe: {  	[smem:$0x3FB4] =	sst s6  }
0xf: {  	[smem:$0x3FB5] =	sst s7  }
0x10: {  	[smem:$0x3FB6] =	sst s8  }
0x11: {  	[smem:$0x3FB7] =	sst s9;
	s0 =	simm.s32 @!p0 $0x0  }
0x12: {  	s1 =	sld [smem:$0x3F9D];
	s0 =	simm.s32 @p0 $0x1  }
0x13: {  	[smem:$0x3FB8] =	sst s0;
	s0 =	simm.s32 @!p1 $0x0  }
0x14: {  	s2 =	sld [smem:$0x3F9C];
	s0 =	simm.s32 @p1 $0x1  }
0x15: {  	[smem:$0x3FB9] =	sst s0;
	s0 =	simm.s32 @!p2 $0x0  }
0x16: {  	s3 =	sld [smem:$0x3FDB];
	s0 =	simm.s32 @p2 $0x1  }
0x17: {  	s4 =	simm.s32 $0x1BF5;
	[smem:$0x3FBB] =	sst s0  }
0x18: {  	s0 =	sld [smem:$0x3F9E];
	_ =	swait.ge [sflag:s4], $0x0  }
0x19: {  	s7 =	sld [smem:$0x3F9F]  }
0x1a: {  	s8 =	sadd.s32 $0xFFFFE003, lr  }
0x1b: {  	s9 =	sadd.s32 $0xFFFFFEF7, lr;
	s5 =	simm.s32 $0xFFFFFFFF;
	p2 =	slt.u32 s8, $0xFFFFF086  }
0x1c: {  	p1 =	slt.u32 s9, $0xF7A;
	s5 =	simm.s32 @!p2 $0x0  }
0x1d: {  	s5 =	simm.s32 @p1 $0x1;
	p0 =	seq.s32 s7, s2  }
0x1e: {  	s7 =	smul.u32 @!p0 $0xF7A, s2;
	p2 =	seq.s32 @!p0 s5, $0x0  }
0x1f: {  	s9 =	smul.u32 $0xF7A, s1;
	s8 =	simm.s32 @!p0 $0x1BF5;
	p2 =	por !p2, p0  }
0x20: {  	[sflag:s8] =	ssyncset.s32 @!p0 $0xFFFFF086;
	s6 =	sadd.s32 @!p0 s3, s7;
	s7 =	simm.s32 @!p0 $0x108  }
0x21: {  	s3 =	sadd.s32 s3, s9;
	s6 =	sadd.s32 @!p0 $0x88, s6;
	s7 =	simm.s32 @p2 $0x1082  }
0x22: {  	[simem:s7], [sflag:s8] =	dma.local @!p0 [hbm:s6], $0xF7A  }
0x23: {  	s9 =	sor.u32 $0xD0000000, s2;
	s6 =	simm.s32 $0x108;
	_ =	swait.ge @!p0 [sflag:s8], $0x0  }
0x24: {  	s3 =	sadd.s32 $0x88, s3;
	s6 =	simm.s32 @!p1 $0x1082;
	[sflag:s4] =	ssyncset.s32 $0xFFFFF086  }
0x25: {  	[simem:s6], [sflag:s4] =	dma.local [hbm:s3], $0xF7A  }
0x26: {  	[smem:$0x3F9F] =	sst s1;
	(tag) =	ssettag s2;
	_ =	strace s9  }
0x27: {  	s1 =	sld [smem:$0x3FAF]  }
0x28: {  	s2 =	sld [smem:$0x3FB0]  }
0x29: {  	s4 =	sld [smem:$0x3FB2]  }
0x2a: {  	p0 =	seq.s32 s5, $0x0;
	s5 =	sld [smem:$0x3FB3]  }
0x2b: {  	s6 =	sld [smem:$0x3FB4]  }
0x2c: {  	s7 =	sld [smem:$0x3FB5]  }
0x2d: {  	s3 =	simm.s32 $0x108;
	s8 =	sld [smem:$0x3FB6]  }
0x2e: {  	s3 =	simm.s32 @!p0 $0x1082;
	s9 =	sld [smem:$0x3FB7]  }
0x2f: {  	lr =	sadd.s32 s0, s3;
	s0 =	sld [smem:$0x3FAE]  }
0x30: {  	s3 =	sld [smem:$0x3FB1]  }
0x31: {  	[smem:$0x3FBA] =	sst s10  }
0x32: {  	s10 =	sld [smem:$0x3FB8];
	_ =	sdelay $0x3  }
0x33: {  	p0 =	seq.s32 s10, $0x1;
	s10 =	sld [smem:$0x3FBA];
	_ =	sdelay $0x3  }
0x34: {  	[smem:$0x3FBA] =	sst s10  }
0x35: {  	s10 =	sld [smem:$0x3FB9];
	_ =	sdelay $0x3  }
0x36: {  	p1 =	seq.s32 s10, $0x1;
	s10 =	sld [smem:$0x3FBA];
	_ =	sdelay $0x3  }
0x37: {  	[smem:$0x3FBA] =	sst s10  }
0x38: {  	s10 =	sld [smem:$0x3FBB]  }
0x39: {  	_ = 	snop;
	(pc) =	sbr.ind lr, $3  }
0x3a: {  	_ = 	snop  }
0x3b: {  	_ = 	snop  }
0x3c: {  	p2 =	seq.s32 s10, $0x1;
	s10 =	sld [smem:$0x3FBA]  }
0x3d: {  	_ =	shalt  }
0x3e: {  	_ =	shalt  }
0x3f: {  	_ =	shalt  }
0x40: {  	_ =	shalt  }
0x41: {  	_ =	shalt  }
0x42: {  	_ =	shalt  }
0x43: {  	_ =	shalt  }
0x44: {  	_ =	shalt  }
0x45: {  	_ =	shalt  }
0x46: {  	_ =	shalt  }
0x47: {  	_ =	shalt  }
0x48: {  	_ =	shalt  }
0x49: {  	_ =	shalt  }
0x4a: {  	_ =	shalt  }
0x4b: {  	_ =	shalt  }
0x4c: {  	_ =	shalt  }
0x4d: {  	_ =	shalt  }
0x4e: {  	_ =	shalt  }
0x4f: {  	_ =	shalt  }
0x50: {  	_ =	shalt  }
0x51: {  	_ =	shalt  }
0x52: {  	_ =	shalt  }
0x53: {  	_ =	shalt  }
0x54: {  	_ =	shalt  }
0x55: {  	_ =	shalt  }
0x56: {  	_ =	shalt  }
0x57: {  	_ =	shalt  }
0x58: {  	_ =	shalt  }
0x59: {  	_ =	shalt  }
0x5a: {  	_ =	shalt  }
0x5b: {  	_ =	shalt  }
0x5c: {  	_ =	shalt  }
0x5d: {  	_ =	shalt  }
0x5e: {  	_ =	shalt  }
0x5f: {  	_ =	shalt  }
0x60: {  	_ =	shalt  }
0x61: {  	_ =	shalt  }
0x62: {  	_ =	shalt  }
0x63: {  	_ =	shalt  }
0x64: {  	_ =	shalt  }
0x65: {  	_ =	shalt  }
0x66: {  	_ =	shalt  }
0x67: {  	_ =	shalt  }
0x68: {  	_ =	shalt  }
0x69: {  	_ =	shalt  }
0x6a: {  	_ =	shalt  }
0x6b: {  	_ =	shalt  }
0x6c: {  	_ =	shalt  }
0x6d: {  	_ =	shalt  }
0x6e: {  	_ =	shalt  }
0x6f: {  	_ =	shalt  }
0x70: {  	_ =	shalt  }
0x71: {  	_ =	shalt  }
0x72: {  	_ =	shalt  }
0x73: {  	_ =	shalt  }
0x74: {  	_ =	shalt  }
0x75: {  	_ =	shalt  }
0x76: {  	_ =	shalt  }
0x77: {  	_ =	shalt  }
0x78: {  	_ =	shalt  }
0x79: {  	_ =	shalt  }
0x7a: {  	_ =	shalt  }
0x7b: {  	_ =	shalt  }
0x7c: {  	_ =	shalt  }
0x7d: {  	_ =	shalt  }
0x7e: {  	_ =	shalt  }
0x7f: {  	_ =	shalt  }
0x80: {  	_ =	shalt  }
0x81: {  	_ =	shalt  }
0x82: {  	_ =	shalt  }
0x83: {  	_ =	shalt  }
0x84: {  	_ =	shalt  }
0x85: {  	_ =	shalt  }
0x86: {  	_ =	shalt  }
0x87: {  	_ =	shalt  }
.Lfunc_end0:
.L_simem_size_0:
called_computation.1_lowered:
.L_overlay_start_0:
0x88: {  	s2 =	sld [smem:$0x3FD9]  }
0x89: {  	s3 =	sld [smem:$0x3FFE];
	_ =	sdelay $0x1  }
0x8a: {  	s1 =	srdreg.scid  }
0x8b: {  	s0 =	sand.u32 $0x1, s1  }
0x8c: {  	s17 =	sshll.u32 s0, $0xA;
	s2 =	sadd.s32 s3, s2  }
0x8d: {  	s2 =	sadd.s32 s2, s17  }
0x8e: {  	[smem:$0x3FC6] =	sst s2  }
0x8f: {  	_ = 	snop  }
0x90: {  	s2 =	sld [smem:$0x3FD0];
	(tm) =	ssettm $0x1  }
0x91: {  	s18 =	sld [smem:$0x3FFB];
	_ =	sdelay $0x3  }
0x92: {  	_ =	strace s18  }
0x93: {  	s3 =	sld [smem:$0x3FFC];
	_ =	sdelay $0x3  }
0x94: {  	_ =	strace s3  }
0x95: {  	s3 =	sld [smem:$0x3FFD];
	_ =	sdelay $0x3  }
0x96: {  	_ =	strace s3  }
0x97: {  	_ =	strace $0x8FFFFFFF  }
0x98: {  	s19 =	sld [smem:$0x3FDB];
	_ =	sdelay $0x1  }
0x99: {  	s4 =	simm.s32 $_scs_section_size  }
0x9a: {  	s5 =	simm.s32 $_size__tile_overlayer_lowered;
	s6 =	simm.s32 $_tile_overlayer_lowered  }
0x9b: {  	s22 =	simm.s32 $0x1BFF;
	s21 =	sshll.u32 s6, $0x1;
	s3 =	sadd.s32 s4, s19  }
0x9c: {  	s7 =	simm.s32 $0x0;
	s20 =	sshll.u32 s5, $0x1;
	s5 =	sadd.s32 s21, s3  }
0x9d: {  	[timem:s7], [sflag:s22] =	dma.local [hbm:s5], s20  }
0x9e: {  	_ =	swait.ge [sflag:s22], s20  }
0x9f: {  	s4 =	ssub.s32 $0x0, s20;
	[sflag:s22] =	ssyncset.done $0x0  }
0xa0: {  	[sflag:s22] =	ssyncadd.s32 s4;
	_ =	sdelay $0x1  }
0xa1: {  	s23 =	simm.s32 $0x1B8B  }
0xa2: {  	_ =	swait.ge [sflag:s23], $0x1  }
0xa3: {  	[sflag:s23] =	ssyncset.done $0x0  }
0xa4: {  	s25 =	simm.s32 $0x1B8E;
	s24 =	sld [smem:$0x3FFE];
	[sflag:s23] =	ssyncadd.s32 $0xFFFFFFFF  }
0xa5: {  	s26 =	simm.s32 $execute0_lowered;
	[smem:$0x3FD2] =	sst s25  }
0xa6: {  	s5 =	sshll.u32 s26, $0x1;
	_ =	strace $0x80000046;
	[dreg:$0x1] =	wrdreg $0xFFFFFFFF  }
0xa7: {  	s28 =	simm.s32 $_size_execute0_lowered;
	s3 =	sadd.s32 s3, s5;
	[dreg:$0x0] =	wrdreg $0x0  }
0xa8: {  	s5 =	sshll.u32 s28, $0x1;
	[dreg:$0x2] =	wrdreg s3  }
0xa9: {  	[dreg:$0x3] =	wrdreg s5  }
0xaa: {  	[dreg:$0x4] =	wrdreg $0xC0  }
0xab: {  	_ =	task [dreg:s7], $0x5FFFF  }
0xac: {  	[dreg:$0x1] =	wrdreg $0xFFFFFFFF  }
0xad: {  	[dreg:$0x0] =	wrdreg $0x60  }
0xae: {  	[dreg:$0x2] =	wrdreg s2  }
0xaf: {  	[dreg:$0x3] =	wrdreg s24  }
0xb0: {  	[dreg:$0x4] =	wrdreg $0x9  }
0xb1: {  	_ =	task.clear_ibuf [dreg:s7], $0x5FFFF;
	_ =	strace $0x90000046  }
0xb2: {  	s29 =	simm.s32 $0x9;
	_ =	strace $0x80000048  }
0xb3: {  	_ =	swait.ge [sflag:s29], $0x1  }
0xb4: {  	[sflag:s29] =	ssyncadd.s32 $0xFFFFFFFF  }
0xb5: {  	_ =	strace $0x90000048  }
0xb6: {  	_ =	sfence  }
0xb7: {  	s30 =	sld [smem:$0x0];
	_ =	sdelay $0x2  }
0xb8: {  	s31 =	sshll.u32 s1, $0xD;
	s1 =	sshrl.u32 s1, $0x2  }
0xb9: {  	s3 =	sand.u32 $0x4000, s31;
	s1 =	sadd.s32 s1, s30  }
0xba: {  	s0 =	sor.u32 s3, s0;
	s1 =	sshll.u32 s1, $0x11  }
0xbb: {  	s0 =	sor.u32 s1, s0  }
0xbc: {  	s0 =	sadd.s32 $0x8F2B, s0  }
0xbd: {  	[sflag:s0] =	ssyncadd.remote.s32 $0x1  }
0xbe: {  	_ =	sfence.sel $0xFFFF  }
0xbf: {  	[dreg:$0x0] =	wrdreg $0xFFFFFFFF;
	(pc) =	sbr.abs _section_cstart, $3  }
0xc0: {  	[dreg:$0x1] =	wrdreg $0xFFFFFFFF  }
0xc1: {  	_ =	task.clear_ibuf [dreg:s7], $0x2FFFF;
	_ =	strace $0x9FFFFFFF  }
0xc2: {  	(tm) =	ssettm $0x7FFFFFFF  }
0xc3: {  	_ =	shalt  }
tec
execute0_lowered:
.L_overlay_start_1:
0x0: {  	(tag) =	ssettag $0x1  }
0x1: {  	s6 =	rddreg [dreg:$0x0]  }
0x2: {  	s1 =	rddreg [dreg:$0x1];
	s2 =	simm.s32 $0x0  }
0x3: {  	v36 =	vlaneseq.u32;
	[smem:$0x7FF] =	sst s2  }
0x4: {  	s0 =	rddreg [dreg:$0x2];
	v0 =	vimm.f32 $+Inf;
	v42 =	vor.u32 $0xD0, v36;
	_ =	strace $0x80000047  }
0x5: {  	v43 =	vor.u32 $0xE0, v36;
	(xrf1) =	vsort.dscd.msk.f32 $0xffff, v0, v42  }
0x6: {  	v44 =	vor.u32 $0xF0, v36;
	(xrf1) =	vsort.ascd.msk.f32 $0xffff, v0, v43  }
0x7: {  	(xrf1) =	vsort.dscd.msk.f32 $0xffff, v0, v44;
	_ =	sdelay $0xa  }
0x8: {  	v61 =	vor.u32 $0x80000000, v36  }
0x9: {  	[tilespmem:$0x1FE80] =	vst v61;
	v4, v7, _ =	vpop (xrf1)  }
0xa: {  	[tilespmem:$0x1FEA0] =	vst v42;
	v58, v1, _ =	vpop (xrf1)  }
0xb: {  	[tilespmem:$0x1FEB0] =	vst v43;
	v2, v3, _ =	vpop (xrf1)  }
0xc: {  	v37 =	vor.u32 $0x10, v36;
	[tilespmem:$0x1FEC0] =	vst v44;
	vm0 =	vge.f32 v58, v2  }
0xd: {  	v38 =	vor.u32 $0x20, v36;
	[tilespmem:$0x1FF00] =	vst v37;
	v5 =	vsel vm0, v58, v2;
	v6 =	vsel vm0, v1, v3  }
0xe: {  	v39 =	vor.u32 $0x30, v36;
	[tilespmem:$0x1FF10] =	vst v38;
	(xrf1) =	vsort.dscd.msk.f32 $0xffff, v5, v6  }
0xf: {  	v40 =	vor.u32 $0x40, v36;
	[tilespmem:$0x1FF20] =	vst v39;
	v0 =	vsel vm0, v2, v58;
	v1 =	vsel vm0, v3, v1  }
0x10: {  	v41 =	vor.u32 $0x50, v36;
	[tilespmem:$0x1FF30] =	vst v40;
	(xrf1) =	vsort.dscd.msk.f32 $0xffff, v0, v1  }
0x11: {  	v45 =	vor.u32 $0x60, v36;
	[tilespmem:$0x1FF40] =	vst v41  }
0x12: {  	v46 =	vor.u32 $0x70, v36;
	[tilespmem:$0x1FF50] =	vst v45  }
0x13: {  	v47 =	vor.u32 $0x80, v36;
	[tilespmem:$0x1FF60] =	vst v46  }
0x14: {  	v59 =	vimm.s32 $0xEDCBA987;
	v20 =	vor.u32 $0x90, v36;
	[tilespmem:$0x1FF70] =	vst v47  }
0x15: {  	v60 =	vimm.s32 $0x65432100;
	v34 =	vor.u32 $0xA0, v36;
	[tilespmem:$0x1FF80] =	vst v20;
	v0 =	vunpack.c.l.s4.s8 v59  }
0x16: {  	v19 =	vor.u32 $0xB0, v36;
	[tilespmem:$0x1FF90] =	vst v34;
	v1 =	vunpack.c.l.s4.s8 v60  }
0x17: {  	v21 =	vor.u32 $0xC0, v36;
	[tilespmem:$0x1FFC0] =	vst v19;
	v0 =	vunpack.c.0.s8.s32 v0  }
0x18: {  	s4 =	srdreg.scid;
	s3 =	stileid.u32;
	s11 =	simm.s32 $0x16598;
	vm1 =	vmmov $0x1;
	[tilespmem:$0x1FFD0] =	vst v21;
	v1 =	vunpack.c.0.s8.s32 v1  }
0x19: {  	s12 =	simm.s32 $0x16408;
	s14 =	simm.s32 $0x80;
	s13 =	simm.s32 $0x16508;
	v62 =	vimm.s32 $0x0;
	v63 =	vimm.s32 $0x0;
	[tilespmem:$0x1FED0] =	vst v4;
	v0 =	vand.u32 $0xF, v0  }
0x1a: {  	s31 =	simm.s32 $0x48;
	s5 =	sand.u32 $0x1, s4;
	s29 =	sshll.u32 s3, $0x1;
	[tilespmem:$0x1FEE0] =	vst v7;
	vm0 =	vmmov $0xff;
	v22 =	vcombine.low v1, v0;
	v0 =	vsel vm1, $0xFFFFFFFF, v62  }
0x1b: {  	s15 =	simm.s32 $0x0;
	s10 =	smul.u32 $0xC800, s3;
	s4 =	sor.u32 s5, s29;
	[tilespmem:$0x1FE90] =	vst v0;
	v0 =	vsel vm0, $0xFFFFFFFF, v63  }
0x1c: {  	s7 =	ssub.s32 $0x2, s5;
	s30 =	smul.u32 $0x6400, s5;
	[dreg:$0x4] =	wrdreg s14;
	[tilespmem:$0x1FEF0] =	vst v0;
	v6, v8, _ =	vpop (xrf1)  }
0x1d: {  	s5 =	sadd.s32 $0x2200, s1;
	[dreg:$0x6] =	wrdreg s31;
	s8 =	smul.u32 $0xC80, s4;
	[tilespmem:$0x1FFA0] =	vst v6  }
0x1e: {  	s14 =	simm.s32 $0x1;
	s9 =	sshrl.u32 s7, $0x1;
	s4 =	sadd.s32 $0x2000, s1;
	v9, v10, _ =	vpop (xrf1);
	[tilespmem:$0x1FFB0] =	vst v8  }
0x1f: {  	s7 =	ssub.s32 s7, s9;
	s9 =	simm.s32 $0x2;
	s6 =	sadd.s32 s6, s8;
	[tilespmem:$0x1FFE0] =	vst v9  }
0x20: {  	s7 =	smax.u32 s7, $0x1;
	s8 =	sadd.s32 s30, s10;
	s10 =	simm.s32 $0x6408;
	[tilespmem:$0x1FFF0] =	vst v10  }
.LBB2_1:
0x21: {  	[tilespmem:s2], [sflag:$0x2] =	stream.linear.gather [hbm4b:s6+s2], $0x6400, $0x38;
	[tilespmem:$0x165A8] =	vst v63  }
0x22: {  	_ =	swait.ge [sflag:s9], $0x6400  }
0x23: {  	[sflag:s9] =	ssyncset.done $0x0  }
0x24: {  	[sflag:s9] =	ssyncadd.s32 $0xFFFF9C00  }
0x25: {  	[tilespmem:s10], [sflag:$0x2] =	stream.linear.gather [hbm4b:s1+s2], $0x10000, $0x38;
	[tilespmem:$0x165A8] =	vst v63  }
0x26: {  	_ =	swait.ge [sflag:s9], $0x10000  }
0x27: {  	[sflag:s9] =	ssyncset.done $0x0  }
0x28: {  	[sflag:s9] =	ssyncadd.s32 $0xFFFF0000  }
0x29: {  	[tilespmem:s11], [sflag:$0x2] =	stream.linear.gather [hbm4b:s4+s2], $0x10, $0x38;
	[tilespmem:$0x165A8] =	vst v63  }
0x2a: {  	_ =	swait.ge [sflag:s9], $0x10  }
0x2b: {  	[sflag:s9] =	ssyncset.done $0x0  }
0x2c: {  	[sflag:s9] =	ssyncadd.s32 $0xFFFFFFF0  }
0x2d: {  	v0 =	vld [tilespmem:$0x16598];
	_ =	sdelay $0x4  }
0x2e: {  	v0 =	vxor.u32 $0x80000000, v0  }
0x2f: {  	(xrf0) =	vmax.scan.msk.u32 $0xffff, v0;
	_ =	sdelay $0x5  }
0x30: {  	v0, _, _ =	vpop (xrf0)  }
0x31: {  	(v2sf) =	vpush v0, $0xF;
	_ =	sdelay $0xe  }
0x32: {  	s16 =	spop (v2sf)  }
0x33: {  	s16 =	sshll.u32 s16, $0x11  }
0x34: {  	s16 =	sshra.s32 s16, $0x2  }
0x35: {  	s17 =	sor.u32 $0x6408, s16  }
0x36: {  	s18 =	simm.s32 $0x0;
	s16 =	sadd.s32 $0xA408, s16;
	[dreg:$0x3] =	wrdreg s17  }
0x37: {  	[dreg:$0x5] =	wrdreg s16;
	s16 =	simm.s32 $0x60;
	s17 =	smov.u32 s8  }
.LBB2_2:
0x38: {  	v0 =	vld [tilespmem:s16+$0xFFFFFFA0]  }
0x39: {  	v1 =	vld [tilespmem:s16+$0xFFFFFFB0]  }
0x3a: {  	v2 =	vld [tilespmem:s16+$0xFFFFFFC0]  }
0x3b: {  	v3 =	vld [tilespmem:s16+$0xFFFFFFD0];
	_ =	sdelay $0x1  }
0x3c: {  	v5 =	vld [tilespmem:s16+$0xFFFFFFE0];
	(xrf1) =	vsort.ascd.msk.f32 $0xffff, v0, v36  }
0x3d: {  	v17 =	vld [tilespmem:s16+$0xFFFFFFF0];
	(xrf1) =	vsort.dscd.msk.f32 $0xffff, v1, v37  }
0x3e: {  	v32 =	vld [tilespmem:s16+$0x0];
	(xrf1) =	vsort.ascd.msk.f32 $0xffff, v2, v38  }
0x3f: {  	v33 =	vld [tilespmem:s16+$0x10];
	(xrf1) =	vsort.dscd.msk.f32 $0xffff, v3, v39  }
0x40: {  	v35 =	vld [tilespmem:s16+$0x20]  }
0x41: {  	v3 =	vld [tilespmem:s16+$0x30];
	(xrf1) =	vsort.ascd.msk.f32 $0xffff, v5, v40  }
0x42: {  	(xrf1) =	vsort.dscd.msk.f32 $0xffff, v17, v41  }
0x43: {  	v5 =	vld [tilespmem:s16+$0x40];
	(xrf1) =	vsort.ascd.msk.f32 $0xffff, v32, v45  }
0x44: {  	v36 =	vld [tilespmem:s16+$0x50];
	(xrf1) =	vsort.dscd.msk.f32 $0xffff, v33, v46  }
0x45: {  	(xrf1) =	vsort.ascd.msk.f32 $0xffff, v35, v47  }
0x46: {  	v37 =	vld [tilespmem:s16+$0x60];
	(xrf1) =	vsort.dscd.msk.f32 $0xffff, v3, v20;
	_ =	sdelay $0x1  }
0x47: {  	(xrf1) =	vsort.ascd.msk.f32 $0xffff, v5, v34  }
0x48: {  	(xrf1) =	vsort.dscd.msk.f32 $0xffff, v36, v19  }
0x49: {  	v39, v38, _ =	vpop (xrf1)  }
0x4a: {  	v1 =	vnsel vm0, $0x7F800000, v37;
	v3, v5, _ =	vpop (xrf1)  }
0x4b: {  	v17, v23, _ =	vpop (xrf1);
	(xrf1) =	vsort.ascd.msk.f32 $0xffff, v1, v21;
	vm0 =	vle.f32 v39, v3  }
0x4c: {  	v40, v24, _ =	vpop (xrf1);
	v25 =	vsel vm0, v39, v3  }
0x4d: {  	v28 =	vsel vm0, v38, v5;
	v2 =	vsel vm0, v5, v38;
	vm1 =	vge.f32 v17, v40  }
0x4e: {  	v0 =	vsel vm0, v3, v39;
	v26, v27, _ =	vpop (xrf1);
	(xrf1) =	vsort.ascd.msk.f32 $0xffff, v25, v28;
	v5 =	vsel vm1, v17, v40  }
0x4f: {  	v3, v29, _ =	vpop (xrf1);
	v30 =	vsel vm1, v23, v24;
	v23 =	vsel vm1, v24, v23;
	(xrf1) =	vsort.ascd.msk.f32 $0xffff, v0, v2  }
0x50: {  	v1 =	vsel vm1, v40, v17;
	vm0 =	vle.f32 v26, v3;
	v17, v41, _ =	vpop (xrf1);
	(xrf1) =	vsort.dscd.msk.f32 $0xffff, v5, v30  }
0x51: {  	v42 =	vsel vm0, v26, v3;
	v0, v2, _ =	vpop (xrf1);
	v43 =	vsel vm0, v27, v29;
	v3 =	vsel vm0, v3, v26  }
0x52: {  	v27 =	vsel vm0, v29, v27;
	(xrf1) =	vsort.dscd.msk.f32 $0xffff, v1, v23;
	v5, v44, _ =	vpop (xrf1);
	vm0 =	vge.f32 v17, v0  }
0x53: {  	(xrf1) =	vsort.ascd.msk.f32 $0xffff, v42, v43;
	v1, v23, _ =	vpop (xrf1);
	v45 =	vsel vm0, v17, v0  }
0x54: {  	v46 =	vsel vm0, v41, v2;
	v0 =	vsel vm0, v0, v17;
	vm1 =	vle.f32 v5, v1  }
0x55: {  	(xrf1) =	vsort.ascd.msk.f32 $0xffff, v3, v27;
	v3, v17, _ =	vpop (xrf1);
	v47 =	vsel vm1, v5, v1;
	v1 =	vsel vm1, v1, v5  }
0x56: {  	v2 =	vsel vm0, v2, v41;
	(xrf1) =	vsort.dscd.msk.f32 $0xffff, v45, v46;
	v49, v48, _ =	vpop (xrf1)  }
0x57: {  	v50 =	vsel vm1, v44, v23;
	(xrf1) =	vsort.dscd.msk.f32 $0xffff, v0, v2;
	vm0 =	vge.f32 v3, v49  }
0x58: {  	v51 =	vsel vm1, v23, v44;
	(xrf1) =	vsort.ascd.msk.f32 $0xffff, v47, v50;
	v52 =	vsel vm0, v3, v49  }
0x59: {  	v5 =	vsel vm0, v17, v48;
	(xrf1) =	vsort.ascd.msk.f32 $0xffff, v1, v51;
	v3 =	vsel vm0, v49, v3;
	v0, v1, _ =	vpop (xrf1)  }
0x5a: {  	v17 =	vsel vm0, v48, v17;
	(xrf1) =	vsort.dscd.msk.f32 $0xffff, v52, v5;
	vm0 =	vle.f32 v0, v4  }
0x5b: {  	(xrf1) =	vsort.dscd.msk.f32 $0xffff, v3, v17;
	v3 =	vsel vm0, v1, v7;
	_ =	sdelay $0x1  }
0x5c: {  	v1 =	vsel vm0, v7, v1  }
0x5d: {  	v53 =	vsel vm0, v0, v4;
	v0 =	vsel vm0, v4, v0  }
0x5e: {  	(xrf1) =	vsort.ascd.msk.f32 $0xffff, v53, v3;
	v2, v3, _ =	vpop (xrf1)  }
0x5f: {  	v5, v17, _ =	vpop (xrf1)  }
0x60: {  	(xrf1) =	vsort.ascd.msk.f32 $0xffff, v0, v1;
	v0, v1, _ =	vpop (xrf1)  }
0x61: {  	v23, v54, _ =	vpop (xrf1)  }
0x62: {  	vm0 =	vle.f32 v2, v0;
	v56, v55, _ =	vpop (xrf1)  }
0x63: {  	v29 =	vsel vm0, v2, v0;
	v30 =	vsel vm0, v3, v1;
	v58, v57, _ =	vpop (xrf1)  }
0x64: {  	v0 =	vsel vm0, v0, v2;
	v1 =	vsel vm0, v1, v3;
	vm0 =	vle.f32 v5, v23;
	v31, v32, _ =	vpop (xrf1)  }
0x65: {  	v33 =	vsel vm0, v5, v23;
	v34 =	vsel vm0, v17, v54;
	vm1 =	vge.f32 v56, v31  }
0x66: {  	v5 =	vsel vm0, v23, v5;
	v17 =	vsel vm0, v54, v17;
	v59, v3, _ =	vpop (xrf1);
	v23 =	vsel vm1, v56, v31  }
0x67: {  	v35, v60, _ =	vpop (xrf1);
	v38 =	vsel vm1, v55, v32;
	v25 =	vsel vm1, v31, v56;
	vm0 =	vge.f32 v58, v59  }
0x68: {  	v26 =	vsel vm1, v32, v55;
	v62, v61, _ =	vpop (xrf1);
	v13 =	vsel vm0, v58, v59;
	v2 =	vsel vm0, v59, v58  }
0x69: {  	v14 =	vsel vm0, v57, v3;
	v3 =	vsel vm0, v3, v57;
	v12, v63, _ =	vpop (xrf1);
	vm2 =	vge.f32 v25, v2  }
0x6a: {  	v52, v42, _ =	vpop (xrf1);
	vm0 =	vle.f32 v35, v12;
	v15 =	vsel vm2, v26, v3;
	v32 =	vsel vm2, v3, v26  }
0x6b: {  	v53 =	vsel vm0, v35, v12;
	v54 =	vsel vm0, v60, v63;
	vm1 =	vle.f32 v62, v52  }
0x6c: {  	v43, v44, _ =	vpop (xrf1);
	v31 =	vsel vm0, v12, v35;
	v55 =	vsel vm0, v63, v60;
	v56 =	vsel vm1, v62, v52  }
0x6d: {  	v57 =	vsel vm1, v61, v42;
	v24 =	vsel vm1, v52, v62;
	vm0 =	vge.f32 v43, v6  }
0x6e: {  	v37 =	vsel vm1, v42, v61;
	vm1 =	vle.f32 v29, v33;
	v60 =	vsel vm0, v43, v6  }
0x6f: {  	v61 =	vsel vm0, v44, v8;
	v49 =	vsel vm1, v29, v33;
	v50 =	vsel vm1, v30, v34  }
0x70: {  	v29 =	vsel vm1, v33, v29;
	v30 =	vsel vm1, v34, v30;
	vm1 =	vle.f32 v0, v5  }
0x71: {  	v43 =	vsel vm0, v6, v43;
	v44 =	vsel vm0, v8, v44;
	v63 =	vsel vm1, v0, v5  }
0x72: {  	v59, v58, _ =	vpop (xrf1);
	v12 =	vsel vm1, v1, v17;
	v0 =	vsel vm1, v5, v0;
	v1 =	vsel vm1, v17, v1  }
0x73: {  	vm1 =	vge.f32 v23, v13;
	(xrf1) =	vsort.ascd.msk.f32 $0xffff, v49, v50;
	vm0 =	vge.f32 v59, v9  }
0x74: {  	v5 =	vsel vm1, v23, v13;
	v17 =	vsel vm1, v38, v14;
	(xrf1) =	vsort.ascd.msk.f32 $0xffff, v29, v30  }
0x75: {  	v23 =	vsel vm1, v13, v23;
	v13 =	vsel vm1, v14, v38;
	(xrf1) =	vsort.ascd.msk.f32 $0xffff, v63, v12  }
0x76: {  	v14 =	vsel vm2, v25, v2;
	v25 =	vsel vm2, v2, v25;
	(xrf1) =	vsort.ascd.msk.f32 $0xffff, v0, v1  }
0x77: {  	vm1 =	vle.f32 v53, v56;
	vm2 =	vle.f32 v31, v24;
	(xrf1) =	vsort.dscd.msk.f32 $0xffff, v5, v17  }
0x78: {  	v62 =	vsel vm0, v59, v9;
	v48 =	vsel vm0, v58, v10;
	(xrf1) =	vsort.dscd.msk.f32 $0xffff, v23, v13  }
0x79: {  	v3 =	vsel vm1, v53, v56;
	v33 =	vsel vm1, v56, v53;
	(xrf1) =	vsort.dscd.msk.f32 $0xffff, v14, v15  }
0x7a: {  	v34 =	vsel vm1, v57, v54;
	v5 =	vsel vm1, v54, v57;
	(xrf1) =	vsort.dscd.msk.f32 $0xffff, v25, v32  }
0x7b: {  	v36 =	vsel vm2, v31, v24;
	vm1 =	vge.f32 v60, v62;
	(xrf1) =	vsort.ascd.msk.f32 $0xffff, v3, v5  }
0x7c: {  	v38 =	vsel vm1, v60, v62;
	v3 =	vsel vm2, v55, v37;
	(xrf1) =	vsort.ascd.msk.f32 $0xffff, v33, v34  }
0x7d: {  	v5 =	vsel vm2, v24, v31;
	v37 =	vsel vm2, v37, v55;
	(xrf1) =	vsort.ascd.msk.f32 $0xffff, v36, v3  }
0x7e: {  	v39 =	vsel vm1, v61, v48;
	v3 =	vsel vm1, v48, v61;
	(xrf1) =	vsort.ascd.msk.f32 $0xffff, v5, v37  }
0x7f: {  	v41 =	vsel vm0, v9, v59;
	v40 =	vsel vm1, v62, v60;
	(xrf1) =	vsort.dscd.msk.f32 $0xffff, v38, v39  }
0x80: {  	v42 =	vsel vm0, v10, v58;
	vm0 =	vge.f32 v43, v41;
	(xrf1) =	vsort.dscd.msk.f32 $0xffff, v40, v3  }
0x81: {  	v1 =	vsel vm0, v42, v44;
	v3, v5, _ =	vpop (xrf1)  }
0x82: {  	v45 =	vsel vm0, v43, v41;
	v46 =	vsel vm0, v44, v42;
	v17, v23, _ =	vpop (xrf1)  }
0x83: {  	(xrf1) =	vsort.dscd.msk.f32 $0xffff, v45, v46;
	v49, v48, _ =	vpop (xrf1)  }
0x84: {  	v47 =	vsel vm0, v41, v43;
	v50, v51, _ =	vpop (xrf1)  }
0x85: {  	(xrf1) =	vsort.dscd.msk.f32 $0xffff, v47, v1;
	v0, v1, _ =	vpop (xrf1)  }
0x86: {  	v57, v58, _ =	vpop (xrf1)  }
0x87: {  	vm0 =	vle.f32 v3, v0;
	v59, v30, _ =	vpop (xrf1)  }
0x88: {  	v33 =	vsel vm0, v3, v0;
	v34 =	vsel vm0, v5, v1;
	v61, v60, _ =	vpop (xrf1)  }
0x89: {  	v0 =	vsel vm0, v0, v3;
	v1 =	vsel vm0, v1, v5;
	vm0 =	vle.f32 v17, v57;
	v63, v62, _ =	vpop (xrf1)  }
0x8a: {  	v37 =	vsel vm0, v17, v57;
	v38 =	vsel vm0, v23, v58;
	vm1 =	vle.f32 v49, v59;
	v3, v5, _ =	vpop (xrf1)  }
0x8b: {  	v17 =	vsel vm0, v57, v17;
	v23 =	vsel vm0, v58, v23;
	v27 =	vsel vm1, v49, v59;
	v13, v12, _ =	vpop (xrf1)  }
0x8c: {  	v15 =	vsel vm1, v48, v30;
	v2 =	vsel vm1, v59, v49;
	vm0 =	vle.f32 v50, v61;
	v14, v41, _ =	vpop (xrf1)  }
0x8d: {  	v24 =	vsel vm1, v30, v48;
	v54 =	vsel vm0, v50, v61;
	v55 =	vsel vm0, v51, v60;
	v53, v52, _ =	vpop (xrf1)  }
0x8e: {  	v25 =	vsel vm0, v61, v50;
	v26 =	vsel vm0, v60, v51;
	v57, v56, _ =	vpop (xrf1);
	vm0 =	vge.f32 v63, v53  }
0x8f: {  	v31 =	vsel vm0, v63, v53;
	v32 =	vsel vm0, v62, v52;
	vm1 =	vge.f32 v3, v57  }
0x90: {  	v29 =	vsel vm0, v53, v63;
	v36 =	vsel vm1, v3, v57;
	v43 =	vsel vm1, v5, v56  }
0x91: {  	v58, v59, _ =	vpop (xrf1);
	v3 =	vsel vm1, v57, v3;
	v5 =	vsel vm1, v56, v5;
	vm1 =	vle.f32 v33, v27  }
0x92: {  	v35 =	vsel vm0, v52, v62;
	vm0 =	vge.f32 v13, v58;
	v45 =	vsel vm1, v33, v27  }
0x93: {  	v49 =	vsel vm1, v34, v15;
	v27 =	vsel vm1, v27, v33;
	v33 =	vsel vm1, v15, v34  }
0x94: {  	vm1 =	vle.f32 v17, v25;
	v62 =	vsel vm0, v13, v58;
	v63 =	vsel vm0, v12, v59  }
0x95: {  	v61, v60, _ =	vpop (xrf1);
	v39 =	vsel vm0, v58, v13;
	v40 =	vsel vm0, v59, v12;
	v56 =	vsel vm1, v17, v25  }
0x96: {  	v57 =	vsel vm1, v23, v26;
	v17 =	vsel vm1, v25, v17;
	vm0 =	vge.f32 v14, v61  }
0x97: {  	v23 =	vsel vm1, v26, v23;
	vm1 =	vge.f32 v29, v39;
	v12 =	vsel vm0, v14, v61  }
0x98: {  	v13 =	vsel vm0, v41, v60;
	v28 =	vsel vm0, v61, v14;
	v41 =	vsel vm0, v60, v41  }
0x99: {  	vm0 =	vle.f32 v37, v54;
	v47 =	vsel vm1, v29, v39;
	v48 =	vsel vm1, v35, v40  }
0x9a: {  	v29 =	vsel vm1, v39, v29;
	v14 =	vsel vm0, v37, v54;
	v52 =	vsel vm0, v38, v55  }
0x9b: {  	v30 =	vsel vm0, v54, v37;
	v53 =	vsel vm0, v55, v38;
	vm0 =	vle.f32 v0, v2  }
0x9c: {  	v35 =	vsel vm1, v40, v35;
	v54 =	vsel vm0, v0, v2;
	v55 =	vsel vm0, v1, v24  }
0x9d: {  	v0 =	vsel vm0, v2, v0;
	v1 =	vsel vm0, v24, v1;
	vm0 =	vge.f32 v31, v62  }
0x9e: {  	vm1 =	vle.f32 v27, v30;
	v58 =	vsel vm0, v31, v62;
	v59 =	vsel vm0, v32, v63  }
0x9f: {  	v31 =	vsel vm0, v62, v31;
	v32 =	vsel vm0, v63, v32;
	vm0 =	vge.f32 v36, v12  }
0xa0: {  	v15 =	vsel vm1, v33, v53;
	v60 =	vsel vm0, v36, v12;
	v61 =	vsel vm0, v43, v13  }
0xa1: {  	v36 =	vsel vm0, v12, v36;
	v43 =	vsel vm0, v13, v43;
	vm0 =	vge.f32 v3, v28  }
0xa2: {  	v51 =	vsel vm1, v53, v33;
	v62 =	vsel vm0, v3, v28;
	v63 =	vsel vm0, v5, v41  }
0xa3: {  	v3 =	vsel vm0, v28, v3;
	v5 =	vsel vm0, v41, v5;
	vm0 =	vle.f32 v45, v14  }
0xa4: {  	v12 =	vsel vm0, v45, v14;
	v13 =	vsel vm0, v49, v52;
	v34 =	vsel vm0, v14, v45  }
0xa5: {  	v42 =	vsel vm0, v52, v49;
	v14 =	vsel vm1, v27, v30;
	(xrf1) =	vsort.ascd.msk.f32 $0xffff, v12, v13  }
0xa6: {  	v27 =	vsel vm1, v30, v27;
	vm0 =	vle.f32 v54, v56;
	(xrf1) =	vsort.ascd.msk.f32 $0xffff, v34, v42  }
0xa7: {  	vm1 =	vge.f32 v58, v60;
	v52 =	vsel vm0, v54, v56;
	(xrf1) =	vsort.ascd.msk.f32 $0xffff, v14, v15  }
0xa8: {  	v53 =	vsel vm0, v55, v57;
	v2 =	vsel vm0, v56, v54;
	(xrf1) =	vsort.ascd.msk.f32 $0xffff, v27, v51  }
0xa9: {  	v24 =	vsel vm0, v57, v55;
	vm0 =	vle.f32 v0, v17;
	(xrf1) =	vsort.ascd.msk.f32 $0xffff, v52, v53  }
0xaa: {  	v54 =	vsel vm0, v0, v17;
	v55 =	vsel vm0, v1, v23;
	(xrf1) =	vsort.ascd.msk.f32 $0xffff, v2, v24  }
0xab: {  	v0 =	vsel vm0, v17, v0;
	v1 =	vsel vm0, v23, v1;
	(xrf1) =	vsort.ascd.msk.f32 $0xffff, v54, v55  }
0xac: {  	v56 =	vsel vm1, v59, v61;
	v17 =	vsel vm1, v58, v60;
	(xrf1) =	vsort.ascd.msk.f32 $0xffff, v0, v1  }
0xad: {  	v57 =	vsel vm1, v61, v59;
	vm0 =	vge.f32 v31, v36;
	(xrf1) =	vsort.dscd.msk.f32 $0xffff, v17, v56  }
0xae: {  	v23 =	vsel vm1, v60, v58;
	vm1 =	vge.f32 v47, v62;
	v58 =	vsel vm0, v31, v36  }
0xaf: {  	v59 =	vsel vm0, v32, v43;
	v60 =	vsel vm0, v36, v31;
	(xrf1) =	vsort.dscd.msk.f32 $0xffff, v23, v57  }
0xb0: {  	v61 =	vsel vm1, v48, v63;
	v17 =	vsel vm0, v43, v32;
	(xrf1) =	vsort.dscd.msk.f32 $0xffff, v58, v59  }
0xb1: {  	v63 =	vsel vm1, v63, v48;
	v23 =	vsel vm1, v47, v62;
	(xrf1) =	vsort.dscd.msk.f32 $0xffff, v60, v17  }
0xb2: {  	vm0 =	vge.f32 v29, v3;
	v62 =	vsel vm1, v62, v47;
	(xrf1) =	vsort.dscd.msk.f32 $0xffff, v23, v61  }
0xb3: {  	v12 =	vsel vm0, v29, v3;
	v17 =	vsel vm0, v35, v5;
	(xrf1) =	vsort.dscd.msk.f32 $0xffff, v62, v63;
	v54, v52, _ =	vpop (xrf1)  }
0xb4: {  	(xrf1) =	vsort.dscd.msk.f32 $0xffff, v12, v17;
	v53, v50, _ =	vpop (xrf1)  }
0xb5: {  	v13 =	vsel vm0, v3, v29;
	v14 =	vsel vm0, v5, v35;
	v51, v48, _ =	vpop (xrf1)  }
0xb6: {  	(xrf1) =	vsort.dscd.msk.f32 $0xffff, v13, v14;
	v49, v46, _ =	vpop (xrf1)  }
0xb7: {  	v47, v44, _ =	vpop (xrf1)  }
0xb8: {  	v45, v42, _ =	vpop (xrf1)  }
0xb9: {  	v43, v41, _ =	vpop (xrf1)  }
0xba: {  	v40, v39, _ =	vpop (xrf1)  }
0xbb: {  	v17, v63, _ =	vpop (xrf1)  }
0xbc: {  	v15 =	vimm.s32 $0x0;
	vm0 =	vle.f32 v54, v17  }
0xbd: {  	v23, v57, _ =	vpop (xrf1);
	v0 =	vsel vm0, $0xFFFFFFFF, v15  }
0xbe: {  	v59, v55, _ =	vpop (xrf1);
	v31 =	vsel vm0, v54, v17;
	v32 =	vsel vm0, v52, v63;
	vm3 =	vle.f32 v53, v23  }
0xbf: {  	v60, v56, _ =	vpop (xrf1);
	v33 =	vsel vm3, v53, v23;
	v34 =	vsel vm3, v50, v57;
	vm4 =	vle.f32 v51, v59  }
0xc0: {  	v62, v58, _ =	vpop (xrf1);
	v36 =	vsel vm4, v51, v59;
	v35 =	vsel vm4, v48, v55;
	vm5 =	vle.f32 v49, v60  }
0xc1: {  	[tilespmem:$0x1FE60] =	vst v0;
	v0, v61, _ =	vpop (xrf1);
	v38 =	vsel vm5, v49, v60;
	v37 =	vsel vm5, v46, v56;
	vm6 =	vle.f32 v47, v62  }
0xc2: {  	v2, v1, _ =	vpop (xrf1);
	v21 =	vsel vm6, v47, v62;
	v4 =	vsel vm6, v44, v58;
	vm7 =	vle.f32 v45, v0  }
0xc3: {  	v6 =	vsel vm7, v45, v0;
	v7 =	vsel vm7, v42, v61;
	vm8 =	vle.f32 v43, v2  }
0xc4: {  	v5, v3, _ =	vpop (xrf1);
	vm11 =	vle.f32 v31, v21;
	v8 =	vsel vm8, v43, v2;
	v9 =	vsel vm8, v41, v1  }
0xc5: {  	vm9 =	vle.f32 v40, v5;
	v27 =	vsel vm11, v31, v21;
	v29 =	vsel vm11, v32, v4  }
0xc6: {  	vm13 =	vle.f32 v33, v6;
	v10 =	vsel vm9, v40, v5;
	v11 =	vsel vm9, v39, v3  }
0xc7: {  	v28 =	vsel vm13, v33, v6;
	vm12 =	vle.f32 v36, v8;
	vm10 =	vle.f32 v38, v10  }
0xc8: {  	v30 =	vsel vm13, v34, v7;
	v12 =	vsel vm12, v36, v8;
	v13 =	vsel vm10, v38, v10  }
0xc9: {  	v14 =	vsel vm12, v35, v9;
	vm0 =	vle.f32 v27, v12;
	vm1 =	vle.f32 v28, v13  }
0xca: {  	v15 =	vsel vm10, v37, v11;
	v25 =	vsel vm0, v27, v12;
	v16 =	vsel vm1, v28, v13  }
0xcb: {  	v18 =	vsel vm0, v29, v14;
	v19 =	vsel vm1, v30, v15;
	vm14 =	vle.f32 v25, v16  }
0xcc: {  	v24 =	vsel vm14, v25, v16;
	v26 =	vsel vm14, v18, v19  }
0xcd: {  	(xrf1) =	vsort.ascd.msk.f32 $0xffff, v24, v26;
	_ =	sdelay $0xd  }
0xce: {  	v20, v24, _ =	vpop (xrf1)  }
0xcf: {  	[tilespmem:$0x1FE70] =	vst v24;
	v24 =	vlaneseq.u32  }
0xd0: {  	v26 =	vperm.xlane v20, v22;
	vm15 =	veq.s32 v24, $0x0;
	v24 =	vld [tilespmem:$0x1FE80];
	_ =	sdelay $0x1  }
0xd1: {  	v26 =	vsel vm15, $0xFF800000, v26  }
0xd2: {  	vm15 =	vlt.f32 v20, v26;
	vm2 =	vgt.f32 v20, v26  }
0xd3: {  	vm2 =	vmor vm2, vm15  }
0xd4: {  	v26 =	vnsel vm2, $0x80000000, v24  }
0xd5: {  	(xrf0) =	vmax.scan.msk.u32 $0xffff, v26;
	_ =	sdelay $0x4  }
0xd6: {  	v16 =	vsel vm14, v16, v25;
	v18 =	vsel vm14, v19, v18  }
0xd7: {  	(xrf1) =	vsort.ascd.msk.f32 $0xffff, v16, v18;
	v26, _, _ =	vpop (xrf0)  }
0xd8: {  	(xrf0) =	vmax.scan.msk.u32 $0xffff, v26;
	_ =	sdelay $0x5  }
0xd9: {  	v16, _, _ =	vpop (xrf0)  }
0xda: {  	(v2sf) =	vpush v16, $0xF  }
0xdb: {  	(xrf0) =	vmax.scan.msk.f32 $0xffff, v20;
	_ =	sdelay $0x2  }
0xdc: {  	v20 =	vld [tilespmem:$0x1FE90];
	_ =	sdelay $0x1  }
0xdd: {  	v16, v25, _ =	vpop (xrf1)  }
0xde: {  	v18, _, _ =	vpop (xrf0)  }
0xdf: {  	v19 =	vperm.xlane v16, v22;
	v18 =	vbroadcast v18, $0xF  }
0xe0: {  	vm15 =	vnez.u8 v20  }
0xe1: {  	v18 =	vsel vm15, v18, v19  }
0xe2: {  	vm2 =	vlt.f32 v16, v18;
	vm14 =	vgt.f32 v16, v18;
	v18 =	vld [tilespmem:$0x1FF00];
	_ =	sdelay $0x3  }
0xe3: {  	vm2 =	vmor vm14, vm2;
	s19 =	spop (v2sf)  }
0xe4: {  	v18 =	vnsel vm2, $0x0, v18;
	s19 =	sxor.u32 $0x80000000, s19  }
0xe5: {  	vm2 =	vgt.s32 v18, s19  }
0xe6: {  	v18 =	vnsel vm2, s19, v18  }
0xe7: {  	v18 =	vor.u32 $0x80000000, v18  }
0xe8: {  	(xrf0) =	vmax.scan.msk.u32 $0xffff, v18;
	_ =	sdelay $0x2  }
0xe9: {  	v12 =	vsel vm0, v12, v27;
	v13 =	vsel vm1, v13, v28  }
0xea: {  	v14 =	vsel vm0, v14, v29;
	v15 =	vsel vm1, v15, v30;
	vm0 =	vle.f32 v12, v13  }
0xeb: {  	v19 =	vsel vm0, v14, v15;
	v18 =	vsel vm0, v12, v13  }
0xec: {  	(xrf1) =	vsort.ascd.msk.f32 $0xffff, v18, v19;
	v28, _, _ =	vpop (xrf0)  }
0xed: {  	(xrf0) =	vmax.scan.msk.u32 $0xffff, v28;
	_ =	sdelay $0x5  }
0xee: {  	v18, _, _ =	vpop (xrf0)  }
0xef: {  	(v2sf) =	vpush v18, $0xF  }
0xf0: {  	(xrf0) =	vmax.scan.msk.f32 $0xffff, v16;
	_ =	sdelay $0x4  }
0xf1: {  	v16, v27, _ =	vpop (xrf1)  }
0xf2: {  	v18, _, _ =	vpop (xrf0)  }
0xf3: {  	v19 =	vperm.xlane v16, v22;
	v18 =	vbroadcast v18, $0xF;
	_ =	sdelay $0x1  }
0xf4: {  	v18 =	vsel vm15, v18, v19  }
0xf5: {  	vm1 =	vlt.f32 v16, v18;
	vm2 =	vgt.f32 v16, v18;
	v18 =	vld [tilespmem:$0x1FF10];
	_ =	sdelay $0x3  }
0xf6: {  	vm1 =	vmor vm2, vm1;
	s24 =	spop (v2sf)  }
0xf7: {  	v18 =	vnsel vm1, $0x0, v18;
	s19 =	sxor.u32 $0x80000000, s24  }
0xf8: {  	vm1 =	vgt.s32 v18, s19  }
0xf9: {  	v18 =	vnsel vm1, s19, v18  }
0xfa: {  	v18 =	vor.u32 $0x80000000, v18  }
0xfb: {  	(xrf0) =	vmax.scan.msk.u32 $0xffff, v18;
	_ =	sdelay $0x4  }
0xfc: {  	v24 =	vsel vm0, v15, v14;
	v12 =	vsel vm0, v13, v12  }
0xfd: {  	(xrf1) =	vsort.ascd.msk.f32 $0xffff, v12, v24;
	v30, _, _ =	vpop (xrf0)  }
0xfe: {  	(xrf0) =	vmax.scan.msk.u32 $0xffff, v30;
	_ =	sdelay $0x5  }
0xff: {  	v29, _, _ =	vpop (xrf0)  }
0x100: {  	(v2sf) =	vpush v29, $0xF;
	_ =	sdelay $0x1  }
0x101: {  	(xrf0) =	vmax.scan.msk.f32 $0xffff, v16;
	_ =	sdelay $0x4  }
0x102: {  	v12, v29, _ =	vpop (xrf1)  }
0x103: {  	v13, _, _ =	vpop (xrf0)  }
0x104: {  	v24 =	vperm.xlane v12, v22;
	v13 =	vbroadcast v13, $0xF;
	_ =	sdelay $0x1  }
0x105: {  	v13 =	vsel vm15, v13, v24;
	v24 =	vld [tilespmem:$0x1FF20];
	_ =	sdelay $0x2  }
0x106: {  	vm0 =	vlt.f32 v12, v13;
	vm1 =	vgt.f32 v12, v13  }
0x107: {  	vm0 =	vmor vm1, vm0;
	s25 =	spop (v2sf)  }
0x108: {  	v13 =	vnsel vm0, $0x0, v24;
	s19 =	sxor.u32 $0x80000000, s25  }
0x109: {  	vm0 =	vgt.s32 v13, s19  }
0x10a: {  	v13 =	vnsel vm0, s19, v13  }
0x10b: {  	v13 =	vor.u32 $0x80000000, v13  }
0x10c: {  	v4 =	vsel vm11, v4, v32;
	v6 =	vsel vm13, v6, v33;
	v7 =	vsel vm13, v7, v34;
	(xrf0) =	vmax.scan.msk.u32 $0xffff, v13  }
0x10d: {  	v8 =	vsel vm12, v8, v36;
	v10 =	vsel vm10, v10, v38;
	v13 =	vsel vm11, v21, v31  }
0x10e: {  	v9 =	vsel vm12, v9, v35;
	vm1 =	vle.f32 v6, v10;
	vm0 =	vle.f32 v13, v8  }
0x10f: {  	v11 =	vsel vm10, v11, v37;
	v24 =	vsel vm1, v6, v10;
	v38 =	vsel vm0, v13, v8  }
0x110: {  	v18 =	vsel vm1, v7, v11;
	v16 =	vsel vm0, v4, v9;
	vm2 =	vle.f32 v38, v24  }
0x111: {  	v19 =	vsel vm2, v38, v24;
	v20 =	vsel vm2, v16, v18  }
0x112: {  	(xrf1) =	vsort.ascd.msk.f32 $0xffff, v19, v20;
	v32, _, _ =	vpop (xrf0)  }
0x113: {  	(xrf0) =	vmax.scan.msk.u32 $0xffff, v32;
	_ =	sdelay $0x5  }
0x114: {  	v19, _, _ =	vpop (xrf0)  }
0x115: {  	(v2sf) =	vpush v19, $0xF  }
0x116: {  	(xrf0) =	vmax.scan.msk.f32 $0xffff, v12;
	_ =	sdelay $0x4  }
0x117: {  	v36, v31, _ =	vpop (xrf1)  }
0x118: {  	v19, _, _ =	vpop (xrf0)  }
0x119: {  	v20 =	vperm.xlane v36, v22;
	v19 =	vbroadcast v19, $0xF;
	_ =	sdelay $0x1  }
0x11a: {  	v19 =	vsel vm15, v19, v20  }
0x11b: {  	vm14 =	vlt.f32 v36, v19;
	vm12 =	vgt.f32 v36, v19;
	v19 =	vld [tilespmem:$0x1FF30];
	_ =	sdelay $0x3  }
0x11c: {  	vm10 =	vmor vm12, vm14;
	s26 =	spop (v2sf)  }
0x11d: {  	v19 =	vnsel vm10, $0x0, v19;
	s19 =	sxor.u32 $0x80000000, s26  }
0x11e: {  	vm10 =	vgt.s32 v19, s19  }
0x11f: {  	v19 =	vnsel vm10, s19, v19  }
0x120: {  	v19 =	vor.u32 $0x80000000, v19  }
0x121: {  	(xrf0) =	vmax.scan.msk.u32 $0xffff, v19;
	_ =	sdelay $0x5  }
0x122: {  	v34, _, _ =	vpop (xrf0)  }
0x123: {  	(xrf0) =	vmax.scan.msk.u32 $0xffff, v34  }
0x124: {  	v14 =	vsel vm2, v24, v38;
	v37 =	vsel vm2, v18, v16  }
0x125: {  	(xrf1) =	vsort.ascd.msk.f32 $0xffff, v14, v37;
	_ =	sdelay $0x3  }
0x126: {  	v38, _, _ =	vpop (xrf0)  }
0x127: {  	(v2sf) =	vpush v38, $0xF;
	_ =	sdelay $0x3  }
0x128: {  	(xrf0) =	vmax.scan.msk.f32 $0xffff, v36;
	_ =	sdelay $0x4  }
0x129: {  	v24, v33, _ =	vpop (xrf1)  }
0x12a: {  	v36, _, _ =	vpop (xrf0)  }
0x12b: {  	v37 =	vperm.xlane v24, v22;
	v38 =	vld [tilespmem:$0x1FF40];
	v14 =	vbroadcast v36, $0xF;
	_ =	sdelay $0x1  }
0x12c: {  	v14 =	vsel vm15, v14, v37  }
0x12d: {  	vm2 =	vlt.f32 v24, v14;
	vm13 =	vgt.f32 v24, v14  }
0x12e: {  	vm2 =	vmor vm13, vm2;
	s28 =	spop (v2sf)  }
0x12f: {  	v14 =	vnsel vm2, $0x0, v38;
	s19 =	sxor.u32 $0x80000000, s28  }
0x130: {  	vm2 =	vgt.s32 v14, s19  }
0x131: {  	v14 =	vnsel vm2, s19, v14  }
0x132: {  	v14 =	vor.u32 $0x80000000, v14  }
0x133: {  	(xrf0) =	vmax.scan.msk.u32 $0xffff, v14;
	_ =	sdelay $0x2  }
0x134: {  	v6 =	vsel vm1, v10, v6;
	v8 =	vsel vm0, v8, v13  }
0x135: {  	v7 =	vsel vm1, v11, v7;
	v4 =	vsel vm0, v9, v4;
	vm0 =	vle.f32 v8, v6  }
0x136: {  	v9 =	vsel vm0, v8, v6;
	v10 =	vsel vm0, v4, v7  }
0x137: {  	(xrf1) =	vsort.ascd.msk.f32 $0xffff, v9, v10;
	v36, _, _ =	vpop (xrf0)  }
0x138: {  	(xrf0) =	vmax.scan.msk.u32 $0xffff, v36;
	_ =	sdelay $0x5  }
0x139: {  	v9, _, _ =	vpop (xrf0)  }
0x13a: {  	(v2sf) =	vpush v9, $0xF  }
0x13b: {  	(xrf0) =	vmax.scan.msk.f32 $0xffff, v24;
	_ =	sdelay $0x4  }
0x13c: {  	v9, v35, _ =	vpop (xrf1)  }
0x13d: {  	v10, _, _ =	vpop (xrf0)  }
0x13e: {  	v11 =	vperm.xlane v9, v22;
	v10 =	vbroadcast v10, $0xF;
	_ =	sdelay $0x1  }
0x13f: {  	v10 =	vsel vm15, v10, v11  }
0x140: {  	vm1 =	vlt.f32 v9, v10;
	vm2 =	vgt.f32 v9, v10;
	v10 =	vld [tilespmem:$0x1FF50];
	_ =	sdelay $0x3  }
0x141: {  	vm1 =	vmor vm2, vm1;
	s29 =	spop (v2sf)  }
0x142: {  	v10 =	vnsel vm1, $0x0, v10;
	s19 =	sxor.u32 $0x80000000, s29  }
0x143: {  	vm1 =	vgt.s32 v10, s19  }
0x144: {  	v10 =	vnsel vm1, s19, v10  }
0x145: {  	v10 =	vor.u32 $0x80000000, v10  }
0x146: {  	(xrf0) =	vmax.scan.msk.u32 $0xffff, v10;
	_ =	sdelay $0x4  }
0x147: {  	v6 =	vsel vm0, v6, v8;
	v4 =	vsel vm0, v7, v4  }
0x148: {  	(xrf1) =	vsort.ascd.msk.f32 $0xffff, v6, v4;
	v38, _, _ =	vpop (xrf0)  }
0x149: {  	(xrf0) =	vmax.scan.msk.u32 $0xffff, v38;
	_ =	sdelay $0x5  }
0x14a: {  	v4, _, _ =	vpop (xrf0)  }
0x14b: {  	(v2sf) =	vpush v4, $0xF  }
0x14c: {  	(xrf0) =	vmax.scan.msk.f32 $0xffff, v9;
	_ =	sdelay $0x4  }
0x14d: {  	v4, v37, _ =	vpop (xrf1)  }
0x14e: {  	v6, _, _ =	vpop (xrf0)  }
0x14f: {  	v7 =	vperm.xlane v4, v22;
	v6 =	vbroadcast v6, $0xF;
	_ =	sdelay $0x1  }
0x150: {  	v6 =	vsel vm15, v6, v7  }
0x151: {  	vm0 =	vlt.f32 v4, v6;
	vm1 =	vgt.f32 v4, v6;
	v6 =	vld [tilespmem:$0x1FF60];
	_ =	sdelay $0x2  }
0x152: {  	v53 =	vsel vm3, v23, v53;
	v50 =	vsel vm3, v57, v50  }
0x153: {  	v51 =	vsel vm4, v59, v51;
	v48 =	vsel vm4, v55, v48;
	vm0 =	vmor vm1, vm0;
	s30 =	spop (v2sf)  }
0x154: {  	v49 =	vsel vm5, v60, v49;
	v46 =	vsel vm5, v56, v46;
	v7 =	vld [tilespmem:$0x1FE60];
	v6 =	vnsel vm0, $0x0, v6;
	s19 =	sxor.u32 $0x80000000, s30  }
0x155: {  	v13 =	vsel vm9, v3, v39;
	v8 =	vsel vm6, v58, v44;
	vm0 =	vgt.s32 v6, s19  }
0x156: {  	v11 =	vsel vm8, v1, v41;
	v10 =	vsel vm8, v2, v43;
	v6 =	vnsel vm0, s19, v6  }
0x157: {  	vm4 =	vle.f32 v51, v10;
	v9 =	vsel vm7, v0, v45;
	v15 =	vor.u32 $0x80000000, v6  }
0x158: {  	v12 =	vsel vm9, v5, v40;
	v19 =	vsel vm4, v48, v11;
	vm5 =	vle.f32 v53, v9;
	(xrf0) =	vmax.scan.msk.u32 $0xffff, v15  }
0x159: {  	v55 =	vsel vm5, v53, v9;
	vm2 =	vnez.u8 v7;
	v7 =	vsel vm6, v62, v47  }
0x15a: {  	v54 =	vsel vm2, v17, v54;
	v52 =	vsel vm2, v63, v52;
	vm2 =	vle.f32 v49, v12  }
0x15b: {  	v17 =	vsel vm4, v51, v10;
	vm3 =	vle.f32 v54, v7;
	v18 =	vsel vm2, v49, v12  }
0x15c: {  	v20 =	vsel vm2, v46, v13;
	v5 =	vsel vm3, v54, v7;
	v24 =	vsel vm3, v52, v8  }
0x15d: {  	vm1 =	vle.f32 v55, v18;
	vm0 =	vle.f32 v5, v17;
	v6 =	vsel vm7, v61, v42  }
0x15e: {  	v21 =	vsel vm1, v55, v18;
	v56 =	vsel vm0, v5, v17;
	v16 =	vsel vm5, v50, v6;
	v1, _, _ =	vpop (xrf0)  }
0x15f: {  	v23 =	vsel vm0, v24, v19;
	vm14 =	vle.f32 v56, v21;
	v57 =	vsel vm1, v16, v20;
	(xrf0) =	vmax.scan.msk.u32 $0xffff, v1  }
0x160: {  	v58 =	vsel vm14, v56, v21;
	v3 =	vsel vm14, v23, v57  }
0x161: {  	(xrf1) =	vsort.ascd.msk.f32 $0xffff, v58, v3;
	_ =	sdelay $0x3  }
0x162: {  	v59, _, _ =	vpop (xrf0)  }
0x163: {  	(v2sf) =	vpush v59, $0xF;
	_ =	sdelay $0x3  }
0x164: {  	(xrf0) =	vmax.scan.msk.f32 $0xffff, v4;
	_ =	sdelay $0x4  }
0x165: {  	v4, v0, _ =	vpop (xrf1)  }
0x166: {  	v3, _, _ =	vpop (xrf0)  }
0x167: {  	v47 =	vld [tilespmem:$0x1FF70];
	v60 =	vperm.xlane v4, v22;
	v3 =	vbroadcast v3, $0xF;
	_ =	sdelay $0x1  }
0x168: {  	v3 =	vsel vm15, v3, v60  }
0x169: {  	vm12 =	vlt.f32 v4, v3;
	vm13 =	vgt.f32 v4, v3  }
0x16a: {  	vm7 =	vmor vm13, vm12;
	s31 =	spop (v2sf)  }
0x16b: {  	v3 =	vnsel vm7, $0x0, v47;
	s19 =	sxor.u32 $0x80000000, s31  }
0x16c: {  	vm7 =	vgt.s32 v3, s19  }
0x16d: {  	v3 =	vnsel vm7, s19, v3  }
0x16e: {  	v3 =	vor.u32 $0x80000000, v3  }
0x16f: {  	(xrf0) =	vmax.scan.msk.u32 $0xffff, v3;
	_ =	sdelay $0x4  }
0x170: {  	v2 =	vsel vm14, v21, v56;
	v21 =	vsel vm14, v57, v23  }
0x171: {  	(xrf1) =	vsort.ascd.msk.f32 $0xffff, v2, v21;
	v3, _, _ =	vpop (xrf0)  }
0x172: {  	(xrf0) =	vmax.scan.msk.u32 $0xffff, v3;
	_ =	sdelay $0x5  }
0x173: {  	v61, _, _ =	vpop (xrf0)  }
0x174: {  	(v2sf) =	vpush v61, $0xF  }
0x175: {  	(xrf0) =	vmax.scan.msk.f32 $0xffff, v4;
	_ =	sdelay $0x4  }
0x176: {  	v4, v2, _ =	vpop (xrf1)  }
0x177: {  	v21, _, _ =	vpop (xrf0)  }
0x178: {  	v23 =	vperm.xlane v4, v22;
	v21 =	vbroadcast v21, $0xF;
	_ =	sdelay $0x1  }
0x179: {  	v21 =	vsel vm15, v21, v23  }
0x17a: {  	vm14 =	vlt.f32 v4, v21;
	vm9 =	vgt.f32 v4, v21;
	v21 =	vld [tilespmem:$0x1FF80];
	_ =	sdelay $0x3  }
0x17b: {  	vm6 =	vmor vm9, vm14;
	s20 =	spop (v2sf)  }
0x17c: {  	v21 =	vnsel vm6, $0x0, v21;
	s19 =	sxor.u32 $0x80000000, s20  }
0x17d: {  	vm6 =	vgt.s32 v21, s19  }
0x17e: {  	v21 =	vnsel vm6, s19, v21  }
0x17f: {  	v21 =	vor.u32 $0x80000000, v21  }
0x180: {  	(xrf0) =	vmax.scan.msk.u32 $0xffff, v21;
	_ =	sdelay $0x2  }
0x181: {  	v15 =	vsel vm1, v18, v55;
	v21 =	vsel vm0, v17, v5  }
0x182: {  	v14 =	vsel vm0, v19, v24;
	v16 =	vsel vm1, v20, v16;
	vm0 =	vle.f32 v21, v15  }
0x183: {  	v5 =	vsel vm0, v21, v15;
	v18 =	vsel vm0, v14, v16  }
0x184: {  	(xrf1) =	vsort.ascd.msk.f32 $0xffff, v5, v18;
	v17, _, _ =	vpop (xrf0)  }
0x185: {  	(xrf0) =	vmax.scan.msk.u32 $0xffff, v17;
	_ =	sdelay $0x5  }
0x186: {  	v5, _, _ =	vpop (xrf0)  }
0x187: {  	(v2sf) =	vpush v5, $0xF  }
0x188: {  	(xrf0) =	vmax.scan.msk.f32 $0xffff, v4;
	_ =	sdelay $0x4  }
0x189: {  	v4, v5, _ =	vpop (xrf1)  }
0x18a: {  	v18, _, _ =	vpop (xrf0)  }
0x18b: {  	v19 =	vperm.xlane v4, v22;
	v18 =	vbroadcast v18, $0xF;
	_ =	sdelay $0x1  }
0x18c: {  	v18 =	vsel vm15, v18, v19  }
0x18d: {  	vm1 =	vlt.f32 v4, v18;
	vm10 =	vgt.f32 v4, v18;
	v18 =	vld [tilespmem:$0x1FF90];
	_ =	sdelay $0x3  }
0x18e: {  	vm1 =	vmor vm10, vm1;
	s21 =	spop (v2sf)  }
0x18f: {  	v18 =	vnsel vm1, $0x0, v18;
	s19 =	sxor.u32 $0x80000000, s21  }
0x190: {  	vm1 =	vgt.s32 v18, s19  }
0x191: {  	v18 =	vnsel vm1, s19, v18  }
0x192: {  	v18 =	vor.u32 $0x80000000, v18  }
0x193: {  	(xrf0) =	vmax.scan.msk.u32 $0xffff, v18;
	_ =	sdelay $0x5  }
0x194: {  	v62, _, _ =	vpop (xrf0)  }
0x195: {  	(xrf0) =	vmax.scan.msk.u32 $0xffff, v62  }
0x196: {  	v15 =	vsel vm0, v15, v21;
	v14 =	vsel vm0, v16, v14  }
0x197: {  	(xrf1) =	vsort.ascd.msk.f32 $0xffff, v15, v14;
	_ =	sdelay $0x3  }
0x198: {  	v63, _, _ =	vpop (xrf0)  }
0x199: {  	(v2sf) =	vpush v63, $0xF;
	_ =	sdelay $0x3  }
0x19a: {  	(xrf0) =	vmax.scan.msk.f32 $0xffff, v4;
	_ =	sdelay $0x4  }
0x19b: {  	v4, v23, _ =	vpop (xrf1)  }
0x19c: {  	v24, _, _ =	vpop (xrf0)  }
0x19d: {  	v41 =	vld [tilespmem:$0x1FFC0];
	v40 =	vperm.xlane v4, v22;
	v14 =	vbroadcast v24, $0xF;
	_ =	sdelay $0x1  }
0x19e: {  	v14 =	vsel vm15, v14, v40  }
0x19f: {  	vm0 =	vlt.f32 v4, v14;
	vm1 =	vgt.f32 v4, v14  }
0x1a0: {  	vm0 =	vmor vm1, vm0;
	s22 =	spop (v2sf)  }
0x1a1: {  	v14 =	vnsel vm0, $0x0, v41;
	s19 =	sxor.u32 $0x80000000, s22  }
0x1a2: {  	vm0 =	vgt.s32 v14, s19  }
0x1a3: {  	v14 =	vnsel vm0, s19, v14  }
0x1a4: {  	v14 =	vor.u32 $0x80000000, v14  }
0x1a5: {  	v11 =	vsel vm4, v11, v48;
	v9 =	vsel vm5, v9, v53;
	v10 =	vsel vm4, v10, v51;
	(xrf0) =	vmax.scan.msk.u32 $0xffff, v14  }
0x1a6: {  	v12 =	vsel vm2, v12, v49;
	v13 =	vsel vm2, v13, v46;
	v7 =	vsel vm3, v7, v54  }
0x1a7: {  	v8 =	vsel vm3, v8, v52;
	vm1 =	vle.f32 v9, v12;
	vm0 =	vle.f32 v7, v10  }
0x1a8: {  	v6 =	vsel vm5, v6, v50;
	v49 =	vsel vm1, v9, v12;
	v48 =	vsel vm0, v7, v10  }
0x1a9: {  	v18 =	vsel vm1, v6, v13;
	v16 =	vsel vm0, v8, v11;
	vm2 =	vle.f32 v48, v49  }
0x1aa: {  	v19 =	vsel vm2, v48, v49;
	v20 =	vsel vm2, v16, v18  }
0x1ab: {  	(xrf1) =	vsort.ascd.msk.f32 $0xffff, v19, v20;
	v50, _, _ =	vpop (xrf0)  }
0x1ac: {  	(xrf0) =	vmax.scan.msk.u32 $0xffff, v50;
	_ =	sdelay $0x5  }
0x1ad: {  	v19, _, _ =	vpop (xrf0)  }
0x1ae: {  	(v2sf) =	vpush v19, $0xF  }
0x1af: {  	(xrf0) =	vmax.scan.msk.f32 $0xffff, v4;
	_ =	sdelay $0x4  }
0x1b0: {  	v4, v51, _ =	vpop (xrf1)  }
0x1b1: {  	v19, _, _ =	vpop (xrf0)  }
0x1b2: {  	v20 =	vperm.xlane v4, v22;
	v19 =	vbroadcast v19, $0xF;
	_ =	sdelay $0x1  }
0x1b3: {  	v19 =	vsel vm15, v19, v20  }
0x1b4: {  	vm3 =	vlt.f32 v4, v19;
	vm11 =	vgt.f32 v4, v19;
	v19 =	vld [tilespmem:$0x1FFD0];
	_ =	sdelay $0x3  }
0x1b5: {  	vm3 =	vmor vm11, vm3;
	s23 =	spop (v2sf)  }
0x1b6: {  	v19 =	vnsel vm3, $0x0, v19;
	s19 =	sxor.u32 $0x80000000, s23  }
0x1b7: {  	vm3 =	vgt.s32 v19, s19  }
0x1b8: {  	v19 =	vnsel vm3, s19, v19  }
0x1b9: {  	v19 =	vor.u32 $0x80000000, v19  }
0x1ba: {  	(xrf0) =	vmax.scan.msk.u32 $0xffff, v19;
	_ =	sdelay $0x5  }
0x1bb: {  	v19, _, _ =	vpop (xrf0)  }
0x1bc: {  	(xrf0) =	vmax.scan.msk.u32 $0xffff, v19  }
0x1bd: {  	v14 =	vsel vm2, v49, v48;
	v52 =	vsel vm2, v18, v16  }
0x1be: {  	(xrf1) =	vsort.ascd.msk.f32 $0xffff, v14, v52;
	_ =	sdelay $0x3  }
0x1bf: {  	v53, _, _ =	vpop (xrf0)  }
0x1c0: {  	(v2sf) =	vpush v53, $0xF;
	_ =	sdelay $0x3  }
0x1c1: {  	(xrf0) =	vmax.scan.msk.f32 $0xffff, v4;
	_ =	sdelay $0x4  }
0x1c2: {  	v4, v54, _ =	vpop (xrf1)  }
0x1c3: {  	v55, _, _ =	vpop (xrf0)  }
0x1c4: {  	v42 =	vld [tilespmem:$0x1FEA0];
	v16 =	vperm.xlane v4, v22;
	v15 =	vbroadcast v55, $0xF;
	_ =	sdelay $0x1  }
0x1c5: {  	v15 =	vsel vm15, v15, v16  }
0x1c6: {  	vm2 =	vlt.f32 v4, v15;
	vm3 =	vgt.f32 v4, v15  }
0x1c7: {  	vm2 =	vmor vm3, vm2;
	s24 =	spop (v2sf)  }
0x1c8: {  	v56 =	vnsel vm2, $0x0, v42;
	s19 =	sxor.u32 $0x80000000, s24  }
0x1c9: {  	vm2 =	vgt.s32 v56, s19  }
0x1ca: {  	v15 =	vnsel vm2, s19, v56  }
0x1cb: {  	v15 =	vor.u32 $0x80000000, v15  }
0x1cc: {  	(xrf0) =	vmax.scan.msk.u32 $0xffff, v15;
	_ =	sdelay $0x5  }
0x1cd: {  	v9 =	vsel vm1, v12, v9;
	v7 =	vsel vm0, v10, v7;
	v10, _, _ =	vpop (xrf0)  }
0x1ce: {  	v6 =	vsel vm1, v13, v6;
	v8 =	vsel vm0, v11, v8;
	vm0 =	vle.f32 v7, v9;
	(xrf0) =	vmax.scan.msk.u32 $0xffff, v10  }
0x1cf: {  	v11 =	vsel vm0, v7, v9;
	v57 =	vsel vm0, v8, v6  }
0x1d0: {  	(xrf1) =	vsort.ascd.msk.f32 $0xffff, v11, v57;
	_ =	sdelay $0x3  }
0x1d1: {  	v11, _, _ =	vpop (xrf0)  }
0x1d2: {  	(v2sf) =	vpush v11, $0xF;
	_ =	sdelay $0x3  }
0x1d3: {  	(xrf0) =	vmax.scan.msk.f32 $0xffff, v4;
	_ =	sdelay $0x4  }
0x1d4: {  	v4, v11, _ =	vpop (xrf1)  }
0x1d5: {  	v58, _, _ =	vpop (xrf0)  }
0x1d6: {  	v43 =	vld [tilespmem:$0x1FEB0];
	v59 =	vperm.xlane v4, v22;
	v12 =	vbroadcast v58, $0xF;
	_ =	sdelay $0x1  }
0x1d7: {  	v12 =	vsel vm15, v12, v59  }
0x1d8: {  	vm1 =	vlt.f32 v4, v12;
	vm2 =	vgt.f32 v4, v12  }
0x1d9: {  	vm1 =	vmor vm2, vm1;
	s25 =	spop (v2sf)  }
0x1da: {  	v60 =	vnsel vm1, $0x0, v43;
	s19 =	sxor.u32 $0x80000000, s25  }
0x1db: {  	vm1 =	vgt.s32 v60, s19  }
0x1dc: {  	v12 =	vnsel vm1, s19, v60  }
0x1dd: {  	v12 =	vor.u32 $0x80000000, v12  }
0x1de: {  	(xrf0) =	vmax.scan.msk.u32 $0xffff, v12;
	_ =	sdelay $0x5  }
0x1df: {  	v12, _, _ =	vpop (xrf0)  }
0x1e0: {  	(xrf0) =	vmax.scan.msk.u32 $0xffff, v12  }
0x1e1: {  	v7 =	vsel vm0, v9, v7;
	v6 =	vsel vm0, v6, v8  }
0x1e2: {  	(xrf1) =	vsort.ascd.msk.f32 $0xffff, v7, v6;
	_ =	sdelay $0x3  }
0x1e3: {  	v6, _, _ =	vpop (xrf0)  }
0x1e4: {  	(v2sf) =	vpush v6, $0xF;
	_ =	sdelay $0x3  }
0x1e5: {  	(xrf0) =	vmax.scan.msk.f32 $0xffff, v4;
	_ =	sdelay $0x4  }
0x1e6: {  	v4, v6, _ =	vpop (xrf1)  }
0x1e7: {  	v7, _, _ =	vpop (xrf0)  }
0x1e8: {  	v44 =	vld [tilespmem:$0x1FEC0];
	v8 =	vperm.xlane v4, v22;
	v7 =	vbroadcast v7, $0xF;
	_ =	sdelay $0x1  }
0x1e9: {  	v7 =	vsel vm15, v7, v8  }
0x1ea: {  	v61 =	vld [tilespmem:$0x1FE70];
	vm0 =	vlt.f32 v4, v7;
	vm1 =	vgt.f32 v4, v7  }
0x1eb: {  	vm0 =	vmor vm1, vm0;
	s26 =	spop (v2sf)  }
0x1ec: {  	v4 =	vnsel vm0, $0x0, v44;
	s19 =	sxor.u32 $0x80000000, s26  }
0x1ed: {  	vm0 =	vgt.s32 v4, s19  }
0x1ee: {  	v1 =	vshll.u32 v1, $0x8;
	v7 =	vshll.u32 v26, $0x8;
	v4 =	vnsel vm0, s19, v4  }
0x1ef: {  	v8 =	vshll.u32 v28, $0x8;
	v7 =	vadd.s32 v61, v7;
	v4 =	vor.u32 $0x80000000, v4  }
0x1f0: {  	v9 =	vshll.u32 v30, $0x8;
	v8 =	vadd.s32 v25, v8;
	(xrf0) =	vmax.scan.msk.u32 $0xffff, v4;
	v4 =	vxor.u32 $0x80000000, v7  }
0x1f1: {  	v7 =	vadd.s32 v27, v9;
	v9 =	vshll.u32 v32, $0x8;
	(xrf1) =	vsort.ascd.msk.u32 $0xffff, v4, v61;
	v4 =	vxor.u32 $0x80000000, v8  }
0x1f2: {  	v8 =	vadd.s32 v29, v9;
	v9 =	vshll.u32 v34, $0x8;
	(xrf1) =	vsort.dscd.msk.u32 $0xffff, v4, v25;
	v4 =	vxor.u32 $0x80000000, v7  }
0x1f3: {  	v7 =	vadd.s32 v31, v9;
	v9 =	vshll.u32 v36, $0x8;
	(xrf1) =	vsort.ascd.msk.u32 $0xffff, v4, v27;
	v4 =	vxor.u32 $0x80000000, v8  }
0x1f4: {  	v8 =	vadd.s32 v33, v9;
	v9 =	vshll.u32 v38, $0x8;
	(xrf1) =	vsort.dscd.msk.u32 $0xffff, v4, v29;
	v4 =	vxor.u32 $0x80000000, v7  }
0x1f5: {  	v1 =	vadd.s32 v37, v1;
	v7 =	vadd.s32 v35, v9;
	(xrf1) =	vsort.ascd.msk.u32 $0xffff, v4, v31;
	v4 =	vxor.u32 $0x80000000, v8  }
0x1f6: {  	v3 =	vshll.u32 v3, $0x8;
	(xrf1) =	vsort.dscd.msk.u32 $0xffff, v4, v33;
	v4 =	vxor.u32 $0x80000000, v7;
	v7 =	vshll.u32 v17, $0x8  }
0x1f7: {  	v1 =	vxor.u32 $0x80000000, v1;
	v3 =	vadd.s32 v0, v3;
	(xrf1) =	vsort.ascd.msk.u32 $0xffff, v4, v35;
	v4 =	vadd.s32 v2, v7  }
0x1f8: {  	v7 =	vshll.u32 v62, $0x8;
	v63 =	vxor.u32 $0x80000000, v4;
	v4 =	vshll.u32 v19, $0x8  }
0x1f9: {  	v62 =	vxor.u32 $0x80000000, v3;
	(xrf1) =	vsort.dscd.msk.u32 $0xffff, v1, v37;
	v3 =	vadd.s32 v5, v7;
	v7 =	vshll.u32 v50, $0x8  }
0x1fa: {  	(xrf1) =	vsort.ascd.msk.u32 $0xffff, v62, v0;
	v13 =	vadd.s32 v23, v7;
	v15 =	vxor.u32 $0x80000000, v3;
	v3 =	vshll.u32 v10, $0x8  }
0x1fb: {  	v24 =	vadd.s32 v51, v4;
	(xrf1) =	vsort.dscd.msk.u32 $0xffff, v63, v2;
	v26 =	vadd.s32 v54, v3;
	v3 =	vshll.u32 v12, $0x8;
	v4, _, _ =	vpop (xrf0)  }
0x1fc: {  	v25 =	vxor.u32 $0x80000000, v13;
	(xrf1) =	vsort.ascd.msk.u32 $0xffff, v15, v5;
	v28 =	vadd.s32 v11, v3;
	v3 =	vshll.u32 v4, $0x8  }
0x1fd: {  	v27 =	vxor.u32 $0x80000000, v24;
	(xrf1) =	vsort.dscd.msk.u32 $0xffff, v25, v23  }
0x1fe: {  	v29 =	vxor.u32 $0x80000000, v26;
	(xrf1) =	vsort.ascd.msk.u32 $0xffff, v27, v51  }
0x1ff: {  	v31 =	vxor.u32 $0x80000000, v28;
	v30 =	vadd.s32 v6, v3;
	(xrf1) =	vsort.dscd.msk.u32 $0xffff, v29, v54  }
0x200: {  	v33 =	vxor.u32 $0x80000000, v30;
	v32, v3, _ =	vpop (xrf1);
	(xrf1) =	vsort.ascd.msk.u32 $0xffff, v31, v11  }
0x201: {  	v34, v4, _ =	vpop (xrf1);
	(xrf1) =	vsort.dscd.msk.u32 $0xffff, v33, v6  }
0x202: {  	v35, v5, _ =	vpop (xrf1)  }
0x203: {  	v2 =	vxor.u32 $0x80000000, v32;
	v1 =	vxor.u32 $0x80000000, v34;
	v6, v7, _ =	vpop (xrf1)  }
0x204: {  	vm0 =	vgt.s32 v2, v1;
	v8, v9, _ =	vpop (xrf1)  }
0x205: {  	v0 =	vxor.u32 $0x80000000, v35;
	v6 =	vxor.u32 $0x80000000, v6;
	v57 =	vsel vm0, v1, v2;
	v10, v11, _ =	vpop (xrf1)  }
0x206: {  	v58 =	vsel vm0, v4, v3;
	v1 =	vsel vm0, v2, v1;
	v59 =	vsel vm0, v3, v4;
	v49, v48, _ =	vpop (xrf1)  }
0x207: {  	v8 =	vxor.u32 $0x80000000, v8;
	vm0 =	vlt.s32 v0, v6;
	v1 =	vxor.u32 $0x80000000, v1;
	v51, v50, _ =	vpop (xrf1)  }
0x208: {  	v10 =	vxor.u32 $0x80000000, v10;
	v3 =	vsel vm0, v6, v0;
	v4 =	vsel vm0, v7, v5;
	v16, v17, _ =	vpop (xrf1)  }
0x209: {  	v0 =	vsel vm0, v0, v6;
	v5 =	vsel vm0, v5, v7;
	v6 =	vxor.u32 $0x80000000, v57;
	v18, v19, _ =	vpop (xrf1)  }
0x20a: {  	v12 =	vxor.u32 $0x80000000, v49;
	vm0 =	vgt.s32 v8, v10;
	v61 =	vxor.u32 $0x80000000, v3;
	v20, v21, _ =	vpop (xrf1)  }
0x20b: {  	v0 =	vxor.u32 $0x80000000, v0;
	v14 =	vxor.u32 $0x80000000, v51;
	v7 =	vsel vm0, v10, v8;
	v23, v52, _ =	vpop (xrf1)  }
0x20c: {  	v60 =	vsel vm0, v11, v9;
	v62 =	vsel vm0, v9, v11;
	vm1 =	vlt.s32 v12, v14;
	v53, v26, _ =	vpop (xrf1)  }
0x20d: {  	v16 =	vxor.u32 $0x80000000, v16;
	v18 =	vxor.u32 $0x80000000, v18;
	v3 =	vsel vm1, v14, v12;
	v54, v28, _ =	vpop (xrf1)  }
0x20e: {  	v63 =	vsel vm1, v50, v48;
	v20 =	vxor.u32 $0x80000000, v20;
	v15 =	vxor.u32 $0x80000000, v3;
	v55, v30, _ =	vpop (xrf1);
	(xrf1) =	vsort.ascd.msk.u32 $0xffff, v6, v58  }
0x20f: {  	v23 =	vxor.u32 $0x80000000, v23;
	v25 =	vxor.u32 $0x80000000, v53;
	v27 =	vxor.u32 $0x80000000, v54;
	v56, v32, _ =	vpop (xrf1);
	(xrf1) =	vsort.ascd.msk.u32 $0xffff, v1, v59  }
0x210: {  	v6 =	vsel vm0, v8, v10;
	vm0 =	vgt.s32 v16, v18;
	v29 =	vxor.u32 $0x80000000, v55;
	(xrf1) =	vsort.dscd.msk.u32 $0xffff, v61, v4  }
0x211: {  	v33 =	vsel vm0, v16, v18;
	v4 =	vsel vm1, v12, v14;
	v12 =	vxor.u32 $0x80000000, v7;
	(xrf1) =	vsort.dscd.msk.u32 $0xffff, v0, v5  }
0x212: {  	v35 =	vsel vm0, v17, v19;
	v14 =	vxor.u32 $0x80000000, v6;
	v6 =	vsel vm0, v18, v16;
	(xrf1) =	vsort.ascd.msk.u32 $0xffff, v12, v60  }
0x213: {  	v31 =	vxor.u32 $0x80000000, v56;
	v7 =	vsel vm0, v19, v17;
	vm0 =	vgt.s32 v25, v27;
	(xrf1) =	vsort.ascd.msk.u32 $0xffff, v14, v62  }
0x214: {  	v5 =	vsel vm1, v48, v50;
	vm1 =	vlt.s32 v20, v23;
	v34 =	vxor.u32 $0x80000000, v4;
	(xrf1) =	vsort.dscd.msk.u32 $0xffff, v15, v63  }
0x215: {  	v48 =	vxor.u32 $0x80000000, v6;
	v3 =	vsel vm1, v23, v20;
	v4 =	vsel vm1, v52, v21;
	(xrf1) =	vsort.dscd.msk.u32 $0xffff, v34, v5  }
0x216: {  	v49 =	vxor.u32 $0x80000000, v33;
	v50 =	vsel vm1, v21, v52;
	v52 =	vsel vm0, v27, v25;
	(xrf1) =	vsort.ascd.msk.u32 $0xffff, v48, v7  }
0x217: {  	v51 =	vxor.u32 $0x80000000, v3;
	v3 =	vsel vm0, v28, v26;
	v5 =	vsel vm1, v20, v23;
	(xrf1) =	vsort.ascd.msk.u32 $0xffff, v49, v35  }
0x218: {  	vm1 =	vlt.s32 v29, v31;
	v53 =	vxor.u32 $0x80000000, v5;
	(xrf1) =	vsort.dscd.msk.u32 $0xffff, v51, v4;
	v4 =	vsel vm0, v25, v27  }
0x219: {  	v54 =	vxor.u32 $0x80000000, v52;
	(xrf1) =	vsort.dscd.msk.u32 $0xffff, v53, v50;
	v57 =	vxor.u32 $0x80000000, v4;
	v4 =	vsel vm1, v29, v31  }
0x21a: {  	(xrf1) =	vsort.ascd.msk.u32 $0xffff, v54, v3;
	v3 =	vsel vm1, v32, v30  }
0x21b: {  	v55 =	vsel vm0, v26, v28;
	v56 =	vsel vm1, v31, v29  }
0x21c: {  	v58 =	vxor.u32 $0x80000000, v56;
	(xrf1) =	vsort.ascd.msk.u32 $0xffff, v57, v55;
	v60, v5, _ =	vpop (xrf1)  }
0x21d: {  	v61 =	vxor.u32 $0x80000000, v4;
	(xrf1) =	vsort.dscd.msk.u32 $0xffff, v58, v3;
	v3, v4, _ =	vpop (xrf1)  }
0x21e: {  	v0, v1, _ =	vpop (xrf1)  }
0x21f: {  	v59 =	vsel vm1, v30, v32;
	v6, v7, _ =	vpop (xrf1)  }
0x220: {  	(xrf1) =	vsort.dscd.msk.u32 $0xffff, v61, v59;
	v2 =	vxor.u32 $0x80000000, v60;
	v3 =	vxor.u32 $0x80000000, v3;
	v0 =	vxor.u32 $0x80000000, v0;
	v8, v9, _ =	vpop (xrf1)  }
0x221: {  	v6 =	vxor.u32 $0x80000000, v6;
	vm0 =	vgt.s32 v2, v0;
	v8 =	vxor.u32 $0x80000000, v8  }
0x222: {  	v10, v11, _ =	vpop (xrf1);
	v58 =	vsel vm0, v0, v2;
	v59 =	vsel vm0, v1, v5;
	vm1 =	vgt.s32 v3, v6  }
0x223: {  	v0 =	vsel vm0, v2, v0;
	v1 =	vsel vm0, v5, v1;
	v62, v63, _ =	vpop (xrf1);
	v10 =	vxor.u32 $0x80000000, v10  }
0x224: {  	v60 =	vsel vm1, v6, v3;
	v5 =	vsel vm1, v7, v4;
	v12 =	vxor.u32 $0x80000000, v62  }
0x225: {  	v3 =	vsel vm1, v3, v6;
	v4 =	vsel vm1, v4, v7;
	v35, v48, _ =	vpop (xrf1);
	vm0 =	vlt.s32 v8, v12  }
0x226: {  	v16, v17, _ =	vpop (xrf1);
	v14 =	vxor.u32 $0x80000000, v35;
	v6 =	vsel vm0, v12, v8;
	v7 =	vsel vm0, v63, v9  }
0x227: {  	v18, v19, _ =	vpop (xrf1);
	v8 =	vsel vm0, v8, v12;
	v9 =	vsel vm0, v9, v63;
	vm0 =	vlt.s32 v10, v14  }
0x228: {  	v16 =	vxor.u32 $0x80000000, v16;
	v20, v21, _ =	vpop (xrf1);
	v18 =	vxor.u32 $0x80000000, v18;
	v61 =	vsel vm0, v14, v10  }
0x229: {  	v62 =	vsel vm0, v48, v11;
	v10 =	vsel vm0, v10, v14;
	v23, v49, _ =	vpop (xrf1);
	v20 =	vxor.u32 $0x80000000, v20  }
0x22a: {  	v11 =	vsel vm0, v11, v48;
	v50, v51, _ =	vpop (xrf1);
	v23 =	vxor.u32 $0x80000000, v23;
	vm1 =	vgt.s32 v16, v20  }
0x22b: {  	v52, v53, _ =	vpop (xrf1);
	v25 =	vxor.u32 $0x80000000, v50;
	v63 =	vsel vm1, v20, v16;
	v48 =	vsel vm1, v21, v17  }
0x22c: {  	v16 =	vsel vm1, v16, v20;
	vm0 =	vgt.s32 v18, v23;
	v17 =	vsel vm1, v17, v21;
	v54, v55, _ =	vpop (xrf1)  }
0x22d: {  	v20 =	vsel vm0, v23, v18;
	v21 =	vsel vm0, v49, v19;
	v29 =	vxor.u32 $0x80000000, v54  }
0x22e: {  	v18 =	vsel vm0, v18, v23;
	v19 =	vsel vm0, v19, v49;
	v56, v57, _ =	vpop (xrf1);
	vm0 =	vlt.s32 v25, v29  }
0x22f: {  	v27 =	vxor.u32 $0x80000000, v52;
	v31 =	vxor.u32 $0x80000000, v56;
	v23 =	vsel vm0, v29, v25  }
0x230: {  	v49 =	vsel vm0, v55, v51;
	vm1 =	vlt.s32 v27, v31;
	v25 =	vsel vm0, v25, v29  }
0x231: {  	v26 =	vsel vm0, v51, v55;
	vm0 =	vgt.s32 v58, v60;
	v50 =	vsel vm1, v31, v27  }
0x232: {  	v51 =	vsel vm1, v57, v53;
	v27 =	vsel vm1, v27, v31;
	v28 =	vsel vm1, v53, v57  }
0x233: {  	v52 =	vsel vm0, v60, v58;
	v53 =	vsel vm0, v5, v59;
	v2 =	vsel vm0, v58, v60  }
0x234: {  	v5 =	vsel vm0, v59, v5;
	vm0 =	vgt.s32 v0, v3;
	vm1 =	vlt.s32 v8, v10  }
0x235: {  	v54 =	vsel vm0, v3, v0;
	v55 =	vsel vm0, v4, v1;
	v0 =	vsel vm0, v0, v3  }
0x236: {  	v1 =	vsel vm0, v1, v4;
	vm0 =	vlt.s32 v6, v61;
	v3 =	vxor.u32 $0x80000000, v52  }
0x237: {  	v2 =	vxor.u32 $0x80000000, v2;
	v58 =	vsel vm1, v11, v9;
	v60 =	vsel vm1, v9, v11;
	(xrf1) =	vsort.ascd.msk.u32 $0xffff, v3, v53  }
0x238: {  	v4 =	vsel vm0, v61, v6;
	v56 =	vsel vm0, v62, v7;
	v57 =	vxor.u32 $0x80000000, v54;
	(xrf1) =	vsort.ascd.msk.u32 $0xffff, v2, v5  }
0x239: {  	v3 =	vsel vm0, v6, v61;
	v6 =	vsel vm1, v10, v8;
	v0 =	vxor.u32 $0x80000000, v0;
	(xrf1) =	vsort.ascd.msk.u32 $0xffff, v57, v55  }
0x23a: {  	v5 =	vsel vm0, v7, v62;
	v7 =	vsel vm1, v8, v10;
	v59 =	vxor.u32 $0x80000000, v4;
	(xrf1) =	vsort.ascd.msk.u32 $0xffff, v0, v1  }
0x23b: {  	vm0 =	vgt.s32 v63, v20;
	v61 =	vxor.u32 $0x80000000, v3;
	vm1 =	vgt.s32 v16, v18;
	(xrf1) =	vsort.dscd.msk.u32 $0xffff, v59, v56  }
0x23c: {  	v62 =	vxor.u32 $0x80000000, v6;
	v3 =	vsel vm0, v20, v63;
	v4 =	vsel vm0, v21, v48;
	(xrf1) =	vsort.dscd.msk.u32 $0xffff, v61, v5  }
0x23d: {  	v12 =	vsel vm0, v48, v21;
	v5 =	vsel vm0, v63, v20;
	v63 =	vxor.u32 $0x80000000, v7;
	(xrf1) =	vsort.dscd.msk.u32 $0xffff, v62, v58  }
0x23e: {  	v6 =	vsel vm1, v18, v16;
	v14 =	vsel vm1, v19, v17;
	v13 =	vxor.u32 $0x80000000, v3;
	(xrf1) =	vsort.dscd.msk.u32 $0xffff, v63, v60  }
0x23f: {  	v3 =	vsel vm1, v16, v18;
	vm0 =	vlt.s32 v23, v50;
	v15 =	vxor.u32 $0x80000000, v5;
	(xrf1) =	vsort.ascd.msk.u32 $0xffff, v13, v4  }
0x240: {  	v31 =	vxor.u32 $0x80000000, v6;
	v32 =	vsel vm0, v50, v23;
	v5 =	vsel vm0, v51, v49;
	(xrf1) =	vsort.ascd.msk.u32 $0xffff, v15, v12  }
0x241: {  	v33 =	vxor.u32 $0x80000000, v3;
	v4 =	vsel vm1, v17, v19;
	vm1 =	vlt.s32 v25, v27;
	(xrf1) =	vsort.ascd.msk.u32 $0xffff, v31, v14  }
0x242: {  	v3 =	vsel vm1, v27, v25;
	(xrf1) =	vsort.ascd.msk.u32 $0xffff, v33, v4;
	v4 =	vsel vm1, v25, v27  }
0x243: {  	v35 =	vxor.u32 $0x80000000, v32  }
0x244: {  	v34 =	vsel vm0, v23, v50;
	(xrf1) =	vsort.dscd.msk.u32 $0xffff, v35, v5  }
0x245: {  	v48 =	vsel vm0, v49, v51;
	v49 =	vxor.u32 $0x80000000, v34;
	v51 =	vxor.u32 $0x80000000, v3;
	v3, v5, _ =	vpop (xrf1)  }
0x246: {  	v50 =	vsel vm1, v28, v26;
	v53 =	vxor.u32 $0x80000000, v4;
	(xrf1) =	vsort.dscd.msk.u32 $0xffff, v49, v48;
	v54, v4, _ =	vpop (xrf1)  }
0x247: {  	v52 =	vsel vm1, v26, v28;
	(xrf1) =	vsort.dscd.msk.u32 $0xffff, v51, v50;
	v0, v2, _ =	vpop (xrf1)  }
0x248: {  	(xrf1) =	vsort.dscd.msk.u32 $0xffff, v53, v52;
	v6, v7, _ =	vpop (xrf1)  }
0x249: {  	v3 =	vxor.u32 $0x80000000, v3;
	v8, v9, _ =	vpop (xrf1)  }
0x24a: {  	v1 =	vxor.u32 $0x80000000, v54;
	v0 =	vxor.u32 $0x80000000, v0;
	v10, v11, _ =	vpop (xrf1);
	v8 =	vxor.u32 $0x80000000, v8  }
0x24b: {  	v6 =	vxor.u32 $0x80000000, v6;
	v55, v56, _ =	vpop (xrf1);
	v10 =	vxor.u32 $0x80000000, v10;
	vm0 =	vgt.s32 v3, v8  }
0x24c: {  	v12 =	vxor.u32 $0x80000000, v55;
	v51 =	vsel vm0, v8, v3;
	v52 =	vsel vm0, v9, v5  }
0x24d: {  	v57, v58, _ =	vpop (xrf1);
	v3 =	vsel vm0, v3, v8;
	vm1 =	vgt.s32 v1, v10;
	v5 =	vsel vm0, v5, v9  }
0x24e: {  	v16, v17, _ =	vpop (xrf1);
	v14 =	vxor.u32 $0x80000000, v57;
	v8 =	vsel vm1, v10, v1;
	v9 =	vsel vm1, v11, v4  }
0x24f: {  	v1 =	vsel vm1, v1, v10;
	v4 =	vsel vm1, v4, v11;
	vm0 =	vgt.s32 v0, v12;
	v18, v19, _ =	vpop (xrf1)  }
0x250: {  	v16 =	vxor.u32 $0x80000000, v16;
	v10 =	vsel vm0, v12, v0;
	v11 =	vsel vm0, v56, v2;
	v20, v21, _ =	vpop (xrf1)  }
0x251: {  	vm1 =	vgt.s32 v6, v14;
	v0 =	vsel vm0, v0, v12;
	v2 =	vsel vm0, v2, v56;
	v23, v24, _ =	vpop (xrf1)  }
0x252: {  	v18 =	vxor.u32 $0x80000000, v18;
	v53 =	vsel vm1, v14, v6;
	v54 =	vsel vm1, v58, v7;
	v59, v60, _ =	vpop (xrf1)  }
0x253: {  	v6 =	vsel vm1, v6, v14;
	v7 =	vsel vm1, v7, v58;
	v25 =	vxor.u32 $0x80000000, v59  }
0x254: {  	v20 =	vxor.u32 $0x80000000, v20;
	v23 =	vxor.u32 $0x80000000, v23;
	v61, v62, _ =	vpop (xrf1);
	vm0 =	vlt.s32 v16, v25  }
0x255: {  	v63, v48, _ =	vpop (xrf1);
	v27 =	vxor.u32 $0x80000000, v61;
	v55 =	vsel vm0, v25, v16;
	v56 =	vsel vm0, v60, v17  }
0x256: {  	v50, v49, _ =	vpop (xrf1);
	v16 =	vsel vm0, v16, v25;
	v17 =	vsel vm0, v17, v60;
	vm0 =	vlt.s32 v18, v27  }
0x257: {  	v29 =	vxor.u32 $0x80000000, v63;
	v31 =	vxor.u32 $0x80000000, v50;
	v57 =	vsel vm0, v27, v18  }
0x258: {  	v58 =	vsel vm0, v62, v19;
	vm1 =	vlt.s32 v20, v29;
	v18 =	vsel vm0, v18, v27  }
0x259: {  	v19 =	vsel vm0, v19, v62;
	v59 =	vsel vm1, v29, v20;
	v60 =	vsel vm1, v48, v21  }
0x25a: {  	v20 =	vsel vm1, v20, v29;
	vm0 =	vlt.s32 v23, v31;
	v21 =	vsel vm1, v21, v48  }
0x25b: {  	vm1 =	vgt.s32 v8, v53;
	v61 =	vsel vm0, v31, v23;
	v62 =	vsel vm0, v49, v24  }
0x25c: {  	v23 =	vsel vm0, v23, v31;
	v24 =	vsel vm0, v24, v49;
	vm0 =	vgt.s32 v51, v10  }
0x25d: {  	v49 =	vsel vm1, v53, v8;
	v50 =	vsel vm1, v54, v9;
	v8 =	vsel vm1, v8, v53  }
0x25e: {  	v9 =	vsel vm1, v9, v54;
	v63 =	vsel vm0, v10, v51;
	v48 =	vsel vm0, v11, v52  }
0x25f: {  	v10 =	vsel vm0, v51, v10;
	v11 =	vsel vm0, v52, v11;
	vm0 =	vgt.s32 v3, v0  }
0x260: {  	vm1 =	vlt.s32 v55, v59;
	v51 =	vsel vm0, v0, v3;
	v52 =	vsel vm0, v2, v5  }
0x261: {  	v0 =	vsel vm0, v3, v0;
	v2 =	vsel vm0, v5, v2;
	vm0 =	vgt.s32 v1, v6  }
0x262: {  	v14 =	vsel vm1, v55, v59;
	v15 =	vsel vm1, v56, v60;
	v3 =	vsel vm0, v6, v1  }
0x263: {  	v5 =	vsel vm0, v7, v4;
	v1 =	vsel vm0, v1, v6;
	v4 =	vsel vm0, v4, v7  }
0x264: {  	v6 =	vsel vm1, v59, v55;
	v7 =	vsel vm1, v60, v56;
	vm0 =	vlt.s32 v57, v61  }
0x265: {  	vm1 =	vlt.s32 v18, v23;
	v53 =	vsel vm0, v61, v57;
	v54 =	vsel vm0, v62, v58  }
0x266: {  	v25 =	vsel vm0, v57, v61;
	v26 =	vsel vm0, v58, v62;
	vm0 =	vlt.s32 v16, v20  }
0x267: {  	v55 =	vsel vm0, v20, v16;
	v56 =	vsel vm0, v21, v17;
	v16 =	vsel vm0, v16, v20  }
0x268: {  	v17 =	vsel vm0, v17, v21;
	v20 =	vsel vm1, v23, v18;
	v21 =	vsel vm1, v24, v19  }
0x269: {  	v18 =	vsel vm1, v18, v23;
	vm0 =	vgt.s32 v63, v49;
	v19 =	vsel vm1, v19, v24  }
0x26a: {  	vm1 =	vgt.s32 v0, v1;
	v23 =	vsel vm0, v49, v63;
	v57 =	vsel vm0, v50, v48  }
0x26b: {  	v31 =	vsel vm0, v63, v49;
	v32 =	vsel vm0, v48, v50;
	vm0 =	vgt.s32 v10, v8  }
0x26c: {  	v60 =	vsel vm1, v1, v0;
	v58 =	vsel vm0, v8, v10  }
0x26d: {  	v59 =	vsel vm0, v9, v11;
	v8 =	vsel vm0, v10, v8;
	v10 =	vxor.u32 $0x80000000, v23  }
0x26e: {  	v9 =	vsel vm0, v11, v9;
	vm0 =	vgt.s32 v51, v3;
	(xrf1) =	vsort.ascd.msk.u32 $0xffff, v10, v57;
	v10 =	vxor.u32 $0x80000000, v31  }
0x26f: {  	v0 =	vsel vm1, v0, v1;
	v11 =	vsel vm0, v3, v51;
	(xrf1) =	vsort.ascd.msk.u32 $0xffff, v10, v32;
	v10 =	vxor.u32 $0x80000000, v58  }
0x270: {  	v23 =	vsel vm0, v5, v52;
	v3 =	vsel vm0, v51, v3;
	v8 =	vxor.u32 $0x80000000, v8;
	(xrf1) =	vsort.ascd.msk.u32 $0xffff, v10, v59  }
0x271: {  	v5 =	vsel vm0, v52, v5;
	vm0 =	vlt.s32 v6, v53;
	v61 =	vxor.u32 $0x80000000, v11;
	(xrf1) =	vsort.ascd.msk.u32 $0xffff, v8, v9  }
0x272: {  	v62 =	vxor.u32 $0x80000000, v3;
	v3 =	vsel vm0, v53, v6;
	v12 =	vsel vm0, v7, v54;
	(xrf1) =	vsort.ascd.msk.u32 $0xffff, v61, v23  }
0x273: {  	v63 =	vxor.u32 $0x80000000, v60;
	v10 =	vsel vm1, v4, v2;
	v2 =	vsel vm1, v2, v4;
	(xrf1) =	vsort.ascd.msk.u32 $0xffff, v62, v5  }
0x274: {  	v0 =	vxor.u32 $0x80000000, v0;
	v4 =	vsel vm0, v54, v7;
	vm1 =	vlt.s32 v14, v25;
	(xrf1) =	vsort.ascd.msk.u32 $0xffff, v63, v10  }
0x275: {  	v13 =	vxor.u32 $0x80000000, v3;
	v24 =	vsel vm1, v26, v15;
	v5 =	vsel vm0, v6, v53;
	(xrf1) =	vsort.ascd.msk.u32 $0xffff, v0, v2  }
0x276: {  	v3 =	vsel vm1, v14, v25;
	v6 =	vsel vm1, v25, v14;
	v25 =	vxor.u32 $0x80000000, v5;
	(xrf1) =	vsort.dscd.msk.u32 $0xffff, v13, v4  }
0x277: {  	vm0 =	vlt.s32 v55, v20;
	v4 =	vsel vm1, v15, v26;
	v26 =	vxor.u32 $0x80000000, v6;
	(xrf1) =	vsort.dscd.msk.u32 $0xffff, v25, v12  }
0x278: {  	v28 =	vxor.u32 $0x80000000, v3;
	v5 =	vsel vm0, v21, v56;
	vm1 =	vlt.s32 v16, v18;
	(xrf1) =	vsort.dscd.msk.u32 $0xffff, v26, v24  }
0x279: {  	v3 =	vsel vm1, v18, v16;
	(xrf1) =	vsort.dscd.msk.u32 $0xffff, v28, v4;
	v4 =	vsel vm1, v16, v18  }
0x27a: {  	v27 =	vsel vm0, v20, v55  }
0x27b: {  	v31 =	vxor.u32 $0x80000000, v27  }
0x27c: {  	v29 =	vsel vm0, v55, v20;
	v35 =	vxor.u32 $0x80000000, v3;
	(xrf1) =	vsort.dscd.msk.u32 $0xffff, v31, v5;
	v3, v5, _ =	vpop (xrf1)  }
0x27d: {  	v32 =	vsel vm0, v56, v21;
	v33 =	vxor.u32 $0x80000000, v29;
	v49 =	vxor.u32 $0x80000000, v4;
	v50, v4, _ =	vpop (xrf1)  }
0x27e: {  	(xrf1) =	vsort.dscd.msk.u32 $0xffff, v33, v32;
	v0, v1, _ =	vpop (xrf1)  }
0x27f: {  	v34 =	vsel vm1, v19, v17;
	v6, v7, _ =	vpop (xrf1)  }
0x280: {  	(xrf1) =	vsort.dscd.msk.u32 $0xffff, v35, v34;
	v8, v9, _ =	vpop (xrf1)  }
0x281: {  	v10, v11, _ =	vpop (xrf1)  }
0x282: {  	v51, v13, _ =	vpop (xrf1)  }
0x283: {  	v48 =	vsel vm1, v17, v19;
	v3 =	vxor.u32 $0x80000000, v3;
	v52, v15, _ =	vpop (xrf1)  }
0x284: {  	(xrf1) =	vsort.dscd.msk.u32 $0xffff, v49, v48;
	v2 =	vxor.u32 $0x80000000, v50;
	v0 =	vxor.u32 $0x80000000, v0;
	v6 =	vxor.u32 $0x80000000, v6;
	v16, v17, _ =	vpop (xrf1)  }
0x285: {  	v8 =	vxor.u32 $0x80000000, v8;
	v10 =	vxor.u32 $0x80000000, v10;
	v18, v19, _ =	vpop (xrf1);
	v16 =	vxor.u32 $0x80000000, v16  }
0x286: {  	v12 =	vxor.u32 $0x80000000, v51;
	v14 =	vxor.u32 $0x80000000, v52;
	v20, v21, _ =	vpop (xrf1);
	vm0 =	vgt.s32 v3, v16  }
0x287: {  	v18 =	vxor.u32 $0x80000000, v18;
	v20 =	vxor.u32 $0x80000000, v20;
	v62 =	vsel vm0, v16, v3  }
0x288: {  	v23, v53, _ =	vpop (xrf1);
	v63 =	vsel vm0, v17, v5;
	vm1 =	vgt.s32 v2, v18;
	v3 =	vsel vm0, v3, v16  }
0x289: {  	v5 =	vsel vm0, v5, v17;
	v23 =	vxor.u32 $0x80000000, v23;
	v16 =	vsel vm1, v18, v2  }
0x28a: {  	v17 =	vsel vm1, v19, v4;
	v2 =	vsel vm1, v2, v18;
	vm0 =	vgt.s32 v0, v20  }
0x28b: {  	v54, v55, _ =	vpop (xrf1);
	v4 =	vsel vm1, v4, v19;
	v18 =	vsel vm0, v20, v0;
	v19 =	vsel vm0, v21, v1  }
0x28c: {  	v56, v57, _ =	vpop (xrf1);
	v0 =	vsel vm0, v0, v20;
	v1 =	vsel vm0, v1, v21;
	vm0 =	vgt.s32 v6, v23  }
0x28d: {  	v25 =	vxor.u32 $0x80000000, v54;
	v27 =	vxor.u32 $0x80000000, v56;
	v20 =	vsel vm0, v23, v6  }
0x28e: {  	v58, v59, _ =	vpop (xrf1);
	v21 =	vsel vm0, v53, v7;
	vm1 =	vgt.s32 v8, v25;
	v6 =	vsel vm0, v6, v23  }
0x28f: {  	v7 =	vsel vm0, v7, v53;
	v29 =	vxor.u32 $0x80000000, v58;
	v23 =	vsel vm1, v25, v8  }
0x290: {  	v48 =	vsel vm1, v55, v9;
	v8 =	vsel vm1, v8, v25;
	vm0 =	vgt.s32 v10, v27  }
0x291: {  	v9 =	vsel vm1, v9, v55;
	v49 =	vsel vm0, v27, v10;
	v50 =	vsel vm0, v57, v11  }
0x292: {  	v60, v61, _ =	vpop (xrf1);
	v10 =	vsel vm0, v10, v27;
	v11 =	vsel vm0, v11, v57;
	vm0 =	vgt.s32 v12, v29  }
0x293: {  	v31 =	vxor.u32 $0x80000000, v60;
	v51 =	vsel vm0, v29, v12;
	v52 =	vsel vm0, v59, v13  }
0x294: {  	vm1 =	vgt.s32 v14, v31;
	v12 =	vsel vm0, v12, v29;
	v13 =	vsel vm0, v13, v59  }
0x295: {  	vm0 =	vgt.s32 v62, v23;
	v53 =	vsel vm1, v31, v14;
	v54 =	vsel vm1, v61, v15  }
0x296: {  	v14 =	vsel vm1, v14, v31;
	v55 =	vsel vm0, v23, v62;
	v56 =	vsel vm0, v48, v63  }
0x297: {  	v23 =	vsel vm0, v62, v23;
	v24 =	vsel vm0, v63, v48;
	vm0 =	vgt.s32 v16, v49  }
0x298: {  	v15 =	vsel vm1, v15, v61;
	vm1 =	vgt.s32 v18, v51;
	v57 =	vsel vm0, v49, v16  }
0x299: {  	v58 =	vsel vm0, v50, v17;
	v16 =	vsel vm0, v16, v49;
	v17 =	vsel vm0, v17, v50  }
0x29a: {  	v59 =	vsel vm1, v51, v18;
	v60 =	vsel vm1, v52, v19;
	vm0 =	vgt.s32 v20, v53  }
0x29b: {  	v18 =	vsel vm1, v18, v51;
	v61 =	vsel vm0, v53, v20;
	v62 =	vsel vm0, v54, v21  }
0x29c: {  	v20 =	vsel vm0, v20, v53;
	v21 =	vsel vm0, v21, v54;
	vm0 =	vgt.s32 v3, v8  }
0x29d: {  	v19 =	vsel vm1, v19, v52;
	vm1 =	vgt.s32 v2, v10;
	v63 =	vsel vm0, v8, v3  }
0x29e: {  	v48 =	vsel vm0, v9, v5;
	v3 =	vsel vm0, v3, v8;
	v5 =	vsel vm0, v5, v9  }
0x29f: {  	v8 =	vsel vm1, v10, v2;
	v9 =	vsel vm1, v11, v4;
	v2 =	vsel vm1, v2, v10  }
0x2a0: {  	vm0 =	vgt.s32 v0, v12;
	v4 =	vsel vm1, v4, v11;
	vm1 =	vgt.s32 v55, v59  }
0x2a1: {  	v10 =	vsel vm0, v12, v0;
	v11 =	vsel vm0, v13, v1;
	v0 =	vsel vm0, v0, v12  }
0x2a2: {  	v1 =	vsel vm0, v1, v13;
	vm0 =	vgt.s32 v6, v14;
	v51 =	vsel vm1, v59, v55  }
0x2a3: {  	v52 =	vsel vm1, v60, v56;
	v25 =	vsel vm1, v55, v59;
	v26 =	vsel vm1, v56, v60  }
0x2a4: {  	vm1 =	vgt.s32 v16, v20;
	v49 =	vsel vm0, v14, v6;
	v50 =	vsel vm0, v15, v7  }
0x2a5: {  	v6 =	vsel vm0, v6, v14;
	v7 =	vsel vm0, v7, v15;
	vm0 =	vgt.s32 v57, v61  }
0x2a6: {  	v53 =	vsel vm0, v61, v57;
	v54 =	vsel vm0, v62, v58;
	v27 =	vsel vm0, v57, v61  }
0x2a7: {  	v28 =	vsel vm0, v58, v62;
	vm0 =	vgt.s32 v23, v18;
	v57 =	vsel vm1, v21, v17  }
0x2a8: {  	v17 =	vsel vm1, v17, v21;
	v55 =	vsel vm0, v18, v23;
	v56 =	vsel vm0, v19, v24  }
0x2a9: {  	v18 =	vsel vm0, v23, v18;
	v19 =	vsel vm0, v24, v19;
	v23 =	vsel vm1, v20, v16  }
0x2aa: {  	v16 =	vsel vm1, v16, v20;
	vm0 =	vgt.s32 v63, v10;
	vm1 =	vgt.s32 v3, v0  }
0x2ab: {  	v20 =	vsel vm0, v10, v63;
	v21 =	vsel vm0, v11, v48;
	v10 =	vsel vm0, v63, v10  }
0x2ac: {  	v11 =	vsel vm0, v48, v11;
	vm0 =	vgt.s32 v8, v49;
	v60 =	vsel vm1, v0, v3  }
0x2ad: {  	v61 =	vsel vm1, v1, v5;
	v0 =	vsel vm1, v3, v0;
	v1 =	vsel vm1, v5, v1  }
0x2ae: {  	vm1 =	vgt.s32 v25, v27;
	v58 =	vsel vm0, v49, v8;
	v59 =	vsel vm0, v50, v9  }
0x2af: {  	v8 =	vsel vm0, v8, v49;
	v9 =	vsel vm0, v9, v50;
	vm0 =	vgt.s32 v2, v6  }
0x2b0: {  	v62 =	vsel vm1, v27, v25;
	v63 =	vsel vm1, v28, v26;
	v25 =	vsel vm1, v25, v27  }
0x2b1: {  	v26 =	vsel vm1, v26, v28;
	v3 =	vsel vm0, v6, v2;
	v5 =	vsel vm0, v7, v4  }
0x2b2: {  	v2 =	vsel vm0, v2, v6;
	v4 =	vsel vm0, v4, v7;
	vm0 =	vgt.s32 v51, v53  }
0x2b3: {  	vm1 =	vgt.s32 v18, v16;
	v6 =	vsel vm0, v53, v51;
	v7 =	vsel vm0, v54, v52  }
0x2b4: {  	v14 =	vsel vm0, v51, v53;
	v15 =	vsel vm0, v52, v54;
	vm0 =	vgt.s32 v55, v23  }
0x2b5: {  	v50 =	vsel vm1, v16, v18;
	v48 =	vsel vm0, v23, v55  }
0x2b6: {  	v49 =	vsel vm0, v57, v56;
	v23 =	vsel vm0, v55, v23;
	v6 =	vxor.u32 $0x80000000, v6  }
0x2b7: {  	v24 =	vsel vm0, v56, v57;
	vm0 =	vgt.s32 v20, v58;
	v14 =	vxor.u32 $0x80000000, v14;
	(xrf1) =	vsort.ascd.msk.u32 $0xffff, v6, v7  }
0x2b8: {  	v6 =	vsel vm1, v17, v19;
	v7 =	vsel vm1, v18, v16;
	v16 =	vsel vm1, v19, v17  }
0x2b9: {  	v17 =	vsel vm0, v58, v20;
	v18 =	vsel vm0, v59, v21;
	v19 =	vsel vm0, v20, v58  }
0x2ba: {  	vm1 =	vgt.s32 v10, v8;
	v20 =	vsel vm0, v21, v59;
	(xrf1) =	vsort.ascd.msk.u32 $0xffff, v14, v15  }
0x2bb: {  	v51 =	vsel vm1, v9, v11;
	v9 =	vsel vm1, v11, v9;
	v11 =	vxor.u32 $0x80000000, v62  }
0x2bc: {  	vm0 =	vgt.s32 v60, v3;
	v21 =	vsel vm1, v8, v10;
	(xrf1) =	vsort.ascd.msk.u32 $0xffff, v11, v63;
	v11 =	vxor.u32 $0x80000000, v25  }
0x2bd: {  	v8 =	vsel vm1, v10, v8;
	v10 =	vsel vm0, v3, v60;
	(xrf1) =	vsort.ascd.msk.u32 $0xffff, v11, v26;
	v11 =	vxor.u32 $0x80000000, v48  }
0x2be: {  	v56 =	vxor.u32 $0x80000000, v23;
	v52 =	vsel vm0, v5, v61;
	v3 =	vsel vm0, v60, v3;
	(xrf1) =	vsort.ascd.msk.u32 $0xffff, v11, v49  }
0x2bf: {  	v57 =	vxor.u32 $0x80000000, v50;
	v5 =	vsel vm0, v61, v5;
	vm0 =	vgt.s32 v0, v2;
	(xrf1) =	vsort.ascd.msk.u32 $0xffff, v56, v24  }
0x2c0: {  	v54 =	vsel vm0, v4, v1;
	v55 =	vsel vm0, v1, v4;
	v4 =	vxor.u32 $0x80000000, v7;
	(xrf1) =	vsort.ascd.msk.u32 $0xffff, v57, v6  }
0x2c1: {  	v7 =	vxor.u32 $0x80000000, v17;
	(xrf1) =	vsort.ascd.msk.u32 $0xffff, v4, v16  }
0x2c2: {  	s28 =	sand.u32 $0x1, s18;
	v36 =	vlaneseq.u32;
	v37 =	vld [tilespmem:$0x1FF00];
	v58 =	vxor.u32 $0x80000000, v19;
	v53 =	vsel vm0, v2, v0;
	(xrf1) =	vsort.ascd.msk.u32 $0xffff, v7, v18  }
0x2c3: {  	v6 =	vxor.u32 $0x80000000, v21;
	v4 =	vxor.u32 $0x80000000, v10;
	v10 =	vmov s28;
	(xrf1) =	vsort.ascd.msk.u32 $0xffff, v58, v20  }
0x2c4: {  	v0 =	vsel vm0, v0, v2;
	v8 =	vxor.u32 $0x80000000, v8;
	v60 =	vmul.u32 $0x48, v10;
	(xrf1) =	vsort.ascd.msk.u32 $0xffff, v6, v51  }
0x2c5: {  	v3 =	vxor.u32 $0x80000000, v3;
	v59 =	vxor.u32 $0x80000000, v0;
	v16 =	vadd.s32 s17, v36;
	(xrf1) =	vsort.ascd.msk.u32 $0xffff, v8, v9  }
0x2c6: {  	v7 =	vxor.u32 $0x80000000, v53;
	v1 =	vshll.u32 v10, $0x7;
	v0 =	vor.u32 $0xFFFFFF80, v60;
	(xrf1) =	vsort.ascd.msk.u32 $0xffff, v4, v52;
	_, v11, _ =	vpop (xrf1)  }
0x2c7: {  	v38 =	vld [tilespmem:$0x1FF10];
	(xrf1) =	vsort.ascd.msk.u32 $0xffff, v3, v5;
	v3 =	vadd.s32 s17, v37;
	vm2 =	vlt.s32 v11, $0x80;
	v6 =	vand.u32 $0xFFFFFFF8, v11  }
0x2c8: {  	v17 =	vadd.s32 $0xFFFFFF80, v11;
	v8 =	vand.u32 $0x7, v11;
	_, v10, _ =	vpop (xrf1);
	v9 =	vadd.s32 v1, v6  }
0x2c9: {  	v6 =	vadd.s32 v6, v0;
	vm3 =	vlt.u32 v17, $0x48;
	v5 =	vand.u32 $0xFFFFFFF8, v10  }
0x2ca: {  	vm4 =	vlt.s32 v10, $0x80;
	v4 =	vor.u32 v8, v9;
	v9 =	vadd.s32 v1, v5  }
0x2cb: {  	(xrf1) =	vsort.ascd.msk.u32 $0xffff, v7, v54;
	v7 =	vadd.s32 $0xFFFFFF80, v10;
	v6 =	vor.u32 v8, v6;
	v8 =	vand.u32 $0x7, v10  }
0x2cc: {  	v39 =	vld [tilespmem:$0x1FF20];
	_, v10, _ =	vpop (xrf1);
	(xrf1) =	vsort.ascd.msk.u32 $0xffff, v59, v55;
	vm5 =	vlt.u32 v7, $0x48;
	v5 =	vadd.s32 v5, v0;
	v7 =	vadd.s32 s17, v38  }
0x2cd: {  	v2 =	vor.u32 v8, v9;
	v5 =	vor.u32 v8, v5;
	v8 =	vadd.s32 $0xFFFFFF80, v10  }
0x2ce: {  	vm7 =	vlt.s32 v10, $0x80;
	vm6 =	vlt.u32 v8, $0x48;
	v8 =	vand.u32 $0xFFFFFFF8, v10;
	_, v9, _ =	vpop (xrf1)  }
0x2cf: {  	v10 =	vand.u32 $0x7, v10;
	v61 =	vadd.s32 v1, v8;
	_, v11, _ =	vpop (xrf1);
	v17 =	vand.u32 $0xFFFFFFF8, v9  }
0x2d0: {  	v40 =	vld [tilespmem:$0x1FF30];
	v8 =	vadd.s32 v8, v0;
	_, v62, _ =	vpop (xrf1);
	v19 =	vadd.s32 v1, v17;
	v17 =	vadd.s32 v17, v0  }
0x2d1: {  	v12 =	vor.u32 v10, v61;
	v8 =	vor.u32 v10, v8;
	v10 =	vadd.s32 s17, v39;
	_, v63, _ =	vpop (xrf1)  }
0x2d2: {  	vm8 =	vlt.s32 v9, $0x80;
	v48 =	vadd.s32 $0xFFFFFF80, v9;
	v9 =	vand.u32 $0x7, v9;
	_, v18, _ =	vpop (xrf1)  }
0x2d3: {  	v46 =	vld [tilespmem:$0x1FF60];
	vm9 =	vlt.u32 v48, $0x48;
	vm10 =	vlt.s32 v11, $0x80;
	v21 =	vand.u32 $0xFFFFFFF8, v11;
	_, v20, _ =	vpop (xrf1)  }
0x2d4: {  	v41 =	vld [tilespmem:$0x1FF40];
	v49 =	vadd.s32 $0xFFFFFF80, v11;
	v15 =	vor.u32 v9, v19;
	v9 =	vor.u32 v9, v17;
	_, v17, _ =	vpop (xrf1)  }
0x2d5: {  	v11 =	vand.u32 $0x7, v11;
	v19 =	vadd.s32 s17, v40;
	v50 =	vadd.s32 v1, v21;
	_, v23, _ =	vpop (xrf1)  }
0x2d6: {  	vm11 =	vlt.u32 v49, $0x48;
	v21 =	vadd.s32 v21, v0;
	v52 =	vadd.s32 $0xFFFFFF80, v62;
	_, v26, _ =	vpop (xrf1)  }
0x2d7: {  	v45 =	vld [tilespmem:$0x1FF50];
	vm13 =	vlt.s32 v62, $0x80;
	v53 =	vand.u32 $0xFFFFFFF8, v62;
	v13 =	vand.u32 $0x7, v62;
	_, v25, _ =	vpop (xrf1)  }
0x2d8: {  	v62 =	vadd.s32 s17, v46;
	v51 =	vor.u32 v11, v50;
	v11 =	vor.u32 v11, v21;
	_, v28, _ =	vpop (xrf1)  }
0x2d9: {  	p0 =	slt.u32 s18, $0x2;
	v21 =	vadd.s32 s17, v41;
	vm12 =	vlt.u32 v52, $0x48;
	v54 =	vadd.s32 v1, v53;
	_, v29, _ =	vpop (xrf1)  }
0x2da: {  	s20 =	simm.s32 @!p0 $0x1;
	v27 =	vadd.s32 v53, v0;
	vm14 =	vlt.s32 v63, $0x80;
	v55 =	vadd.s32 $0xFFFFFF80, v63;
	_, v31, _ =	vpop (xrf1)  }
0x2db: {  	v56 =	vand.u32 $0xFFFFFFF8, v63;
	v14 =	vand.u32 $0x7, v63;
	v30 =	vor.u32 v13, v54;
	_ =	swait.ge @!p0 [sflag:s20], $0x4000  }
0x2dc: {  	v13 =	vor.u32 v13, v27;
	v27 =	vadd.s32 s17, v45;
	v57 =	vadd.s32 v1, v56;
	[sflag:s20] =	ssyncset.done @!p0 $0x0  }
0x2dd: {  	v33 =	vadd.s32 v56, v0;
	vm15 =	vlt.u32 v55, $0x48;
	vm0 =	vlt.s32 v18, $0x80;
	[sflag:s20] =	ssyncadd.s32 @!p0 $0xFFFFC000  }
0x2de: {  	v59 =	vadd.s32 $0xFFFFFF80, v18;
	v60 =	vand.u32 $0xFFFFFFF8, v18;
	v18 =	vand.u32 $0x7, v18;
	_ =	swait.ge @!p0 [sflag:s20], $0x2400  }
0x2df: {  	v58 =	vor.u32 v14, v57;
	v14 =	vor.u32 v14, v33;
	vm1 =	vlt.u32 v59, $0x48;
	[sflag:s20] =	ssyncset.done @!p0 $0x0  }
0x2e0: {  	v61 =	vadd.s32 v1, v60;
	v34 =	vadd.s32 v60, v0;
	v63 =	vadd.s32 $0xFFFFFF80, v20;
	[sflag:s20] =	ssyncadd.s32 @!p0 $0xFFFFDC00  }
0x2e1: {  	v48 =	vand.u32 $0x7, v20;
	v59 =	vadd.s32 s17, v42;
	v53 =	vand.u32 $0xFFFFFFF8, v26;
	[tilespmem:v4+s12+$0x0] =	vst.idx.msk vm2, v16  }
0x2e2: {  	v33 =	vor.u32 v18, v61;
	v54 =	vand.u32 $0x7, v26;
	v55 =	vadd.s32 v1, v53;
	[tilespmem:v6+s13+$0x0] =	vst.idx.msk vm3, v16  }
0x2e3: {  	v50 =	vand.u32 $0x7, v23;
	v52 =	vadd.s32 $0xFFFFFF80, v26;
	v56 =	vor.u32 v54, v55;
	[tilespmem:v2+s12+$0x0] =	vst.idx.msk vm4, v3  }
0x2e4: {  	v60 =	vand.u32 $0xFFFFFFF8, v28;
	v4 =	vor.u32 v18, v34;
	v18 =	vadd.s32 s17, v47;
	[tilespmem:v5+s13+$0x0] =	vst.idx.msk vm5, v3  }
0x2e5: {  	vm2 =	vlt.u32 v63, $0x48;
	vm3 =	vlt.s32 v20, $0x80;
	v6 =	vand.u32 $0xFFFFFFF8, v20;
	[tilespmem:v12+s12+$0x0] =	vst.idx.msk vm7, v7  }
0x2e6: {  	v34 =	vld [tilespmem:$0x1FF90];
	v16 =	vadd.s32 v1, v6;
	v6 =	vadd.s32 v6, v0;
	vm4 =	vlt.s32 v23, $0x80;
	[tilespmem:v8+s13+$0x0] =	vst.idx.msk vm6, v7  }
0x2e7: {  	v20 =	vld [tilespmem:$0x1FF80];
	v3 =	vor.u32 v48, v16;
	v2 =	vor.u32 v48, v6;
	v5 =	vand.u32 $0xFFFFFFF8, v17;
	[tilespmem:v15+s12+$0x0] =	vst.idx.msk vm8, v10  }
0x2e8: {  	v6 =	vand.u32 $0x7, v17;
	v49 =	vadd.s32 v1, v5;
	v5 =	vadd.s32 v5, v0;
	[tilespmem:v9+s13+$0x0] =	vst.idx.msk vm9, v10  }
0x2e9: {  	v16 =	vand.u32 $0xFFFFFFF8, v25;
	v12 =	vadd.s32 v53, v0;
	v7 =	vor.u32 v6, v49;
	[tilespmem:v51+s12+$0x0] =	vst.idx.msk vm10, v19  }
0x2ea: {  	vm7 =	vlt.s32 v17, $0x80;
	v5 =	vor.u32 v6, v5;
	v12 =	vor.u32 v54, v12;
	[tilespmem:v11+s13+$0x0] =	vst.idx.msk vm11, v19  }
0x2eb: {  	v6 =	vadd.s32 $0xFFFFFF80, v17;
	v17 =	vadd.s32 v1, v16;
	v16 =	vadd.s32 v16, v0;
	[tilespmem:v30+s12+$0x0] =	vst.idx.msk vm13, v21  }
0x2ec: {  	v8 =	vadd.s32 s17, v20;
	vm5 =	vlt.u32 v6, $0x48;
	v6 =	vadd.s32 s17, v34;
	v19 =	vld [tilespmem:$0x1FFC0];
	[tilespmem:v13+s13+$0x0] =	vst.idx.msk vm12, v21  }
0x2ed: {  	v9 =	vand.u32 $0xFFFFFFF8, v23;
	v10 =	vadd.s32 $0xFFFFFF80, v23;
	vm9 =	vlt.s32 v26, $0x80;
	v21 =	vld [tilespmem:$0x1FFD0];
	[tilespmem:v58+s12+$0x0] =	vst.idx.msk vm14, v27  }
0x2ee: {  	v51 =	vadd.s32 v1, v9;
	vm6 =	vlt.u32 v10, $0x48;
	v9 =	vadd.s32 v9, v0;
	[tilespmem:v14+s13+$0x0] =	vst.idx.msk vm15, v27  }
0x2ef: {  	v10 =	vor.u32 v50, v51;
	v9 =	vor.u32 v50, v9;
	vm13 =	vlt.s32 v29, $0x80;
	[tilespmem:v33+s12+$0x0] =	vst.idx.msk vm0, v62  }
0x2f0: {  	vm12 =	vlt.u32 v52, $0x48;
	v58 =	vadd.s32 $0xFFFFFF80, v25;
	vm15 =	vlt.s32 v31, $0x80;
	[tilespmem:v4+s13+$0x0] =	vst.idx.msk vm1, v62  }
0x2f1: {  	v11 =	vadd.s32 s17, v19;
	vm0 =	vlt.s32 v25, $0x80;
	v4 =	vand.u32 $0x7, v25;
	[tilespmem:v3+s12+$0x0] =	vst.idx.msk vm3, v18  }
0x2f2: {  	vm1 =	vlt.u32 v58, $0x48;
	v57 =	vadd.s32 s17, v21;
	v3 =	vor.u32 v4, v17;
	[tilespmem:v2+s13+$0x0] =	vst.idx.msk vm2, v18  }
0x2f3: {  	v4 =	vor.u32 v4, v16;
	v16 =	vand.u32 $0x7, v28;
	[tilespmem:v7+s12+$0x0] =	vst.idx.msk vm7, v8;
	v7 =	vadd.s32 $0xFFFFFF80, v28  }
0x2f4: {  	v17 =	vadd.s32 v1, v60;
	vm2 =	vlt.s32 v28, $0x80;
	[tilespmem:v5+s13+$0x0] =	vst.idx.msk vm5, v8;
	vm3 =	vlt.u32 v7, $0x48  }
0x2f5: {  	v5 =	vor.u32 v16, v17;
	v7 =	vadd.s32 v60, v0;
	v8 =	vand.u32 $0xFFFFFFF8, v29;
	[tilespmem:v10+s12+$0x0] =	vst.idx.msk vm4, v6  }
0x2f6: {  	v7 =	vor.u32 v16, v7;
	v10 =	vadd.s32 v1, v8;
	[tilespmem:v9+s13+$0x0] =	vst.idx.msk vm6, v6;
	v6 =	vadd.s32 $0xFFFFFF80, v29  }
0x2f7: {  	v8 =	vadd.s32 v8, v0;
	v9 =	vand.u32 $0x7, v29;
	[tilespmem:v56+s12+$0x0] =	vst.idx.msk vm9, v11;
	vm14 =	vlt.u32 v6, $0x48  }
0x2f8: {  	v6 =	vor.u32 v9, v10;
	v8 =	vor.u32 v9, v8;
	v9 =	vand.u32 $0xFFFFFFF8, v31;
	[tilespmem:v12+s13+$0x0] =	vst.idx.msk vm12, v11  }
0x2f9: {  	v10 =	vand.u32 $0x7, v31;
	v1 =	vadd.s32 v1, v9;
	[tilespmem:v3+s12+$0x0] =	vst.idx.msk vm0, v57;
	v3 =	vadd.s32 $0xFFFFFF80, v31  }
0x2fa: {  	v0 =	vadd.s32 v9, v0;
	v1 =	vor.u32 v10, v1;
	[tilespmem:v4+s13+$0x0] =	vst.idx.msk vm1, v57;
	vm0 =	vlt.u32 v3, $0x48  }
0x2fb: {  	v0 =	vor.u32 v10, v0;
	[tilespmem:v5+s12+$0x0] =	vst.idx.msk vm2, v59  }
0x2fc: {  	v61 =	vadd.s32 s17, v43;
	[tilespmem:v7+s13+$0x0] =	vst.idx.msk vm3, v59  }
0x2fd: {  	s16 =	sadd.s32 $0xC8, s16;
	s18 =	sadd.s32 $0x1, s18;
	v63 =	vld [tilespmem:$0x1FEF0];
	[tilespmem:v6+s12+$0x0] =	vst.idx.msk vm13, v61  }
0x2fe: {  	s19 =	smul.u32 $0x120, s28;
	s29 =	rddreg [dreg:$0x3];
	p0 =	sne.s32 s18, $0x80;
	v62 =	vadd.s32 s17, v44;
	v9 =	vld [tilespmem:$0x1FFE0];
	[tilespmem:v8+s13+$0x0] =	vst.idx.msk vm14, v61  }
.Ltmp0:
0x2ff: {  	s22 =	sshll.u32 s28, $0x7;
	s21 =	rddreg [dreg:$0x4];
	v10 =	vld [tilespmem:$0x1FFF0];
	[tilespmem:v1+s12+$0x0] =	vst.idx.msk vm15, v62;
	(pc) =	sbr.rel @p0 .LBB2_2-.Ltmp0, $4  }
0x300: {  	s22 =	sor.u32 $0x16408, s22;
	s19 =	sshrl.u32 s19, $0x2;
	s30 =	rddreg [dreg:$0x5];
	v4 =	vld [tilespmem:$0x1FED0];
	[tilespmem:v0+s13+$0x0] =	vst.idx.msk vm0, v62  }
0x301: {  	v7 =	vld [tilespmem:$0x1FEE0];
	[hbm4b:s5+s21] =	stream.indirect.scatter [tilespmem:s29], [sflag:$0x1], $0x80, s22, s21, $0xb8  }
0x302: {  	s19 =	sadd.s32 $0x16508, s19;
	s31 =	rddreg [dreg:$0x6];
	s17 =	sadd.s32 $0xC8, s17;
	v6 =	vld [tilespmem:$0x1FFA0]  }
0x303: {  	v8 =	vld [tilespmem:$0x1FFB0];
	vm0 =	vnez.u8 v63;
	[hbm4b:s5+s31] =	stream.indirect.scatter [tilespmem:s30], [sflag:$0x1], $0x80, s19, s31, $0xb8  }
0x304: {  	_ =	swait.ge [sflag:s14], $0x4000  }
0x305: {  	[sflag:s14] =	ssyncset.done $0x0  }
0x306: {  	[sflag:s14] =	ssyncadd.s32 $0xFFFFC000  }
0x307: {  	_ =	swait.ge [sflag:s14], $0x2400  }
0x308: {  	[sflag:s14] =	ssyncset.done $0x0  }
0x309: {  	s15 =	sadd.s32 $0x1, s15;
	[sflag:s14] =	ssyncadd.s32 $0xFFFFDC00  }
0x30a: {  	p0 =	sne.s32 s15, s7;
	_ =	swait.ge [sflag:s14], $0x4000  }
.Ltmp1:
0x30b: {  	[sflag:s14] =	ssyncset.done $0x0;
	(pc) =	sbr.rel @p0 .LBB2_1-.Ltmp1, $4  }
0x30c: {  	[sflag:s14] =	ssyncadd.s32 $0xFFFFC000  }
0x30d: {  	_ =	swait.ge [sflag:s14], $0x2400  }
0x30e: {  	[sflag:s14] =	ssyncset.done $0x0  }
0x30f: {  	[sflag:s14] =	ssyncadd.s32 $0xFFFFDC00  }
0x310: {  	_ =	sfence.sel $0x180000  }
0x311: {  	[bflag:$0x0] =	sbarrier.arrive $0xFFFF  }
0x312: {  	p0 =	sne.s32 s3, $0x0;
	_ =	strace $0x90000047  }
0x313: {  	s0 =	sadd.s32 @!p0 $0x100000, s0;
	[bflag:$0x2] =	sbarrier.arrive $0xFFFF  }
0x314: {  	[sflag:s0] =	ssyncadd.tile.s32 @!p0 $0x1;
	_ =	shalt  }
.Lfunc_end2:
_tile_overlayer_lowered:
.L_overlay_start_2:
0x315: {  	(tag) =	ssettag $0x2  }
0x316: {  	s0 =	rddreg [dreg:$0x0];
	s2 =	stileid.u32  }
0x317: {  	s1 =	rddreg [dreg:$0x1];
	p0 =	sne.s32 s2, $0x0  }
0x318: {  	s3 =	rddreg [dreg:$0x2];
	[bflag:$0x3] =	sbarrier.arrive $0xFFFF;
	s2 =	simm.s32 @!p0 $0x1C02  }
0x319: {  	[timem:s3], [sflag:s2] =	dma.local @!p0 [hbm:s0], s1  }
0x31a: {  	s0 =	simm.s32 @!p0 $0x2  }
0x31b: {  	_ =	swait.ge @!p0 [sflag:s0], s1  }
0x31c: {  	s1 =	ssub.s32 @!p0 $0x0, s1;
	[sflag:s0] =	ssyncset.done @!p0 $0x0  }
0x31d: {  	[sflag:s0] =	ssyncadd.s32 @!p0 s1  }
0x31e: {  	[bflag:$0x3] =	sbarrier.arrive $0xFFFF  }
0x31f: {  	_ =	shalt  }

// kernel: sparse-core-data-format-call.cloned.1.call-start
scs
called_computation_lowered:
.L_overlay_start_0:
0x0: {  	s2 =	sld [smem:$0x3FD9]  }
0x1: {  	s3 =	sld [smem:$0x3FFE];
	_ =	sdelay $0x1  }
0x2: {  	s1 =	srdreg.scid  }
0x3: {  	s0 =	sand.u32 $0x1, s1  }
0x4: {  	s18 =	sshll.u32 s0, $0xA;
	s2 =	sadd.s32 s3, s2  }
0x5: {  	s2 =	sadd.s32 s2, s18  }
0x6: {  	[smem:$0x3FC6] =	sst s2  }
0x7: {  	_ = 	snop  }
0x8: {  	s2 =	sld [smem:$0x3FD0];
	(tm) =	ssettm $0x1  }
0x9: {  	s19 =	sld [smem:$0x3FFB];
	_ =	sdelay $0x3  }
0xa: {  	_ =	strace s19  }
0xb: {  	s3 =	sld [smem:$0x3FFC];
	_ =	sdelay $0x3  }
0xc: {  	_ =	strace s3  }
0xd: {  	s3 =	sld [smem:$0x3FFD];
	_ =	sdelay $0x3  }
0xe: {  	_ =	strace s3  }
0xf: {  	_ =	strace $0x8FFFFFFF  }
0x10: {  	s20 =	sld [smem:$0x3FDB];
	_ =	sdelay $0x1  }
0x11: {  	s4 =	simm.s32 $_scs_section_size  }
0x12: {  	s5 =	simm.s32 $_size__tile_overlayer_lowered;
	s6 =	simm.s32 $_tile_overlayer_lowered  }
0x13: {  	s23 =	simm.s32 $0x1BFF;
	s22 =	sshll.u32 s6, $0x1;
	s3 =	sadd.s32 s4, s20  }
0x14: {  	s7 =	simm.s32 $0x0;
	s21 =	sshll.u32 s5, $0x1;
	s5 =	sadd.s32 s22, s3  }
0x15: {  	[timem:s7], [sflag:s23] =	dma.local [hbm:s5], s21  }
0x16: {  	_ =	swait.ge [sflag:s23], s21  }
0x17: {  	s4 =	ssub.s32 $0x0, s21;
	[sflag:s23] =	ssyncset.done $0x0  }
0x18: {  	[sflag:s23] =	ssyncadd.s32 s4;
	_ =	sdelay $0x1  }
0x19: {  	s24 =	simm.s32 $0x1B8B  }
0x1a: {  	_ =	swait.ge [sflag:s24], $0x1  }
0x1b: {  	[sflag:s24] =	ssyncset.done $0x0  }
0x1c: {  	s26 =	simm.s32 $0x1B8E;
	s25 =	sld [smem:$0x3FFE];
	[sflag:s24] =	ssyncadd.s32 $0xFFFFFFFF  }
0x1d: {  	s27 =	simm.s32 $execute0_lowered;
	[smem:$0x3FD2] =	sst s26  }
0x1e: {  	s5 =	sshll.u32 s27, $0x1;
	_ =	strace $0x80000049;
	[dreg:$0x1] =	wrdreg $0xFFFFFFFF  }
0x1f: {  	s28 =	simm.s32 $_size_execute0_lowered;
	s3 =	sadd.s32 s3, s5;
	[dreg:$0x0] =	wrdreg $0x0  }
0x20: {  	s5 =	sshll.u32 s28, $0x1;
	[dreg:$0x2] =	wrdreg s3  }
0x21: {  	[dreg:$0x3] =	wrdreg s5  }
0x22: {  	[dreg:$0x4] =	wrdreg $0xC0  }
0x23: {  	_ =	task [dreg:s7], $0x5FFFF  }
0x24: {  	[dreg:$0x1] =	wrdreg $0xFFFFFFFF  }
0x25: {  	[dreg:$0x0] =	wrdreg $0x60  }
0x26: {  	[dreg:$0x2] =	wrdreg s25  }
0x27: {  	[dreg:$0x3] =	wrdreg s2  }
0x28: {  	[dreg:$0x4] =	wrdreg $0x9  }
0x29: {  	_ =	task.clear_ibuf [dreg:s7], $0x5FFFF;
	_ =	strace $0x90000049  }
0x2a: {  	s29 =	simm.s32 $0x9;
	_ =	strace $0x8000004B  }
0x2b: {  	_ =	swait.ge [sflag:s29], $0x1  }
0x2c: {  	[sflag:s29] =	ssyncadd.s32 $0xFFFFFFFF  }
0x2d: {  	_ =	strace $0x9000004B  }
0x2e: {  	_ =	sfence  }
0x2f: {  	s30 =	sld [smem:$0x0];
	_ =	sdelay $0x2  }
0x30: {  	s31 =	sshll.u32 s1, $0xD;
	s1 =	sshrl.u32 s1, $0x2  }
0x31: {  	s3 =	sand.u32 $0x4000, s31;
	s1 =	sadd.s32 s1, s30  }
0x32: {  	s0 =	sor.u32 s3, s0;
	s1 =	sshll.u32 s1, $0x11  }
0x33: {  	s0 =	sor.u32 s1, s0  }
0x34: {  	s0 =	sadd.s32 $0x8F2B, s0  }
0x35: {  	[sflag:s0] =	ssyncadd.remote.s32 $0x1  }
0x36: {  	_ =	sfence.sel $0xFFFF  }
0x37: {  	[dreg:$0x0] =	wrdreg $0xFFFFFFFF;
	(pc) =	sbr.abs _section_cstart, $3  }
0x38: {  	[dreg:$0x1] =	wrdreg $0xFFFFFFFF  }
0x39: {  	_ =	task.clear_ibuf [dreg:s7], $0x2FFFF;
	_ =	strace $0x9FFFFFFF  }
0x3a: {  	(tm) =	ssettm $0x7FFFFFFF  }
0x3b: {  	_ =	shalt  }
tec
execute0_lowered:
.L_overlay_start_1:
0x0: {  	(tag) =	ssettag $0x1  }
0x1: {  	s0 =	srdreg.scid  }
0x2: {  	s1 =	sshll.u32 s0, $0x4  }
0x3: {  	s0 =	stileid.u32;
	s1 =	sand.u32 $0x10, s1  }
0x4: {  	s1 =	sor.u32 s0, s1  }
0x5: {  	s6 =	rddreg [dreg:$0x0];
	s4 =	simm.s32 $0x1;
	s2 =	sshll.u32 s1, $0x7  }
0x6: {  	s7 =	simm.s32 $0x2;
	s12 =	simm.s32 $0x0;
	s1 =	ssub.s32 $0x1000, s2  }
0x7: {  	s8 =	simm.s32 $0x8000;
	s13 =	simm.s32 $0x0;
	s3 =	sand.u32 $0xF80, s1  }
0x8: {  	s9 =	simm.s32 $0x0;
	s5 =	sshrl.u32 s1, $0xC;
	p0 =	sne.s32 s3, $0x0  }
.Ltmp0:
0x9: {  	s1 =	rddreg [dreg:$0x2];
	s4 =	simm.s32 @!p0 $0x0;
	(pc) =	sbr.rel .LBB1_1-.Ltmp0, $4  }
0xa: {  	s11 =	simm.s32 $0x0;
	s3 =	rddreg [dreg:$0x1];
	s5 =	sadd.s32 s4, s5  }
0xb: {  	_ =	strace $0x8000004A;
	s4 =	simm.s32 $0x1;
	s5 =	smul.u32 $0xC8, s5  }
0xc: {  	s6 =	sadd.s32 $0x2200, s6;
	s10 =	smov.u32 s2;
	[sflag:s4] =	ssyncpa.u1 $0x0  }
0xd: {  	p0 =	por $0x0, $0x0;
	[sflag:s7] =	ssyncpa.u1 $0x0;
	s7 =	sor.u32 $0x1, s5  }
.LBB1_4:
0xe: {  	s16 =	sshll.u32 s13, $0x3;
	s17 =	sand.u32 $0x78, s13  }
0xf: {  	s30 =	sand.u32 $0x7E00, s13;
	s12 =	sshll.u32 s12, $0xF;
	s16 =	sand.u32 $0xC00, s16  }
0x10: {  	[tilespmem:s15+$0x810 ss:$0x81] =	vst.msk $0xffff, v2;
	s31 =	sand.u32 $0x7, s13;
	s16 =	sor.u32 s17, s16;
	s17 =	sadd.s32 s3, s30  }
0x11: {  	[tilespmem:s15+$0x1020 ss:$0x81] =	vst.msk $0xffff, v0;
	s13 =	sshll.u32 s31, $0x12;
	s12 =	sadd.s32 s12, s17;
	s16 =	sshrl.u32 s16, $0x3  }
0x12: {  	[tilespmem:s15+$0x0 ss:$0x81] =	vst.msk $0xffff, v1;
	s13 =	sor.u32 $0x400, s13;
	s12 =	sadd.s32 s16, s12  }
0x13: {  	[hbm4b:s12+s13] =	stream.strided.scatter [tilespmem:s14], [sflag:$0x2], $0x2000, s8, s13, $0x20;
	[tilespmem:$0x8080] =	vst v63  }
.LBB1_5:
0x14: {  	s14 =	sadd.s32 $0x1, s9  }
0x15: {  	s12 =	sadd.s32 $0x1000, s10;
	s16 =	smov.u32 s10;
	p2 =	sgt.s32 s14, $0xC7  }
0x16: {  	s16 =	smov.u32 @p2 s12  }
0x17: {  	s14 =	simm.s32 @p2 $0x0;
	p2 =	sgt.s32 s16, $0xFFF  }
0x18: {  	s16 =	smov.u32 @p2 s2;
	p2 =	sne.s32 s11, s7  }
.Ltmp1:
0x19: {  	p1 =	slt.u32 s11, $0x2;
	(pc) =	sbr.rel @!p2 .LBB1_6-.Ltmp1, $4  }
0x1a: {  	s15 =	simm.s32 @!p1 $0x2  }
0x1b: {  	s13 =	smov.u32 s10;
	p0 =	por !p0, !p0;
	_ =	swait.ge @!p1 [sflag:s15], $0x2000  }
0x1c: {  	s12 =	smov.u32 s9;
	[sflag:s15] =	ssyncset.done @!p1 $0x0;
	s9 =	smov.u32 s14  }
0x1d: {  	s11 =	sadd.s32 $0x1, s11;
	[sflag:s15] =	ssyncadd.s32 @!p1 $0xFFFFE000;
	s10 =	smov.u32 s16  }
.LBB1_1:
0x1e: {  	p1 =	sge.u32 s11, s5  }
0x1f: {  	s14 =	sand.u32 @!p1 $0x1FFFFFF, s9  }
0x20: {  	s15 =	smulhi.u32 @!p1 $0x147AE15, s14;
	_ =	sdelay $0x1  }
0x21: {  	s15 =	smul.u32 @!p1 $0xC8, s15  }
0x22: {  	s16 =	sxor.u32 @!p1 $0xFFFFFFFF, s11;
	s17 =	smul.u32 @!p1 $0xC80, s10  }
0x23: {  	s31 =	sadd.s32 $0xFFFFFFFF, s11;
	s16 =	sshll.u32 @!p1 s16, $0xD;
	s14 =	ssub.s32 @!p1 s14, s15  }
0x24: {  	s15 =	sand.u32 @!p1 $0x2000, s16;
	s16 =	sadd.s32 @!p1 s6, s17;
	s14 =	sshll.u32 @!p1 s14, $0x4  }
0x25: {  	s17 =	simm.s32 @!p1 $0x6400;
	s14 =	sadd.s32 @!p1 s14, s16;
	s16 =	simm.s32 @!p1 $0x40  }
0x26: {  	[tilespmem:s15], [sflag:$0x1] =	stream.strided.gather @!p1 [hbm4b:s14+s16], $0x2000, s17, s16, $0x38;
	[tilespmem:$0x8080] =	vst v63  }
0x27: {  	p1 =	sge.u32 s31, s5  }
.Ltmp2:
0x28: {  	_ = 	snop;
	(pc) =	sbr.rel @p1 .LBB1_5-.Ltmp2, $1  }
0x29: {  	_ =	sdelay $0x3  }
0x2a: {  	s14 =	simm.s32 $0x1  }
0x2b: {  	_ =	swait.ge [sflag:s4], $0x2000;
	s14 =	simm.s32 @!p0 $0x0  }
0x2c: {  	[sflag:s4] =	ssyncset.done $0x0;
	s15 =	sshll.u32 s14, $0xD  }
0x2d: {  	[sflag:s4] =	ssyncadd.s32 $0xFFFFE000;
	s18 =	sor.u32 $0x20, s15  }
0x2e: {  	s14 =	smul.u32 $0x8100, s14;
	v3 =	vld [tilespmem:s18+$0x10]  }
0x2f: {  	s30 =	sand.u32 $0x1, s11;
	v2 =	vld [tilespmem:s18+$0xFFFFFFF0]  }
0x30: {  	s15 =	smul.u32 $0x8100, s30;
	s14 =	sshrl.u32 s14, $0x2;
	v0 =	vld [tilespmem:s18+$0x0]  }
0x31: {  	v1 =	vld [tilespmem:s18+$0xFFFFFFE0];
	s16 =	sor.u32 $0x4000, s14  }
0x32: {  	s31 =	sshrl.u32 s15, $0x2;
	s15 =	sadd.s32 $0x0, s16  }
0x33: {  	s17 =	simm.s32 $0x4;
	s18 =	sadd.s32 $0x40, s18;
	s14 =	sor.u32 $0x4000, s31;
	[tilespmem:s15+$0x1830 ss:$0x81] =	vst.msk $0xffff, v3  }
.LBB1_3:
0x34: {  	v3 =	vld [tilespmem:s18+$0x10];
	p1 =	sne.s32 s17, $0x1FC;
	[tilespmem:s15+$0x810 ss:$0x81] =	vst.msk $0xffff, v2;
	s19 =	smov.u32 s17;
	s17 =	sadd.s32 $0x4, s17  }
.Ltmp3:
0x35: {  	v2 =	vld [tilespmem:s18+$0xFFFFFFF0];
	[tilespmem:s15+$0x1020 ss:$0x81] =	vst.msk $0xffff, v0;
	(pc) =	sbr.rel @p1 .LBB1_3-.Ltmp3, $4  }
0x36: {  	v0 =	vld [tilespmem:s18+$0x0];
	[tilespmem:s15+$0x0 ss:$0x81] =	vst.msk $0xffff, v1  }
0x37: {  	s15 =	sshra.s32 s19, $0x2;
	v1 =	vld [tilespmem:s18+$0xFFFFFFE0]  }
0x38: {  	s15 =	sadd.s32 s15, s16  }
0x39: {  	s18 =	sadd.s32 $0x40, s18;
	[tilespmem:s15+$0x1830 ss:$0x81] =	vst.msk $0xffff, v3  }
.Ltmp4:
0x3a: {  	_ = 	snop;
	(pc) =	sbr.rel .LBB1_4-.Ltmp4, $1  }
0x3b: {  	_ =	sdelay $0x3  }
.LBB1_6:
0x3c: {  	_ =	sfence.sel $0x180000  }
0x3d: {  	s2 =	simm.s32 $0x1;
	[bflag:$0x0] =	sbarrier.arrive $0xFFFF  }
0x3e: {  	s31 =	simm.s32 $0x2;
	[sflag:s2] =	ssyncpa.u1 $0x1  }
0x3f: {  	[sflag:s31] =	ssyncpa.u1 $0x1  }
0x40: {  	p0 =	sne.s32 s0, $0x0;
	_ =	strace $0x9000004A  }
0x41: {  	s0 =	sadd.s32 @!p0 $0x100000, s1;
	[bflag:$0x2] =	sbarrier.arrive $0xFFFF  }
0x42: {  	[sflag:s0] =	ssyncadd.tile.s32 @!p0 $0x1;
	_ =	shalt  }
.Lfunc_end1:
_tile_overlayer_lowered:
.L_overlay_start_2:
0x43: {  	(tag) =	ssettag $0x2  }
0x44: {  	s0 =	rddreg [dreg:$0x0];
	s2 =	stileid.u32  }
0x45: {  	s1 =	rddreg [dreg:$0x1];
	p0 =	sne.s32 s2, $0x0  }
0x46: {  	s3 =	rddreg [dreg:$0x2];
	[bflag:$0x3] =	sbarrier.arrive $0xFFFF;
	s2 =	simm.s32 @!p0 $0x1C01  }
0x47: {  	[timem:s3], [sflag:s2] =	dma.local @!p0 [hbm:s0], s1  }
0x48: {  	s0 =	simm.s32 @!p0 $0x1  }
0x49: {  	_ =	swait.ge @!p0 [sflag:s0], s1  }
0x4a: {  	s1 =	ssub.s32 @!p0 $0x0, s1;
	[sflag:s0] =	ssyncset.done @!p0 $0x0  }
0x4b: {  	[sflag:s0] =	ssyncadd.s32 @!p0 s1  }
0x4c: {  	[bflag:$0x3] =	sbarrier.arrive $0xFFFF  }
0x4d: {  	_ =	shalt  }

</sc_bundles>
